<compile_context>
chip_gen: v7x
topology: tpu7x:2x2x1
jax: 0.10.2.dev20260603
libtpu: 0.0.44.dev20260713+nightly
codegen_flags: <defaults>
</compile_context>

<pallas_src>
import functools

import jax
import jax.numpy as jnp
from jax import lax
from jax.experimental import pallas as pl
from jax.experimental.pallas import tpu as pltpu
from jax.experimental.pallas import tpu_sc as plsc

B, L, D, V = 4, 4096, 1024, 8192
NC, NS = 2, 16
NW = NC * NS
RPW = L // NW
K = 8
NCHUNK = RPW // K
NRING = 3


@functools.partial(
    pl.kernel,
    out_type=jax.ShapeDtypeStruct((B, L, D), jnp.float32),
    mesh=plsc.VectorSubcoreMesh(core_axis_name="c", subcore_axis_name="s"),
    scratch_types=[
        pltpu.VMEM((RPW,), jnp.int32),
        pltpu.VMEM((2 * K, D), jnp.float32),
        pltpu.VMEM((NRING, B, K, D), jnp.float32),
        pltpu.SemaphoreType.DMA,
        pltpu.SemaphoreType.DMA,
        pltpu.SemaphoreType.DMA,
    ],
)
def _pembed(x_hbm, idx_hbm, w_hbm, out_hbm, idx_v, wbuf, xbuf, gsem, insem, outsem):
    wid = lax.axis_index("s") * NC + lax.axis_index("c")
    base = wid * RPW

    def fire_x(c, slot):
        pltpu.async_copy(
            x_hbm.at[:, pl.ds(base + c * K, K), :], xbuf.at[slot], insem
        )

    def fire_chunk(c, slot, parity):
        pltpu.async_copy(
            w_hbm.at[idx_v.at[pl.ds(c * K, K)]], wbuf.at[pl.ds(parity * K, K)], gsem
        )
        fire_x(c, slot)

    fire_x(0, 0)
    pltpu.sync_copy(idx_hbm.at[pl.ds(base, RPW)], idx_v)
    pltpu.async_copy(
        w_hbm.at[idx_v.at[pl.ds(0, K)]], wbuf.at[pl.ds(0, K)], gsem
    )

    def chunk_body(c, _):
        p = lax.rem(c, 2)
        slot = lax.rem(c, NRING)

        @pl.when(c + 1 - NRING >= 0)
        def _():
            pltpu.make_async_copy(
                xbuf.at[0], out_hbm.at[:, pl.ds(0, K), :], outsem
            ).wait()

        @pl.when(c + 1 < NCHUNK)
        def _():
            fire_chunk(c + 1, lax.rem(c + 1, NRING), lax.rem(c + 1, 2))

        pltpu.make_async_copy(
            w_hbm.at[pl.ds(0, K)], wbuf.at[pl.ds(0, K)], gsem
        ).wait()
        pltpu.make_async_copy(
            x_hbm.at[:, pl.ds(0, K), :], xbuf.at[slot], insem
        ).wait()

        @plsc.parallel_loop(0, K, unroll=2)
        def _row_body(r):
            for jo in range(D // 16):
                col = jo * 16
                wv = wbuf[p * K + r, pl.ds(col, 16)]
                for b in range(B):
                    plsc.addupdate(xbuf.at[slot, b, r, pl.ds(col, 16)], wv)
        pltpu.async_copy(
            xbuf.at[slot], out_hbm.at[:, pl.ds(base + c * K, K), :], outsem
        )
        return 0

    lax.fori_loop(0, NCHUNK, chunk_body, 0)
    for _ in range(min(NRING - 1, NCHUNK)):
        pltpu.make_async_copy(
            xbuf.at[0], out_hbm.at[:, pl.ds(0, K), :], outsem
        ).wait()


def kernel(x, idx, embed_weight):
    idx32 = idx.astype(jnp.int32)
    return _pembed(x, idx32, embed_weight)

# --- scband reference (transcript-rebuilt; emitter-appended) ---
"""Pipeline reference for scband-pembeder-13314398618393 (READ-ONLY COPY).

The authoritative reference and input builder live on the scoring server;
editing this copy changes nothing except your own understanding.
"""

import jax, jax.numpy as jnp
import numpy as np


def setup_inputs(seed: int = 0) -> dict:
    key = jax.random.key(seed)
    k1, k2 = jax.random.split(key)
    x = jax.random.normal(k1, (4, 4096, 1024), dtype=jnp.float32)
    idx = jnp.arange(4096, dtype=jnp.int64)
    # embedding table: kaiming normal fan_in (fan_in = vocab_size for nn.Embedding weight [vocab, d])
    vocab_size, d_model = 8192, 1024
    std = float(np.sqrt(2.0 / vocab_size))
    embed_weight = jax.random.normal(k2, (vocab_size, d_model), dtype=jnp.float32) * std
    return {"x": x, "idx": idx, "embed_weight": embed_weight}


def reference(x, idx, embed_weight):
    # PEmbeder.forward: x + embed(idx); idx broadcasts over batch dim
    pos_emb = jnp.take(embed_weight, idx, axis=0)  # [L, d_model]
    return x + pos_emb[None, :, :]

if __name__ == "__main__":
    import jax
    _d = setup_inputs()
    print(jax.jit(kernel)(*tuple(_d.values())))

</pallas_src>

<mosaic_0001>
#map = affine_map<(d0, d1) -> (0, 0, 0)>
#map1 = affine_map<(d0, d1) -> (0)>
#map2 = affine_map<(d0, d1) -> (0, 0)>
module attributes {stable_mosaic.version = 14 : i64} {
  func.func @_pembed(%arg0: i32, %arg1: i32, %arg2: memref<4x4096x1024xf32, #tpu.memory_space<hbm>>, %arg3: memref<4096xi32, #tpu.memory_space<hbm>>, %arg4: memref<8192x1024xf32, #tpu.memory_space<hbm>>, %arg5: memref<4x4096x1024xf32, #tpu.memory_space<hbm>>, %arg6: memref<128xi32, #tpu.memory_space<vmem>>, %arg7: memref<16x1024xf32, #tpu.memory_space<vmem>>, %arg8: memref<3x4x8x1024xf32, #tpu.memory_space<vmem>>, %arg9: memref<!tpu.dma_semaphore, #tpu.memory_space<semaphore_mem>>, %arg10: memref<!tpu.dma_semaphore, #tpu.memory_space<semaphore_mem>>, %arg11: memref<!tpu.dma_semaphore, #tpu.memory_space<semaphore_mem>>) attributes {dimension_semantics = [#tpu.dimension_semantics<core_parallel>, #tpu.dimension_semantics<subcore_parallel>], iteration_bounds = array<i64: 2, 16>, scalar_prefetch = 0 : i64, scratch_operands = 6 : i64, tpu.core_type = #tpu.core_type<sc_vector_subcore>, window_params = [{transform_indices = #map}, {transform_indices = #map1}, {transform_indices = #map2}, {transform_indices = #map}]} {
    %mul3A = arith.constant 2 : i32
    %mul3A_0 = arith.muli %arg1, %mul3A : i32
    %add3A = arith.addi %mul3A_0, %arg0 : i32
    %mul3A_1 = arith.constant 128 : i32
    %mul3A_2 = arith.muli %add3A, %mul3A_1 : i32
    %add3A_3 = arith.constant 0 : i32
    %add3A_4 = arith.addi %mul3A_2, %add3A_3 : i32
    %dma_start3A = arith.constant 0 : i32
    %dma_start3A_5 = arith.constant 0 : i32
    %dma_start3A_6 = arith.constant 0 : i32
    %dma_start3A_7 = arith.constant 0 : i32
    %dma_start3A_8 = tpu.memref_slice %arg8[%dma_start3A, %dma_start3A_5, %dma_start3A_6, %dma_start3A_7] : memref<3x4x8x1024xf32, #tpu.memory_space<vmem>> -> memref<1x4x8x1024xf32, #tpu.memory_space<vmem>>
    %dma_start3A_9 = tpu.memref_squeeze %dma_start3A_8 : memref<1x4x8x1024xf32, #tpu.memory_space<vmem>> -> memref<4x8x1024xf32, #tpu.memory_space<vmem>>
    %dma_start3A_10 = arith.constant 0 : i32
    %dma_start3A_11 = arith.constant 0 : i32
    %dma_start3A_12 = tpu.memref_slice %arg2[%dma_start3A_10, %add3A_4, %dma_start3A_11] : memref<4x4096x1024xf32, #tpu.memory_space<hbm>> -> memref<4x8x1024xf32, #tpu.memory_space<hbm>>
    %dma_start3A_13 = arith.constant 0 : i32
    %dma_start3A_14 = arith.constant 0 : i32
    %dma_start3A_15 = arith.constant 0 : i32
    %dma_start3A_16 = tpu.memref_slice %arg8[%dma_start3A, %dma_start3A_13, %dma_start3A_14, %dma_start3A_15] : memref<3x4x8x1024xf32, #tpu.memory_space<vmem>> -> memref<1x4x8x1024xf32, #tpu.memory_space<vmem>>
    %dma_start3A_17 = tpu.memref_squeeze %dma_start3A_16 : memref<1x4x8x1024xf32, #tpu.memory_space<vmem>> -> memref<4x8x1024xf32, #tpu.memory_space<vmem>>
    %dma_start3A_18 = arith.constant 0 : i32
    %dma_start3A_19 = arith.constant 0 : i32
    %dma_start3A_20 = tpu.memref_slice %arg2[%dma_start3A_18, %add3A_4, %dma_start3A_19] : memref<4x4096x1024xf32, #tpu.memory_space<hbm>> -> memref<4x8x1024xf32, #tpu.memory_space<hbm>>
    tpu.enqueue_dma source(%dma_start3A_20 : memref<4x8x1024xf32, #tpu.memory_space<hbm>>) target(%dma_start3A_17 : memref<4x8x1024xf32, #tpu.memory_space<vmem>>) target_semaphore(%arg10 : memref<!tpu.dma_semaphore, #tpu.memory_space<semaphore_mem>>)
    "tpu.region"() ({
      %run_scoped3A = tpu.sem_alloc : memref<!tpu.dma_semaphore, #tpu.memory_space<semaphore_mem>>
      %dma_start3A_72 = tpu.memref_slice %arg3[%mul3A_2] : memref<4096xi32, #tpu.memory_space<hbm>> -> memref<128xi32, #tpu.memory_space<hbm>>
      %dma_start3A_73 = tpu.memref_slice %arg3[%mul3A_2] : memref<4096xi32, #tpu.memory_space<hbm>> -> memref<128xi32, #tpu.memory_space<hbm>>
      tpu.enqueue_dma source(%dma_start3A_73 : memref<128xi32, #tpu.memory_space<hbm>>) target(%arg6 : memref<128xi32, #tpu.memory_space<vmem>>) target_semaphore(%run_scoped3A : memref<!tpu.dma_semaphore, #tpu.memory_space<semaphore_mem>>)
      %dma_wait3A_74 = tpu.memref_slice %arg3[%mul3A_2] : memref<4096xi32, #tpu.memory_space<hbm>> -> memref<128xi32, #tpu.memory_space<hbm>>
      %dma_wait3A_75 = tpu.memref_slice %arg3[%mul3A_2] : memref<4096xi32, #tpu.memory_space<hbm>> -> memref<128xi32, #tpu.memory_space<hbm>>
      tpu.wait_dma2 semaphore(%run_scoped3A : memref<!tpu.dma_semaphore, #tpu.memory_space<semaphore_mem>>) src(%dma_wait3A_75 : memref<128xi32, #tpu.memory_space<hbm>>) dst(%arg6 : memref<128xi32, #tpu.memory_space<vmem>>)
      tpu.yield
    }) : () -> ()
    %dma_start3A_21 = arith.constant 0 : i32
    %dma_start3A_22 = arith.constant 0 : i32
    %dma_start3A_23 = tpu.memref_slice %arg7[%dma_start3A_21, %dma_start3A_22] : memref<16x1024xf32, #tpu.memory_space<vmem>> -> memref<8x1024xf32, #tpu.memory_space<vmem>>
    %dma_start3A_24 = arith.constant 0 : i32
    %dma_start3A_25 = tpu.memref_slice %arg6[%dma_start3A_24] : memref<128xi32, #tpu.memory_space<vmem>> -> memref<8xi32, #tpu.memory_space<vmem>>
    %dma_start3A_26 = arith.constant 0 : i32
    %dma_start3A_27 = arith.constant 0 : i32
    %dma_start3A_28 = tpu.memref_slice %arg4[%dma_start3A_26, %dma_start3A_27] : memref<8192x1024xf32, #tpu.memory_space<hbm>> -> memref<8192x1024xf32, #tpu.memory_space<hbm>>
    tpu.enqueue_indirect_dma source(%dma_start3A_28 : memref<8192x1024xf32, #tpu.memory_space<hbm>>) target(%dma_start3A_23 : memref<8x1024xf32, #tpu.memory_space<vmem>>) offsets(%dma_start3A_25 : memref<8xi32, #tpu.memory_space<vmem>>) semaphore(%arg9 : memref<!tpu.dma_semaphore, #tpu.memory_space<semaphore_mem>>)
    %scan3A = arith.constant 0 : i32
    %scan3A_29 = arith.constant 0 : i32
    %scan3A_30 = arith.constant 16 : i32
    %scan3A_31 = arith.addi %scan3A_29, %scan3A_30 : i32
    %scan3A_32 = arith.constant 1 : i32
    %scan3A_33 = scf.for %scan3A_72 = %scan3A_29 to %scan3A_31 step %scan3A_32 iter_args(%scan3A_73 = %scan3A) -> (i32)  : i32 {
      %rem3A = arith.constant 2 : i32
      %rem3A_74 = arith.remsi %scan3A_72, %rem3A : i32
      %rem3A_75 = arith.constant 3 : i32
      %rem3A_76 = arith.remsi %scan3A_72, %rem3A_75 : i32
      %add3A_77 = arith.constant 1 : i32
      %add3A_78 = arith.addi %scan3A_72, %add3A_77 : i32
      %sub3A = arith.constant 3 : i32
      %sub3A_79 = arith.subi %add3A_78, %sub3A : i32
      %ge3A = arith.constant 0 : i32
      %ge3A_80 = arith.cmpi sge, %sub3A_79, %ge3A : i32
      %convert_element_type3A = arith.extui %ge3A_80 : i1 to i32
      %cond3A = arith.constant 0 : i32
      %cond3A_81 = arith.cmpi ne, %convert_element_type3A, %cond3A : i32
      scf.if %cond3A_81 {
        %dma_wait3A_140 = arith.constant 0 : i32
        %dma_wait3A_141 = arith.constant 0 : i32
        %dma_wait3A_142 = arith.constant 0 : i32
        %dma_wait3A_143 = arith.constant 0 : i32
        %dma_wait3A_144 = tpu.memref_slice %arg8[%dma_wait3A_140, %dma_wait3A_141, %dma_wait3A_142, %dma_wait3A_143] : memref<3x4x8x1024xf32, #tpu.memory_space<vmem>> -> memref<1x4x8x1024xf32, #tpu.memory_space<vmem>>
        %dma_wait3A_145 = tpu.memref_squeeze %dma_wait3A_144 : memref<1x4x8x1024xf32, #tpu.memory_space<vmem>> -> memref<4x8x1024xf32, #tpu.memory_space<vmem>>
        %dma_wait3A_146 = arith.constant 0 : i32
        %dma_wait3A_147 = arith.constant 0 : i32
        %dma_wait3A_148 = arith.constant 0 : i32
        %dma_wait3A_149 = tpu.memref_slice %arg5[%dma_wait3A_146, %dma_wait3A_147, %dma_wait3A_148] : memref<4x4096x1024xf32, #tpu.memory_space<hbm>> -> memref<4x8x1024xf32, #tpu.memory_space<hbm>>
        %dma_wait3A_150 = arith.constant 0 : i32
        %dma_wait3A_151 = arith.constant 0 : i32
        %dma_wait3A_152 = arith.constant 0 : i32
        %dma_wait3A_153 = tpu.memref_slice %arg5[%dma_wait3A_150, %dma_wait3A_151, %dma_wait3A_152] : memref<4x4096x1024xf32, #tpu.memory_space<hbm>> -> memref<4x8x1024xf32, #tpu.memory_space<hbm>>
        %dma_wait3A_154 = arith.constant 0 : i32
        %dma_wait3A_155 = arith.constant 0 : i32
        %dma_wait3A_156 = arith.constant 0 : i32
        %dma_wait3A_157 = tpu.memref_slice %arg8[%dma_wait3A_140, %dma_wait3A_154, %dma_wait3A_155, %dma_wait3A_156] : memref<3x4x8x1024xf32, #tpu.memory_space<vmem>> -> memref<1x4x8x1024xf32, #tpu.memory_space<vmem>>
        %dma_wait3A_158 = tpu.memref_squeeze %dma_wait3A_157 : memref<1x4x8x1024xf32, #tpu.memory_space<vmem>> -> memref<4x8x1024xf32, #tpu.memory_space<vmem>>
        tpu.wait_dma2 semaphore(%arg11 : memref<!tpu.dma_semaphore, #tpu.memory_space<semaphore_mem>>) src(%dma_wait3A_158 : memref<4x8x1024xf32, #tpu.memory_space<vmem>>) dst(%dma_wait3A_153 : memref<4x8x1024xf32, #tpu.memory_space<hbm>>)
      } else {
      }
      %add3A_82 = arith.constant 1 : i32
      %add3A_83 = arith.addi %scan3A_72, %add3A_82 : i32
      %lt3A = arith.constant 16 : i32
      %lt3A_84 = arith.cmpi slt, %add3A_83, %lt3A : i32
      %convert_element_type3A_85 = arith.extui %lt3A_84 : i1 to i32
      %cond3A_86 = arith.constant 0 : i32
      %cond3A_87 = arith.cmpi ne, %convert_element_type3A_85, %cond3A_86 : i32
      scf.if %cond3A_87 {
        %add3A_140 = arith.constant 1 : i32
        %add3A_141 = arith.addi %scan3A_72, %add3A_140 : i32
        %add3A_142 = arith.constant 1 : i32
        %add3A_143 = arith.addi %scan3A_72, %add3A_142 : i32
        %rem3A_144 = arith.constant 3 : i32
        %rem3A_145 = arith.remsi %add3A_143, %rem3A_144 : i32
        %add3A_146 = arith.constant 1 : i32
        %add3A_147 = arith.addi %scan3A_72, %add3A_146 : i32
        %rem3A_148 = arith.constant 2 : i32
        %rem3A_149 = arith.remsi %add3A_147, %rem3A_148 : i32
        %mul3A_150 = arith.constant 8 : i32
        %mul3A_151 = arith.muli %add3A_141, %mul3A_150 : i32
        %mul3A_152 = arith.constant 8 : i32
        %mul3A_153 = arith.muli %rem3A_149, %mul3A_152 : i32
        %dma_start3A_154 = arith.constant 0 : i32
        %dma_start3A_155 = tpu.memref_slice %arg7[%mul3A_153, %dma_start3A_154] : memref<16x1024xf32, #tpu.memory_space<vmem>> -> memref<8x1024xf32, #tpu.memory_space<vmem>>
        %dma_start3A_156 = tpu.memref_slice %arg6[%mul3A_151] : memref<128xi32, #tpu.memory_space<vmem>> -> memref<8xi32, #tpu.memory_space<vmem>>
        %dma_start3A_157 = arith.constant 0 : i32
        %dma_start3A_158 = arith.constant 0 : i32
        %dma_start3A_159 = tpu.memref_slice %arg4[%dma_start3A_157, %dma_start3A_158] : memref<8192x1024xf32, #tpu.memory_space<hbm>> -> memref<8192x1024xf32, #tpu.memory_space<hbm>>
        tpu.enqueue_indirect_dma source(%dma_start3A_159 : memref<8192x1024xf32, #tpu.memory_space<hbm>>) target(%dma_start3A_155 : memref<8x1024xf32, #tpu.memory_space<vmem>>) offsets(%dma_start3A_156 : memref<8xi32, #tpu.memory_space<vmem>>) semaphore(%arg9 : memref<!tpu.dma_semaphore, #tpu.memory_space<semaphore_mem>>)
        %mul3A_160 = arith.constant 8 : i32
        %mul3A_161 = arith.muli %add3A_141, %mul3A_160 : i32
        %add3A_162 = arith.addi %mul3A_2, %mul3A_161 : i32
        %dma_start3A_163 = arith.constant 0 : i32
        %dma_start3A_164 = arith.constant 0 : i32
        %dma_start3A_165 = arith.constant 0 : i32
        %dma_start3A_166 = tpu.memref_slice %arg8[%rem3A_145, %dma_start3A_163, %dma_start3A_164, %dma_start3A_165] : memref<3x4x8x1024xf32, #tpu.memory_space<vmem>> -> memref<1x4x8x1024xf32, #tpu.memory_space<vmem>>
        %dma_start3A_167 = tpu.memref_squeeze %dma_start3A_166 : memref<1x4x8x1024xf32, #tpu.memory_space<vmem>> -> memref<4x8x1024xf32, #tpu.memory_space<vmem>>
        %dma_start3A_168 = arith.constant 0 : i32
        %dma_start3A_169 = arith.constant 0 : i32
        %dma_start3A_170 = tpu.memref_slice %arg2[%dma_start3A_168, %add3A_162, %dma_start3A_169] : memref<4x4096x1024xf32, #tpu.memory_space<hbm>> -> memref<4x8x1024xf32, #tpu.memory_space<hbm>>
        %dma_start3A_171 = arith.constant 0 : i32
        %dma_start3A_172 = arith.constant 0 : i32
        %dma_start3A_173 = arith.constant 0 : i32
        %dma_start3A_174 = tpu.memref_slice %arg8[%rem3A_145, %dma_start3A_171, %dma_start3A_172, %dma_start3A_173] : memref<3x4x8x1024xf32, #tpu.memory_space<vmem>> -> memref<1x4x8x1024xf32, #tpu.memory_space<vmem>>
        %dma_start3A_175 = tpu.memref_squeeze %dma_start3A_174 : memref<1x4x8x1024xf32, #tpu.memory_space<vmem>> -> memref<4x8x1024xf32, #tpu.memory_space<vmem>>
        %dma_start3A_176 = arith.constant 0 : i32
        %dma_start3A_177 = arith.constant 0 : i32
        %dma_start3A_178 = tpu.memref_slice %arg2[%dma_start3A_176, %add3A_162, %dma_start3A_177] : memref<4x4096x1024xf32, #tpu.memory_space<hbm>> -> memref<4x8x1024xf32, #tpu.memory_space<hbm>>
        tpu.enqueue_dma source(%dma_start3A_178 : memref<4x8x1024xf32, #tpu.memory_space<hbm>>) target(%dma_start3A_175 : memref<4x8x1024xf32, #tpu.memory_space<vmem>>) target_semaphore(%arg10 : memref<!tpu.dma_semaphore, #tpu.memory_space<semaphore_mem>>)
      } else {
      }
      %dma_wait3A_88 = arith.constant 0 : i32
      %dma_wait3A_89 = arith.constant 0 : i32
      %dma_wait3A_90 = tpu.memref_slice %arg7[%dma_wait3A_88, %dma_wait3A_89] : memref<16x1024xf32, #tpu.memory_space<vmem>> -> memref<8x1024xf32, #tpu.memory_space<vmem>>
      %dma_wait3A_91 = arith.constant 0 : i32
      %dma_wait3A_92 = arith.constant 0 : i32
      %dma_wait3A_93 = tpu.memref_slice %arg4[%dma_wait3A_91, %dma_wait3A_92] : memref<8192x1024xf32, #tpu.memory_space<hbm>> -> memref<8x1024xf32, #tpu.memory_space<hbm>>
      %dma_wait3A_94 = arith.constant 0 : i32
      %dma_wait3A_95 = arith.constant 0 : i32
      %dma_wait3A_96 = tpu.memref_slice %arg7[%dma_wait3A_94, %dma_wait3A_95] : memref<16x1024xf32, #tpu.memory_space<vmem>> -> memref<8x1024xf32, #tpu.memory_space<vmem>>
      %dma_wait3A_97 = arith.constant 0 : i32
      %dma_wait3A_98 = arith.constant 0 : i32
      %dma_wait3A_99 = tpu.memref_slice %arg4[%dma_wait3A_97, %dma_wait3A_98] : memref<8192x1024xf32, #tpu.memory_space<hbm>> -> memref<8x1024xf32, #tpu.memory_space<hbm>>
      tpu.wait_dma2 semaphore(%arg9 : memref<!tpu.dma_semaphore, #tpu.memory_space<semaphore_mem>>) src(%dma_wait3A_99 : memref<8x1024xf32, #tpu.memory_space<hbm>>) dst(%dma_wait3A_96 : memref<8x1024xf32, #tpu.memory_space<vmem>>)
      %dma_wait3A_100 = arith.constant 0 : i32
      %dma_wait3A_101 = arith.constant 0 : i32
      %dma_wait3A_102 = arith.constant 0 : i32
      %dma_wait3A_103 = tpu.memref_slice %arg8[%rem3A_76, %dma_wait3A_100, %dma_wait3A_101, %dma_wait3A_102] : memref<3x4x8x1024xf32, #tpu.memory_space<vmem>> -> memref<1x4x8x1024xf32, #tpu.memory_space<vmem>>
      %dma_wait3A_104 = tpu.memref_squeeze %dma_wait3A_103 : memref<1x4x8x1024xf32, #tpu.memory_space<vmem>> -> memref<4x8x1024xf32, #tpu.memory_space<vmem>>
      %dma_wait3A_105 = arith.constant 0 : i32
      %dma_wait3A_106 = arith.constant 0 : i32
      %dma_wait3A_107 = arith.constant 0 : i32
      %dma_wait3A_108 = tpu.memref_slice %arg2[%dma_wait3A_105, %dma_wait3A_106, %dma_wait3A_107] : memref<4x4096x1024xf32, #tpu.memory_space<hbm>> -> memref<4x8x1024xf32, #tpu.memory_space<hbm>>
      %dma_wait3A_109 = arith.constant 0 : i32
      %dma_wait3A_110 = arith.constant 0 : i32
      %dma_wait3A_111 = arith.constant 0 : i32
      %dma_wait3A_112 = tpu.memref_slice %arg8[%rem3A_76, %dma_wait3A_109, %dma_wait3A_110, %dma_wait3A_111] : memref<3x4x8x1024xf32, #tpu.memory_space<vmem>> -> memref<1x4x8x1024xf32, #tpu.memory_space<vmem>>
      %dma_wait3A_113 = tpu.memref_squeeze %dma_wait3A_112 : memref<1x4x8x1024xf32, #tpu.memory_space<vmem>> -> memref<4x8x1024xf32, #tpu.memory_space<vmem>>
      %dma_wait3A_114 = arith.constant 0 : i32
      %dma_wait3A_115 = arith.constant 0 : i32
      %dma_wait3A_116 = arith.constant 0 : i32
      %dma_wait3A_117 = tpu.memref_slice %arg2[%dma_wait3A_114, %dma_wait3A_115, %dma_wait3A_116] : memref<4x4096x1024xf32, #tpu.memory_space<hbm>> -> memref<4x8x1024xf32, #tpu.memory_space<hbm>>
      tpu.wait_dma2 semaphore(%arg10 : memref<!tpu.dma_semaphore, #tpu.memory_space<semaphore_mem>>) src(%dma_wait3A_117 : memref<4x8x1024xf32, #tpu.memory_space<hbm>>) dst(%dma_wait3A_113 : memref<4x8x1024xf32, #tpu.memory_space<vmem>>)
      %parallel_loop3A = arith.constant 0 : i32
      %parallel_loop3A_118 = arith.constant 8 : i32
      %parallel_loop3A_119 = arith.constant 1 : i32
      scf.for %parallel_loop3A_140 = %parallel_loop3A to %parallel_loop3A_118 step %parallel_loop3A_119  : i32 {
        %parallel_loop3A_141 = arith.constant 8 : i32
        %parallel_loop3A_142 = arith.muli %rem3A_74, %parallel_loop3A_141 : i32
        %parallel_loop3A_143 = arith.addi %parallel_loop3A_142, %parallel_loop3A_140 : i32
        %parallel_loop3A_144 = arith.index_cast %parallel_loop3A_143 : i32 to index
        %parallel_loop3A_145 = arith.constant 0 : index
        %parallel_loop3A_146 = tpu.vector_load %arg7[%parallel_loop3A_144, %parallel_loop3A_145] {strides = array<i32>} : memref<16x1024xf32, #tpu.memory_space<vmem>>, vector<1x16xf32>,
        %parallel_loop3A_147 = vector.shape_cast %parallel_loop3A_146 : vector<1x16xf32> to vector<16xf32>
        %parallel_loop3A_148 = arith.constant 0 : i32
        %parallel_loop3A_149 = arith.index_cast %rem3A_76 : i32 to index
        %parallel_loop3A_150 = arith.index_cast %parallel_loop3A_148 : i32 to index
        %parallel_loop3A_151 = arith.index_cast %parallel_loop3A_140 : i32 to index
        %parallel_loop3A_152 = arith.constant 0 : index
        %parallel_loop3A_153 = tpu.vector_load %arg8[%parallel_loop3A_149, %parallel_loop3A_150, %parallel_loop3A_151, %parallel_loop3A_152] {strides = array<i32>} : memref<3x4x8x1024xf32, #tpu.memory_space<vmem>>, vector<1x1x1x16xf32>,
        %parallel_loop3A_154 = vector.shape_cast %parallel_loop3A_153 : vector<1x1x1x16xf32> to vector<16xf32>
        %parallel_loop3A_155 = vector.shape_cast %parallel_loop3A_147 : vector<16xf32> to vector<1x1x1x16xf32>
        tpu.vector_store %arg8[%parallel_loop3A_149, %parallel_loop3A_150, %parallel_loop3A_151, %parallel_loop3A_152], %parallel_loop3A_155 {add = true, strides = array<i32>} : memref<3x4x8x1024xf32, #tpu.memory_space<vmem>>, vector<1x1x1x16xf32>,
        %parallel_loop3A_156 = arith.constant 1 : i32
        %parallel_loop3A_157 = arith.index_cast %rem3A_76 : i32 to index
        %parallel_loop3A_158 = arith.index_cast %parallel_loop3A_156 : i32 to index
        %parallel_loop3A_159 = arith.index_cast %parallel_loop3A_140 : i32 to index
        %parallel_loop3A_160 = arith.constant 0 : index
        %parallel_loop3A_161 = tpu.vector_load %arg8[%parallel_loop3A_157, %parallel_loop3A_158, %parallel_loop3A_159, %parallel_loop3A_160] {strides = array<i32>} : memref<3x4x8x1024xf32, #tpu.memory_space<vmem>>, vector<1x1x1x16xf32>,
        %parallel_loop3A_162 = vector.shape_cast %parallel_loop3A_161 : vector<1x1x1x16xf32> to vector<16xf32>
        %parallel_loop3A_163 = vector.shape_cast %parallel_loop3A_147 : vector<16xf32> to vector<1x1x1x16xf32>
        tpu.vector_store %arg8[%parallel_loop3A_157, %parallel_loop3A_158, %parallel_loop3A_159, %parallel_loop3A_160], %parallel_loop3A_163 {add = true, strides = array<i32>} : memref<3x4x8x1024xf32, #tpu.memory_space<vmem>>, vector<1x1x1x16xf32>,
        %parallel_loop3A_164 = arith.constant 2 : i32
        %parallel_loop3A_165 = arith.index_cast %rem3A_76 : i32 to index
        %parallel_loop3A_166 = arith.index_cast %parallel_loop3A_164 : i32 to index
        %parallel_loop3A_167 = arith.index_cast %parallel_loop3A_140 : i32 to index
        %parallel_loop3A_168 = arith.constant 0 : index
        %parallel_loop3A_169 = tpu.vector_load %arg8[%parallel_loop3A_165, %parallel_loop3A_166, %parallel_loop3A_167, %parallel_loop3A_168] {strides = array<i32>} : memref<3x4x8x1024xf32, #tpu.memory_space<vmem>>, vector<1x1x1x16xf32>,
        %parallel_loop3A_170 = vector.shape_cast %parallel_loop3A_169 : vector<1x1x1x16xf32> to vector<16xf32>
        %parallel_loop3A_171 = vector.shape_cast %parallel_loop3A_147 : vector<16xf32> to vector<1x1x1x16xf32>
        tpu.vector_store %arg8[%parallel_loop3A_165, %parallel_loop3A_166, %parallel_loop3A_167, %parallel_loop3A_168], %parallel_loop3A_171 {add = true, strides = array<i32>} : memref<3x4x8x1024xf32, #tpu.memory_space<vmem>>, vector<1x1x1x16xf32>,
        %parallel_loop3A_172 = arith.constant 3 : i32
        %parallel_loop3A_173 = arith.index_cast %rem3A_76 : i32 to index
        %parallel_loop3A_174 = arith.index_cast %parallel_loop3A_172 : i32 to index
        %parallel_loop3A_175 = arith.index_cast %parallel_loop3A_140 : i32 to index
        %parallel_loop3A_176 = arith.constant 0 : index
        %parallel_loop3A_177 = tpu.vector_load %arg8[%parallel_loop3A_173, %parallel_loop3A_174, %parallel_loop3A_175, %parallel_loop3A_176] {strides = array<i32>} : memref<3x4x8x1024xf32, #tpu.memory_space<vmem>>, vector<1x1x1x16xf32>,
        %parallel_loop3A_178 = vector.shape_cast %parallel_loop3A_177 : vector<1x1x1x16xf32> to vector<16xf32>
        %parallel_loop3A_179 = vector.shape_cast %parallel_loop3A_147 : vector<16xf32> to vector<1x1x1x16xf32>
        tpu.vector_store %arg8[%parallel_loop3A_173, %parallel_loop3A_174, %parallel_loop3A_175, %parallel_loop3A_176], %parallel_loop3A_179 {add = true, strides = array<i32>} : memref<3x4x8x1024xf32, #tpu.memory_space<vmem>>, vector<1x1x1x16xf32>,
        %parallel_loop3A_180 = arith.constant 8 : i32
        %parallel_loop3A_181 = arith.muli %rem3A_74, %parallel_loop3A_180 : i32
        %parallel_loop3A_182 = arith.addi %parallel_loop3A_181, %parallel_loop3A_140 : i32
        %parallel_loop3A_183 = arith.index_cast %parallel_loop3A_182 : i32 to index
        %parallel_loop3A_184 = arith.constant 16 : index
        %parallel_loop3A_185 = tpu.vector_load %arg7[%parallel_loop3A_183, %parallel_loop3A_184] {strides = array<i32>} : memref<16x1024xf32, #tpu.memory_space<vmem>>, vector<1x16xf32>,
        %parallel_loop3A_186 = vector.shape_cast %parallel_loop3A_185 : vector<1x16xf32> to vector<16xf32>
        %parallel_loop3A_187 = arith.constant 0 : i32
        %parallel_loop3A_188 = arith.index_cast %rem3A_76 : i32 to index
        %parallel_loop3A_189 = arith.index_cast %parallel_loop3A_187 : i32 to index
        %parallel_loop3A_190 = arith.index_cast %parallel_loop3A_140 : i32 to index
        %parallel_loop3A_191 = arith.constant 16 : index
        %parallel_loop3A_192 = tpu.vector_load %arg8[%parallel_loop3A_188, %parallel_loop3A_189, %parallel_loop3A_190, %parallel_loop3A_191] {strides = array<i32>} : memref<3x4x8x1024xf32, #tpu.memory_space<vmem>>, vector<1x1x1x16xf32>,
        %parallel_loop3A_193 = vector.shape_cast %parallel_loop3A_192 : vector<1x1x1x16xf32> to vector<16xf32>
        %parallel_loop3A_194 = vector.shape_cast %parallel_loop3A_186 : vector<16xf32> to vector<1x1x1x16xf32>
        tpu.vector_store %arg8[%parallel_loop3A_188, %parallel_loop3A_189, %parallel_loop3A_190, %parallel_loop3A_191], %parallel_loop3A_194 {add = true, strides = array<i32>} : memref<3x4x8x1024xf32, #tpu.memory_space<vmem>>, vector<1x1x1x16xf32>,
        %parallel_loop3A_195 = arith.constant 1 : i32
        %parallel_loop3A_196 = arith.index_cast %rem3A_76 : i32 to index
        %parallel_loop3A_197 = arith.index_cast %parallel_loop3A_195 : i32 to index
        %parallel_loop3A_198 = arith.index_cast %parallel_loop3A_140 : i32 to index
        %parallel_loop3A_199 = arith.constant 16 : index
        %parallel_loop3A_200 = tpu.vector_load %arg8[%parallel_loop3A_196, %parallel_loop3A_197, %parallel_loop3A_198, %parallel_loop3A_199] {strides = array<i32>} : memref<3x4x8x1024xf32, #tpu.memory_space<vmem>>, vector<1x1x1x16xf32>,
        %parallel_loop3A_201 = vector.shape_cast %parallel_loop3A_200 : vector<1x1x1x16xf32> to vector<16xf32>
        %parallel_loop3A_202 = vector.shape_cast %parallel_loop3A_186 : vector<16xf32> to vector<1x1x1x16xf32>
        tpu.vector_store %arg8[%parallel_loop3A_196, %parallel_loop3A_197, %parallel_loop3A_198, %parallel_loop3A_199], %parallel_loop3A_202 {add = true, strides = array<i32>} : memref<3x4x8x1024xf32, #tpu.memory_space<vmem>>, vector<1x1x1x16xf32>,
        %parallel_loop3A_203 = arith.constant 2 : i32
        %parallel_loop3A_204 = arith.index_cast %rem3A_76 : i32 to index
        %parallel_loop3A_205 = arith.index_cast %parallel_loop3A_203 : i32 to index
        %parallel_loop3A_206 = arith.index_cast %parallel_loop3A_140 : i32 to index
        %parallel_loop3A_207 = arith.constant 16 : index
        %parallel_loop3A_208 = tpu.vector_load %arg8[%parallel_loop3A_204, %parallel_loop3A_205, %parallel_loop3A_206, %parallel_loop3A_207] {strides = array<i32>} : memref<3x4x8x1024xf32, #tpu.memory_space<vmem>>, vector<1x1x1x16xf32>,
        %parallel_loop3A_209 = vector.shape_cast %parallel_loop3A_208 : vector<1x1x1x16xf32> to vector<16xf32>
        %parallel_loop3A_210 = vector.shape_cast %parallel_loop3A_186 : vector<16xf32> to vector<1x1x1x16xf32>
        tpu.vector_store %arg8[%parallel_loop3A_204, %parallel_loop3A_205, %parallel_loop3A_206, %parallel_loop3A_207], %parallel_loop3A_210 {add = true, strides = array<i32>} : memref<3x4x8x1024xf32, #tpu.memory_space<vmem>>, vector<1x1x1x16xf32>,
        %parallel_loop3A_211 = arith.constant 3 : i32
        %parallel_loop3A_212 = arith.index_cast %rem3A_76 : i32 to index
        %parallel_loop3A_213 = arith.index_cast %parallel_loop3A_211 : i32 to index
        %parallel_loop3A_214 = arith.index_cast %parallel_loop3A_140 : i32 to index
        %parallel_loop3A_215 = arith.constant 16 : index
        %parallel_loop3A_216 = tpu.vector_load %arg8[%parallel_loop3A_212, %parallel_loop3A_213, %parallel_loop3A_214, %parallel_loop3A_215] {strides = array<i32>} : memref<3x4x8x1024xf32, #tpu.memory_space<vmem>>, vector<1x1x1x16xf32>,
        %parallel_loop3A_217 = vector.shape_cast %parallel_loop3A_216 : vector<1x1x1x16xf32> to vector<16xf32>
        %parallel_loop3A_218 = vector.shape_cast %parallel_loop3A_186 : vector<16xf32> to vector<1x1x1x16xf32>
        tpu.vector_store %arg8[%parallel_loop3A_212, %parallel_loop3A_213, %parallel_loop3A_214, %parallel_loop3A_215], %parallel_loop3A_218 {add = true, strides = array<i32>} : memref<3x4x8x1024xf32, #tpu.memory_space<vmem>>, vector<1x1x1x16xf32>,
        %parallel_loop3A_219 = arith.constant 8 : i32
        %parallel_loop3A_220 = arith.muli %rem3A_74, %parallel_loop3A_219 : i32
        %parallel_loop3A_221 = arith.addi %parallel_loop3A_220, %parallel_loop3A_140 : i32
        %parallel_loop3A_222 = arith.index_cast %parallel_loop3A_221 : i32 to index
        %parallel_loop3A_223 = arith.constant 32 : index
        %parallel_loop3A_224 = tpu.vector_load %arg7[%parallel_loop3A_222, %parallel_loop3A_223] {strides = array<i32>} : memref<16x1024xf32, #tpu.memory_space<vmem>>, vector<1x16xf32>,
        %parallel_loop3A_225 = vector.shape_cast %parallel_loop3A_224 : vector<1x16xf32> to vector<16xf32>
        %parallel_loop3A_226 = arith.constant 0 : i32
        %parallel_loop3A_227 = arith.index_cast %rem3A_76 : i32 to index
        %parallel_loop3A_228 = arith.index_cast %parallel_loop3A_226 : i32 to index
        %parallel_loop3A_229 = arith.index_cast %parallel_loop3A_140 : i32 to index
        %parallel_loop3A_230 = arith.constant 32 : index
        %parallel_loop3A_231 = tpu.vector_load %arg8[%parallel_loop3A_227, %parallel_loop3A_228, %parallel_loop3A_229, %parallel_loop3A_230] {strides = array<i32>} : memref<3x4x8x1024xf32, #tpu.memory_space<vmem>>, vector<1x1x1x16xf32>,
        %parallel_loop3A_232 = vector.shape_cast %parallel_loop3A_231 : vector<1x1x1x16xf32> to vector<16xf32>
        %parallel_loop3A_233 = vector.shape_cast %parallel_loop3A_225 : vector<16xf32> to vector<1x1x1x16xf32>
        tpu.vector_store %arg8[%parallel_loop3A_227, %parallel_loop3A_228, %parallel_loop3A_229, %parallel_loop3A_230], %parallel_loop3A_233 {add = true, strides = array<i32>} : memref<3x4x8x1024xf32, #tpu.memory_space<vmem>>, vector<1x1x1x16xf32>,
        %parallel_loop3A_234 = arith.constant 1 : i32
        %parallel_loop3A_235 = arith.index_cast %rem3A_76 : i32 to index
        %parallel_loop3A_236 = arith.index_cast %parallel_loop3A_234 : i32 to index
        %parallel_loop3A_237 = arith.index_cast %parallel_loop3A_140 : i32 to index
        %parallel_loop3A_238 = arith.constant 32 : index
        %parallel_loop3A_239 = tpu.vector_load %arg8[%parallel_loop3A_235, %parallel_loop3A_236, %parallel_loop3A_237, %parallel_loop3A_238] {strides = array<i32>} : memref<3x4x8x1024xf32, #tpu.memory_space<vmem>>, vector<1x1x1x16xf32>,
        %parallel_loop3A_240 = vector.shape_cast %parallel_loop3A_239 : vector<1x1x1x16xf32> to vector<16xf32>
        %parallel_loop3A_241 = vector.shape_cast %parallel_loop3A_225 : vector<16xf32> to vector<1x1x1x16xf32>
        tpu.vector_store %arg8[%parallel_loop3A_235, %parallel_loop3A_236, %parallel_loop3A_237, %parallel_loop3A_238], %parallel_loop3A_241 {add = true, strides = array<i32>} : memref<3x4x8x1024xf32, #tpu.memory_space<vmem>>, vector<1x1x1x16xf32>,
        %parallel_loop3A_242 = arith.constant 2 : i32
        %parallel_loop3A_243 = arith.index_cast %rem3A_76 : i32 to index
        %parallel_loop3A_244 = arith.index_cast %parallel_loop3A_242 : i32 to index
        %parallel_loop3A_245 = arith.index_cast %parallel_loop3A_140 : i32 to index
        %parallel_loop3A_246 = arith.constant 32 : index
        %parallel_loop3A_247 = tpu.vector_load %arg8[%parallel_loop3A_243, %parallel_loop3A_244, %parallel_loop3A_245, %parallel_loop3A_246] {strides = array<i32>} : memref<3x4x8x1024xf32, #tpu.memory_space<vmem>>, vector<1x1x1x16xf32>,
        %parallel_loop3A_248 = vector.shape_cast %parallel_loop3A_247 : vector<1x1x1x16xf32> to vector<16xf32>
        %parallel_loop3A_249 = vector.shape_cast %parallel_loop3A_225 : vector<16xf32> to vector<1x1x1x16xf32>
        tpu.vector_store %arg8[%parallel_loop3A_243, %parallel_loop3A_244, %parallel_loop3A_245, %parallel_loop3A_246], %parallel_loop3A_249 {add = true, strides = array<i32>} : memref<3x4x8x1024xf32, #tpu.memory_space<vmem>>, vector<1x1x1x16xf32>,
        %parallel_loop3A_250 = arith.constant 3 : i32
        %parallel_loop3A_251 = arith.index_cast %rem3A_76 : i32 to index
        %parallel_loop3A_252 = arith.index_cast %parallel_loop3A_250 : i32 to index
        %parallel_loop3A_253 = arith.index_cast %parallel_loop3A_140 : i32 to index
        %parallel_loop3A_254 = arith.constant 32 : index
        %parallel_loop3A_255 = tpu.vector_load %arg8[%parallel_loop3A_251, %parallel_loop3A_252, %parallel_loop3A_253, %parallel_loop3A_254] {strides = array<i32>} : memref<3x4x8x1024xf32, #tpu.memory_space<vmem>>, vector<1x1x1x16xf32>,
        %parallel_loop3A_256 = vector.shape_cast %parallel_loop3A_255 : vector<1x1x1x16xf32> to vector<16xf32>
        %parallel_loop3A_257 = vector.shape_cast %parallel_loop3A_225 : vector<16xf32> to vector<1x1x1x16xf32>
        tpu.vector_store %arg8[%parallel_loop3A_251, %parallel_loop3A_252, %parallel_loop3A_253, %parallel_loop3A_254], %parallel_loop3A_257 {add = true, strides = array<i32>} : memref<3x4x8x1024xf32, #tpu.memory_space<vmem>>, vector<1x1x1x16xf32>,
        %parallel_loop3A_258 = arith.constant 8 : i32
        %parallel_loop3A_259 = arith.muli %rem3A_74, %parallel_loop3A_258 : i32
        %parallel_loop3A_260 = arith.addi %parallel_loop3A_259, %parallel_loop3A_140 : i32
        %parallel_loop3A_261 = arith.index_cast %parallel_loop3A_260 : i32 to index
        %parallel_loop3A_262 = arith.constant 48 : index
        %parallel_loop3A_263 = tpu.vector_load %arg7[%parallel_loop3A_261, %parallel_loop3A_262] {strides = array<i32>} : memref<16x1024xf32, #tpu.memory_space<vmem>>, vector<1x16xf32>,
        %parallel_loop3A_264 = vector.shape_cast %parallel_loop3A_263 : vector<1x16xf32> to vector<16xf32>
        %parallel_loop3A_265 = arith.constant 0 : i32
        %parallel_loop3A_266 = arith.index_cast %rem3A_76 : i32 to index
        %parallel_loop3A_267 = arith.index_cast %parallel_loop3A_265 : i32 to index
        %parallel_loop3A_268 = arith.index_cast %parallel_loop3A_140 : i32 to index
        %parallel_loop3A_269 = arith.constant 48 : index
        %parallel_loop3A_270 = tpu.vector_load %arg8[%parallel_loop3A_266, %parallel_loop3A_267, %parallel_loop3A_268, %parallel_loop3A_269] {strides = array<i32>} : memref<3x4x8x1024xf32, #tpu.memory_space<vmem>>, vector<1x1x1x16xf32>,
        %parallel_loop3A_271 = vector.shape_cast %parallel_loop3A_270 : vector<1x1x1x16xf32> to vector<16xf32>
        %parallel_loop3A_272 = vector.shape_cast %parallel_loop3A_264 : vector<16xf32> to vector<1x1x1x16xf32>
        tpu.vector_store %arg8[%parallel_loop3A_266, %parallel_loop3A_267, %parallel_loop3A_268, %parallel_loop3A_269], %parallel_loop3A_272 {add = true, strides = array<i32>} : memref<3x4x8x1024xf32, #tpu.memory_space<vmem>>, vector<1x1x1x16xf32>,
        %parallel_loop3A_273 = arith.constant 1 : i32
        %parallel_loop3A_274 = arith.index_cast %rem3A_76 : i32 to index
        %parallel_loop3A_275 = arith.index_cast %parallel_loop3A_273 : i32 to index
        %parallel_loop3A_276 = arith.index_cast %parallel_loop3A_140 : i32 to index
        %parallel_loop3A_277 = arith.constant 48 : index
        %parallel_loop3A_278 = tpu.vector_load %arg8[%parallel_loop3A_274, %parallel_loop3A_275, %parallel_loop3A_276, %parallel_loop3A_277] {strides = array<i32>} : memref<3x4x8x1024xf32, #tpu.memory_space<vmem>>, vector<1x1x1x16xf32>,
        %parallel_loop3A_279 = vector.shape_cast %parallel_loop3A_278 : vector<1x1x1x16xf32> to vector<16xf32>
        %parallel_loop3A_280 = vector.shape_cast %parallel_loop3A_264 : vector<16xf32> to vector<1x1x1x16xf32>
        tpu.vector_store %arg8[%parallel_loop3A_274, %parallel_loop3A_275, %parallel_loop3A_276, %parallel_loop3A_277], %parallel_loop3A_280 {add = true, strides = array<i32>} : memref<3x4x8x1024xf32, #tpu.memory_space<vmem>>, vector<1x1x1x16xf32>,
        %parallel_loop3A_281 = arith.constant 2 : i32
        %parallel_loop3A_282 = arith.index_cast %rem3A_76 : i32 to index
        %parallel_loop3A_283 = arith.index_cast %parallel_loop3A_281 : i32 to index
        %parallel_loop3A_284 = arith.index_cast %parallel_loop3A_140 : i32 to index
        %parallel_loop3A_285 = arith.constant 48 : index
        %parallel_loop3A_286 = tpu.vector_load %arg8[%parallel_loop3A_282, %parallel_loop3A_283, %parallel_loop3A_284, %parallel_loop3A_285] {strides = array<i32>} : memref<3x4x8x1024xf32, #tpu.memory_space<vmem>>, vector<1x1x1x16xf32>,
        %parallel_loop3A_287 = vector.shape_cast %parallel_loop3A_286 : vector<1x1x1x16xf32> to vector<16xf32>
        %parallel_loop3A_288 = vector.shape_cast %parallel_loop3A_264 : vector<16xf32> to vector<1x1x1x16xf32>
        tpu.vector_store %arg8[%parallel_loop3A_282, %parallel_loop3A_283, %parallel_loop3A_284, %parallel_loop3A_285], %parallel_loop3A_288 {add = true, strides = array<i32>} : memref<3x4x8x1024xf32, #tpu.memory_space<vmem>>, vector<1x1x1x16xf32>,
        %parallel_loop3A_289 = arith.constant 3 : i32
        %parallel_loop3A_290 = arith.index_cast %rem3A_76 : i32 to index
        %parallel_loop3A_291 = arith.index_cast %parallel_loop3A_289 : i32 to index
        %parallel_loop3A_292 = arith.index_cast %parallel_loop3A_140 : i32 to index
        %parallel_loop3A_293 = arith.constant 48 : index
        %parallel_loop3A_294 = tpu.vector_load %arg8[%parallel_loop3A_290, %parallel_loop3A_291, %parallel_loop3A_292, %parallel_loop3A_293] {strides = array<i32>} : memref<3x4x8x1024xf32, #tpu.memory_space<vmem>>, vector<1x1x1x16xf32>,
        %parallel_loop3A_295 = vector.shape_cast %parallel_loop3A_294 : vector<1x1x1x16xf32> to vector<16xf32>
        %parallel_loop3A_296 = vector.shape_cast %parallel_loop3A_264 : vector<16xf32> to vector<1x1x1x16xf32>
        tpu.vector_store %arg8[%parallel_loop3A_290, %parallel_loop3A_291, %parallel_loop3A_292, %parallel_loop3A_293], %parallel_loop3A_296 {add = true, strides = array<i32>} : memref<3x4x8x1024xf32, #tpu.memory_space<vmem>>, vector<1x1x1x16xf32>,
        %parallel_loop3A_297 = arith.constant 8 : i32
        %parallel_loop3A_298 = arith.muli %rem3A_74, %parallel_loop3A_297 : i32
        %parallel_loop3A_299 = arith.addi %parallel_loop3A_298, %parallel_loop3A_140 : i32
        %parallel_loop3A_300 = arith.index_cast %parallel_loop3A_299 : i32 to index
        %parallel_loop3A_301 = arith.constant 64 : index
        %parallel_loop3A_302 = tpu.vector_load %arg7[%parallel_loop3A_300, %parallel_loop3A_301] {strides = array<i32>} : memref<16x1024xf32, #tpu.memory_space<vmem>>, vector<1x16xf32>,
        %parallel_loop3A_303 = vector.shape_cast %parallel_loop3A_302 : vector<1x16xf32> to vector<16xf32>
        %parallel_loop3A_304 = arith.constant 0 : i32
        %parallel_loop3A_305 = arith.index_cast %rem3A_76 : i32 to index
        %parallel_loop3A_306 = arith.index_cast %parallel_loop3A_304 : i32 to index
        %parallel_loop3A_307 = arith.index_cast %parallel_loop3A_140 : i32 to index
        %parallel_loop3A_308 = arith.constant 64 : index
        %parallel_loop3A_309 = tpu.vector_load %arg8[%parallel_loop3A_305, %parallel_loop3A_306, %parallel_loop3A_307, %parallel_loop3A_308] {strides = array<i32>} : memref<3x4x8x1024xf32, #tpu.memory_space<vmem>>, vector<1x1x1x16xf32>,
        %parallel_loop3A_310 = vector.shape_cast %parallel_loop3A_309 : vector<1x1x1x16xf32> to vector<16xf32>
        %parallel_loop3A_311 = vector.shape_cast %parallel_loop3A_303 : vector<16xf32> to vector<1x1x1x16xf32>
        tpu.vector_store %arg8[%parallel_loop3A_305, %parallel_loop3A_306, %parallel_loop3A_307, %parallel_loop3A_308], %parallel_loop3A_311 {add = true, strides = array<i32>} : memref<3x4x8x1024xf32, #tpu.memory_space<vmem>>, vector<1x1x1x16xf32>,
        %parallel_loop3A_312 = arith.constant 1 : i32
        %parallel_loop3A_313 = arith.index_cast %rem3A_76 : i32 to index
        %parallel_loop3A_314 = arith.index_cast %parallel_loop3A_312 : i32 to index
        %parallel_loop3A_315 = arith.index_cast %parallel_loop3A_140 : i32 to index
        %parallel_loop3A_316 = arith.constant 64 : index
        %parallel_loop3A_317 = tpu.vector_load %arg8[%parallel_loop3A_313, %parallel_loop3A_314, %parallel_loop3A_315, %parallel_loop3A_316] {strides = array<i32>} : memref<3x4x8x1024xf32, #tpu.memory_space<vmem>>, vector<1x1x1x16xf32>,
        %parallel_loop3A_318 = vector.shape_cast %parallel_loop3A_317 : vector<1x1x1x16xf32> to vector<16xf32>
        %parallel_loop3A_319 = vector.shape_cast %parallel_loop3A_303 : vector<16xf32> to vector<1x1x1x16xf32>
        tpu.vector_store %arg8[%parallel_loop3A_313, %parallel_loop3A_314, %parallel_loop3A_315, %parallel_loop3A_316], %parallel_loop3A_319 {add = true, strides = array<i32>} : memref<3x4x8x1024xf32, #tpu.memory_space<vmem>>, vector<1x1x1x16xf32>,
        %parallel_loop3A_320 = arith.constant 2 : i32
        %parallel_loop3A_321 = arith.index_cast %rem3A_76 : i32 to index
        %parallel_loop3A_322 = arith.index_cast %parallel_loop3A_320 : i32 to index
        %parallel_loop3A_323 = arith.index_cast %parallel_loop3A_140 : i32 to index
        %parallel_loop3A_324 = arith.constant 64 : index
        %parallel_loop3A_325 = tpu.vector_load %arg8[%parallel_loop3A_321, %parallel_loop3A_322, %parallel_loop3A_323, %parallel_loop3A_324] {strides = array<i32>} : memref<3x4x8x1024xf32, #tpu.memory_space<vmem>>, vector<1x1x1x16xf32>,
        %parallel_loop3A_326 = vector.shape_cast %parallel_loop3A_325 : vector<1x1x1x16xf32> to vector<16xf32>
        %parallel_loop3A_327 = vector.shape_cast %parallel_loop3A_303 : vector<16xf32> to vector<1x1x1x16xf32>
        tpu.vector_store %arg8[%parallel_loop3A_321, %parallel_loop3A_322, %parallel_loop3A_323, %parallel_loop3A_324], %parallel_loop3A_327 {add = true, strides = array<i32>} : memref<3x4x8x1024xf32, #tpu.memory_space<vmem>>, vector<1x1x1x16xf32>,
        %parallel_loop3A_328 = arith.constant 3 : i32
        %parallel_loop3A_329 = arith.index_cast %rem3A_76 : i32 to index
        %parallel_loop3A_330 = arith.index_cast %parallel_loop3A_328 : i32 to index
        %parallel_loop3A_331 = arith.index_cast %parallel_loop3A_140 : i32 to index
        %parallel_loop3A_332 = arith.constant 64 : index
        %parallel_loop3A_333 = tpu.vector_load %arg8[%parallel_loop3A_329, %parallel_loop3A_330, %parallel_loop3A_331, %parallel_loop3A_332] {strides = array<i32>} : memref<3x4x8x1024xf32, #tpu.memory_space<vmem>>, vector<1x1x1x16xf32>,
        %parallel_loop3A_334 = vector.shape_cast %parallel_loop3A_333 : vector<1x1x1x16xf32> to vector<16xf32>
        %parallel_loop3A_335 = vector.shape_cast %parallel_loop3A_303 : vector<16xf32> to vector<1x1x1x16xf32>
        tpu.vector_store %arg8[%parallel_loop3A_329, %parallel_loop3A_330, %parallel_loop3A_331, %parallel_loop3A_332], %parallel_loop3A_335 {add = true, strides = array<i32>} : memref<3x4x8x1024xf32, #tpu.memory_space<vmem>>, vector<1x1x1x16xf32>,
        %parallel_loop3A_336 = arith.constant 8 : i32
        %parallel_loop3A_337 = arith.muli %rem3A_74, %parallel_loop3A_336 : i32
        %parallel_loop3A_338 = arith.addi %parallel_loop3A_337, %parallel_loop3A_140 : i32
        %parallel_loop3A_339 = arith.index_cast %parallel_loop3A_338 : i32 to index
        %parallel_loop3A_340 = arith.constant 80 : index
        %parallel_loop3A_341 = tpu.vector_load %arg7[%parallel_loop3A_339, %parallel_loop3A_340] {strides = array<i32>} : memref<16x1024xf32, #tpu.memory_space<vmem>>, vector<1x16xf32>,
        %parallel_loop3A_342 = vector.shape_cast %parallel_loop3A_341 : vector<1x16xf32> to vector<16xf32>
        %parallel_loop3A_343 = arith.constant 0 : i32
        %parallel_loop3A_344 = arith.index_cast %rem3A_76 : i32 to index
        %parallel_loop3A_345 = arith.index_cast %parallel_loop3A_343 : i32 to index
        %parallel_loop3A_346 = arith.index_cast %parallel_loop3A_140 : i32 to index
        %parallel_loop3A_347 = arith.constant 80 : index
        %parallel_loop3A_348 = tpu.vector_load %arg8[%parallel_loop3A_344, %parallel_loop3A_345, %parallel_loop3A_346, %parallel_loop3A_347] {strides = array<i32>} : memref<3x4x8x1024xf32, #tpu.memory_space<vmem>>, vector<1x1x1x16xf32>,
        %parallel_loop3A_349 = vector.shape_cast %parallel_loop3A_348 : vector<1x1x1x16xf32> to vector<16xf32>
        %parallel_loop3A_350 = vector.shape_cast %parallel_loop3A_342 : vector<16xf32> to vector<1x1x1x16xf32>
        tpu.vector_store %arg8[%parallel_loop3A_344, %parallel_loop3A_345, %parallel_loop3A_346, %parallel_loop3A_347], %parallel_loop3A_350 {add = true, strides = array<i32>} : memref<3x4x8x1024xf32, #tpu.memory_space<vmem>>, vector<1x1x1x16xf32>,
        %parallel_loop3A_351 = arith.constant 1 : i32
        %parallel_loop3A_352 = arith.index_cast %rem3A_76 : i32 to index
        %parallel_loop3A_353 = arith.index_cast %parallel_loop3A_351 : i32 to index
        %parallel_loop3A_354 = arith.index_cast %parallel_loop3A_140 : i32 to index
        %parallel_loop3A_355 = arith.constant 80 : index
        %parallel_loop3A_356 = tpu.vector_load %arg8[%parallel_loop3A_352, %parallel_loop3A_353, %parallel_loop3A_354, %parallel_loop3A_355] {strides = array<i32>} : memref<3x4x8x1024xf32, #tpu.memory_space<vmem>>, vector<1x1x1x16xf32>,
        %parallel_loop3A_357 = vector.shape_cast %parallel_loop3A_356 : vector<1x1x1x16xf32> to vector<16xf32>
        %parallel_loop3A_358 = vector.shape_cast %parallel_loop3A_342 : vector<16xf32> to vector<1x1x1x16xf32>
        tpu.vector_store %arg8[%parallel_loop3A_352, %parallel_loop3A_353, %parallel_loop3A_354, %parallel_loop3A_355], %parallel_loop3A_358 {add = true, strides = array<i32>} : memref<3x4x8x1024xf32, #tpu.memory_space<vmem>>, vector<1x1x1x16xf32>,
        %parallel_loop3A_359 = arith.constant 2 : i32
        %parallel_loop3A_360 = arith.index_cast %rem3A_76 : i32 to index
        %parallel_loop3A_361 = arith.index_cast %parallel_loop3A_359 : i32 to index
        %parallel_loop3A_362 = arith.index_cast %parallel_loop3A_140 : i32 to index
        %parallel_loop3A_363 = arith.constant 80 : index
        %parallel_loop3A_364 = tpu.vector_load %arg8[%parallel_loop3A_360, %parallel_loop3A_361, %parallel_loop3A_362, %parallel_loop3A_363] {strides = array<i32>} : memref<3x4x8x1024xf32, #tpu.memory_space<vmem>>, vector<1x1x1x16xf32>,
        %parallel_loop3A_365 = vector.shape_cast %parallel_loop3A_364 : vector<1x1x1x16xf32> to vector<16xf32>
        %parallel_loop3A_366 = vector.shape_cast %parallel_loop3A_342 : vector<16xf32> to vector<1x1x1x16xf32>
        tpu.vector_store %arg8[%parallel_loop3A_360, %parallel_loop3A_361, %parallel_loop3A_362, %parallel_loop3A_363], %parallel_loop3A_366 {add = true, strides = array<i32>} : memref<3x4x8x1024xf32, #tpu.memory_space<vmem>>, vector<1x1x1x16xf32>,
        %parallel_loop3A_367 = arith.constant 3 : i32
        %parallel_loop3A_368 = arith.index_cast %rem3A_76 : i32 to index
        %parallel_loop3A_369 = arith.index_cast %parallel_loop3A_367 : i32 to index
        %parallel_loop3A_370 = arith.index_cast %parallel_loop3A_140 : i32 to index
        %parallel_loop3A_371 = arith.constant 80 : index
        %parallel_loop3A_372 = tpu.vector_load %arg8[%parallel_loop3A_368, %parallel_loop3A_369, %parallel_loop3A_370, %parallel_loop3A_371] {strides = array<i32>} : memref<3x4x8x1024xf32, #tpu.memory_space<vmem>>, vector<1x1x1x16xf32>,
        %parallel_loop3A_373 = vector.shape_cast %parallel_loop3A_372 : vector<1x1x1x16xf32> to vector<16xf32>
        %parallel_loop3A_374 = vector.shape_cast %parallel_loop3A_342 : vector<16xf32> to vector<1x1x1x16xf32>
        tpu.vector_store %arg8[%parallel_loop3A_368, %parallel_loop3A_369, %parallel_loop3A_370, %parallel_loop3A_371], %parallel_loop3A_374 {add = true, strides = array<i32>} : memref<3x4x8x1024xf32, #tpu.memory_space<vmem>>, vector<1x1x1x16xf32>,
        %parallel_loop3A_375 = arith.constant 8 : i32
        %parallel_loop3A_376 = arith.muli %rem3A_74, %parallel_loop3A_375 : i32
        %parallel_loop3A_377 = arith.addi %parallel_loop3A_376, %parallel_loop3A_140 : i32
        %parallel_loop3A_378 = arith.index_cast %parallel_loop3A_377 : i32 to index
        %parallel_loop3A_379 = arith.constant 96 : index
        %parallel_loop3A_380 = tpu.vector_load %arg7[%parallel_loop3A_378, %parallel_loop3A_379] {strides = array<i32>} : memref<16x1024xf32, #tpu.memory_space<vmem>>, vector<1x16xf32>,
        %parallel_loop3A_381 = vector.shape_cast %parallel_loop3A_380 : vector<1x16xf32> to vector<16xf32>
        %parallel_loop3A_382 = arith.constant 0 : i32
        %parallel_loop3A_383 = arith.index_cast %rem3A_76 : i32 to index
        %parallel_loop3A_384 = arith.index_cast %parallel_loop3A_382 : i32 to index
        %parallel_loop3A_385 = arith.index_cast %parallel_loop3A_140 : i32 to index
        %parallel_loop3A_386 = arith.constant 96 : index
        %parallel_loop3A_387 = tpu.vector_load %arg8[%parallel_loop3A_383, %parallel_loop3A_384, %parallel_loop3A_385, %parallel_loop3A_386] {strides = array<i32>} : memref<3x4x8x1024xf32, #tpu.memory_space<vmem>>, vector<1x1x1x16xf32>,
        %parallel_loop3A_388 = vector.shape_cast %parallel_loop3A_387 : vector<1x1x1x16xf32> to vector<16xf32>
        %parallel_loop3A_389 = vector.shape_cast %parallel_loop3A_381 : vector<16xf32> to vector<1x1x1x16xf32>
        tpu.vector_store %arg8[%parallel_loop3A_383, %parallel_loop3A_384, %parallel_loop3A_385, %parallel_loop3A_386], %parallel_loop3A_389 {add = true, strides = array<i32>} : memref<3x4x8x1024xf32, #tpu.memory_space<vmem>>, vector<1x1x1x16xf32>,
        %parallel_loop3A_390 = arith.constant 1 : i32
        %parallel_loop3A_391 = arith.index_cast %rem3A_76 : i32 to index
        %parallel_loop3A_392 = arith.index_cast %parallel_loop3A_390 : i32 to index
        %parallel_loop3A_393 = arith.index_cast %parallel_loop3A_140 : i32 to index
        %parallel_loop3A_394 = arith.constant 96 : index
        %parallel_loop3A_395 = tpu.vector_load %arg8[%parallel_loop3A_391, %parallel_loop3A_392, %parallel_loop3A_393, %parallel_loop3A_394] {strides = array<i32>} : memref<3x4x8x1024xf32, #tpu.memory_space<vmem>>, vector<1x1x1x16xf32>,
        %parallel_loop3A_396 = vector.shape_cast %parallel_loop3A_395 : vector<1x1x1x16xf32> to vector<16xf32>
        %parallel_loop3A_397 = vector.shape_cast %parallel_loop3A_381 : vector<16xf32> to vector<1x1x1x16xf32>
        tpu.vector_store %arg8[%parallel_loop3A_391, %parallel_loop3A_392, %parallel_loop3A_393, %parallel_loop3A_394], %parallel_loop3A_397 {add = true, strides = array<i32>} : memref<3x4x8x1024xf32, #tpu.memory_space<vmem>>, vector<1x1x1x16xf32>,
        %parallel_loop3A_398 = arith.constant 2 : i32
        %parallel_loop3A_399 = arith.index_cast %rem3A_76 : i32 to index
        %parallel_loop3A_400 = arith.index_cast %parallel_loop3A_398 : i32 to index
        %parallel_loop3A_401 = arith.index_cast %parallel_loop3A_140 : i32 to index
        %parallel_loop3A_402 = arith.constant 96 : index
        %parallel_loop3A_403 = tpu.vector_load %arg8[%parallel_loop3A_399, %parallel_loop3A_400, %parallel_loop3A_401, %parallel_loop3A_402] {strides = array<i32>} : memref<3x4x8x1024xf32, #tpu.memory_space<vmem>>, vector<1x1x1x16xf32>,
        %parallel_loop3A_404 = vector.shape_cast %parallel_loop3A_403 : vector<1x1x1x16xf32> to vector<16xf32>
        %parallel_loop3A_405 = vector.shape_cast %parallel_loop3A_381 : vector<16xf32> to vector<1x1x1x16xf32>
        tpu.vector_store %arg8[%parallel_loop3A_399, %parallel_loop3A_400, %parallel_loop3A_401, %parallel_loop3A_402], %parallel_loop3A_405 {add = true, strides = array<i32>} : memref<3x4x8x1024xf32, #tpu.memory_space<vmem>>, vector<1x1x1x16xf32>,
        %parallel_loop3A_406 = arith.constant 3 : i32
        %parallel_loop3A_407 = arith.index_cast %rem3A_76 : i32 to index
        %parallel_loop3A_408 = arith.index_cast %parallel_loop3A_406 : i32 to index
        %parallel_loop3A_409 = arith.index_cast %parallel_loop3A_140 : i32 to index
        %parallel_loop3A_410 = arith.constant 96 : index
        %parallel_loop3A_411 = tpu.vector_load %arg8[%parallel_loop3A_407, %parallel_loop3A_408, %parallel_loop3A_409, %parallel_loop3A_410] {strides = array<i32>} : memref<3x4x8x1024xf32, #tpu.memory_space<vmem>>, vector<1x1x1x16xf32>,
        %parallel_loop3A_412 = vector.shape_cast %parallel_loop3A_411 : vector<1x1x1x16xf32> to vector<16xf32>
        %parallel_loop3A_413 = vector.shape_cast %parallel_loop3A_381 : vector<16xf32> to vector<1x1x1x16xf32>
        tpu.vector_store %arg8[%parallel_loop3A_407, %parallel_loop3A_408, %parallel_loop3A_409, %parallel_loop3A_410], %parallel_loop3A_413 {add = true, strides = array<i32>} : memref<3x4x8x1024xf32, #tpu.memory_space<vmem>>, vector<1x1x1x16xf32>,
        %parallel_loop3A_414 = arith.constant 8 : i32
        %parallel_loop3A_415 = arith.muli %rem3A_74, %parallel_loop3A_414 : i32
        %parallel_loop3A_416 = arith.addi %parallel_loop3A_415, %parallel_loop3A_140 : i32
        %parallel_loop3A_417 = arith.index_cast %parallel_loop3A_416 : i32 to index
        %parallel_loop3A_418 = arith.constant 112 : index
        %parallel_loop3A_419 = tpu.vector_load %arg7[%parallel_loop3A_417, %parallel_loop3A_418] {strides = array<i32>} : memref<16x1024xf32, #tpu.memory_space<vmem>>, vector<1x16xf32>,
        %parallel_loop3A_420 = vector.shape_cast %parallel_loop3A_419 : vector<1x16xf32> to vector<16xf32>
        %parallel_loop3A_421 = arith.constant 0 : i32
        %parallel_loop3A_422 = arith.index_cast %rem3A_76 : i32 to index
        %parallel_loop3A_423 = arith.index_cast %parallel_loop3A_421 : i32 to index
        %parallel_loop3A_424 = arith.index_cast %parallel_loop3A_140 : i32 to index
        %parallel_loop3A_425 = arith.constant 112 : index
        %parallel_loop3A_426 = tpu.vector_load %arg8[%parallel_loop3A_422, %parallel_loop3A_423, %parallel_loop3A_424, %parallel_loop3A_425] {strides = array<i32>} : memref<3x4x8x1024xf32, #tpu.memory_space<vmem>>, vector<1x1x1x16xf32>,
        %parallel_loop3A_427 = vector.shape_cast %parallel_loop3A_426 : vector<1x1x1x16xf32> to vector<16xf32>
        %parallel_loop3A_428 = vector.shape_cast %parallel_loop3A_420 : vector<16xf32> to vector<1x1x1x16xf32>
        tpu.vector_store %arg8[%parallel_loop3A_422, %parallel_loop3A_423, %parallel_loop3A_424, %parallel_loop3A_425], %parallel_loop3A_428 {add = true, strides = array<i32>} : memref<3x4x8x1024xf32, #tpu.memory_space<vmem>>, vector<1x1x1x16xf32>,
        %parallel_loop3A_429 = arith.constant 1 : i32
        %parallel_loop3A_430 = arith.index_cast %rem3A_76 : i32 to index
        %parallel_loop3A_431 = arith.index_cast %parallel_loop3A_429 : i32 to index
        %parallel_loop3A_432 = arith.index_cast %parallel_loop3A_140 : i32 to index
        %parallel_loop3A_433 = arith.constant 112 : index
        %parallel_loop3A_434 = tpu.vector_load %arg8[%parallel_loop3A_430, %parallel_loop3A_431, %parallel_loop3A_432, %parallel_loop3A_433] {strides = array<i32>} : memref<3x4x8x1024xf32, #tpu.memory_space<vmem>>, vector<1x1x1x16xf32>,
        %parallel_loop3A_435 = vector.shape_cast %parallel_loop3A_434 : vector<1x1x1x16xf32> to vector<16xf32>
        %parallel_loop3A_436 = vector.shape_cast %parallel_loop3A_420 : vector<16xf32> to vector<1x1x1x16xf32>
        tpu.vector_store %arg8[%parallel_loop3A_430, %parallel_loop3A_431, %parallel_loop3A_432, %parallel_loop3A_433], %parallel_loop3A_436 {add = true, strides = array<i32>} : memref<3x4x8x1024xf32, #tpu.memory_space<vmem>>, vector<1x1x1x16xf32>,
        %parallel_loop3A_437 = arith.constant 2 : i32
        %parallel_loop3A_438 = arith.index_cast %rem3A_76 : i32 to index
        %parallel_loop3A_439 = arith.index_cast %parallel_loop3A_437 : i32 to index
        %parallel_loop3A_440 = arith.index_cast %parallel_loop3A_140 : i32 to index
        %parallel_loop3A_441 = arith.constant 112 : index
        %parallel_loop3A_442 = tpu.vector_load %arg8[%parallel_loop3A_438, %parallel_loop3A_439, %parallel_loop3A_440, %parallel_loop3A_441] {strides = array<i32>} : memref<3x4x8x1024xf32, #tpu.memory_space<vmem>>, vector<1x1x1x16xf32>,
        %parallel_loop3A_443 = vector.shape_cast %parallel_loop3A_442 : vector<1x1x1x16xf32> to vector<16xf32>
        %parallel_loop3A_444 = vector.shape_cast %parallel_loop3A_420 : vector<16xf32> to vector<1x1x1x16xf32>
        tpu.vector_store %arg8[%parallel_loop3A_438, %parallel_loop3A_439, %parallel_loop3A_440, %parallel_loop3A_441], %parallel_loop3A_444 {add = true, strides = array<i32>} : memref<3x4x8x1024xf32, #tpu.memory_space<vmem>>, vector<1x1x1x16xf32>,
        %parallel_loop3A_445 = arith.constant 3 : i32
        %parallel_loop3A_446 = arith.index_cast %rem3A_76 : i32 to index
        %parallel_loop3A_447 = arith.index_cast %parallel_loop3A_445 : i32 to index
        %parallel_loop3A_448 = arith.index_cast %parallel_loop3A_140 : i32 to index
        %parallel_loop3A_449 = arith.constant 112 : index
        %parallel_loop3A_450 = tpu.vector_load %arg8[%parallel_loop3A_446, %parallel_loop3A_447, %parallel_loop3A_448, %parallel_loop3A_449] {strides = array<i32>} : memref<3x4x8x1024xf32, #tpu.memory_space<vmem>>, vector<1x1x1x16xf32>,
        %parallel_loop3A_451 = vector.shape_cast %parallel_loop3A_450 : vector<1x1x1x16xf32> to vector<16xf32>
        %parallel_loop3A_452 = vector.shape_cast %parallel_loop3A_420 : vector<16xf32> to vector<1x1x1x16xf32>
        tpu.vector_store %arg8[%parallel_loop3A_446, %parallel_loop3A_447, %parallel_loop3A_448, %parallel_loop3A_449], %parallel_loop3A_452 {add = true, strides = array<i32>} : memref<3x4x8x1024xf32, #tpu.memory_space<vmem>>, vector<1x1x1x16xf32>,
        %parallel_loop3A_453 = arith.constant 8 : i32
        %parallel_loop3A_454 = arith.muli %rem3A_74, %parallel_loop3A_453 : i32
        %parallel_loop3A_455 = arith.addi %parallel_loop3A_454, %parallel_loop3A_140 : i32
        %parallel_loop3A_456 = arith.index_cast %parallel_loop3A_455 : i32 to index
        %parallel_loop3A_457 = arith.constant 128 : index
        %parallel_loop3A_458 = tpu.vector_load %arg7[%parallel_loop3A_456, %parallel_loop3A_457] {strides = array<i32>} : memref<16x1024xf32, #tpu.memory_space<vmem>>, vector<1x16xf32>,
        %parallel_loop3A_459 = vector.shape_cast %parallel_loop3A_458 : vector<1x16xf32> to vector<16xf32>
        %parallel_loop3A_460 = arith.constant 0 : i32
        %parallel_loop3A_461 = arith.index_cast %rem3A_76 : i32 to index
        %parallel_loop3A_462 = arith.index_cast %parallel_loop3A_460 : i32 to index
        %parallel_loop3A_463 = arith.index_cast %parallel_loop3A_140 : i32 to index
        %parallel_loop3A_464 = arith.constant 128 : index
        %parallel_loop3A_465 = tpu.vector_load %arg8[%parallel_loop3A_461, %parallel_loop3A_462, %parallel_loop3A_463, %parallel_loop3A_464] {strides = array<i32>} : memref<3x4x8x1024xf32, #tpu.memory_space<vmem>>, vector<1x1x1x16xf32>,
        %parallel_loop3A_466 = vector.shape_cast %parallel_loop3A_465 : vector<1x1x1x16xf32> to vector<16xf32>
        %parallel_loop3A_467 = vector.shape_cast %parallel_loop3A_459 : vector<16xf32> to vector<1x1x1x16xf32>
        tpu.vector_store %arg8[%parallel_loop3A_461, %parallel_loop3A_462, %parallel_loop3A_463, %parallel_loop3A_464], %parallel_loop3A_467 {add = true, strides = array<i32>} : memref<3x4x8x1024xf32, #tpu.memory_space<vmem>>, vector<1x1x1x16xf32>,
        %parallel_loop3A_468 = arith.constant 1 : i32
        %parallel_loop3A_469 = arith.index_cast %rem3A_76 : i32 to index
        %parallel_loop3A_470 = arith.index_cast %parallel_loop3A_468 : i32 to index
        %parallel_loop3A_471 = arith.index_cast %parallel_loop3A_140 : i32 to index
        %parallel_loop3A_472 = arith.constant 128 : index
        %parallel_loop3A_473 = tpu.vector_load %arg8[%parallel_loop3A_469, %parallel_loop3A_470, %parallel_loop3A_471, %parallel_loop3A_472] {strides = array<i32>} : memref<3x4x8x1024xf32, #tpu.memory_space<vmem>>, vector<1x1x1x16xf32>,
        %parallel_loop3A_474 = vector.shape_cast %parallel_loop3A_473 : vector<1x1x1x16xf32> to vector<16xf32>
        %parallel_loop3A_475 = vector.shape_cast %parallel_loop3A_459 : vector<16xf32> to vector<1x1x1x16xf32>
        tpu.vector_store %arg8[%parallel_loop3A_469, %parallel_loop3A_470, %parallel_loop3A_471, %parallel_loop3A_472], %parallel_loop3A_475 {add = true, strides = array<i32>} : memref<3x4x8x1024xf32, #tpu.memory_space<vmem>>, vector<1x1x1x16xf32>,
        %parallel_loop3A_476 = arith.constant 2 : i32
        %parallel_loop3A_477 = arith.index_cast %rem3A_76 : i32 to index
        %parallel_loop3A_478 = arith.index_cast %parallel_loop3A_476 : i32 to index
        %parallel_loop3A_479 = arith.index_cast %parallel_loop3A_140 : i32 to index
        %parallel_loop3A_480 = arith.constant 128 : index
        %parallel_loop3A_481 = tpu.vector_load %arg8[%parallel_loop3A_477, %parallel_loop3A_478, %parallel_loop3A_479, %parallel_loop3A_480] {strides = array<i32>} : memref<3x4x8x1024xf32, #tpu.memory_space<vmem>>, vector<1x1x1x16xf32>,
        %parallel_loop3A_482 = vector.shape_cast %parallel_loop3A_481 : vector<1x1x1x16xf32> to vector<16xf32>
        %parallel_loop3A_483 = vector.shape_cast %parallel_loop3A_459 : vector<16xf32> to vector<1x1x1x16xf32>
        tpu.vector_store %arg8[%parallel_loop3A_477, %parallel_loop3A_478, %parallel_loop3A_479, %parallel_loop3A_480], %parallel_loop3A_483 {add = true, strides = array<i32>} : memref<3x4x8x1024xf32, #tpu.memory_space<vmem>>, vector<1x1x1x16xf32>,
        %parallel_loop3A_484 = arith.constant 3 : i32
        %parallel_loop3A_485 = arith.index_cast %rem3A_76 : i32 to index
        %parallel_loop3A_486 = arith.index_cast %parallel_loop3A_484 : i32 to index
        %parallel_loop3A_487 = arith.index_cast %parallel_loop3A_140 : i32 to index
        %parallel_loop3A_488 = arith.constant 128 : index
        %parallel_loop3A_489 = tpu.vector_load %arg8[%parallel_loop3A_485, %parallel_loop3A_486, %parallel_loop3A_487, %parallel_loop3A_488] {strides = array<i32>} : memref<3x4x8x1024xf32, #tpu.memory_space<vmem>>, vector<1x1x1x16xf32>,
        %parallel_loop3A_490 = vector.shape_cast %parallel_loop3A_489 : vector<1x1x1x16xf32> to vector<16xf32>
        %parallel_loop3A_491 = vector.shape_cast %parallel_loop3A_459 : vector<16xf32> to vector<1x1x1x16xf32>
        tpu.vector_store %arg8[%parallel_loop3A_485, %parallel_loop3A_486, %parallel_loop3A_487, %parallel_loop3A_488], %parallel_loop3A_491 {add = true, strides = array<i32>} : memref<3x4x8x1024xf32, #tpu.memory_space<vmem>>, vector<1x1x1x16xf32>,
        %parallel_loop3A_492 = arith.constant 8 : i32
        %parallel_loop3A_493 = arith.muli %rem3A_74, %parallel_loop3A_492 : i32
        %parallel_loop3A_494 = arith.addi %parallel_loop3A_493, %parallel_loop3A_140 : i32
        %parallel_loop3A_495 = arith.index_cast %parallel_loop3A_494 : i32 to index
        %parallel_loop3A_496 = arith.constant 144 : index
        %parallel_loop3A_497 = tpu.vector_load %arg7[%parallel_loop3A_495, %parallel_loop3A_496] {strides = array<i32>} : memref<16x1024xf32, #tpu.memory_space<vmem>>, vector<1x16xf32>,
        %parallel_loop3A_498 = vector.shape_cast %parallel_loop3A_497 : vector<1x16xf32> to vector<16xf32>
        %parallel_loop3A_499 = arith.constant 0 : i32
        %parallel_loop3A_500 = arith.index_cast %rem3A_76 : i32 to index
        %parallel_loop3A_501 = arith.index_cast %parallel_loop3A_499 : i32 to index
        %parallel_loop3A_502 = arith.index_cast %parallel_loop3A_140 : i32 to index
        %parallel_loop3A_503 = arith.constant 144 : index
        %parallel_loop3A_504 = tpu.vector_load %arg8[%parallel_loop3A_500, %parallel_loop3A_501, %parallel_loop3A_502, %parallel_loop3A_503] {strides = array<i32>} : memref<3x4x8x1024xf32, #tpu.memory_space<vmem>>, vector<1x1x1x16xf32>,
        %parallel_loop3A_505 = vector.shape_cast %parallel_loop3A_504 : vector<1x1x1x16xf32> to vector<16xf32>
        %parallel_loop3A_506 = vector.shape_cast %parallel_loop3A_498 : vector<16xf32> to vector<1x1x1x16xf32>
        tpu.vector_store %arg8[%parallel_loop3A_500, %parallel_loop3A_501, %parallel_loop3A_502, %parallel_loop3A_503], %parallel_loop3A_506 {add = true, strides = array<i32>} : memref<3x4x8x1024xf32, #tpu.memory_space<vmem>>, vector<1x1x1x16xf32>,
        %parallel_loop3A_507 = arith.constant 1 : i32
        %parallel_loop3A_508 = arith.index_cast %rem3A_76 : i32 to index
        %parallel_loop3A_509 = arith.index_cast %parallel_loop3A_507 : i32 to index
        %parallel_loop3A_510 = arith.index_cast %parallel_loop3A_140 : i32 to index
        %parallel_loop3A_511 = arith.constant 144 : index
        %parallel_loop3A_512 = tpu.vector_load %arg8[%parallel_loop3A_508, %parallel_loop3A_509, %parallel_loop3A_510, %parallel_loop3A_511] {strides = array<i32>} : memref<3x4x8x1024xf32, #tpu.memory_space<vmem>>, vector<1x1x1x16xf32>,
        %parallel_loop3A_513 = vector.shape_cast %parallel_loop3A_512 : vector<1x1x1x16xf32> to vector<16xf32>
        %parallel_loop3A_514 = vector.shape_cast %parallel_loop3A_498 : vector<16xf32> to vector<1x1x1x16xf32>
        tpu.vector_store %arg8[%parallel_loop3A_508, %parallel_loop3A_509, %parallel_loop3A_510, %parallel_loop3A_511], %parallel_loop3A_514 {add = true, strides = array<i32>} : memref<3x4x8x1024xf32, #tpu.memory_space<vmem>>, vector<1x1x1x16xf32>,
        %parallel_loop3A_515 = arith.constant 2 : i32
        %parallel_loop3A_516 = arith.index_cast %rem3A_76 : i32 to index
        %parallel_loop3A_517 = arith.index_cast %parallel_loop3A_515 : i32 to index
        %parallel_loop3A_518 = arith.index_cast %parallel_loop3A_140 : i32 to index
        %parallel_loop3A_519 = arith.constant 144 : index
        %parallel_loop3A_520 = tpu.vector_load %arg8[%parallel_loop3A_516, %parallel_loop3A_517, %parallel_loop3A_518, %parallel_loop3A_519] {strides = array<i32>} : memref<3x4x8x1024xf32, #tpu.memory_space<vmem>>, vector<1x1x1x16xf32>,
        %parallel_loop3A_521 = vector.shape_cast %parallel_loop3A_520 : vector<1x1x1x16xf32> to vector<16xf32>
        %parallel_loop3A_522 = vector.shape_cast %parallel_loop3A_498 : vector<16xf32> to vector<1x1x1x16xf32>
        tpu.vector_store %arg8[%parallel_loop3A_516, %parallel_loop3A_517, %parallel_loop3A_518, %parallel_loop3A_519], %parallel_loop3A_522 {add = true, strides = array<i32>} : memref<3x4x8x1024xf32, #tpu.memory_space<vmem>>, vector<1x1x1x16xf32>,
        %parallel_loop3A_523 = arith.constant 3 : i32
        %parallel_loop3A_524 = arith.index_cast %rem3A_76 : i32 to index
        %parallel_loop3A_525 = arith.index_cast %parallel_loop3A_523 : i32 to index
        %parallel_loop3A_526 = arith.index_cast %parallel_loop3A_140 : i32 to index
        %parallel_loop3A_527 = arith.constant 144 : index
        %parallel_loop3A_528 = tpu.vector_load %arg8[%parallel_loop3A_524, %parallel_loop3A_525, %parallel_loop3A_526, %parallel_loop3A_527] {strides = array<i32>} : memref<3x4x8x1024xf32, #tpu.memory_space<vmem>>, vector<1x1x1x16xf32>,
        %parallel_loop3A_529 = vector.shape_cast %parallel_loop3A_528 : vector<1x1x1x16xf32> to vector<16xf32>
        %parallel_loop3A_530 = vector.shape_cast %parallel_loop3A_498 : vector<16xf32> to vector<1x1x1x16xf32>
        tpu.vector_store %arg8[%parallel_loop3A_524, %parallel_loop3A_525, %parallel_loop3A_526, %parallel_loop3A_527], %parallel_loop3A_530 {add = true, strides = array<i32>} : memref<3x4x8x1024xf32, #tpu.memory_space<vmem>>, vector<1x1x1x16xf32>,
        %parallel_loop3A_531 = arith.constant 8 : i32
        %parallel_loop3A_532 = arith.muli %rem3A_74, %parallel_loop3A_531 : i32
        %parallel_loop3A_533 = arith.addi %parallel_loop3A_532, %parallel_loop3A_140 : i32
        %parallel_loop3A_534 = arith.index_cast %parallel_loop3A_533 : i32 to index
        %parallel_loop3A_535 = arith.constant 160 : index
        %parallel_loop3A_536 = tpu.vector_load %arg7[%parallel_loop3A_534, %parallel_loop3A_535] {strides = array<i32>} : memref<16x1024xf32, #tpu.memory_space<vmem>>, vector<1x16xf32>,
        %parallel_loop3A_537 = vector.shape_cast %parallel_loop3A_536 : vector<1x16xf32> to vector<16xf32>
        %parallel_loop3A_538 = arith.constant 0 : i32
        %parallel_loop3A_539 = arith.index_cast %rem3A_76 : i32 to index
        %parallel_loop3A_540 = arith.index_cast %parallel_loop3A_538 : i32 to index
        %parallel_loop3A_541 = arith.index_cast %parallel_loop3A_140 : i32 to index
        %parallel_loop3A_542 = arith.constant 160 : index
        %parallel_loop3A_543 = tpu.vector_load %arg8[%parallel_loop3A_539, %parallel_loop3A_540, %parallel_loop3A_541, %parallel_loop3A_542] {strides = array<i32>} : memref<3x4x8x1024xf32, #tpu.memory_space<vmem>>, vector<1x1x1x16xf32>,
        %parallel_loop3A_544 = vector.shape_cast %parallel_loop3A_543 : vector<1x1x1x16xf32> to vector<16xf32>
        %parallel_loop3A_545 = vector.shape_cast %parallel_loop3A_537 : vector<16xf32> to vector<1x1x1x16xf32>
        tpu.vector_store %arg8[%parallel_loop3A_539, %parallel_loop3A_540, %parallel_loop3A_541, %parallel_loop3A_542], %parallel_loop3A_545 {add = true, strides = array<i32>} : memref<3x4x8x1024xf32, #tpu.memory_space<vmem>>, vector<1x1x1x16xf32>,
        %parallel_loop3A_546 = arith.constant 1 : i32
        %parallel_loop3A_547 = arith.index_cast %rem3A_76 : i32 to index
        %parallel_loop3A_548 = arith.index_cast %parallel_loop3A_546 : i32 to index
        %parallel_loop3A_549 = arith.index_cast %parallel_loop3A_140 : i32 to index
        %parallel_loop3A_550 = arith.constant 160 : index
        %parallel_loop3A_551 = tpu.vector_load %arg8[%parallel_loop3A_547, %parallel_loop3A_548, %parallel_loop3A_549, %parallel_loop3A_550] {strides = array<i32>} : memref<3x4x8x1024xf32, #tpu.memory_space<vmem>>, vector<1x1x1x16xf32>,
        %parallel_loop3A_552 = vector.shape_cast %parallel_loop3A_551 : vector<1x1x1x16xf32> to vector<16xf32>
        %parallel_loop3A_553 = vector.shape_cast %parallel_loop3A_537 : vector<16xf32> to vector<1x1x1x16xf32>
        tpu.vector_store %arg8[%parallel_loop3A_547, %parallel_loop3A_548, %parallel_loop3A_549, %parallel_loop3A_550], %parallel_loop3A_553 {add = true, strides = array<i32>} : memref<3x4x8x1024xf32, #tpu.memory_space<vmem>>, vector<1x1x1x16xf32>,
        %parallel_loop3A_554 = arith.constant 2 : i32
        %parallel_loop3A_555 = arith.index_cast %rem3A_76 : i32 to index
        %parallel_loop3A_556 = arith.index_cast %parallel_loop3A_554 : i32 to index
        %parallel_loop3A_557 = arith.index_cast %parallel_loop3A_140 : i32 to index
        %parallel_loop3A_558 = arith.constant 160 : index
        %parallel_loop3A_559 = tpu.vector_load %arg8[%parallel_loop3A_555, %parallel_loop3A_556, %parallel_loop3A_557, %parallel_loop3A_558] {strides = array<i32>} : memref<3x4x8x1024xf32, #tpu.memory_space<vmem>>, vector<1x1x1x16xf32>,
        %parallel_loop3A_560 = vector.shape_cast %parallel_loop3A_559 : vector<1x1x1x16xf32> to vector<16xf32>
        %parallel_loop3A_561 = vector.shape_cast %parallel_loop3A_537 : vector<16xf32> to vector<1x1x1x16xf32>
        tpu.vector_store %arg8[%parallel_loop3A_555, %parallel_loop3A_556, %parallel_loop3A_557, %parallel_loop3A_558], %parallel_loop3A_561 {add = true, strides = array<i32>} : memref<3x4x8x1024xf32, #tpu.memory_space<vmem>>, vector<1x1x1x16xf32>,
        %parallel_loop3A_562 = arith.constant 3 : i32
        %parallel_loop3A_563 = arith.index_cast %rem3A_76 : i32 to index
        %parallel_loop3A_564 = arith.index_cast %parallel_loop3A_562 : i32 to index
        %parallel_loop3A_565 = arith.index_cast %parallel_loop3A_140 : i32 to index
        %parallel_loop3A_566 = arith.constant 160 : index
        %parallel_loop3A_567 = tpu.vector_load %arg8[%parallel_loop3A_563, %parallel_loop3A_564, %parallel_loop3A_565, %parallel_loop3A_566] {strides = array<i32>} : memref<3x4x8x1024xf32, #tpu.memory_space<vmem>>, vector<1x1x1x16xf32>,
        %parallel_loop3A_568 = vector.shape_cast %parallel_loop3A_567 : vector<1x1x1x16xf32> to vector<16xf32>
        %parallel_loop3A_569 = vector.shape_cast %parallel_loop3A_537 : vector<16xf32> to vector<1x1x1x16xf32>
        tpu.vector_store %arg8[%parallel_loop3A_563, %parallel_loop3A_564, %parallel_loop3A_565, %parallel_loop3A_566], %parallel_loop3A_569 {add = true, strides = array<i32>} : memref<3x4x8x1024xf32, #tpu.memory_space<vmem>>, vector<1x1x1x16xf32>,
        %parallel_loop3A_570 = arith.constant 8 : i32
        %parallel_loop3A_571 = arith.muli %rem3A_74, %parallel_loop3A_570 : i32
        %parallel_loop3A_572 = arith.addi %parallel_loop3A_571, %parallel_loop3A_140 : i32
        %parallel_loop3A_573 = arith.index_cast %parallel_loop3A_572 : i32 to index
        %parallel_loop3A_574 = arith.constant 176 : index
        %parallel_loop3A_575 = tpu.vector_load %arg7[%parallel_loop3A_573, %parallel_loop3A_574] {strides = array<i32>} : memref<16x1024xf32, #tpu.memory_space<vmem>>, vector<1x16xf32>,
        %parallel_loop3A_576 = vector.shape_cast %parallel_loop3A_575 : vector<1x16xf32> to vector<16xf32>
        %parallel_loop3A_577 = arith.constant 0 : i32
        %parallel_loop3A_578 = arith.index_cast %rem3A_76 : i32 to index
        %parallel_loop3A_579 = arith.index_cast %parallel_loop3A_577 : i32 to index
        %parallel_loop3A_580 = arith.index_cast %parallel_loop3A_140 : i32 to index
        %parallel_loop3A_581 = arith.constant 176 : index
        %parallel_loop3A_582 = tpu.vector_load %arg8[%parallel_loop3A_578, %parallel_loop3A_579, %parallel_loop3A_580, %parallel_loop3A_581] {strides = array<i32>} : memref<3x4x8x1024xf32, #tpu.memory_space<vmem>>, vector<1x1x1x16xf32>,
        %parallel_loop3A_583 = vector.shape_cast %parallel_loop3A_582 : vector<1x1x1x16xf32> to vector<16xf32>
        %parallel_loop3A_584 = vector.shape_cast %parallel_loop3A_576 : vector<16xf32> to vector<1x1x1x16xf32>
        tpu.vector_store %arg8[%parallel_loop3A_578, %parallel_loop3A_579, %parallel_loop3A_580, %parallel_loop3A_581], %parallel_loop3A_584 {add = true, strides = array<i32>} : memref<3x4x8x1024xf32, #tpu.memory_space<vmem>>, vector<1x1x1x16xf32>,
        %parallel_loop3A_585 = arith.constant 1 : i32
        %parallel_loop3A_586 = arith.index_cast %rem3A_76 : i32 to index
        %parallel_loop3A_587 = arith.index_cast %parallel_loop3A_585 : i32 to index
        %parallel_loop3A_588 = arith.index_cast %parallel_loop3A_140 : i32 to index
        %parallel_loop3A_589 = arith.constant 176 : index
        %parallel_loop3A_590 = tpu.vector_load %arg8[%parallel_loop3A_586, %parallel_loop3A_587, %parallel_loop3A_588, %parallel_loop3A_589] {strides = array<i32>} : memref<3x4x8x1024xf32, #tpu.memory_space<vmem>>, vector<1x1x1x16xf32>,
        %parallel_loop3A_591 = vector.shape_cast %parallel_loop3A_590 : vector<1x1x1x16xf32> to vector<16xf32>
        %parallel_loop3A_592 = vector.shape_cast %parallel_loop3A_576 : vector<16xf32> to vector<1x1x1x16xf32>
        tpu.vector_store %arg8[%parallel_loop3A_586, %parallel_loop3A_587, %parallel_loop3A_588, %parallel_loop3A_589], %parallel_loop3A_592 {add = true, strides = array<i32>} : memref<3x4x8x1024xf32, #tpu.memory_space<vmem>>, vector<1x1x1x16xf32>,
        %parallel_loop3A_593 = arith.constant 2 : i32
        %parallel_loop3A_594 = arith.index_cast %rem3A_76 : i32 to index
        %parallel_loop3A_595 = arith.index_cast %parallel_loop3A_593 : i32 to index
        %parallel_loop3A_596 = arith.index_cast %parallel_loop3A_140 : i32 to index
        %parallel_loop3A_597 = arith.constant 176 : index
        %parallel_loop3A_598 = tpu.vector_load %arg8[%parallel_loop3A_594, %parallel_loop3A_595, %parallel_loop3A_596, %parallel_loop3A_597] {strides = array<i32>} : memref<3x4x8x1024xf32, #tpu.memory_space<vmem>>, vector<1x1x1x16xf32>,
        %parallel_loop3A_599 = vector.shape_cast %parallel_loop3A_598 : vector<1x1x1x16xf32> to vector<16xf32>
        %parallel_loop3A_600 = vector.shape_cast %parallel_loop3A_576 : vector<16xf32> to vector<1x1x1x16xf32>
        tpu.vector_store %arg8[%parallel_loop3A_594, %parallel_loop3A_595, %parallel_loop3A_596, %parallel_loop3A_597], %parallel_loop3A_600 {add = true, strides = array<i32>} : memref<3x4x8x1024xf32, #tpu.memory_space<vmem>>, vector<1x1x1x16xf32>,
        %parallel_loop3A_601 = arith.constant 3 : i32
        %parallel_loop3A_602 = arith.index_cast %rem3A_76 : i32 to index
        %parallel_loop3A_603 = arith.index_cast %parallel_loop3A_601 : i32 to index
        %parallel_loop3A_604 = arith.index_cast %parallel_loop3A_140 : i32 to index
        %parallel_loop3A_605 = arith.constant 176 : index
        %parallel_loop3A_606 = tpu.vector_load %arg8[%parallel_loop3A_602, %parallel_loop3A_603, %parallel_loop3A_604, %parallel_loop3A_605] {strides = array<i32>} : memref<3x4x8x1024xf32, #tpu.memory_space<vmem>>, vector<1x1x1x16xf32>,
        %parallel_loop3A_607 = vector.shape_cast %parallel_loop3A_606 : vector<1x1x1x16xf32> to vector<16xf32>
        %parallel_loop3A_608 = vector.shape_cast %parallel_loop3A_576 : vector<16xf32> to vector<1x1x1x16xf32>
        tpu.vector_store %arg8[%parallel_loop3A_602, %parallel_loop3A_603, %parallel_loop3A_604, %parallel_loop3A_605], %parallel_loop3A_608 {add = true, strides = array<i32>} : memref<3x4x8x1024xf32, #tpu.memory_space<vmem>>, vector<1x1x1x16xf32>,
        %parallel_loop3A_609 = arith.constant 8 : i32
        %parallel_loop3A_610 = arith.muli %rem3A_74, %parallel_loop3A_609 : i32
        %parallel_loop3A_611 = arith.addi %parallel_loop3A_610, %parallel_loop3A_140 : i32
        %parallel_loop3A_612 = arith.index_cast %parallel_loop3A_611 : i32 to index
        %parallel_loop3A_613 = arith.constant 192 : index
        %parallel_loop3A_614 = tpu.vector_load %arg7[%parallel_loop3A_612, %parallel_loop3A_613] {strides = array<i32>} : memref<16x1024xf32, #tpu.memory_space<vmem>>, vector<1x16xf32>,
        %parallel_loop3A_615 = vector.shape_cast %parallel_loop3A_614 : vector<1x16xf32> to vector<16xf32>
        %parallel_loop3A_616 = arith.constant 0 : i32
        %parallel_loop3A_617 = arith.index_cast %rem3A_76 : i32 to index
        %parallel_loop3A_618 = arith.index_cast %parallel_loop3A_616 : i32 to index
        %parallel_loop3A_619 = arith.index_cast %parallel_loop3A_140 : i32 to index
        %parallel_loop3A_620 = arith.constant 192 : index
        %parallel_loop3A_621 = tpu.vector_load %arg8[%parallel_loop3A_617, %parallel_loop3A_618, %parallel_loop3A_619, %parallel_loop3A_620] {strides = array<i32>} : memref<3x4x8x1024xf32, #tpu.memory_space<vmem>>, vector<1x1x1x16xf32>,
        %parallel_loop3A_622 = vector.shape_cast %parallel_loop3A_621 : vector<1x1x1x16xf32> to vector<16xf32>
        %parallel_loop3A_623 = vector.shape_cast %parallel_loop3A_615 : vector<16xf32> to vector<1x1x1x16xf32>
        tpu.vector_store %arg8[%parallel_loop3A_617, %parallel_loop3A_618, %parallel_loop3A_619, %parallel_loop3A_620], %parallel_loop3A_623 {add = true, strides = array<i32>} : memref<3x4x8x1024xf32, #tpu.memory_space<vmem>>, vector<1x1x1x16xf32>,
        %parallel_loop3A_624 = arith.constant 1 : i32
        %parallel_loop3A_625 = arith.index_cast %rem3A_76 : i32 to index
        %parallel_loop3A_626 = arith.index_cast %parallel_loop3A_624 : i32 to index
        %parallel_loop3A_627 = arith.index_cast %parallel_loop3A_140 : i32 to index
        %parallel_loop3A_628 = arith.constant 192 : index
        %parallel_loop3A_629 = tpu.vector_load %arg8[%parallel_loop3A_625, %parallel_loop3A_626, %parallel_loop3A_627, %parallel_loop3A_628] {strides = array<i32>} : memref<3x4x8x1024xf32, #tpu.memory_space<vmem>>, vector<1x1x1x16xf32>,
        %parallel_loop3A_630 = vector.shape_cast %parallel_loop3A_629 : vector<1x1x1x16xf32> to vector<16xf32>
        %parallel_loop3A_631 = vector.shape_cast %parallel_loop3A_615 : vector<16xf32> to vector<1x1x1x16xf32>
        tpu.vector_store %arg8[%parallel_loop3A_625, %parallel_loop3A_626, %parallel_loop3A_627, %parallel_loop3A_628], %parallel_loop3A_631 {add = true, strides = array<i32>} : memref<3x4x8x1024xf32, #tpu.memory_space<vmem>>, vector<1x1x1x16xf32>,
        %parallel_loop3A_632 = arith.constant 2 : i32
        %parallel_loop3A_633 = arith.index_cast %rem3A_76 : i32 to index
        %parallel_loop3A_634 = arith.index_cast %parallel_loop3A_632 : i32 to index
        %parallel_loop3A_635 = arith.index_cast %parallel_loop3A_140 : i32 to index
        %parallel_loop3A_636 = arith.constant 192 : index
        %parallel_loop3A_637 = tpu.vector_load %arg8[%parallel_loop3A_633, %parallel_loop3A_634, %parallel_loop3A_635, %parallel_loop3A_636] {strides = array<i32>} : memref<3x4x8x1024xf32, #tpu.memory_space<vmem>>, vector<1x1x1x16xf32>,
        %parallel_loop3A_638 = vector.shape_cast %parallel_loop3A_637 : vector<1x1x1x16xf32> to vector<16xf32>
        %parallel_loop3A_639 = vector.shape_cast %parallel_loop3A_615 : vector<16xf32> to vector<1x1x1x16xf32>
        tpu.vector_store %arg8[%parallel_loop3A_633, %parallel_loop3A_634, %parallel_loop3A_635, %parallel_loop3A_636], %parallel_loop3A_639 {add = true, strides = array<i32>} : memref<3x4x8x1024xf32, #tpu.memory_space<vmem>>, vector<1x1x1x16xf32>,
        %parallel_loop3A_640 = arith.constant 3 : i32
        %parallel_loop3A_641 = arith.index_cast %rem3A_76 : i32 to index
        %parallel_loop3A_642 = arith.index_cast %parallel_loop3A_640 : i32 to index
        %parallel_loop3A_643 = arith.index_cast %parallel_loop3A_140 : i32 to index
        %parallel_loop3A_644 = arith.constant 192 : index
        %parallel_loop3A_645 = tpu.vector_load %arg8[%parallel_loop3A_641, %parallel_loop3A_642, %parallel_loop3A_643, %parallel_loop3A_644] {strides = array<i32>} : memref<3x4x8x1024xf32, #tpu.memory_space<vmem>>, vector<1x1x1x16xf32>,
        %parallel_loop3A_646 = vector.shape_cast %parallel_loop3A_645 : vector<1x1x1x16xf32> to vector<16xf32>
        %parallel_loop3A_647 = vector.shape_cast %parallel_loop3A_615 : vector<16xf32> to vector<1x1x1x16xf32>
        tpu.vector_store %arg8[%parallel_loop3A_641, %parallel_loop3A_642, %parallel_loop3A_643, %parallel_loop3A_644], %parallel_loop3A_647 {add = true, strides = array<i32>} : memref<3x4x8x1024xf32, #tpu.memory_space<vmem>>, vector<1x1x1x16xf32>,
        %parallel_loop3A_648 = arith.constant 8 : i32
        %parallel_loop3A_649 = arith.muli %rem3A_74, %parallel_loop3A_648 : i32
        %parallel_loop3A_650 = arith.addi %parallel_loop3A_649, %parallel_loop3A_140 : i32
        %parallel_loop3A_651 = arith.index_cast %parallel_loop3A_650 : i32 to index
        %parallel_loop3A_652 = arith.constant 208 : index
        %parallel_loop3A_653 = tpu.vector_load %arg7[%parallel_loop3A_651, %parallel_loop3A_652] {strides = array<i32>} : memref<16x1024xf32, #tpu.memory_space<vmem>>, vector<1x16xf32>,
        %parallel_loop3A_654 = vector.shape_cast %parallel_loop3A_653 : vector<1x16xf32> to vector<16xf32>
        %parallel_loop3A_655 = arith.constant 0 : i32
        %parallel_loop3A_656 = arith.index_cast %rem3A_76 : i32 to index
        %parallel_loop3A_657 = arith.index_cast %parallel_loop3A_655 : i32 to index
        %parallel_loop3A_658 = arith.index_cast %parallel_loop3A_140 : i32 to index
        %parallel_loop3A_659 = arith.constant 208 : index
        %parallel_loop3A_660 = tpu.vector_load %arg8[%parallel_loop3A_656, %parallel_loop3A_657, %parallel_loop3A_658, %parallel_loop3A_659] {strides = array<i32>} : memref<3x4x8x1024xf32, #tpu.memory_space<vmem>>, vector<1x1x1x16xf32>,
        %parallel_loop3A_661 = vector.shape_cast %parallel_loop3A_660 : vector<1x1x1x16xf32> to vector<16xf32>
        %parallel_loop3A_662 = vector.shape_cast %parallel_loop3A_654 : vector<16xf32> to vector<1x1x1x16xf32>
        tpu.vector_store %arg8[%parallel_loop3A_656, %parallel_loop3A_657, %parallel_loop3A_658, %parallel_loop3A_659], %parallel_loop3A_662 {add = true, strides = array<i32>} : memref<3x4x8x1024xf32, #tpu.memory_space<vmem>>, vector<1x1x1x16xf32>,
        %parallel_loop3A_663 = arith.constant 1 : i32
        %parallel_loop3A_664 = arith.index_cast %rem3A_76 : i32 to index
        %parallel_loop3A_665 = arith.index_cast %parallel_loop3A_663 : i32 to index
        %parallel_loop3A_666 = arith.index_cast %parallel_loop3A_140 : i32 to index
        %parallel_loop3A_667 = arith.constant 208 : index
        %parallel_loop3A_668 = tpu.vector_load %arg8[%parallel_loop3A_664, %parallel_loop3A_665, %parallel_loop3A_666, %parallel_loop3A_667] {strides = array<i32>} : memref<3x4x8x1024xf32, #tpu.memory_space<vmem>>, vector<1x1x1x16xf32>,
        %parallel_loop3A_669 = vector.shape_cast %parallel_loop3A_668 : vector<1x1x1x16xf32> to vector<16xf32>
        %parallel_loop3A_670 = vector.shape_cast %parallel_loop3A_654 : vector<16xf32> to vector<1x1x1x16xf32>
        tpu.vector_store %arg8[%parallel_loop3A_664, %parallel_loop3A_665, %parallel_loop3A_666, %parallel_loop3A_667], %parallel_loop3A_670 {add = true, strides = array<i32>} : memref<3x4x8x1024xf32, #tpu.memory_space<vmem>>, vector<1x1x1x16xf32>,
        %parallel_loop3A_671 = arith.constant 2 : i32
        %parallel_loop3A_672 = arith.index_cast %rem3A_76 : i32 to index
        %parallel_loop3A_673 = arith.index_cast %parallel_loop3A_671 : i32 to index
        %parallel_loop3A_674 = arith.index_cast %parallel_loop3A_140 : i32 to index
        %parallel_loop3A_675 = arith.constant 208 : index
        %parallel_loop3A_676 = tpu.vector_load %arg8[%parallel_loop3A_672, %parallel_loop3A_673, %parallel_loop3A_674, %parallel_loop3A_675] {strides = array<i32>} : memref<3x4x8x1024xf32, #tpu.memory_space<vmem>>, vector<1x1x1x16xf32>,
        %parallel_loop3A_677 = vector.shape_cast %parallel_loop3A_676 : vector<1x1x1x16xf32> to vector<16xf32>
        %parallel_loop3A_678 = vector.shape_cast %parallel_loop3A_654 : vector<16xf32> to vector<1x1x1x16xf32>
        tpu.vector_store %arg8[%parallel_loop3A_672, %parallel_loop3A_673, %parallel_loop3A_674, %parallel_loop3A_675], %parallel_loop3A_678 {add = true, strides = array<i32>} : memref<3x4x8x1024xf32, #tpu.memory_space<vmem>>, vector<1x1x1x16xf32>,
        %parallel_loop3A_679 = arith.constant 3 : i32
        %parallel_loop3A_680 = arith.index_cast %rem3A_76 : i32 to index
        %parallel_loop3A_681 = arith.index_cast %parallel_loop3A_679 : i32 to index
        %parallel_loop3A_682 = arith.index_cast %parallel_loop3A_140 : i32 to index
        %parallel_loop3A_683 = arith.constant 208 : index
        %parallel_loop3A_684 = tpu.vector_load %arg8[%parallel_loop3A_680, %parallel_loop3A_681, %parallel_loop3A_682, %parallel_loop3A_683] {strides = array<i32>} : memref<3x4x8x1024xf32, #tpu.memory_space<vmem>>, vector<1x1x1x16xf32>,
        %parallel_loop3A_685 = vector.shape_cast %parallel_loop3A_684 : vector<1x1x1x16xf32> to vector<16xf32>
        %parallel_loop3A_686 = vector.shape_cast %parallel_loop3A_654 : vector<16xf32> to vector<1x1x1x16xf32>
        tpu.vector_store %arg8[%parallel_loop3A_680, %parallel_loop3A_681, %parallel_loop3A_682, %parallel_loop3A_683], %parallel_loop3A_686 {add = true, strides = array<i32>} : memref<3x4x8x1024xf32, #tpu.memory_space<vmem>>, vector<1x1x1x16xf32>,
        %parallel_loop3A_687 = arith.constant 8 : i32
        %parallel_loop3A_688 = arith.muli %rem3A_74, %parallel_loop3A_687 : i32
        %parallel_loop3A_689 = arith.addi %parallel_loop3A_688, %parallel_loop3A_140 : i32
        %parallel_loop3A_690 = arith.index_cast %parallel_loop3A_689 : i32 to index
        %parallel_loop3A_691 = arith.constant 224 : index
        %parallel_loop3A_692 = tpu.vector_load %arg7[%parallel_loop3A_690, %parallel_loop3A_691] {strides = array<i32>} : memref<16x1024xf32, #tpu.memory_space<vmem>>, vector<1x16xf32>,
        %parallel_loop3A_693 = vector.shape_cast %parallel_loop3A_692 : vector<1x16xf32> to vector<16xf32>
        %parallel_loop3A_694 = arith.constant 0 : i32
        %parallel_loop3A_695 = arith.index_cast %rem3A_76 : i32 to index
        %parallel_loop3A_696 = arith.index_cast %parallel_loop3A_694 : i32 to index
        %parallel_loop3A_697 = arith.index_cast %parallel_loop3A_140 : i32 to index
        %parallel_loop3A_698 = arith.constant 224 : index
        %parallel_loop3A_699 = tpu.vector_load %arg8[%parallel_loop3A_695, %parallel_loop3A_696, %parallel_loop3A_697, %parallel_loop3A_698] {strides = array<i32>} : memref<3x4x8x1024xf32, #tpu.memory_space<vmem>>, vector<1x1x1x16xf32>,
        %parallel_loop3A_700 = vector.shape_cast %parallel_loop3A_699 : vector<1x1x1x16xf32> to vector<16xf32>
        %parallel_loop3A_701 = vector.shape_cast %parallel_loop3A_693 : vector<16xf32> to vector<1x1x1x16xf32>
        tpu.vector_store %arg8[%parallel_loop3A_695, %parallel_loop3A_696, %parallel_loop3A_697, %parallel_loop3A_698], %parallel_loop3A_701 {add = true, strides = array<i32>} : memref<3x4x8x1024xf32, #tpu.memory_space<vmem>>, vector<1x1x1x16xf32>,
        %parallel_loop3A_702 = arith.constant 1 : i32
        %parallel_loop3A_703 = arith.index_cast %rem3A_76 : i32 to index
        %parallel_loop3A_704 = arith.index_cast %parallel_loop3A_702 : i32 to index
        %parallel_loop3A_705 = arith.index_cast %parallel_loop3A_140 : i32 to index
        %parallel_loop3A_706 = arith.constant 224 : index
        %parallel_loop3A_707 = tpu.vector_load %arg8[%parallel_loop3A_703, %parallel_loop3A_704, %parallel_loop3A_705, %parallel_loop3A_706] {strides = array<i32>} : memref<3x4x8x1024xf32, #tpu.memory_space<vmem>>, vector<1x1x1x16xf32>,
        %parallel_loop3A_708 = vector.shape_cast %parallel_loop3A_707 : vector<1x1x1x16xf32> to vector<16xf32>
        %parallel_loop3A_709 = vector.shape_cast %parallel_loop3A_693 : vector<16xf32> to vector<1x1x1x16xf32>
        tpu.vector_store %arg8[%parallel_loop3A_703, %parallel_loop3A_704, %parallel_loop3A_705, %parallel_loop3A_706], %parallel_loop3A_709 {add = true, strides = array<i32>} : memref<3x4x8x1024xf32, #tpu.memory_space<vmem>>, vector<1x1x1x16xf32>,
        %parallel_loop3A_710 = arith.constant 2 : i32
        %parallel_loop3A_711 = arith.index_cast %rem3A_76 : i32 to index
        %parallel_loop3A_712 = arith.index_cast %parallel_loop3A_710 : i32 to index
        %parallel_loop3A_713 = arith.index_cast %parallel_loop3A_140 : i32 to index
        %parallel_loop3A_714 = arith.constant 224 : index
        %parallel_loop3A_715 = tpu.vector_load %arg8[%parallel_loop3A_711, %parallel_loop3A_712, %parallel_loop3A_713, %parallel_loop3A_714] {strides = array<i32>} : memref<3x4x8x1024xf32, #tpu.memory_space<vmem>>, vector<1x1x1x16xf32>,
        %parallel_loop3A_716 = vector.shape_cast %parallel_loop3A_715 : vector<1x1x1x16xf32> to vector<16xf32>
        %parallel_loop3A_717 = vector.shape_cast %parallel_loop3A_693 : vector<16xf32> to vector<1x1x1x16xf32>
        tpu.vector_store %arg8[%parallel_loop3A_711, %parallel_loop3A_712, %parallel_loop3A_713, %parallel_loop3A_714], %parallel_loop3A_717 {add = true, strides = array<i32>} : memref<3x4x8x1024xf32, #tpu.memory_space<vmem>>, vector<1x1x1x16xf32>,
        %parallel_loop3A_718 = arith.constant 3 : i32
        %parallel_loop3A_719 = arith.index_cast %rem3A_76 : i32 to index
        %parallel_loop3A_720 = arith.index_cast %parallel_loop3A_718 : i32 to index
        %parallel_loop3A_721 = arith.index_cast %parallel_loop3A_140 : i32 to index
        %parallel_loop3A_722 = arith.constant 224 : index
        %parallel_loop3A_723 = tpu.vector_load %arg8[%parallel_loop3A_719, %parallel_loop3A_720, %parallel_loop3A_721, %parallel_loop3A_722] {strides = array<i32>} : memref<3x4x8x1024xf32, #tpu.memory_space<vmem>>, vector<1x1x1x16xf32>,
        %parallel_loop3A_724 = vector.shape_cast %parallel_loop3A_723 : vector<1x1x1x16xf32> to vector<16xf32>
        %parallel_loop3A_725 = vector.shape_cast %parallel_loop3A_693 : vector<16xf32> to vector<1x1x1x16xf32>
        tpu.vector_store %arg8[%parallel_loop3A_719, %parallel_loop3A_720, %parallel_loop3A_721, %parallel_loop3A_722], %parallel_loop3A_725 {add = true, strides = array<i32>} : memref<3x4x8x1024xf32, #tpu.memory_space<vmem>>, vector<1x1x1x16xf32>,
        %parallel_loop3A_726 = arith.constant 8 : i32
        %parallel_loop3A_727 = arith.muli %rem3A_74, %parallel_loop3A_726 : i32
        %parallel_loop3A_728 = arith.addi %parallel_loop3A_727, %parallel_loop3A_140 : i32
        %parallel_loop3A_729 = arith.index_cast %parallel_loop3A_728 : i32 to index
        %parallel_loop3A_730 = arith.constant 240 : index
        %parallel_loop3A_731 = tpu.vector_load %arg7[%parallel_loop3A_729, %parallel_loop3A_730] {strides = array<i32>} : memref<16x1024xf32, #tpu.memory_space<vmem>>, vector<1x16xf32>,
        %parallel_loop3A_732 = vector.shape_cast %parallel_loop3A_731 : vector<1x16xf32> to vector<16xf32>
        %parallel_loop3A_733 = arith.constant 0 : i32
        %parallel_loop3A_734 = arith.index_cast %rem3A_76 : i32 to index
        %parallel_loop3A_735 = arith.index_cast %parallel_loop3A_733 : i32 to index
        %parallel_loop3A_736 = arith.index_cast %parallel_loop3A_140 : i32 to index
        %parallel_loop3A_737 = arith.constant 240 : index
        %parallel_loop3A_738 = tpu.vector_load %arg8[%parallel_loop3A_734, %parallel_loop3A_735, %parallel_loop3A_736, %parallel_loop3A_737] {strides = array<i32>} : memref<3x4x8x1024xf32, #tpu.memory_space<vmem>>, vector<1x1x1x16xf32>,
        %parallel_loop3A_739 = vector.shape_cast %parallel_loop3A_738 : vector<1x1x1x16xf32> to vector<16xf32>
        %parallel_loop3A_740 = vector.shape_cast %parallel_loop3A_732 : vector<16xf32> to vector<1x1x1x16xf32>
        tpu.vector_store %arg8[%parallel_loop3A_734, %parallel_loop3A_735, %parallel_loop3A_736, %parallel_loop3A_737], %parallel_loop3A_740 {add = true, strides = array<i32>} : memref<3x4x8x1024xf32, #tpu.memory_space<vmem>>, vector<1x1x1x16xf32>,
        %parallel_loop3A_741 = arith.constant 1 : i32
        %parallel_loop3A_742 = arith.index_cast %rem3A_76 : i32 to index
        %parallel_loop3A_743 = arith.index_cast %parallel_loop3A_741 : i32 to index
        %parallel_loop3A_744 = arith.index_cast %parallel_loop3A_140 : i32 to index
        %parallel_loop3A_745 = arith.constant 240 : index
        %parallel_loop3A_746 = tpu.vector_load %arg8[%parallel_loop3A_742, %parallel_loop3A_743, %parallel_loop3A_744, %parallel_loop3A_745] {strides = array<i32>} : memref<3x4x8x1024xf32, #tpu.memory_space<vmem>>, vector<1x1x1x16xf32>,
        %parallel_loop3A_747 = vector.shape_cast %parallel_loop3A_746 : vector<1x1x1x16xf32> to vector<16xf32>
        %parallel_loop3A_748 = vector.shape_cast %parallel_loop3A_732 : vector<16xf32> to vector<1x1x1x16xf32>
        tpu.vector_store %arg8[%parallel_loop3A_742, %parallel_loop3A_743, %parallel_loop3A_744, %parallel_loop3A_745], %parallel_loop3A_748 {add = true, strides = array<i32>} : memref<3x4x8x1024xf32, #tpu.memory_space<vmem>>, vector<1x1x1x16xf32>,
        %parallel_loop3A_749 = arith.constant 2 : i32
        %parallel_loop3A_750 = arith.index_cast %rem3A_76 : i32 to index
        %parallel_loop3A_751 = arith.index_cast %parallel_loop3A_749 : i32 to index
        %parallel_loop3A_752 = arith.index_cast %parallel_loop3A_140 : i32 to index
        %parallel_loop3A_753 = arith.constant 240 : index
        %parallel_loop3A_754 = tpu.vector_load %arg8[%parallel_loop3A_750, %parallel_loop3A_751, %parallel_loop3A_752, %parallel_loop3A_753] {strides = array<i32>} : memref<3x4x8x1024xf32, #tpu.memory_space<vmem>>, vector<1x1x1x16xf32>,
        %parallel_loop3A_755 = vector.shape_cast %parallel_loop3A_754 : vector<1x1x1x16xf32> to vector<16xf32>
        %parallel_loop3A_756 = vector.shape_cast %parallel_loop3A_732 : vector<16xf32> to vector<1x1x1x16xf32>
        tpu.vector_store %arg8[%parallel_loop3A_750, %parallel_loop3A_751, %parallel_loop3A_752, %parallel_loop3A_753], %parallel_loop3A_756 {add = true, strides = array<i32>} : memref<3x4x8x1024xf32, #tpu.memory_space<vmem>>, vector<1x1x1x16xf32>,
        %parallel_loop3A_757 = arith.constant 3 : i32
        %parallel_loop3A_758 = arith.index_cast %rem3A_76 : i32 to index
        %parallel_loop3A_759 = arith.index_cast %parallel_loop3A_757 : i32 to index
        %parallel_loop3A_760 = arith.index_cast %parallel_loop3A_140 : i32 to index
        %parallel_loop3A_761 = arith.constant 240 : index
        %parallel_loop3A_762 = tpu.vector_load %arg8[%parallel_loop3A_758, %parallel_loop3A_759, %parallel_loop3A_760, %parallel_loop3A_761] {strides = array<i32>} : memref<3x4x8x1024xf32, #tpu.memory_space<vmem>>, vector<1x1x1x16xf32>,
        %parallel_loop3A_763 = vector.shape_cast %parallel_loop3A_762 : vector<1x1x1x16xf32> to vector<16xf32>
        %parallel_loop3A_764 = vector.shape_cast %parallel_loop3A_732 : vector<16xf32> to vector<1x1x1x16xf32>
        tpu.vector_store %arg8[%parallel_loop3A_758, %parallel_loop3A_759, %parallel_loop3A_760, %parallel_loop3A_761], %parallel_loop3A_764 {add = true, strides = array<i32>} : memref<3x4x8x1024xf32, #tpu.memory_space<vmem>>, vector<1x1x1x16xf32>,
        %parallel_loop3A_765 = arith.constant 8 : i32
        %parallel_loop3A_766 = arith.muli %rem3A_74, %parallel_loop3A_765 : i32
        %parallel_loop3A_767 = arith.addi %parallel_loop3A_766, %parallel_loop3A_140 : i32
        %parallel_loop3A_768 = arith.index_cast %parallel_loop3A_767 : i32 to index
        %parallel_loop3A_769 = arith.constant 256 : index
        %parallel_loop3A_770 = tpu.vector_load %arg7[%parallel_loop3A_768, %parallel_loop3A_769] {strides = array<i32>} : memref<16x1024xf32, #tpu.memory_space<vmem>>, vector<1x16xf32>,
        %parallel_loop3A_771 = vector.shape_cast %parallel_loop3A_770 : vector<1x16xf32> to vector<16xf32>
        %parallel_loop3A_772 = arith.constant 0 : i32
        %parallel_loop3A_773 = arith.index_cast %rem3A_76 : i32 to index
        %parallel_loop3A_774 = arith.index_cast %parallel_loop3A_772 : i32 to index
        %parallel_loop3A_775 = arith.index_cast %parallel_loop3A_140 : i32 to index
        %parallel_loop3A_776 = arith.constant 256 : index
        %parallel_loop3A_777 = tpu.vector_load %arg8[%parallel_loop3A_773, %parallel_loop3A_774, %parallel_loop3A_775, %parallel_loop3A_776] {strides = array<i32>} : memref<3x4x8x1024xf32, #tpu.memory_space<vmem>>, vector<1x1x1x16xf32>,
        %parallel_loop3A_778 = vector.shape_cast %parallel_loop3A_777 : vector<1x1x1x16xf32> to vector<16xf32>
        %parallel_loop3A_779 = vector.shape_cast %parallel_loop3A_771 : vector<16xf32> to vector<1x1x1x16xf32>
        tpu.vector_store %arg8[%parallel_loop3A_773, %parallel_loop3A_774, %parallel_loop3A_775, %parallel_loop3A_776], %parallel_loop3A_779 {add = true, strides = array<i32>} : memref<3x4x8x1024xf32, #tpu.memory_space<vmem>>, vector<1x1x1x16xf32>,
        %parallel_loop3A_780 = arith.constant 1 : i32
        %parallel_loop3A_781 = arith.index_cast %rem3A_76 : i32 to index
        %parallel_loop3A_782 = arith.index_cast %parallel_loop3A_780 : i32 to index
        %parallel_loop3A_783 = arith.index_cast %parallel_loop3A_140 : i32 to index
        %parallel_loop3A_784 = arith.constant 256 : index
        %parallel_loop3A_785 = tpu.vector_load %arg8[%parallel_loop3A_781, %parallel_loop3A_782, %parallel_loop3A_783, %parallel_loop3A_784] {strides = array<i32>} : memref<3x4x8x1024xf32, #tpu.memory_space<vmem>>, vector<1x1x1x16xf32>,
        %parallel_loop3A_786 = vector.shape_cast %parallel_loop3A_785 : vector<1x1x1x16xf32> to vector<16xf32>
        %parallel_loop3A_787 = vector.shape_cast %parallel_loop3A_771 : vector<16xf32> to vector<1x1x1x16xf32>
        tpu.vector_store %arg8[%parallel_loop3A_781, %parallel_loop3A_782, %parallel_loop3A_783, %parallel_loop3A_784], %parallel_loop3A_787 {add = true, strides = array<i32>} : memref<3x4x8x1024xf32, #tpu.memory_space<vmem>>, vector<1x1x1x16xf32>,
        %parallel_loop3A_788 = arith.constant 2 : i32
        %parallel_loop3A_789 = arith.index_cast %rem3A_76 : i32 to index
        %parallel_loop3A_790 = arith.index_cast %parallel_loop3A_788 : i32 to index
        %parallel_loop3A_791 = arith.index_cast %parallel_loop3A_140 : i32 to index
        %parallel_loop3A_792 = arith.constant 256 : index
        %parallel_loop3A_793 = tpu.vector_load %arg8[%parallel_loop3A_789, %parallel_loop3A_790, %parallel_loop3A_791, %parallel_loop3A_792] {strides = array<i32>} : memref<3x4x8x1024xf32, #tpu.memory_space<vmem>>, vector<1x1x1x16xf32>,
        %parallel_loop3A_794 = vector.shape_cast %parallel_loop3A_793 : vector<1x1x1x16xf32> to vector<16xf32>
        %parallel_loop3A_795 = vector.shape_cast %parallel_loop3A_771 : vector<16xf32> to vector<1x1x1x16xf32>
        tpu.vector_store %arg8[%parallel_loop3A_789, %parallel_loop3A_790, %parallel_loop3A_791, %parallel_loop3A_792], %parallel_loop3A_795 {add = true, strides = array<i32>} : memref<3x4x8x1024xf32, #tpu.memory_space<vmem>>, vector<1x1x1x16xf32>,
        %parallel_loop3A_796 = arith.constant 3 : i32
        %parallel_loop3A_797 = arith.index_cast %rem3A_76 : i32 to index
        %parallel_loop3A_798 = arith.index_cast %parallel_loop3A_796 : i32 to index
        %parallel_loop3A_799 = arith.index_cast %parallel_loop3A_140 : i32 to index
        %parallel_loop3A_800 = arith.constant 256 : index
        %parallel_loop3A_801 = tpu.vector_load %arg8[%parallel_loop3A_797, %parallel_loop3A_798, %parallel_loop3A_799, %parallel_loop3A_800] {strides = array<i32>} : memref<3x4x8x1024xf32, #tpu.memory_space<vmem>>, vector<1x1x1x16xf32>,
        %parallel_loop3A_802 = vector.shape_cast %parallel_loop3A_801 : vector<1x1x1x16xf32> to vector<16xf32>
        %parallel_loop3A_803 = vector.shape_cast %parallel_loop3A_771 : vector<16xf32> to vector<1x1x1x16xf32>
        tpu.vector_store %arg8[%parallel_loop3A_797, %parallel_loop3A_798, %parallel_loop3A_799, %parallel_loop3A_800], %parallel_loop3A_803 {add = true, strides = array<i32>} : memref<3x4x8x1024xf32, #tpu.memory_space<vmem>>, vector<1x1x1x16xf32>,
        %parallel_loop3A_804 = arith.constant 8 : i32
        %parallel_loop3A_805 = arith.muli %rem3A_74, %parallel_loop3A_804 : i32
        %parallel_loop3A_806 = arith.addi %parallel_loop3A_805, %parallel_loop3A_140 : i32
        %parallel_loop3A_807 = arith.index_cast %parallel_loop3A_806 : i32 to index
        %parallel_loop3A_808 = arith.constant 272 : index
        %parallel_loop3A_809 = tpu.vector_load %arg7[%parallel_loop3A_807, %parallel_loop3A_808] {strides = array<i32>} : memref<16x1024xf32, #tpu.memory_space<vmem>>, vector<1x16xf32>,
        %parallel_loop3A_810 = vector.shape_cast %parallel_loop3A_809 : vector<1x16xf32> to vector<16xf32>
        %parallel_loop3A_811 = arith.constant 0 : i32
        %parallel_loop3A_812 = arith.index_cast %rem3A_76 : i32 to index
        %parallel_loop3A_813 = arith.index_cast %parallel_loop3A_811 : i32 to index
        %parallel_loop3A_814 = arith.index_cast %parallel_loop3A_140 : i32 to index
        %parallel_loop3A_815 = arith.constant 272 : index
        %parallel_loop3A_816 = tpu.vector_load %arg8[%parallel_loop3A_812, %parallel_loop3A_813, %parallel_loop3A_814, %parallel_loop3A_815] {strides = array<i32>} : memref<3x4x8x1024xf32, #tpu.memory_space<vmem>>, vector<1x1x1x16xf32>,
        %parallel_loop3A_817 = vector.shape_cast %parallel_loop3A_816 : vector<1x1x1x16xf32> to vector<16xf32>
        %parallel_loop3A_818 = vector.shape_cast %parallel_loop3A_810 : vector<16xf32> to vector<1x1x1x16xf32>
        tpu.vector_store %arg8[%parallel_loop3A_812, %parallel_loop3A_813, %parallel_loop3A_814, %parallel_loop3A_815], %parallel_loop3A_818 {add = true, strides = array<i32>} : memref<3x4x8x1024xf32, #tpu.memory_space<vmem>>, vector<1x1x1x16xf32>,
        %parallel_loop3A_819 = arith.constant 1 : i32
        %parallel_loop3A_820 = arith.index_cast %rem3A_76 : i32 to index
        %parallel_loop3A_821 = arith.index_cast %parallel_loop3A_819 : i32 to index
        %parallel_loop3A_822 = arith.index_cast %parallel_loop3A_140 : i32 to index
        %parallel_loop3A_823 = arith.constant 272 : index
        %parallel_loop3A_824 = tpu.vector_load %arg8[%parallel_loop3A_820, %parallel_loop3A_821, %parallel_loop3A_822, %parallel_loop3A_823] {strides = array<i32>} : memref<3x4x8x1024xf32, #tpu.memory_space<vmem>>, vector<1x1x1x16xf32>,
        %parallel_loop3A_825 = vector.shape_cast %parallel_loop3A_824 : vector<1x1x1x16xf32> to vector<16xf32>
        %parallel_loop3A_826 = vector.shape_cast %parallel_loop3A_810 : vector<16xf32> to vector<1x1x1x16xf32>
        tpu.vector_store %arg8[%parallel_loop3A_820, %parallel_loop3A_821, %parallel_loop3A_822, %parallel_loop3A_823], %parallel_loop3A_826 {add = true, strides = array<i32>} : memref<3x4x8x1024xf32, #tpu.memory_space<vmem>>, vector<1x1x1x16xf32>,
        %parallel_loop3A_827 = arith.constant 2 : i32
        %parallel_loop3A_828 = arith.index_cast %rem3A_76 : i32 to index
        %parallel_loop3A_829 = arith.index_cast %parallel_loop3A_827 : i32 to index
        %parallel_loop3A_830 = arith.index_cast %parallel_loop3A_140 : i32 to index
        %parallel_loop3A_831 = arith.constant 272 : index
        %parallel_loop3A_832 = tpu.vector_load %arg8[%parallel_loop3A_828, %parallel_loop3A_829, %parallel_loop3A_830, %parallel_loop3A_831] {strides = array<i32>} : memref<3x4x8x1024xf32, #tpu.memory_space<vmem>>, vector<1x1x1x16xf32>,
        %parallel_loop3A_833 = vector.shape_cast %parallel_loop3A_832 : vector<1x1x1x16xf32> to vector<16xf32>
        %parallel_loop3A_834 = vector.shape_cast %parallel_loop3A_810 : vector<16xf32> to vector<1x1x1x16xf32>
        tpu.vector_store %arg8[%parallel_loop3A_828, %parallel_loop3A_829, %parallel_loop3A_830, %parallel_loop3A_831], %parallel_loop3A_834 {add = true, strides = array<i32>} : memref<3x4x8x1024xf32, #tpu.memory_space<vmem>>, vector<1x1x1x16xf32>,
        %parallel_loop3A_835 = arith.constant 3 : i32
        %parallel_loop3A_836 = arith.index_cast %rem3A_76 : i32 to index
        %parallel_loop3A_837 = arith.index_cast %parallel_loop3A_835 : i32 to index
        %parallel_loop3A_838 = arith.index_cast %parallel_loop3A_140 : i32 to index
        %parallel_loop3A_839 = arith.constant 272 : index
        %parallel_loop3A_840 = tpu.vector_load %arg8[%parallel_loop3A_836, %parallel_loop3A_837, %parallel_loop3A_838, %parallel_loop3A_839] {strides = array<i32>} : memref<3x4x8x1024xf32, #tpu.memory_space<vmem>>, vector<1x1x1x16xf32>,
        %parallel_loop3A_841 = vector.shape_cast %parallel_loop3A_840 : vector<1x1x1x16xf32> to vector<16xf32>
        %parallel_loop3A_842 = vector.shape_cast %parallel_loop3A_810 : vector<16xf32> to vector<1x1x1x16xf32>
        tpu.vector_store %arg8[%parallel_loop3A_836, %parallel_loop3A_837, %parallel_loop3A_838, %parallel_loop3A_839], %parallel_loop3A_842 {add = true, strides = array<i32>} : memref<3x4x8x1024xf32, #tpu.memory_space<vmem>>, vector<1x1x1x16xf32>,
        %parallel_loop3A_843 = arith.constant 8 : i32
        %parallel_loop3A_844 = arith.muli %rem3A_74, %parallel_loop3A_843 : i32
        %parallel_loop3A_845 = arith.addi %parallel_loop3A_844, %parallel_loop3A_140 : i32
        %parallel_loop3A_846 = arith.index_cast %parallel_loop3A_845 : i32 to index
        %parallel_loop3A_847 = arith.constant 288 : index
        %parallel_loop3A_848 = tpu.vector_load %arg7[%parallel_loop3A_846, %parallel_loop3A_847] {strides = array<i32>} : memref<16x1024xf32, #tpu.memory_space<vmem>>, vector<1x16xf32>,
        %parallel_loop3A_849 = vector.shape_cast %parallel_loop3A_848 : vector<1x16xf32> to vector<16xf32>
        %parallel_loop3A_850 = arith.constant 0 : i32
        %parallel_loop3A_851 = arith.index_cast %rem3A_76 : i32 to index
        %parallel_loop3A_852 = arith.index_cast %parallel_loop3A_850 : i32 to index
        %parallel_loop3A_853 = arith.index_cast %parallel_loop3A_140 : i32 to index
        %parallel_loop3A_854 = arith.constant 288 : index
        %parallel_loop3A_855 = tpu.vector_load %arg8[%parallel_loop3A_851, %parallel_loop3A_852, %parallel_loop3A_853, %parallel_loop3A_854] {strides = array<i32>} : memref<3x4x8x1024xf32, #tpu.memory_space<vmem>>, vector<1x1x1x16xf32>,
        %parallel_loop3A_856 = vector.shape_cast %parallel_loop3A_855 : vector<1x1x1x16xf32> to vector<16xf32>
        %parallel_loop3A_857 = vector.shape_cast %parallel_loop3A_849 : vector<16xf32> to vector<1x1x1x16xf32>
        tpu.vector_store %arg8[%parallel_loop3A_851, %parallel_loop3A_852, %parallel_loop3A_853, %parallel_loop3A_854], %parallel_loop3A_857 {add = true, strides = array<i32>} : memref<3x4x8x1024xf32, #tpu.memory_space<vmem>>, vector<1x1x1x16xf32>,
        %parallel_loop3A_858 = arith.constant 1 : i32
        %parallel_loop3A_859 = arith.index_cast %rem3A_76 : i32 to index
        %parallel_loop3A_860 = arith.index_cast %parallel_loop3A_858 : i32 to index
        %parallel_loop3A_861 = arith.index_cast %parallel_loop3A_140 : i32 to index
        %parallel_loop3A_862 = arith.constant 288 : index
        %parallel_loop3A_863 = tpu.vector_load %arg8[%parallel_loop3A_859, %parallel_loop3A_860, %parallel_loop3A_861, %parallel_loop3A_862] {strides = array<i32>} : memref<3x4x8x1024xf32, #tpu.memory_space<vmem>>, vector<1x1x1x16xf32>,
        %parallel_loop3A_864 = vector.shape_cast %parallel_loop3A_863 : vector<1x1x1x16xf32> to vector<16xf32>
        %parallel_loop3A_865 = vector.shape_cast %parallel_loop3A_849 : vector<16xf32> to vector<1x1x1x16xf32>
        tpu.vector_store %arg8[%parallel_loop3A_859, %parallel_loop3A_860, %parallel_loop3A_861, %parallel_loop3A_862], %parallel_loop3A_865 {add = true, strides = array<i32>} : memref<3x4x8x1024xf32, #tpu.memory_space<vmem>>, vector<1x1x1x16xf32>,
        %parallel_loop3A_866 = arith.constant 2 : i32
        %parallel_loop3A_867 = arith.index_cast %rem3A_76 : i32 to index
        %parallel_loop3A_868 = arith.index_cast %parallel_loop3A_866 : i32 to index
        %parallel_loop3A_869 = arith.index_cast %parallel_loop3A_140 : i32 to index
        %parallel_loop3A_870 = arith.constant 288 : index
        %parallel_loop3A_871 = tpu.vector_load %arg8[%parallel_loop3A_867, %parallel_loop3A_868, %parallel_loop3A_869, %parallel_loop3A_870] {strides = array<i32>} : memref<3x4x8x1024xf32, #tpu.memory_space<vmem>>, vector<1x1x1x16xf32>,
        %parallel_loop3A_872 = vector.shape_cast %parallel_loop3A_871 : vector<1x1x1x16xf32> to vector<16xf32>
        %parallel_loop3A_873 = vector.shape_cast %parallel_loop3A_849 : vector<16xf32> to vector<1x1x1x16xf32>
        tpu.vector_store %arg8[%parallel_loop3A_867, %parallel_loop3A_868, %parallel_loop3A_869, %parallel_loop3A_870], %parallel_loop3A_873 {add = true, strides = array<i32>} : memref<3x4x8x1024xf32, #tpu.memory_space<vmem>>, vector<1x1x1x16xf32>,
        %parallel_loop3A_874 = arith.constant 3 : i32
        %parallel_loop3A_875 = arith.index_cast %rem3A_76 : i32 to index
        %parallel_loop3A_876 = arith.index_cast %parallel_loop3A_874 : i32 to index
        %parallel_loop3A_877 = arith.index_cast %parallel_loop3A_140 : i32 to index
        %parallel_loop3A_878 = arith.constant 288 : index
        %parallel_loop3A_879 = tpu.vector_load %arg8[%parallel_loop3A_875, %parallel_loop3A_876, %parallel_loop3A_877, %parallel_loop3A_878] {strides = array<i32>} : memref<3x4x8x1024xf32, #tpu.memory_space<vmem>>, vector<1x1x1x16xf32>,
        %parallel_loop3A_880 = vector.shape_cast %parallel_loop3A_879 : vector<1x1x1x16xf32> to vector<16xf32>
        %parallel_loop3A_881 = vector.shape_cast %parallel_loop3A_849 : vector<16xf32> to vector<1x1x1x16xf32>
        tpu.vector_store %arg8[%parallel_loop3A_875, %parallel_loop3A_876, %parallel_loop3A_877, %parallel_loop3A_878], %parallel_loop3A_881 {add = true, strides = array<i32>} : memref<3x4x8x1024xf32, #tpu.memory_space<vmem>>, vector<1x1x1x16xf32>,
        %parallel_loop3A_882 = arith.constant 8 : i32
        %parallel_loop3A_883 = arith.muli %rem3A_74, %parallel_loop3A_882 : i32
        %parallel_loop3A_884 = arith.addi %parallel_loop3A_883, %parallel_loop3A_140 : i32
        %parallel_loop3A_885 = arith.index_cast %parallel_loop3A_884 : i32 to index
        %parallel_loop3A_886 = arith.constant 304 : index
        %parallel_loop3A_887 = tpu.vector_load %arg7[%parallel_loop3A_885, %parallel_loop3A_886] {strides = array<i32>} : memref<16x1024xf32, #tpu.memory_space<vmem>>, vector<1x16xf32>,
        %parallel_loop3A_888 = vector.shape_cast %parallel_loop3A_887 : vector<1x16xf32> to vector<16xf32>
        %parallel_loop3A_889 = arith.constant 0 : i32
        %parallel_loop3A_890 = arith.index_cast %rem3A_76 : i32 to index
        %parallel_loop3A_891 = arith.index_cast %parallel_loop3A_889 : i32 to index
        %parallel_loop3A_892 = arith.index_cast %parallel_loop3A_140 : i32 to index
        %parallel_loop3A_893 = arith.constant 304 : index
        %parallel_loop3A_894 = tpu.vector_load %arg8[%parallel_loop3A_890, %parallel_loop3A_891, %parallel_loop3A_892, %parallel_loop3A_893] {strides = array<i32>} : memref<3x4x8x1024xf32, #tpu.memory_space<vmem>>, vector<1x1x1x16xf32>,
        %parallel_loop3A_895 = vector.shape_cast %parallel_loop3A_894 : vector<1x1x1x16xf32> to vector<16xf32>
        %parallel_loop3A_896 = vector.shape_cast %parallel_loop3A_888 : vector<16xf32> to vector<1x1x1x16xf32>
        tpu.vector_store %arg8[%parallel_loop3A_890, %parallel_loop3A_891, %parallel_loop3A_892, %parallel_loop3A_893], %parallel_loop3A_896 {add = true, strides = array<i32>} : memref<3x4x8x1024xf32, #tpu.memory_space<vmem>>, vector<1x1x1x16xf32>,
        %parallel_loop3A_897 = arith.constant 1 : i32
        %parallel_loop3A_898 = arith.index_cast %rem3A_76 : i32 to index
        %parallel_loop3A_899 = arith.index_cast %parallel_loop3A_897 : i32 to index
        %parallel_loop3A_900 = arith.index_cast %parallel_loop3A_140 : i32 to index
        %parallel_loop3A_901 = arith.constant 304 : index
        %parallel_loop3A_902 = tpu.vector_load %arg8[%parallel_loop3A_898, %parallel_loop3A_899, %parallel_loop3A_900, %parallel_loop3A_901] {strides = array<i32>} : memref<3x4x8x1024xf32, #tpu.memory_space<vmem>>, vector<1x1x1x16xf32>,
        %parallel_loop3A_903 = vector.shape_cast %parallel_loop3A_902 : vector<1x1x1x16xf32> to vector<16xf32>
        %parallel_loop3A_904 = vector.shape_cast %parallel_loop3A_888 : vector<16xf32> to vector<1x1x1x16xf32>
        tpu.vector_store %arg8[%parallel_loop3A_898, %parallel_loop3A_899, %parallel_loop3A_900, %parallel_loop3A_901], %parallel_loop3A_904 {add = true, strides = array<i32>} : memref<3x4x8x1024xf32, #tpu.memory_space<vmem>>, vector<1x1x1x16xf32>,
        %parallel_loop3A_905 = arith.constant 2 : i32
        %parallel_loop3A_906 = arith.index_cast %rem3A_76 : i32 to index
        %parallel_loop3A_907 = arith.index_cast %parallel_loop3A_905 : i32 to index
        %parallel_loop3A_908 = arith.index_cast %parallel_loop3A_140 : i32 to index
        %parallel_loop3A_909 = arith.constant 304 : index
        %parallel_loop3A_910 = tpu.vector_load %arg8[%parallel_loop3A_906, %parallel_loop3A_907, %parallel_loop3A_908, %parallel_loop3A_909] {strides = array<i32>} : memref<3x4x8x1024xf32, #tpu.memory_space<vmem>>, vector<1x1x1x16xf32>,
        %parallel_loop3A_911 = vector.shape_cast %parallel_loop3A_910 : vector<1x1x1x16xf32> to vector<16xf32>
        %parallel_loop3A_912 = vector.shape_cast %parallel_loop3A_888 : vector<16xf32> to vector<1x1x1x16xf32>
        tpu.vector_store %arg8[%parallel_loop3A_906, %parallel_loop3A_907, %parallel_loop3A_908, %parallel_loop3A_909], %parallel_loop3A_912 {add = true, strides = array<i32>} : memref<3x4x8x1024xf32, #tpu.memory_space<vmem>>, vector<1x1x1x16xf32>,
        %parallel_loop3A_913 = arith.constant 3 : i32
        %parallel_loop3A_914 = arith.index_cast %rem3A_76 : i32 to index
        %parallel_loop3A_915 = arith.index_cast %parallel_loop3A_913 : i32 to index
        %parallel_loop3A_916 = arith.index_cast %parallel_loop3A_140 : i32 to index
        %parallel_loop3A_917 = arith.constant 304 : index
        %parallel_loop3A_918 = tpu.vector_load %arg8[%parallel_loop3A_914, %parallel_loop3A_915, %parallel_loop3A_916, %parallel_loop3A_917] {strides = array<i32>} : memref<3x4x8x1024xf32, #tpu.memory_space<vmem>>, vector<1x1x1x16xf32>,
        %parallel_loop3A_919 = vector.shape_cast %parallel_loop3A_918 : vector<1x1x1x16xf32> to vector<16xf32>
        %parallel_loop3A_920 = vector.shape_cast %parallel_loop3A_888 : vector<16xf32> to vector<1x1x1x16xf32>
        tpu.vector_store %arg8[%parallel_loop3A_914, %parallel_loop3A_915, %parallel_loop3A_916, %parallel_loop3A_917], %parallel_loop3A_920 {add = true, strides = array<i32>} : memref<3x4x8x1024xf32, #tpu.memory_space<vmem>>, vector<1x1x1x16xf32>,
        %parallel_loop3A_921 = arith.constant 8 : i32
        %parallel_loop3A_922 = arith.muli %rem3A_74, %parallel_loop3A_921 : i32
        %parallel_loop3A_923 = arith.addi %parallel_loop3A_922, %parallel_loop3A_140 : i32
        %parallel_loop3A_924 = arith.index_cast %parallel_loop3A_923 : i32 to index
        %parallel_loop3A_925 = arith.constant 320 : index
        %parallel_loop3A_926 = tpu.vector_load %arg7[%parallel_loop3A_924, %parallel_loop3A_925] {strides = array<i32>} : memref<16x1024xf32, #tpu.memory_space<vmem>>, vector<1x16xf32>,
        %parallel_loop3A_927 = vector.shape_cast %parallel_loop3A_926 : vector<1x16xf32> to vector<16xf32>
        %parallel_loop3A_928 = arith.constant 0 : i32
        %parallel_loop3A_929 = arith.index_cast %rem3A_76 : i32 to index
        %parallel_loop3A_930 = arith.index_cast %parallel_loop3A_928 : i32 to index
        %parallel_loop3A_931 = arith.index_cast %parallel_loop3A_140 : i32 to index
        %parallel_loop3A_932 = arith.constant 320 : index
        %parallel_loop3A_933 = tpu.vector_load %arg8[%parallel_loop3A_929, %parallel_loop3A_930, %parallel_loop3A_931, %parallel_loop3A_932] {strides = array<i32>} : memref<3x4x8x1024xf32, #tpu.memory_space<vmem>>, vector<1x1x1x16xf32>,
        %parallel_loop3A_934 = vector.shape_cast %parallel_loop3A_933 : vector<1x1x1x16xf32> to vector<16xf32>
        %parallel_loop3A_935 = vector.shape_cast %parallel_loop3A_927 : vector<16xf32> to vector<1x1x1x16xf32>
        tpu.vector_store %arg8[%parallel_loop3A_929, %parallel_loop3A_930, %parallel_loop3A_931, %parallel_loop3A_932], %parallel_loop3A_935 {add = true, strides = array<i32>} : memref<3x4x8x1024xf32, #tpu.memory_space<vmem>>, vector<1x1x1x16xf32>,
        %parallel_loop3A_936 = arith.constant 1 : i32
        %parallel_loop3A_937 = arith.index_cast %rem3A_76 : i32 to index
        %parallel_loop3A_938 = arith.index_cast %parallel_loop3A_936 : i32 to index
        %parallel_loop3A_939 = arith.index_cast %parallel_loop3A_140 : i32 to index
        %parallel_loop3A_940 = arith.constant 320 : index
        %parallel_loop3A_941 = tpu.vector_load %arg8[%parallel_loop3A_937, %parallel_loop3A_938, %parallel_loop3A_939, %parallel_loop3A_940] {strides = array<i32>} : memref<3x4x8x1024xf32, #tpu.memory_space<vmem>>, vector<1x1x1x16xf32>,
        %parallel_loop3A_942 = vector.shape_cast %parallel_loop3A_941 : vector<1x1x1x16xf32> to vector<16xf32>
        %parallel_loop3A_943 = vector.shape_cast %parallel_loop3A_927 : vector<16xf32> to vector<1x1x1x16xf32>
        tpu.vector_store %arg8[%parallel_loop3A_937, %parallel_loop3A_938, %parallel_loop3A_939, %parallel_loop3A_940], %parallel_loop3A_943 {add = true, strides = array<i32>} : memref<3x4x8x1024xf32, #tpu.memory_space<vmem>>, vector<1x1x1x16xf32>,
        %parallel_loop3A_944 = arith.constant 2 : i32
        %parallel_loop3A_945 = arith.index_cast %rem3A_76 : i32 to index
        %parallel_loop3A_946 = arith.index_cast %parallel_loop3A_944 : i32 to index
        %parallel_loop3A_947 = arith.index_cast %parallel_loop3A_140 : i32 to index
        %parallel_loop3A_948 = arith.constant 320 : index
        %parallel_loop3A_949 = tpu.vector_load %arg8[%parallel_loop3A_945, %parallel_loop3A_946, %parallel_loop3A_947, %parallel_loop3A_948] {strides = array<i32>} : memref<3x4x8x1024xf32, #tpu.memory_space<vmem>>, vector<1x1x1x16xf32>,
        %parallel_loop3A_950 = vector.shape_cast %parallel_loop3A_949 : vector<1x1x1x16xf32> to vector<16xf32>
        %parallel_loop3A_951 = vector.shape_cast %parallel_loop3A_927 : vector<16xf32> to vector<1x1x1x16xf32>
        tpu.vector_store %arg8[%parallel_loop3A_945, %parallel_loop3A_946, %parallel_loop3A_947, %parallel_loop3A_948], %parallel_loop3A_951 {add = true, strides = array<i32>} : memref<3x4x8x1024xf32, #tpu.memory_space<vmem>>, vector<1x1x1x16xf32>,
        %parallel_loop3A_952 = arith.constant 3 : i32
        %parallel_loop3A_953 = arith.index_cast %rem3A_76 : i32 to index
        %parallel_loop3A_954 = arith.index_cast %parallel_loop3A_952 : i32 to index
        %parallel_loop3A_955 = arith.index_cast %parallel_loop3A_140 : i32 to index
        %parallel_loop3A_956 = arith.constant 320 : index
        %parallel_loop3A_957 = tpu.vector_load %arg8[%parallel_loop3A_953, %parallel_loop3A_954, %parallel_loop3A_955, %parallel_loop3A_956] {strides = array<i32>} : memref<3x4x8x1024xf32, #tpu.memory_space<vmem>>, vector<1x1x1x16xf32>,
        %parallel_loop3A_958 = vector.shape_cast %parallel_loop3A_957 : vector<1x1x1x16xf32> to vector<16xf32>
        %parallel_loop3A_959 = vector.shape_cast %parallel_loop3A_927 : vector<16xf32> to vector<1x1x1x16xf32>
        tpu.vector_store %arg8[%parallel_loop3A_953, %parallel_loop3A_954, %parallel_loop3A_955, %parallel_loop3A_956], %parallel_loop3A_959 {add = true, strides = array<i32>} : memref<3x4x8x1024xf32, #tpu.memory_space<vmem>>, vector<1x1x1x16xf32>,
        %parallel_loop3A_960 = arith.constant 8 : i32
        %parallel_loop3A_961 = arith.muli %rem3A_74, %parallel_loop3A_960 : i32
        %parallel_loop3A_962 = arith.addi %parallel_loop3A_961, %parallel_loop3A_140 : i32
        %parallel_loop3A_963 = arith.index_cast %parallel_loop3A_962 : i32 to index
        %parallel_loop3A_964 = arith.constant 336 : index
        %parallel_loop3A_965 = tpu.vector_load %arg7[%parallel_loop3A_963, %parallel_loop3A_964] {strides = array<i32>} : memref<16x1024xf32, #tpu.memory_space<vmem>>, vector<1x16xf32>,
        %parallel_loop3A_966 = vector.shape_cast %parallel_loop3A_965 : vector<1x16xf32> to vector<16xf32>
        %parallel_loop3A_967 = arith.constant 0 : i32
        %parallel_loop3A_968 = arith.index_cast %rem3A_76 : i32 to index
        %parallel_loop3A_969 = arith.index_cast %parallel_loop3A_967 : i32 to index
        %parallel_loop3A_970 = arith.index_cast %parallel_loop3A_140 : i32 to index
        %parallel_loop3A_971 = arith.constant 336 : index
        %parallel_loop3A_972 = tpu.vector_load %arg8[%parallel_loop3A_968, %parallel_loop3A_969, %parallel_loop3A_970, %parallel_loop3A_971] {strides = array<i32>} : memref<3x4x8x1024xf32, #tpu.memory_space<vmem>>, vector<1x1x1x16xf32>,
        %parallel_loop3A_973 = vector.shape_cast %parallel_loop3A_972 : vector<1x1x1x16xf32> to vector<16xf32>
        %parallel_loop3A_974 = vector.shape_cast %parallel_loop3A_966 : vector<16xf32> to vector<1x1x1x16xf32>
        tpu.vector_store %arg8[%parallel_loop3A_968, %parallel_loop3A_969, %parallel_loop3A_970, %parallel_loop3A_971], %parallel_loop3A_974 {add = true, strides = array<i32>} : memref<3x4x8x1024xf32, #tpu.memory_space<vmem>>, vector<1x1x1x16xf32>,
        %parallel_loop3A_975 = arith.constant 1 : i32
        %parallel_loop3A_976 = arith.index_cast %rem3A_76 : i32 to index
        %parallel_loop3A_977 = arith.index_cast %parallel_loop3A_975 : i32 to index
        %parallel_loop3A_978 = arith.index_cast %parallel_loop3A_140 : i32 to index
        %parallel_loop3A_979 = arith.constant 336 : index
        %parallel_loop3A_980 = tpu.vector_load %arg8[%parallel_loop3A_976, %parallel_loop3A_977, %parallel_loop3A_978, %parallel_loop3A_979] {strides = array<i32>} : memref<3x4x8x1024xf32, #tpu.memory_space<vmem>>, vector<1x1x1x16xf32>,
        %parallel_loop3A_981 = vector.shape_cast %parallel_loop3A_980 : vector<1x1x1x16xf32> to vector<16xf32>
        %parallel_loop3A_982 = vector.shape_cast %parallel_loop3A_966 : vector<16xf32> to vector<1x1x1x16xf32>
        tpu.vector_store %arg8[%parallel_loop3A_976, %parallel_loop3A_977, %parallel_loop3A_978, %parallel_loop3A_979], %parallel_loop3A_982 {add = true, strides = array<i32>} : memref<3x4x8x1024xf32, #tpu.memory_space<vmem>>, vector<1x1x1x16xf32>,
        %parallel_loop3A_983 = arith.constant 2 : i32
        %parallel_loop3A_984 = arith.index_cast %rem3A_76 : i32 to index
        %parallel_loop3A_985 = arith.index_cast %parallel_loop3A_983 : i32 to index
        %parallel_loop3A_986 = arith.index_cast %parallel_loop3A_140 : i32 to index
        %parallel_loop3A_987 = arith.constant 336 : index
        %parallel_loop3A_988 = tpu.vector_load %arg8[%parallel_loop3A_984, %parallel_loop3A_985, %parallel_loop3A_986, %parallel_loop3A_987] {strides = array<i32>} : memref<3x4x8x1024xf32, #tpu.memory_space<vmem>>, vector<1x1x1x16xf32>,
        %parallel_loop3A_989 = vector.shape_cast %parallel_loop3A_988 : vector<1x1x1x16xf32> to vector<16xf32>
        %parallel_loop3A_990 = vector.shape_cast %parallel_loop3A_966 : vector<16xf32> to vector<1x1x1x16xf32>
        tpu.vector_store %arg8[%parallel_loop3A_984, %parallel_loop3A_985, %parallel_loop3A_986, %parallel_loop3A_987], %parallel_loop3A_990 {add = true, strides = array<i32>} : memref<3x4x8x1024xf32, #tpu.memory_space<vmem>>, vector<1x1x1x16xf32>,
        %parallel_loop3A_991 = arith.constant 3 : i32
        %parallel_loop3A_992 = arith.index_cast %rem3A_76 : i32 to index
        %parallel_loop3A_993 = arith.index_cast %parallel_loop3A_991 : i32 to index
        %parallel_loop3A_994 = arith.index_cast %parallel_loop3A_140 : i32 to index
        %parallel_loop3A_995 = arith.constant 336 : index
        %parallel_loop3A_996 = tpu.vector_load %arg8[%parallel_loop3A_992, %parallel_loop3A_993, %parallel_loop3A_994, %parallel_loop3A_995] {strides = array<i32>} : memref<3x4x8x1024xf32, #tpu.memory_space<vmem>>, vector<1x1x1x16xf32>,
        %parallel_loop3A_997 = vector.shape_cast %parallel_loop3A_996 : vector<1x1x1x16xf32> to vector<16xf32>
        %parallel_loop3A_998 = vector.shape_cast %parallel_loop3A_966 : vector<16xf32> to vector<1x1x1x16xf32>
        tpu.vector_store %arg8[%parallel_loop3A_992, %parallel_loop3A_993, %parallel_loop3A_994, %parallel_loop3A_995], %parallel_loop3A_998 {add = true, strides = array<i32>} : memref<3x4x8x1024xf32, #tpu.memory_space<vmem>>, vector<1x1x1x16xf32>,
        %parallel_loop3A_999 = arith.constant 8 : i32
        %parallel_loop3A_1000 = arith.muli %rem3A_74, %parallel_loop3A_999 : i32
        %parallel_loop3A_1001 = arith.addi %parallel_loop3A_1000, %parallel_loop3A_140 : i32
        %parallel_loop3A_1002 = arith.index_cast %parallel_loop3A_1001 : i32 to index
        %parallel_loop3A_1003 = arith.constant 352 : index
        %parallel_loop3A_1004 = tpu.vector_load %arg7[%parallel_loop3A_1002, %parallel_loop3A_1003] {strides = array<i32>} : memref<16x1024xf32, #tpu.memory_space<vmem>>, vector<1x16xf32>,
        %parallel_loop3A_1005 = vector.shape_cast %parallel_loop3A_1004 : vector<1x16xf32> to vector<16xf32>
        %parallel_loop3A_1006 = arith.constant 0 : i32
        %parallel_loop3A_1007 = arith.index_cast %rem3A_76 : i32 to index
        %parallel_loop3A_1008 = arith.index_cast %parallel_loop3A_1006 : i32 to index
        %parallel_loop3A_1009 = arith.index_cast %parallel_loop3A_140 : i32 to index
        %parallel_loop3A_1010 = arith.constant 352 : index
        %parallel_loop3A_1011 = tpu.vector_load %arg8[%parallel_loop3A_1007, %parallel_loop3A_1008, %parallel_loop3A_1009, %parallel_loop3A_1010] {strides = array<i32>} : memref<3x4x8x1024xf32, #tpu.memory_space<vmem>>, vector<1x1x1x16xf32>,
        %parallel_loop3A_1012 = vector.shape_cast %parallel_loop3A_1011 : vector<1x1x1x16xf32> to vector<16xf32>
        %parallel_loop3A_1013 = vector.shape_cast %parallel_loop3A_1005 : vector<16xf32> to vector<1x1x1x16xf32>
        tpu.vector_store %arg8[%parallel_loop3A_1007, %parallel_loop3A_1008, %parallel_loop3A_1009, %parallel_loop3A_1010], %parallel_loop3A_1013 {add = true, strides = array<i32>} : memref<3x4x8x1024xf32, #tpu.memory_space<vmem>>, vector<1x1x1x16xf32>,
        %parallel_loop3A_1014 = arith.constant 1 : i32
        %parallel_loop3A_1015 = arith.index_cast %rem3A_76 : i32 to index
        %parallel_loop3A_1016 = arith.index_cast %parallel_loop3A_1014 : i32 to index
        %parallel_loop3A_1017 = arith.index_cast %parallel_loop3A_140 : i32 to index
        %parallel_loop3A_1018 = arith.constant 352 : index
        %parallel_loop3A_1019 = tpu.vector_load %arg8[%parallel_loop3A_1015, %parallel_loop3A_1016, %parallel_loop3A_1017, %parallel_loop3A_1018] {strides = array<i32>} : memref<3x4x8x1024xf32, #tpu.memory_space<vmem>>, vector<1x1x1x16xf32>,
        %parallel_loop3A_1020 = vector.shape_cast %parallel_loop3A_1019 : vector<1x1x1x16xf32> to vector<16xf32>
        %parallel_loop3A_1021 = vector.shape_cast %parallel_loop3A_1005 : vector<16xf32> to vector<1x1x1x16xf32>
        tpu.vector_store %arg8[%parallel_loop3A_1015, %parallel_loop3A_1016, %parallel_loop3A_1017, %parallel_loop3A_1018], %parallel_loop3A_1021 {add = true, strides = array<i32>} : memref<3x4x8x1024xf32, #tpu.memory_space<vmem>>, vector<1x1x1x16xf32>,
        %parallel_loop3A_1022 = arith.constant 2 : i32
        %parallel_loop3A_1023 = arith.index_cast %rem3A_76 : i32 to index
        %parallel_loop3A_1024 = arith.index_cast %parallel_loop3A_1022 : i32 to index
        %parallel_loop3A_1025 = arith.index_cast %parallel_loop3A_140 : i32 to index
        %parallel_loop3A_1026 = arith.constant 352 : index
        %parallel_loop3A_1027 = tpu.vector_load %arg8[%parallel_loop3A_1023, %parallel_loop3A_1024, %parallel_loop3A_1025, %parallel_loop3A_1026] {strides = array<i32>} : memref<3x4x8x1024xf32, #tpu.memory_space<vmem>>, vector<1x1x1x16xf32>,
        %parallel_loop3A_1028 = vector.shape_cast %parallel_loop3A_1027 : vector<1x1x1x16xf32> to vector<16xf32>
        %parallel_loop3A_1029 = vector.shape_cast %parallel_loop3A_1005 : vector<16xf32> to vector<1x1x1x16xf32>
        tpu.vector_store %arg8[%parallel_loop3A_1023, %parallel_loop3A_1024, %parallel_loop3A_1025, %parallel_loop3A_1026], %parallel_loop3A_1029 {add = true, strides = array<i32>} : memref<3x4x8x1024xf32, #tpu.memory_space<vmem>>, vector<1x1x1x16xf32>,
        %parallel_loop3A_1030 = arith.constant 3 : i32
        %parallel_loop3A_1031 = arith.index_cast %rem3A_76 : i32 to index
        %parallel_loop3A_1032 = arith.index_cast %parallel_loop3A_1030 : i32 to index
        %parallel_loop3A_1033 = arith.index_cast %parallel_loop3A_140 : i32 to index
        %parallel_loop3A_1034 = arith.constant 352 : index
        %parallel_loop3A_1035 = tpu.vector_load %arg8[%parallel_loop3A_1031, %parallel_loop3A_1032, %parallel_loop3A_1033, %parallel_loop3A_1034] {strides = array<i32>} : memref<3x4x8x1024xf32, #tpu.memory_space<vmem>>, vector<1x1x1x16xf32>,
        %parallel_loop3A_1036 = vector.shape_cast %parallel_loop3A_1035 : vector<1x1x1x16xf32> to vector<16xf32>
        %parallel_loop3A_1037 = vector.shape_cast %parallel_loop3A_1005 : vector<16xf32> to vector<1x1x1x16xf32>
        tpu.vector_store %arg8[%parallel_loop3A_1031, %parallel_loop3A_1032, %parallel_loop3A_1033, %parallel_loop3A_1034], %parallel_loop3A_1037 {add = true, strides = array<i32>} : memref<3x4x8x1024xf32, #tpu.memory_space<vmem>>, vector<1x1x1x16xf32>,
        %parallel_loop3A_1038 = arith.constant 8 : i32
        %parallel_loop3A_1039 = arith.muli %rem3A_74, %parallel_loop3A_1038 : i32
        %parallel_loop3A_1040 = arith.addi %parallel_loop3A_1039, %parallel_loop3A_140 : i32
        %parallel_loop3A_1041 = arith.index_cast %parallel_loop3A_1040 : i32 to index
        %parallel_loop3A_1042 = arith.constant 368 : index
        %parallel_loop3A_1043 = tpu.vector_load %arg7[%parallel_loop3A_1041, %parallel_loop3A_1042] {strides = array<i32>} : memref<16x1024xf32, #tpu.memory_space<vmem>>, vector<1x16xf32>,
        %parallel_loop3A_1044 = vector.shape_cast %parallel_loop3A_1043 : vector<1x16xf32> to vector<16xf32>
        %parallel_loop3A_1045 = arith.constant 0 : i32
        %parallel_loop3A_1046 = arith.index_cast %rem3A_76 : i32 to index
        %parallel_loop3A_1047 = arith.index_cast %parallel_loop3A_1045 : i32 to index
        %parallel_loop3A_1048 = arith.index_cast %parallel_loop3A_140 : i32 to index
        %parallel_loop3A_1049 = arith.constant 368 : index
        %parallel_loop3A_1050 = tpu.vector_load %arg8[%parallel_loop3A_1046, %parallel_loop3A_1047, %parallel_loop3A_1048, %parallel_loop3A_1049] {strides = array<i32>} : memref<3x4x8x1024xf32, #tpu.memory_space<vmem>>, vector<1x1x1x16xf32>,
        %parallel_loop3A_1051 = vector.shape_cast %parallel_loop3A_1050 : vector<1x1x1x16xf32> to vector<16xf32>
        %parallel_loop3A_1052 = vector.shape_cast %parallel_loop3A_1044 : vector<16xf32> to vector<1x1x1x16xf32>
        tpu.vector_store %arg8[%parallel_loop3A_1046, %parallel_loop3A_1047, %parallel_loop3A_1048, %parallel_loop3A_1049], %parallel_loop3A_1052 {add = true, strides = array<i32>} : memref<3x4x8x1024xf32, #tpu.memory_space<vmem>>, vector<1x1x1x16xf32>,
        %parallel_loop3A_1053 = arith.constant 1 : i32
        %parallel_loop3A_1054 = arith.index_cast %rem3A_76 : i32 to index
        %parallel_loop3A_1055 = arith.index_cast %parallel_loop3A_1053 : i32 to index
        %parallel_loop3A_1056 = arith.index_cast %parallel_loop3A_140 : i32 to index
        %parallel_loop3A_1057 = arith.constant 368 : index
        %parallel_loop3A_1058 = tpu.vector_load %arg8[%parallel_loop3A_1054, %parallel_loop3A_1055, %parallel_loop3A_1056, %parallel_loop3A_1057] {strides = array<i32>} : memref<3x4x8x1024xf32, #tpu.memory_space<vmem>>, vector<1x1x1x16xf32>,
        %parallel_loop3A_1059 = vector.shape_cast %parallel_loop3A_1058 : vector<1x1x1x16xf32> to vector<16xf32>
        %parallel_loop3A_1060 = vector.shape_cast %parallel_loop3A_1044 : vector<16xf32> to vector<1x1x1x16xf32>
        tpu.vector_store %arg8[%parallel_loop3A_1054, %parallel_loop3A_1055, %parallel_loop3A_1056, %parallel_loop3A_1057], %parallel_loop3A_1060 {add = true, strides = array<i32>} : memref<3x4x8x1024xf32, #tpu.memory_space<vmem>>, vector<1x1x1x16xf32>,
        %parallel_loop3A_1061 = arith.constant 2 : i32
        %parallel_loop3A_1062 = arith.index_cast %rem3A_76 : i32 to index
        %parallel_loop3A_1063 = arith.index_cast %parallel_loop3A_1061 : i32 to index
        %parallel_loop3A_1064 = arith.index_cast %parallel_loop3A_140 : i32 to index
        %parallel_loop3A_1065 = arith.constant 368 : index
        %parallel_loop3A_1066 = tpu.vector_load %arg8[%parallel_loop3A_1062, %parallel_loop3A_1063, %parallel_loop3A_1064, %parallel_loop3A_1065] {strides = array<i32>} : memref<3x4x8x1024xf32, #tpu.memory_space<vmem>>, vector<1x1x1x16xf32>,
        %parallel_loop3A_1067 = vector.shape_cast %parallel_loop3A_1066 : vector<1x1x1x16xf32> to vector<16xf32>
        %parallel_loop3A_1068 = vector.shape_cast %parallel_loop3A_1044 : vector<16xf32> to vector<1x1x1x16xf32>
        tpu.vector_store %arg8[%parallel_loop3A_1062, %parallel_loop3A_1063, %parallel_loop3A_1064, %parallel_loop3A_1065], %parallel_loop3A_1068 {add = true, strides = array<i32>} : memref<3x4x8x1024xf32, #tpu.memory_space<vmem>>, vector<1x1x1x16xf32>,
        %parallel_loop3A_1069 = arith.constant 3 : i32
        %parallel_loop3A_1070 = arith.index_cast %rem3A_76 : i32 to index
        %parallel_loop3A_1071 = arith.index_cast %parallel_loop3A_1069 : i32 to index
        %parallel_loop3A_1072 = arith.index_cast %parallel_loop3A_140 : i32 to index
        %parallel_loop3A_1073 = arith.constant 368 : index
        %parallel_loop3A_1074 = tpu.vector_load %arg8[%parallel_loop3A_1070, %parallel_loop3A_1071, %parallel_loop3A_1072, %parallel_loop3A_1073] {strides = array<i32>} : memref<3x4x8x1024xf32, #tpu.memory_space<vmem>>, vector<1x1x1x16xf32>,
        %parallel_loop3A_1075 = vector.shape_cast %parallel_loop3A_1074 : vector<1x1x1x16xf32> to vector<16xf32>
        %parallel_loop3A_1076 = vector.shape_cast %parallel_loop3A_1044 : vector<16xf32> to vector<1x1x1x16xf32>
        tpu.vector_store %arg8[%parallel_loop3A_1070, %parallel_loop3A_1071, %parallel_loop3A_1072, %parallel_loop3A_1073], %parallel_loop3A_1076 {add = true, strides = array<i32>} : memref<3x4x8x1024xf32, #tpu.memory_space<vmem>>, vector<1x1x1x16xf32>,
        %parallel_loop3A_1077 = arith.constant 8 : i32
        %parallel_loop3A_1078 = arith.muli %rem3A_74, %parallel_loop3A_1077 : i32
        %parallel_loop3A_1079 = arith.addi %parallel_loop3A_1078, %parallel_loop3A_140 : i32
        %parallel_loop3A_1080 = arith.index_cast %parallel_loop3A_1079 : i32 to index
        %parallel_loop3A_1081 = arith.constant 384 : index
        %parallel_loop3A_1082 = tpu.vector_load %arg7[%parallel_loop3A_1080, %parallel_loop3A_1081] {strides = array<i32>} : memref<16x1024xf32, #tpu.memory_space<vmem>>, vector<1x16xf32>,
        %parallel_loop3A_1083 = vector.shape_cast %parallel_loop3A_1082 : vector<1x16xf32> to vector<16xf32>
        %parallel_loop3A_1084 = arith.constant 0 : i32
        %parallel_loop3A_1085 = arith.index_cast %rem3A_76 : i32 to index
        %parallel_loop3A_1086 = arith.index_cast %parallel_loop3A_1084 : i32 to index
        %parallel_loop3A_1087 = arith.index_cast %parallel_loop3A_140 : i32 to index
        %parallel_loop3A_1088 = arith.constant 384 : index
        %parallel_loop3A_1089 = tpu.vector_load %arg8[%parallel_loop3A_1085, %parallel_loop3A_1086, %parallel_loop3A_1087, %parallel_loop3A_1088] {strides = array<i32>} : memref<3x4x8x1024xf32, #tpu.memory_space<vmem>>, vector<1x1x1x16xf32>,
        %parallel_loop3A_1090 = vector.shape_cast %parallel_loop3A_1089 : vector<1x1x1x16xf32> to vector<16xf32>
        %parallel_loop3A_1091 = vector.shape_cast %parallel_loop3A_1083 : vector<16xf32> to vector<1x1x1x16xf32>
        tpu.vector_store %arg8[%parallel_loop3A_1085, %parallel_loop3A_1086, %parallel_loop3A_1087, %parallel_loop3A_1088], %parallel_loop3A_1091 {add = true, strides = array<i32>} : memref<3x4x8x1024xf32, #tpu.memory_space<vmem>>, vector<1x1x1x16xf32>,
        %parallel_loop3A_1092 = arith.constant 1 : i32
        %parallel_loop3A_1093 = arith.index_cast %rem3A_76 : i32 to index
        %parallel_loop3A_1094 = arith.index_cast %parallel_loop3A_1092 : i32 to index
        %parallel_loop3A_1095 = arith.index_cast %parallel_loop3A_140 : i32 to index
        %parallel_loop3A_1096 = arith.constant 384 : index
        %parallel_loop3A_1097 = tpu.vector_load %arg8[%parallel_loop3A_1093, %parallel_loop3A_1094, %parallel_loop3A_1095, %parallel_loop3A_1096] {strides = array<i32>} : memref<3x4x8x1024xf32, #tpu.memory_space<vmem>>, vector<1x1x1x16xf32>,
        %parallel_loop3A_1098 = vector.shape_cast %parallel_loop3A_1097 : vector<1x1x1x16xf32> to vector<16xf32>
        %parallel_loop3A_1099 = vector.shape_cast %parallel_loop3A_1083 : vector<16xf32> to vector<1x1x1x16xf32>
        tpu.vector_store %arg8[%parallel_loop3A_1093, %parallel_loop3A_1094, %parallel_loop3A_1095, %parallel_loop3A_1096], %parallel_loop3A_1099 {add = true, strides = array<i32>} : memref<3x4x8x1024xf32, #tpu.memory_space<vmem>>, vector<1x1x1x16xf32>,
        %parallel_loop3A_1100 = arith.constant 2 : i32
        %parallel_loop3A_1101 = arith.index_cast %rem3A_76 : i32 to index
        %parallel_loop3A_1102 = arith.index_cast %parallel_loop3A_1100 : i32 to index
        %parallel_loop3A_1103 = arith.index_cast %parallel_loop3A_140 : i32 to index
        %parallel_loop3A_1104 = arith.constant 384 : index
        %parallel_loop3A_1105 = tpu.vector_load %arg8[%parallel_loop3A_1101, %parallel_loop3A_1102, %parallel_loop3A_1103, %parallel_loop3A_1104] {strides = array<i32>} : memref<3x4x8x1024xf32, #tpu.memory_space<vmem>>, vector<1x1x1x16xf32>,
        %parallel_loop3A_1106 = vector.shape_cast %parallel_loop3A_1105 : vector<1x1x1x16xf32> to vector<16xf32>
        %parallel_loop3A_1107 = vector.shape_cast %parallel_loop3A_1083 : vector<16xf32> to vector<1x1x1x16xf32>
        tpu.vector_store %arg8[%parallel_loop3A_1101, %parallel_loop3A_1102, %parallel_loop3A_1103, %parallel_loop3A_1104], %parallel_loop3A_1107 {add = true, strides = array<i32>} : memref<3x4x8x1024xf32, #tpu.memory_space<vmem>>, vector<1x1x1x16xf32>,
        %parallel_loop3A_1108 = arith.constant 3 : i32
        %parallel_loop3A_1109 = arith.index_cast %rem3A_76 : i32 to index
        %parallel_loop3A_1110 = arith.index_cast %parallel_loop3A_1108 : i32 to index
        %parallel_loop3A_1111 = arith.index_cast %parallel_loop3A_140 : i32 to index
        %parallel_loop3A_1112 = arith.constant 384 : index
        %parallel_loop3A_1113 = tpu.vector_load %arg8[%parallel_loop3A_1109, %parallel_loop3A_1110, %parallel_loop3A_1111, %parallel_loop3A_1112] {strides = array<i32>} : memref<3x4x8x1024xf32, #tpu.memory_space<vmem>>, vector<1x1x1x16xf32>,
        %parallel_loop3A_1114 = vector.shape_cast %parallel_loop3A_1113 : vector<1x1x1x16xf32> to vector<16xf32>
        %parallel_loop3A_1115 = vector.shape_cast %parallel_loop3A_1083 : vector<16xf32> to vector<1x1x1x16xf32>
        tpu.vector_store %arg8[%parallel_loop3A_1109, %parallel_loop3A_1110, %parallel_loop3A_1111, %parallel_loop3A_1112], %parallel_loop3A_1115 {add = true, strides = array<i32>} : memref<3x4x8x1024xf32, #tpu.memory_space<vmem>>, vector<1x1x1x16xf32>,
        %parallel_loop3A_1116 = arith.constant 8 : i32
        %parallel_loop3A_1117 = arith.muli %rem3A_74, %parallel_loop3A_1116 : i32
        %parallel_loop3A_1118 = arith.addi %parallel_loop3A_1117, %parallel_loop3A_140 : i32
        %parallel_loop3A_1119 = arith.index_cast %parallel_loop3A_1118 : i32 to index
        %parallel_loop3A_1120 = arith.constant 400 : index
        %parallel_loop3A_1121 = tpu.vector_load %arg7[%parallel_loop3A_1119, %parallel_loop3A_1120] {strides = array<i32>} : memref<16x1024xf32, #tpu.memory_space<vmem>>, vector<1x16xf32>,
        %parallel_loop3A_1122 = vector.shape_cast %parallel_loop3A_1121 : vector<1x16xf32> to vector<16xf32>
        %parallel_loop3A_1123 = arith.constant 0 : i32
        %parallel_loop3A_1124 = arith.index_cast %rem3A_76 : i32 to index
        %parallel_loop3A_1125 = arith.index_cast %parallel_loop3A_1123 : i32 to index
        %parallel_loop3A_1126 = arith.index_cast %parallel_loop3A_140 : i32 to index
        %parallel_loop3A_1127 = arith.constant 400 : index
        %parallel_loop3A_1128 = tpu.vector_load %arg8[%parallel_loop3A_1124, %parallel_loop3A_1125, %parallel_loop3A_1126, %parallel_loop3A_1127] {strides = array<i32>} : memref<3x4x8x1024xf32, #tpu.memory_space<vmem>>, vector<1x1x1x16xf32>,
        %parallel_loop3A_1129 = vector.shape_cast %parallel_loop3A_1128 : vector<1x1x1x16xf32> to vector<16xf32>
        %parallel_loop3A_1130 = vector.shape_cast %parallel_loop3A_1122 : vector<16xf32> to vector<1x1x1x16xf32>
        tpu.vector_store %arg8[%parallel_loop3A_1124, %parallel_loop3A_1125, %parallel_loop3A_1126, %parallel_loop3A_1127], %parallel_loop3A_1130 {add = true, strides = array<i32>} : memref<3x4x8x1024xf32, #tpu.memory_space<vmem>>, vector<1x1x1x16xf32>,
        %parallel_loop3A_1131 = arith.constant 1 : i32
        %parallel_loop3A_1132 = arith.index_cast %rem3A_76 : i32 to index
        %parallel_loop3A_1133 = arith.index_cast %parallel_loop3A_1131 : i32 to index
        %parallel_loop3A_1134 = arith.index_cast %parallel_loop3A_140 : i32 to index
        %parallel_loop3A_1135 = arith.constant 400 : index
        %parallel_loop3A_1136 = tpu.vector_load %arg8[%parallel_loop3A_1132, %parallel_loop3A_1133, %parallel_loop3A_1134, %parallel_loop3A_1135] {strides = array<i32>} : memref<3x4x8x1024xf32, #tpu.memory_space<vmem>>, vector<1x1x1x16xf32>,
        %parallel_loop3A_1137 = vector.shape_cast %parallel_loop3A_1136 : vector<1x1x1x16xf32> to vector<16xf32>
        %parallel_loop3A_1138 = vector.shape_cast %parallel_loop3A_1122 : vector<16xf32> to vector<1x1x1x16xf32>
        tpu.vector_store %arg8[%parallel_loop3A_1132, %parallel_loop3A_1133, %parallel_loop3A_1134, %parallel_loop3A_1135], %parallel_loop3A_1138 {add = true, strides = array<i32>} : memref<3x4x8x1024xf32, #tpu.memory_space<vmem>>, vector<1x1x1x16xf32>,
        %parallel_loop3A_1139 = arith.constant 2 : i32
        %parallel_loop3A_1140 = arith.index_cast %rem3A_76 : i32 to index
        %parallel_loop3A_1141 = arith.index_cast %parallel_loop3A_1139 : i32 to index
        %parallel_loop3A_1142 = arith.index_cast %parallel_loop3A_140 : i32 to index
        %parallel_loop3A_1143 = arith.constant 400 : index
        %parallel_loop3A_1144 = tpu.vector_load %arg8[%parallel_loop3A_1140, %parallel_loop3A_1141, %parallel_loop3A_1142, %parallel_loop3A_1143] {strides = array<i32>} : memref<3x4x8x1024xf32, #tpu.memory_space<vmem>>, vector<1x1x1x16xf32>,
        %parallel_loop3A_1145 = vector.shape_cast %parallel_loop3A_1144 : vector<1x1x1x16xf32> to vector<16xf32>
        %parallel_loop3A_1146 = vector.shape_cast %parallel_loop3A_1122 : vector<16xf32> to vector<1x1x1x16xf32>
        tpu.vector_store %arg8[%parallel_loop3A_1140, %parallel_loop3A_1141, %parallel_loop3A_1142, %parallel_loop3A_1143], %parallel_loop3A_1146 {add = true, strides = array<i32>} : memref<3x4x8x1024xf32, #tpu.memory_space<vmem>>, vector<1x1x1x16xf32>,
        %parallel_loop3A_1147 = arith.constant 3 : i32
        %parallel_loop3A_1148 = arith.index_cast %rem3A_76 : i32 to index
        %parallel_loop3A_1149 = arith.index_cast %parallel_loop3A_1147 : i32 to index
        %parallel_loop3A_1150 = arith.index_cast %parallel_loop3A_140 : i32 to index
        %parallel_loop3A_1151 = arith.constant 400 : index
        %parallel_loop3A_1152 = tpu.vector_load %arg8[%parallel_loop3A_1148, %parallel_loop3A_1149, %parallel_loop3A_1150, %parallel_loop3A_1151] {strides = array<i32>} : memref<3x4x8x1024xf32, #tpu.memory_space<vmem>>, vector<1x1x1x16xf32>,
        %parallel_loop3A_1153 = vector.shape_cast %parallel_loop3A_1152 : vector<1x1x1x16xf32> to vector<16xf32>
        %parallel_loop3A_1154 = vector.shape_cast %parallel_loop3A_1122 : vector<16xf32> to vector<1x1x1x16xf32>
        tpu.vector_store %arg8[%parallel_loop3A_1148, %parallel_loop3A_1149, %parallel_loop3A_1150, %parallel_loop3A_1151], %parallel_loop3A_1154 {add = true, strides = array<i32>} : memref<3x4x8x1024xf32, #tpu.memory_space<vmem>>, vector<1x1x1x16xf32>,
        %parallel_loop3A_1155 = arith.constant 8 : i32
        %parallel_loop3A_1156 = arith.muli %rem3A_74, %parallel_loop3A_1155 : i32
        %parallel_loop3A_1157 = arith.addi %parallel_loop3A_1156, %parallel_loop3A_140 : i32
        %parallel_loop3A_1158 = arith.index_cast %parallel_loop3A_1157 : i32 to index
        %parallel_loop3A_1159 = arith.constant 416 : index
        %parallel_loop3A_1160 = tpu.vector_load %arg7[%parallel_loop3A_1158, %parallel_loop3A_1159] {strides = array<i32>} : memref<16x1024xf32, #tpu.memory_space<vmem>>, vector<1x16xf32>,
        %parallel_loop3A_1161 = vector.shape_cast %parallel_loop3A_1160 : vector<1x16xf32> to vector<16xf32>
        %parallel_loop3A_1162 = arith.constant 0 : i32
        %parallel_loop3A_1163 = arith.index_cast %rem3A_76 : i32 to index
        %parallel_loop3A_1164 = arith.index_cast %parallel_loop3A_1162 : i32 to index
        %parallel_loop3A_1165 = arith.index_cast %parallel_loop3A_140 : i32 to index
        %parallel_loop3A_1166 = arith.constant 416 : index
        %parallel_loop3A_1167 = tpu.vector_load %arg8[%parallel_loop3A_1163, %parallel_loop3A_1164, %parallel_loop3A_1165, %parallel_loop3A_1166] {strides = array<i32>} : memref<3x4x8x1024xf32, #tpu.memory_space<vmem>>, vector<1x1x1x16xf32>,
        %parallel_loop3A_1168 = vector.shape_cast %parallel_loop3A_1167 : vector<1x1x1x16xf32> to vector<16xf32>
        %parallel_loop3A_1169 = vector.shape_cast %parallel_loop3A_1161 : vector<16xf32> to vector<1x1x1x16xf32>
        tpu.vector_store %arg8[%parallel_loop3A_1163, %parallel_loop3A_1164, %parallel_loop3A_1165, %parallel_loop3A_1166], %parallel_loop3A_1169 {add = true, strides = array<i32>} : memref<3x4x8x1024xf32, #tpu.memory_space<vmem>>, vector<1x1x1x16xf32>,
        %parallel_loop3A_1170 = arith.constant 1 : i32
        %parallel_loop3A_1171 = arith.index_cast %rem3A_76 : i32 to index
        %parallel_loop3A_1172 = arith.index_cast %parallel_loop3A_1170 : i32 to index
        %parallel_loop3A_1173 = arith.index_cast %parallel_loop3A_140 : i32 to index
        %parallel_loop3A_1174 = arith.constant 416 : index
        %parallel_loop3A_1175 = tpu.vector_load %arg8[%parallel_loop3A_1171, %parallel_loop3A_1172, %parallel_loop3A_1173, %parallel_loop3A_1174] {strides = array<i32>} : memref<3x4x8x1024xf32, #tpu.memory_space<vmem>>, vector<1x1x1x16xf32>,
        %parallel_loop3A_1176 = vector.shape_cast %parallel_loop3A_1175 : vector<1x1x1x16xf32> to vector<16xf32>
        %parallel_loop3A_1177 = vector.shape_cast %parallel_loop3A_1161 : vector<16xf32> to vector<1x1x1x16xf32>
        tpu.vector_store %arg8[%parallel_loop3A_1171, %parallel_loop3A_1172, %parallel_loop3A_1173, %parallel_loop3A_1174], %parallel_loop3A_1177 {add = true, strides = array<i32>} : memref<3x4x8x1024xf32, #tpu.memory_space<vmem>>, vector<1x1x1x16xf32>,
        %parallel_loop3A_1178 = arith.constant 2 : i32
        %parallel_loop3A_1179 = arith.index_cast %rem3A_76 : i32 to index
        %parallel_loop3A_1180 = arith.index_cast %parallel_loop3A_1178 : i32 to index
        %parallel_loop3A_1181 = arith.index_cast %parallel_loop3A_140 : i32 to index
        %parallel_loop3A_1182 = arith.constant 416 : index
        %parallel_loop3A_1183 = tpu.vector_load %arg8[%parallel_loop3A_1179, %parallel_loop3A_1180, %parallel_loop3A_1181, %parallel_loop3A_1182] {strides = array<i32>} : memref<3x4x8x1024xf32, #tpu.memory_space<vmem>>, vector<1x1x1x16xf32>,
        %parallel_loop3A_1184 = vector.shape_cast %parallel_loop3A_1183 : vector<1x1x1x16xf32> to vector<16xf32>
        %parallel_loop3A_1185 = vector.shape_cast %parallel_loop3A_1161 : vector<16xf32> to vector<1x1x1x16xf32>
        tpu.vector_store %arg8[%parallel_loop3A_1179, %parallel_loop3A_1180, %parallel_loop3A_1181, %parallel_loop3A_1182], %parallel_loop3A_1185 {add = true, strides = array<i32>} : memref<3x4x8x1024xf32, #tpu.memory_space<vmem>>, vector<1x1x1x16xf32>,
        %parallel_loop3A_1186 = arith.constant 3 : i32
        %parallel_loop3A_1187 = arith.index_cast %rem3A_76 : i32 to index
        %parallel_loop3A_1188 = arith.index_cast %parallel_loop3A_1186 : i32 to index
        %parallel_loop3A_1189 = arith.index_cast %parallel_loop3A_140 : i32 to index
        %parallel_loop3A_1190 = arith.constant 416 : index
        %parallel_loop3A_1191 = tpu.vector_load %arg8[%parallel_loop3A_1187, %parallel_loop3A_1188, %parallel_loop3A_1189, %parallel_loop3A_1190] {strides = array<i32>} : memref<3x4x8x1024xf32, #tpu.memory_space<vmem>>, vector<1x1x1x16xf32>,
        %parallel_loop3A_1192 = vector.shape_cast %parallel_loop3A_1191 : vector<1x1x1x16xf32> to vector<16xf32>
        %parallel_loop3A_1193 = vector.shape_cast %parallel_loop3A_1161 : vector<16xf32> to vector<1x1x1x16xf32>
        tpu.vector_store %arg8[%parallel_loop3A_1187, %parallel_loop3A_1188, %parallel_loop3A_1189, %parallel_loop3A_1190], %parallel_loop3A_1193 {add = true, strides = array<i32>} : memref<3x4x8x1024xf32, #tpu.memory_space<vmem>>, vector<1x1x1x16xf32>,
        %parallel_loop3A_1194 = arith.constant 8 : i32
        %parallel_loop3A_1195 = arith.muli %rem3A_74, %parallel_loop3A_1194 : i32
        %parallel_loop3A_1196 = arith.addi %parallel_loop3A_1195, %parallel_loop3A_140 : i32
        %parallel_loop3A_1197 = arith.index_cast %parallel_loop3A_1196 : i32 to index
        %parallel_loop3A_1198 = arith.constant 432 : index
        %parallel_loop3A_1199 = tpu.vector_load %arg7[%parallel_loop3A_1197, %parallel_loop3A_1198] {strides = array<i32>} : memref<16x1024xf32, #tpu.memory_space<vmem>>, vector<1x16xf32>,
        %parallel_loop3A_1200 = vector.shape_cast %parallel_loop3A_1199 : vector<1x16xf32> to vector<16xf32>
        %parallel_loop3A_1201 = arith.constant 0 : i32
        %parallel_loop3A_1202 = arith.index_cast %rem3A_76 : i32 to index
        %parallel_loop3A_1203 = arith.index_cast %parallel_loop3A_1201 : i32 to index
        %parallel_loop3A_1204 = arith.index_cast %parallel_loop3A_140 : i32 to index
        %parallel_loop3A_1205 = arith.constant 432 : index
        %parallel_loop3A_1206 = tpu.vector_load %arg8[%parallel_loop3A_1202, %parallel_loop3A_1203, %parallel_loop3A_1204, %parallel_loop3A_1205] {strides = array<i32>} : memref<3x4x8x1024xf32, #tpu.memory_space<vmem>>, vector<1x1x1x16xf32>,
        %parallel_loop3A_1207 = vector.shape_cast %parallel_loop3A_1206 : vector<1x1x1x16xf32> to vector<16xf32>
        %parallel_loop3A_1208 = vector.shape_cast %parallel_loop3A_1200 : vector<16xf32> to vector<1x1x1x16xf32>
        tpu.vector_store %arg8[%parallel_loop3A_1202, %parallel_loop3A_1203, %parallel_loop3A_1204, %parallel_loop3A_1205], %parallel_loop3A_1208 {add = true, strides = array<i32>} : memref<3x4x8x1024xf32, #tpu.memory_space<vmem>>, vector<1x1x1x16xf32>,
        %parallel_loop3A_1209 = arith.constant 1 : i32
        %parallel_loop3A_1210 = arith.index_cast %rem3A_76 : i32 to index
        %parallel_loop3A_1211 = arith.index_cast %parallel_loop3A_1209 : i32 to index
        %parallel_loop3A_1212 = arith.index_cast %parallel_loop3A_140 : i32 to index
        %parallel_loop3A_1213 = arith.constant 432 : index
        %parallel_loop3A_1214 = tpu.vector_load %arg8[%parallel_loop3A_1210, %parallel_loop3A_1211, %parallel_loop3A_1212, %parallel_loop3A_1213] {strides = array<i32>} : memref<3x4x8x1024xf32, #tpu.memory_space<vmem>>, vector<1x1x1x16xf32>,
        %parallel_loop3A_1215 = vector.shape_cast %parallel_loop3A_1214 : vector<1x1x1x16xf32> to vector<16xf32>
        %parallel_loop3A_1216 = vector.shape_cast %parallel_loop3A_1200 : vector<16xf32> to vector<1x1x1x16xf32>
        tpu.vector_store %arg8[%parallel_loop3A_1210, %parallel_loop3A_1211, %parallel_loop3A_1212, %parallel_loop3A_1213], %parallel_loop3A_1216 {add = true, strides = array<i32>} : memref<3x4x8x1024xf32, #tpu.memory_space<vmem>>, vector<1x1x1x16xf32>,
        %parallel_loop3A_1217 = arith.constant 2 : i32
        %parallel_loop3A_1218 = arith.index_cast %rem3A_76 : i32 to index
        %parallel_loop3A_1219 = arith.index_cast %parallel_loop3A_1217 : i32 to index
        %parallel_loop3A_1220 = arith.index_cast %parallel_loop3A_140 : i32 to index
        %parallel_loop3A_1221 = arith.constant 432 : index
        %parallel_loop3A_1222 = tpu.vector_load %arg8[%parallel_loop3A_1218, %parallel_loop3A_1219, %parallel_loop3A_1220, %parallel_loop3A_1221] {strides = array<i32>} : memref<3x4x8x1024xf32, #tpu.memory_space<vmem>>, vector<1x1x1x16xf32>,
        %parallel_loop3A_1223 = vector.shape_cast %parallel_loop3A_1222 : vector<1x1x1x16xf32> to vector<16xf32>
        %parallel_loop3A_1224 = vector.shape_cast %parallel_loop3A_1200 : vector<16xf32> to vector<1x1x1x16xf32>
        tpu.vector_store %arg8[%parallel_loop3A_1218, %parallel_loop3A_1219, %parallel_loop3A_1220, %parallel_loop3A_1221], %parallel_loop3A_1224 {add = true, strides = array<i32>} : memref<3x4x8x1024xf32, #tpu.memory_space<vmem>>, vector<1x1x1x16xf32>,
        %parallel_loop3A_1225 = arith.constant 3 : i32
        %parallel_loop3A_1226 = arith.index_cast %rem3A_76 : i32 to index
        %parallel_loop3A_1227 = arith.index_cast %parallel_loop3A_1225 : i32 to index
        %parallel_loop3A_1228 = arith.index_cast %parallel_loop3A_140 : i32 to index
        %parallel_loop3A_1229 = arith.constant 432 : index
        %parallel_loop3A_1230 = tpu.vector_load %arg8[%parallel_loop3A_1226, %parallel_loop3A_1227, %parallel_loop3A_1228, %parallel_loop3A_1229] {strides = array<i32>} : memref<3x4x8x1024xf32, #tpu.memory_space<vmem>>, vector<1x1x1x16xf32>,
        %parallel_loop3A_1231 = vector.shape_cast %parallel_loop3A_1230 : vector<1x1x1x16xf32> to vector<16xf32>
        %parallel_loop3A_1232 = vector.shape_cast %parallel_loop3A_1200 : vector<16xf32> to vector<1x1x1x16xf32>
        tpu.vector_store %arg8[%parallel_loop3A_1226, %parallel_loop3A_1227, %parallel_loop3A_1228, %parallel_loop3A_1229], %parallel_loop3A_1232 {add = true, strides = array<i32>} : memref<3x4x8x1024xf32, #tpu.memory_space<vmem>>, vector<1x1x1x16xf32>,
        %parallel_loop3A_1233 = arith.constant 8 : i32
        %parallel_loop3A_1234 = arith.muli %rem3A_74, %parallel_loop3A_1233 : i32
        %parallel_loop3A_1235 = arith.addi %parallel_loop3A_1234, %parallel_loop3A_140 : i32
        %parallel_loop3A_1236 = arith.index_cast %parallel_loop3A_1235 : i32 to index
        %parallel_loop3A_1237 = arith.constant 448 : index
        %parallel_loop3A_1238 = tpu.vector_load %arg7[%parallel_loop3A_1236, %parallel_loop3A_1237] {strides = array<i32>} : memref<16x1024xf32, #tpu.memory_space<vmem>>, vector<1x16xf32>,
        %parallel_loop3A_1239 = vector.shape_cast %parallel_loop3A_1238 : vector<1x16xf32> to vector<16xf32>
        %parallel_loop3A_1240 = arith.constant 0 : i32
        %parallel_loop3A_1241 = arith.index_cast %rem3A_76 : i32 to index
        %parallel_loop3A_1242 = arith.index_cast %parallel_loop3A_1240 : i32 to index
        %parallel_loop3A_1243 = arith.index_cast %parallel_loop3A_140 : i32 to index
        %parallel_loop3A_1244 = arith.constant 448 : index
        %parallel_loop3A_1245 = tpu.vector_load %arg8[%parallel_loop3A_1241, %parallel_loop3A_1242, %parallel_loop3A_1243, %parallel_loop3A_1244] {strides = array<i32>} : memref<3x4x8x1024xf32, #tpu.memory_space<vmem>>, vector<1x1x1x16xf32>,
        %parallel_loop3A_1246 = vector.shape_cast %parallel_loop3A_1245 : vector<1x1x1x16xf32> to vector<16xf32>
        %parallel_loop3A_1247 = vector.shape_cast %parallel_loop3A_1239 : vector<16xf32> to vector<1x1x1x16xf32>
        tpu.vector_store %arg8[%parallel_loop3A_1241, %parallel_loop3A_1242, %parallel_loop3A_1243, %parallel_loop3A_1244], %parallel_loop3A_1247 {add = true, strides = array<i32>} : memref<3x4x8x1024xf32, #tpu.memory_space<vmem>>, vector<1x1x1x16xf32>,
        %parallel_loop3A_1248 = arith.constant 1 : i32
        %parallel_loop3A_1249 = arith.index_cast %rem3A_76 : i32 to index
        %parallel_loop3A_1250 = arith.index_cast %parallel_loop3A_1248 : i32 to index
        %parallel_loop3A_1251 = arith.index_cast %parallel_loop3A_140 : i32 to index
        %parallel_loop3A_1252 = arith.constant 448 : index
        %parallel_loop3A_1253 = tpu.vector_load %arg8[%parallel_loop3A_1249, %parallel_loop3A_1250, %parallel_loop3A_1251, %parallel_loop3A_1252] {strides = array<i32>} : memref<3x4x8x1024xf32, #tpu.memory_space<vmem>>, vector<1x1x1x16xf32>,
        %parallel_loop3A_1254 = vector.shape_cast %parallel_loop3A_1253 : vector<1x1x1x16xf32> to vector<16xf32>
        %parallel_loop3A_1255 = vector.shape_cast %parallel_loop3A_1239 : vector<16xf32> to vector<1x1x1x16xf32>
        tpu.vector_store %arg8[%parallel_loop3A_1249, %parallel_loop3A_1250, %parallel_loop3A_1251, %parallel_loop3A_1252], %parallel_loop3A_1255 {add = true, strides = array<i32>} : memref<3x4x8x1024xf32, #tpu.memory_space<vmem>>, vector<1x1x1x16xf32>,
        %parallel_loop3A_1256 = arith.constant 2 : i32
        %parallel_loop3A_1257 = arith.index_cast %rem3A_76 : i32 to index
        %parallel_loop3A_1258 = arith.index_cast %parallel_loop3A_1256 : i32 to index
        %parallel_loop3A_1259 = arith.index_cast %parallel_loop3A_140 : i32 to index
        %parallel_loop3A_1260 = arith.constant 448 : index
        %parallel_loop3A_1261 = tpu.vector_load %arg8[%parallel_loop3A_1257, %parallel_loop3A_1258, %parallel_loop3A_1259, %parallel_loop3A_1260] {strides = array<i32>} : memref<3x4x8x1024xf32, #tpu.memory_space<vmem>>, vector<1x1x1x16xf32>,
        %parallel_loop3A_1262 = vector.shape_cast %parallel_loop3A_1261 : vector<1x1x1x16xf32> to vector<16xf32>
        %parallel_loop3A_1263 = vector.shape_cast %parallel_loop3A_1239 : vector<16xf32> to vector<1x1x1x16xf32>
        tpu.vector_store %arg8[%parallel_loop3A_1257, %parallel_loop3A_1258, %parallel_loop3A_1259, %parallel_loop3A_1260], %parallel_loop3A_1263 {add = true, strides = array<i32>} : memref<3x4x8x1024xf32, #tpu.memory_space<vmem>>, vector<1x1x1x16xf32>,
        %parallel_loop3A_1264 = arith.constant 3 : i32
        %parallel_loop3A_1265 = arith.index_cast %rem3A_76 : i32 to index
        %parallel_loop3A_1266 = arith.index_cast %parallel_loop3A_1264 : i32 to index
        %parallel_loop3A_1267 = arith.index_cast %parallel_loop3A_140 : i32 to index
        %parallel_loop3A_1268 = arith.constant 448 : index
        %parallel_loop3A_1269 = tpu.vector_load %arg8[%parallel_loop3A_1265, %parallel_loop3A_1266, %parallel_loop3A_1267, %parallel_loop3A_1268] {strides = array<i32>} : memref<3x4x8x1024xf32, #tpu.memory_space<vmem>>, vector<1x1x1x16xf32>,
        %parallel_loop3A_1270 = vector.shape_cast %parallel_loop3A_1269 : vector<1x1x1x16xf32> to vector<16xf32>
        %parallel_loop3A_1271 = vector.shape_cast %parallel_loop3A_1239 : vector<16xf32> to vector<1x1x1x16xf32>
        tpu.vector_store %arg8[%parallel_loop3A_1265, %parallel_loop3A_1266, %parallel_loop3A_1267, %parallel_loop3A_1268], %parallel_loop3A_1271 {add = true, strides = array<i32>} : memref<3x4x8x1024xf32, #tpu.memory_space<vmem>>, vector<1x1x1x16xf32>,
        %parallel_loop3A_1272 = arith.constant 8 : i32
        %parallel_loop3A_1273 = arith.muli %rem3A_74, %parallel_loop3A_1272 : i32
        %parallel_loop3A_1274 = arith.addi %parallel_loop3A_1273, %parallel_loop3A_140 : i32
        %parallel_loop3A_1275 = arith.index_cast %parallel_loop3A_1274 : i32 to index
        %parallel_loop3A_1276 = arith.constant 464 : index
        %parallel_loop3A_1277 = tpu.vector_load %arg7[%parallel_loop3A_1275, %parallel_loop3A_1276] {strides = array<i32>} : memref<16x1024xf32, #tpu.memory_space<vmem>>, vector<1x16xf32>,
        %parallel_loop3A_1278 = vector.shape_cast %parallel_loop3A_1277 : vector<1x16xf32> to vector<16xf32>
        %parallel_loop3A_1279 = arith.constant 0 : i32
        %parallel_loop3A_1280 = arith.index_cast %rem3A_76 : i32 to index
        %parallel_loop3A_1281 = arith.index_cast %parallel_loop3A_1279 : i32 to index
        %parallel_loop3A_1282 = arith.index_cast %parallel_loop3A_140 : i32 to index
        %parallel_loop3A_1283 = arith.constant 464 : index
        %parallel_loop3A_1284 = tpu.vector_load %arg8[%parallel_loop3A_1280, %parallel_loop3A_1281, %parallel_loop3A_1282, %parallel_loop3A_1283] {strides = array<i32>} : memref<3x4x8x1024xf32, #tpu.memory_space<vmem>>, vector<1x1x1x16xf32>,
        %parallel_loop3A_1285 = vector.shape_cast %parallel_loop3A_1284 : vector<1x1x1x16xf32> to vector<16xf32>
        %parallel_loop3A_1286 = vector.shape_cast %parallel_loop3A_1278 : vector<16xf32> to vector<1x1x1x16xf32>
        tpu.vector_store %arg8[%parallel_loop3A_1280, %parallel_loop3A_1281, %parallel_loop3A_1282, %parallel_loop3A_1283], %parallel_loop3A_1286 {add = true, strides = array<i32>} : memref<3x4x8x1024xf32, #tpu.memory_space<vmem>>, vector<1x1x1x16xf32>,
        %parallel_loop3A_1287 = arith.constant 1 : i32
        %parallel_loop3A_1288 = arith.index_cast %rem3A_76 : i32 to index
        %parallel_loop3A_1289 = arith.index_cast %parallel_loop3A_1287 : i32 to index
        %parallel_loop3A_1290 = arith.index_cast %parallel_loop3A_140 : i32 to index
        %parallel_loop3A_1291 = arith.constant 464 : index
        %parallel_loop3A_1292 = tpu.vector_load %arg8[%parallel_loop3A_1288, %parallel_loop3A_1289, %parallel_loop3A_1290, %parallel_loop3A_1291] {strides = array<i32>} : memref<3x4x8x1024xf32, #tpu.memory_space<vmem>>, vector<1x1x1x16xf32>,
        %parallel_loop3A_1293 = vector.shape_cast %parallel_loop3A_1292 : vector<1x1x1x16xf32> to vector<16xf32>
        %parallel_loop3A_1294 = vector.shape_cast %parallel_loop3A_1278 : vector<16xf32> to vector<1x1x1x16xf32>
        tpu.vector_store %arg8[%parallel_loop3A_1288, %parallel_loop3A_1289, %parallel_loop3A_1290, %parallel_loop3A_1291], %parallel_loop3A_1294 {add = true, strides = array<i32>} : memref<3x4x8x1024xf32, #tpu.memory_space<vmem>>, vector<1x1x1x16xf32>,
        %parallel_loop3A_1295 = arith.constant 2 : i32
        %parallel_loop3A_1296 = arith.index_cast %rem3A_76 : i32 to index
        %parallel_loop3A_1297 = arith.index_cast %parallel_loop3A_1295 : i32 to index
        %parallel_loop3A_1298 = arith.index_cast %parallel_loop3A_140 : i32 to index
        %parallel_loop3A_1299 = arith.constant 464 : index
        %parallel_loop3A_1300 = tpu.vector_load %arg8[%parallel_loop3A_1296, %parallel_loop3A_1297, %parallel_loop3A_1298, %parallel_loop3A_1299] {strides = array<i32>} : memref<3x4x8x1024xf32, #tpu.memory_space<vmem>>, vector<1x1x1x16xf32>,
        %parallel_loop3A_1301 = vector.shape_cast %parallel_loop3A_1300 : vector<1x1x1x16xf32> to vector<16xf32>
        %parallel_loop3A_1302 = vector.shape_cast %parallel_loop3A_1278 : vector<16xf32> to vector<1x1x1x16xf32>
        tpu.vector_store %arg8[%parallel_loop3A_1296, %parallel_loop3A_1297, %parallel_loop3A_1298, %parallel_loop3A_1299], %parallel_loop3A_1302 {add = true, strides = array<i32>} : memref<3x4x8x1024xf32, #tpu.memory_space<vmem>>, vector<1x1x1x16xf32>,
        %parallel_loop3A_1303 = arith.constant 3 : i32
        %parallel_loop3A_1304 = arith.index_cast %rem3A_76 : i32 to index
        %parallel_loop3A_1305 = arith.index_cast %parallel_loop3A_1303 : i32 to index
        %parallel_loop3A_1306 = arith.index_cast %parallel_loop3A_140 : i32 to index
        %parallel_loop3A_1307 = arith.constant 464 : index
        %parallel_loop3A_1308 = tpu.vector_load %arg8[%parallel_loop3A_1304, %parallel_loop3A_1305, %parallel_loop3A_1306, %parallel_loop3A_1307] {strides = array<i32>} : memref<3x4x8x1024xf32, #tpu.memory_space<vmem>>, vector<1x1x1x16xf32>,
        %parallel_loop3A_1309 = vector.shape_cast %parallel_loop3A_1308 : vector<1x1x1x16xf32> to vector<16xf32>
        %parallel_loop3A_1310 = vector.shape_cast %parallel_loop3A_1278 : vector<16xf32> to vector<1x1x1x16xf32>
        tpu.vector_store %arg8[%parallel_loop3A_1304, %parallel_loop3A_1305, %parallel_loop3A_1306, %parallel_loop3A_1307], %parallel_loop3A_1310 {add = true, strides = array<i32>} : memref<3x4x8x1024xf32, #tpu.memory_space<vmem>>, vector<1x1x1x16xf32>,
        %parallel_loop3A_1311 = arith.constant 8 : i32
        %parallel_loop3A_1312 = arith.muli %rem3A_74, %parallel_loop3A_1311 : i32
        %parallel_loop3A_1313 = arith.addi %parallel_loop3A_1312, %parallel_loop3A_140 : i32
        %parallel_loop3A_1314 = arith.index_cast %parallel_loop3A_1313 : i32 to index
        %parallel_loop3A_1315 = arith.constant 480 : index
        %parallel_loop3A_1316 = tpu.vector_load %arg7[%parallel_loop3A_1314, %parallel_loop3A_1315] {strides = array<i32>} : memref<16x1024xf32, #tpu.memory_space<vmem>>, vector<1x16xf32>,
        %parallel_loop3A_1317 = vector.shape_cast %parallel_loop3A_1316 : vector<1x16xf32> to vector<16xf32>
        %parallel_loop3A_1318 = arith.constant 0 : i32
        %parallel_loop3A_1319 = arith.index_cast %rem3A_76 : i32 to index
        %parallel_loop3A_1320 = arith.index_cast %parallel_loop3A_1318 : i32 to index
        %parallel_loop3A_1321 = arith.index_cast %parallel_loop3A_140 : i32 to index
        %parallel_loop3A_1322 = arith.constant 480 : index
        %parallel_loop3A_1323 = tpu.vector_load %arg8[%parallel_loop3A_1319, %parallel_loop3A_1320, %parallel_loop3A_1321, %parallel_loop3A_1322] {strides = array<i32>} : memref<3x4x8x1024xf32, #tpu.memory_space<vmem>>, vector<1x1x1x16xf32>,
        %parallel_loop3A_1324 = vector.shape_cast %parallel_loop3A_1323 : vector<1x1x1x16xf32> to vector<16xf32>
        %parallel_loop3A_1325 = vector.shape_cast %parallel_loop3A_1317 : vector<16xf32> to vector<1x1x1x16xf32>
        tpu.vector_store %arg8[%parallel_loop3A_1319, %parallel_loop3A_1320, %parallel_loop3A_1321, %parallel_loop3A_1322], %parallel_loop3A_1325 {add = true, strides = array<i32>} : memref<3x4x8x1024xf32, #tpu.memory_space<vmem>>, vector<1x1x1x16xf32>,
        %parallel_loop3A_1326 = arith.constant 1 : i32
        %parallel_loop3A_1327 = arith.index_cast %rem3A_76 : i32 to index
        %parallel_loop3A_1328 = arith.index_cast %parallel_loop3A_1326 : i32 to index
        %parallel_loop3A_1329 = arith.index_cast %parallel_loop3A_140 : i32 to index
        %parallel_loop3A_1330 = arith.constant 480 : index
        %parallel_loop3A_1331 = tpu.vector_load %arg8[%parallel_loop3A_1327, %parallel_loop3A_1328, %parallel_loop3A_1329, %parallel_loop3A_1330] {strides = array<i32>} : memref<3x4x8x1024xf32, #tpu.memory_space<vmem>>, vector<1x1x1x16xf32>,
        %parallel_loop3A_1332 = vector.shape_cast %parallel_loop3A_1331 : vector<1x1x1x16xf32> to vector<16xf32>
        %parallel_loop3A_1333 = vector.shape_cast %parallel_loop3A_1317 : vector<16xf32> to vector<1x1x1x16xf32>
        tpu.vector_store %arg8[%parallel_loop3A_1327, %parallel_loop3A_1328, %parallel_loop3A_1329, %parallel_loop3A_1330], %parallel_loop3A_1333 {add = true, strides = array<i32>} : memref<3x4x8x1024xf32, #tpu.memory_space<vmem>>, vector<1x1x1x16xf32>,
        %parallel_loop3A_1334 = arith.constant 2 : i32
        %parallel_loop3A_1335 = arith.index_cast %rem3A_76 : i32 to index
        %parallel_loop3A_1336 = arith.index_cast %parallel_loop3A_1334 : i32 to index
        %parallel_loop3A_1337 = arith.index_cast %parallel_loop3A_140 : i32 to index
        %parallel_loop3A_1338 = arith.constant 480 : index
        %parallel_loop3A_1339 = tpu.vector_load %arg8[%parallel_loop3A_1335, %parallel_loop3A_1336, %parallel_loop3A_1337, %parallel_loop3A_1338] {strides = array<i32>} : memref<3x4x8x1024xf32, #tpu.memory_space<vmem>>, vector<1x1x1x16xf32>,
        %parallel_loop3A_1340 = vector.shape_cast %parallel_loop3A_1339 : vector<1x1x1x16xf32> to vector<16xf32>
        %parallel_loop3A_1341 = vector.shape_cast %parallel_loop3A_1317 : vector<16xf32> to vector<1x1x1x16xf32>
        tpu.vector_store %arg8[%parallel_loop3A_1335, %parallel_loop3A_1336, %parallel_loop3A_1337, %parallel_loop3A_1338], %parallel_loop3A_1341 {add = true, strides = array<i32>} : memref<3x4x8x1024xf32, #tpu.memory_space<vmem>>, vector<1x1x1x16xf32>,
        %parallel_loop3A_1342 = arith.constant 3 : i32
        %parallel_loop3A_1343 = arith.index_cast %rem3A_76 : i32 to index
        %parallel_loop3A_1344 = arith.index_cast %parallel_loop3A_1342 : i32 to index
        %parallel_loop3A_1345 = arith.index_cast %parallel_loop3A_140 : i32 to index
        %parallel_loop3A_1346 = arith.constant 480 : index
        %parallel_loop3A_1347 = tpu.vector_load %arg8[%parallel_loop3A_1343, %parallel_loop3A_1344, %parallel_loop3A_1345, %parallel_loop3A_1346] {strides = array<i32>} : memref<3x4x8x1024xf32, #tpu.memory_space<vmem>>, vector<1x1x1x16xf32>,
        %parallel_loop3A_1348 = vector.shape_cast %parallel_loop3A_1347 : vector<1x1x1x16xf32> to vector<16xf32>
        %parallel_loop3A_1349 = vector.shape_cast %parallel_loop3A_1317 : vector<16xf32> to vector<1x1x1x16xf32>
        tpu.vector_store %arg8[%parallel_loop3A_1343, %parallel_loop3A_1344, %parallel_loop3A_1345, %parallel_loop3A_1346], %parallel_loop3A_1349 {add = true, strides = array<i32>} : memref<3x4x8x1024xf32, #tpu.memory_space<vmem>>, vector<1x1x1x16xf32>,
        %parallel_loop3A_1350 = arith.constant 8 : i32
        %parallel_loop3A_1351 = arith.muli %rem3A_74, %parallel_loop3A_1350 : i32
        %parallel_loop3A_1352 = arith.addi %parallel_loop3A_1351, %parallel_loop3A_140 : i32
        %parallel_loop3A_1353 = arith.index_cast %parallel_loop3A_1352 : i32 to index
        %parallel_loop3A_1354 = arith.constant 496 : index
        %parallel_loop3A_1355 = tpu.vector_load %arg7[%parallel_loop3A_1353, %parallel_loop3A_1354] {strides = array<i32>} : memref<16x1024xf32, #tpu.memory_space<vmem>>, vector<1x16xf32>,
        %parallel_loop3A_1356 = vector.shape_cast %parallel_loop3A_1355 : vector<1x16xf32> to vector<16xf32>
        %parallel_loop3A_1357 = arith.constant 0 : i32
        %parallel_loop3A_1358 = arith.index_cast %rem3A_76 : i32 to index
        %parallel_loop3A_1359 = arith.index_cast %parallel_loop3A_1357 : i32 to index
        %parallel_loop3A_1360 = arith.index_cast %parallel_loop3A_140 : i32 to index
        %parallel_loop3A_1361 = arith.constant 496 : index
        %parallel_loop3A_1362 = tpu.vector_load %arg8[%parallel_loop3A_1358, %parallel_loop3A_1359, %parallel_loop3A_1360, %parallel_loop3A_1361] {strides = array<i32>} : memref<3x4x8x1024xf32, #tpu.memory_space<vmem>>, vector<1x1x1x16xf32>,
        %parallel_loop3A_1363 = vector.shape_cast %parallel_loop3A_1362 : vector<1x1x1x16xf32> to vector<16xf32>
        %parallel_loop3A_1364 = vector.shape_cast %parallel_loop3A_1356 : vector<16xf32> to vector<1x1x1x16xf32>
        tpu.vector_store %arg8[%parallel_loop3A_1358, %parallel_loop3A_1359, %parallel_loop3A_1360, %parallel_loop3A_1361], %parallel_loop3A_1364 {add = true, strides = array<i32>} : memref<3x4x8x1024xf32, #tpu.memory_space<vmem>>, vector<1x1x1x16xf32>,
        %parallel_loop3A_1365 = arith.constant 1 : i32
        %parallel_loop3A_1366 = arith.index_cast %rem3A_76 : i32 to index
        %parallel_loop3A_1367 = arith.index_cast %parallel_loop3A_1365 : i32 to index
        %parallel_loop3A_1368 = arith.index_cast %parallel_loop3A_140 : i32 to index
        %parallel_loop3A_1369 = arith.constant 496 : index
        %parallel_loop3A_1370 = tpu.vector_load %arg8[%parallel_loop3A_1366, %parallel_loop3A_1367, %parallel_loop3A_1368, %parallel_loop3A_1369] {strides = array<i32>} : memref<3x4x8x1024xf32, #tpu.memory_space<vmem>>, vector<1x1x1x16xf32>,
        %parallel_loop3A_1371 = vector.shape_cast %parallel_loop3A_1370 : vector<1x1x1x16xf32> to vector<16xf32>
        %parallel_loop3A_1372 = vector.shape_cast %parallel_loop3A_1356 : vector<16xf32> to vector<1x1x1x16xf32>
        tpu.vector_store %arg8[%parallel_loop3A_1366, %parallel_loop3A_1367, %parallel_loop3A_1368, %parallel_loop3A_1369], %parallel_loop3A_1372 {add = true, strides = array<i32>} : memref<3x4x8x1024xf32, #tpu.memory_space<vmem>>, vector<1x1x1x16xf32>,
        %parallel_loop3A_1373 = arith.constant 2 : i32
        %parallel_loop3A_1374 = arith.index_cast %rem3A_76 : i32 to index
        %parallel_loop3A_1375 = arith.index_cast %parallel_loop3A_1373 : i32 to index
        %parallel_loop3A_1376 = arith.index_cast %parallel_loop3A_140 : i32 to index
        %parallel_loop3A_1377 = arith.constant 496 : index
        %parallel_loop3A_1378 = tpu.vector_load %arg8[%parallel_loop3A_1374, %parallel_loop3A_1375, %parallel_loop3A_1376, %parallel_loop3A_1377] {strides = array<i32>} : memref<3x4x8x1024xf32, #tpu.memory_space<vmem>>, vector<1x1x1x16xf32>,
        %parallel_loop3A_1379 = vector.shape_cast %parallel_loop3A_1378 : vector<1x1x1x16xf32> to vector<16xf32>
        %parallel_loop3A_1380 = vector.shape_cast %parallel_loop3A_1356 : vector<16xf32> to vector<1x1x1x16xf32>
        tpu.vector_store %arg8[%parallel_loop3A_1374, %parallel_loop3A_1375, %parallel_loop3A_1376, %parallel_loop3A_1377], %parallel_loop3A_1380 {add = true, strides = array<i32>} : memref<3x4x8x1024xf32, #tpu.memory_space<vmem>>, vector<1x1x1x16xf32>,
        %parallel_loop3A_1381 = arith.constant 3 : i32
        %parallel_loop3A_1382 = arith.index_cast %rem3A_76 : i32 to index
        %parallel_loop3A_1383 = arith.index_cast %parallel_loop3A_1381 : i32 to index
        %parallel_loop3A_1384 = arith.index_cast %parallel_loop3A_140 : i32 to index
        %parallel_loop3A_1385 = arith.constant 496 : index
        %parallel_loop3A_1386 = tpu.vector_load %arg8[%parallel_loop3A_1382, %parallel_loop3A_1383, %parallel_loop3A_1384, %parallel_loop3A_1385] {strides = array<i32>} : memref<3x4x8x1024xf32, #tpu.memory_space<vmem>>, vector<1x1x1x16xf32>,
        %parallel_loop3A_1387 = vector.shape_cast %parallel_loop3A_1386 : vector<1x1x1x16xf32> to vector<16xf32>
        %parallel_loop3A_1388 = vector.shape_cast %parallel_loop3A_1356 : vector<16xf32> to vector<1x1x1x16xf32>
        tpu.vector_store %arg8[%parallel_loop3A_1382, %parallel_loop3A_1383, %parallel_loop3A_1384, %parallel_loop3A_1385], %parallel_loop3A_1388 {add = true, strides = array<i32>} : memref<3x4x8x1024xf32, #tpu.memory_space<vmem>>, vector<1x1x1x16xf32>,
        %parallel_loop3A_1389 = arith.constant 8 : i32
        %parallel_loop3A_1390 = arith.muli %rem3A_74, %parallel_loop3A_1389 : i32
        %parallel_loop3A_1391 = arith.addi %parallel_loop3A_1390, %parallel_loop3A_140 : i32
        %parallel_loop3A_1392 = arith.index_cast %parallel_loop3A_1391 : i32 to index
        %parallel_loop3A_1393 = arith.constant 512 : index
        %parallel_loop3A_1394 = tpu.vector_load %arg7[%parallel_loop3A_1392, %parallel_loop3A_1393] {strides = array<i32>} : memref<16x1024xf32, #tpu.memory_space<vmem>>, vector<1x16xf32>,
        %parallel_loop3A_1395 = vector.shape_cast %parallel_loop3A_1394 : vector<1x16xf32> to vector<16xf32>
        %parallel_loop3A_1396 = arith.constant 0 : i32
        %parallel_loop3A_1397 = arith.index_cast %rem3A_76 : i32 to index
        %parallel_loop3A_1398 = arith.index_cast %parallel_loop3A_1396 : i32 to index
        %parallel_loop3A_1399 = arith.index_cast %parallel_loop3A_140 : i32 to index
        %parallel_loop3A_1400 = arith.constant 512 : index
        %parallel_loop3A_1401 = tpu.vector_load %arg8[%parallel_loop3A_1397, %parallel_loop3A_1398, %parallel_loop3A_1399, %parallel_loop3A_1400] {strides = array<i32>} : memref<3x4x8x1024xf32, #tpu.memory_space<vmem>>, vector<1x1x1x16xf32>,
        %parallel_loop3A_1402 = vector.shape_cast %parallel_loop3A_1401 : vector<1x1x1x16xf32> to vector<16xf32>
        %parallel_loop3A_1403 = vector.shape_cast %parallel_loop3A_1395 : vector<16xf32> to vector<1x1x1x16xf32>
        tpu.vector_store %arg8[%parallel_loop3A_1397, %parallel_loop3A_1398, %parallel_loop3A_1399, %parallel_loop3A_1400], %parallel_loop3A_1403 {add = true, strides = array<i32>} : memref<3x4x8x1024xf32, #tpu.memory_space<vmem>>, vector<1x1x1x16xf32>,
        %parallel_loop3A_1404 = arith.constant 1 : i32
        %parallel_loop3A_1405 = arith.index_cast %rem3A_76 : i32 to index
        %parallel_loop3A_1406 = arith.index_cast %parallel_loop3A_1404 : i32 to index
        %parallel_loop3A_1407 = arith.index_cast %parallel_loop3A_140 : i32 to index
        %parallel_loop3A_1408 = arith.constant 512 : index
        %parallel_loop3A_1409 = tpu.vector_load %arg8[%parallel_loop3A_1405, %parallel_loop3A_1406, %parallel_loop3A_1407, %parallel_loop3A_1408] {strides = array<i32>} : memref<3x4x8x1024xf32, #tpu.memory_space<vmem>>, vector<1x1x1x16xf32>,
        %parallel_loop3A_1410 = vector.shape_cast %parallel_loop3A_1409 : vector<1x1x1x16xf32> to vector<16xf32>
        %parallel_loop3A_1411 = vector.shape_cast %parallel_loop3A_1395 : vector<16xf32> to vector<1x1x1x16xf32>
        tpu.vector_store %arg8[%parallel_loop3A_1405, %parallel_loop3A_1406, %parallel_loop3A_1407, %parallel_loop3A_1408], %parallel_loop3A_1411 {add = true, strides = array<i32>} : memref<3x4x8x1024xf32, #tpu.memory_space<vmem>>, vector<1x1x1x16xf32>,
        %parallel_loop3A_1412 = arith.constant 2 : i32
        %parallel_loop3A_1413 = arith.index_cast %rem3A_76 : i32 to index
        %parallel_loop3A_1414 = arith.index_cast %parallel_loop3A_1412 : i32 to index
        %parallel_loop3A_1415 = arith.index_cast %parallel_loop3A_140 : i32 to index
        %parallel_loop3A_1416 = arith.constant 512 : index
        %parallel_loop3A_1417 = tpu.vector_load %arg8[%parallel_loop3A_1413, %parallel_loop3A_1414, %parallel_loop3A_1415, %parallel_loop3A_1416] {strides = array<i32>} : memref<3x4x8x1024xf32, #tpu.memory_space<vmem>>, vector<1x1x1x16xf32>,
        %parallel_loop3A_1418 = vector.shape_cast %parallel_loop3A_1417 : vector<1x1x1x16xf32> to vector<16xf32>
        %parallel_loop3A_1419 = vector.shape_cast %parallel_loop3A_1395 : vector<16xf32> to vector<1x1x1x16xf32>
        tpu.vector_store %arg8[%parallel_loop3A_1413, %parallel_loop3A_1414, %parallel_loop3A_1415, %parallel_loop3A_1416], %parallel_loop3A_1419 {add = true, strides = array<i32>} : memref<3x4x8x1024xf32, #tpu.memory_space<vmem>>, vector<1x1x1x16xf32>,
        %parallel_loop3A_1420 = arith.constant 3 : i32
        %parallel_loop3A_1421 = arith.index_cast %rem3A_76 : i32 to index
        %parallel_loop3A_1422 = arith.index_cast %parallel_loop3A_1420 : i32 to index
        %parallel_loop3A_1423 = arith.index_cast %parallel_loop3A_140 : i32 to index
        %parallel_loop3A_1424 = arith.constant 512 : index
        %parallel_loop3A_1425 = tpu.vector_load %arg8[%parallel_loop3A_1421, %parallel_loop3A_1422, %parallel_loop3A_1423, %parallel_loop3A_1424] {strides = array<i32>} : memref<3x4x8x1024xf32, #tpu.memory_space<vmem>>, vector<1x1x1x16xf32>,
        %parallel_loop3A_1426 = vector.shape_cast %parallel_loop3A_1425 : vector<1x1x1x16xf32> to vector<16xf32>
        %parallel_loop3A_1427 = vector.shape_cast %parallel_loop3A_1395 : vector<16xf32> to vector<1x1x1x16xf32>
        tpu.vector_store %arg8[%parallel_loop3A_1421, %parallel_loop3A_1422, %parallel_loop3A_1423, %parallel_loop3A_1424], %parallel_loop3A_1427 {add = true, strides = array<i32>} : memref<3x4x8x1024xf32, #tpu.memory_space<vmem>>, vector<1x1x1x16xf32>,
        %parallel_loop3A_1428 = arith.constant 8 : i32
        %parallel_loop3A_1429 = arith.muli %rem3A_74, %parallel_loop3A_1428 : i32
        %parallel_loop3A_1430 = arith.addi %parallel_loop3A_1429, %parallel_loop3A_140 : i32
        %parallel_loop3A_1431 = arith.index_cast %parallel_loop3A_1430 : i32 to index
        %parallel_loop3A_1432 = arith.constant 528 : index
        %parallel_loop3A_1433 = tpu.vector_load %arg7[%parallel_loop3A_1431, %parallel_loop3A_1432] {strides = array<i32>} : memref<16x1024xf32, #tpu.memory_space<vmem>>, vector<1x16xf32>,
        %parallel_loop3A_1434 = vector.shape_cast %parallel_loop3A_1433 : vector<1x16xf32> to vector<16xf32>
        %parallel_loop3A_1435 = arith.constant 0 : i32
        %parallel_loop3A_1436 = arith.index_cast %rem3A_76 : i32 to index
        %parallel_loop3A_1437 = arith.index_cast %parallel_loop3A_1435 : i32 to index
        %parallel_loop3A_1438 = arith.index_cast %parallel_loop3A_140 : i32 to index
        %parallel_loop3A_1439 = arith.constant 528 : index
        %parallel_loop3A_1440 = tpu.vector_load %arg8[%parallel_loop3A_1436, %parallel_loop3A_1437, %parallel_loop3A_1438, %parallel_loop3A_1439] {strides = array<i32>} : memref<3x4x8x1024xf32, #tpu.memory_space<vmem>>, vector<1x1x1x16xf32>,
        %parallel_loop3A_1441 = vector.shape_cast %parallel_loop3A_1440 : vector<1x1x1x16xf32> to vector<16xf32>
        %parallel_loop3A_1442 = vector.shape_cast %parallel_loop3A_1434 : vector<16xf32> to vector<1x1x1x16xf32>
        tpu.vector_store %arg8[%parallel_loop3A_1436, %parallel_loop3A_1437, %parallel_loop3A_1438, %parallel_loop3A_1439], %parallel_loop3A_1442 {add = true, strides = array<i32>} : memref<3x4x8x1024xf32, #tpu.memory_space<vmem>>, vector<1x1x1x16xf32>,
        %parallel_loop3A_1443 = arith.constant 1 : i32
        %parallel_loop3A_1444 = arith.index_cast %rem3A_76 : i32 to index
        %parallel_loop3A_1445 = arith.index_cast %parallel_loop3A_1443 : i32 to index
        %parallel_loop3A_1446 = arith.index_cast %parallel_loop3A_140 : i32 to index
        %parallel_loop3A_1447 = arith.constant 528 : index
        %parallel_loop3A_1448 = tpu.vector_load %arg8[%parallel_loop3A_1444, %parallel_loop3A_1445, %parallel_loop3A_1446, %parallel_loop3A_1447] {strides = array<i32>} : memref<3x4x8x1024xf32, #tpu.memory_space<vmem>>, vector<1x1x1x16xf32>,
        %parallel_loop3A_1449 = vector.shape_cast %parallel_loop3A_1448 : vector<1x1x1x16xf32> to vector<16xf32>
        %parallel_loop3A_1450 = vector.shape_cast %parallel_loop3A_1434 : vector<16xf32> to vector<1x1x1x16xf32>
        tpu.vector_store %arg8[%parallel_loop3A_1444, %parallel_loop3A_1445, %parallel_loop3A_1446, %parallel_loop3A_1447], %parallel_loop3A_1450 {add = true, strides = array<i32>} : memref<3x4x8x1024xf32, #tpu.memory_space<vmem>>, vector<1x1x1x16xf32>,
        %parallel_loop3A_1451 = arith.constant 2 : i32
        %parallel_loop3A_1452 = arith.index_cast %rem3A_76 : i32 to index
        %parallel_loop3A_1453 = arith.index_cast %parallel_loop3A_1451 : i32 to index
        %parallel_loop3A_1454 = arith.index_cast %parallel_loop3A_140 : i32 to index
        %parallel_loop3A_1455 = arith.constant 528 : index
        %parallel_loop3A_1456 = tpu.vector_load %arg8[%parallel_loop3A_1452, %parallel_loop3A_1453, %parallel_loop3A_1454, %parallel_loop3A_1455] {strides = array<i32>} : memref<3x4x8x1024xf32, #tpu.memory_space<vmem>>, vector<1x1x1x16xf32>,
        %parallel_loop3A_1457 = vector.shape_cast %parallel_loop3A_1456 : vector<1x1x1x16xf32> to vector<16xf32>
        %parallel_loop3A_1458 = vector.shape_cast %parallel_loop3A_1434 : vector<16xf32> to vector<1x1x1x16xf32>
        tpu.vector_store %arg8[%parallel_loop3A_1452, %parallel_loop3A_1453, %parallel_loop3A_1454, %parallel_loop3A_1455], %parallel_loop3A_1458 {add = true, strides = array<i32>} : memref<3x4x8x1024xf32, #tpu.memory_space<vmem>>, vector<1x1x1x16xf32>,
        %parallel_loop3A_1459 = arith.constant 3 : i32
        %parallel_loop3A_1460 = arith.index_cast %rem3A_76 : i32 to index
        %parallel_loop3A_1461 = arith.index_cast %parallel_loop3A_1459 : i32 to index
        %parallel_loop3A_1462 = arith.index_cast %parallel_loop3A_140 : i32 to index
        %parallel_loop3A_1463 = arith.constant 528 : index
        %parallel_loop3A_1464 = tpu.vector_load %arg8[%parallel_loop3A_1460, %parallel_loop3A_1461, %parallel_loop3A_1462, %parallel_loop3A_1463] {strides = array<i32>} : memref<3x4x8x1024xf32, #tpu.memory_space<vmem>>, vector<1x1x1x16xf32>,
        %parallel_loop3A_1465 = vector.shape_cast %parallel_loop3A_1464 : vector<1x1x1x16xf32> to vector<16xf32>
        %parallel_loop3A_1466 = vector.shape_cast %parallel_loop3A_1434 : vector<16xf32> to vector<1x1x1x16xf32>
        tpu.vector_store %arg8[%parallel_loop3A_1460, %parallel_loop3A_1461, %parallel_loop3A_1462, %parallel_loop3A_1463], %parallel_loop3A_1466 {add = true, strides = array<i32>} : memref<3x4x8x1024xf32, #tpu.memory_space<vmem>>, vector<1x1x1x16xf32>,
        %parallel_loop3A_1467 = arith.constant 8 : i32
        %parallel_loop3A_1468 = arith.muli %rem3A_74, %parallel_loop3A_1467 : i32
        %parallel_loop3A_1469 = arith.addi %parallel_loop3A_1468, %parallel_loop3A_140 : i32
        %parallel_loop3A_1470 = arith.index_cast %parallel_loop3A_1469 : i32 to index
        %parallel_loop3A_1471 = arith.constant 544 : index
        %parallel_loop3A_1472 = tpu.vector_load %arg7[%parallel_loop3A_1470, %parallel_loop3A_1471] {strides = array<i32>} : memref<16x1024xf32, #tpu.memory_space<vmem>>, vector<1x16xf32>,
        %parallel_loop3A_1473 = vector.shape_cast %parallel_loop3A_1472 : vector<1x16xf32> to vector<16xf32>
        %parallel_loop3A_1474 = arith.constant 0 : i32
        %parallel_loop3A_1475 = arith.index_cast %rem3A_76 : i32 to index
        %parallel_loop3A_1476 = arith.index_cast %parallel_loop3A_1474 : i32 to index
        %parallel_loop3A_1477 = arith.index_cast %parallel_loop3A_140 : i32 to index
        %parallel_loop3A_1478 = arith.constant 544 : index
        %parallel_loop3A_1479 = tpu.vector_load %arg8[%parallel_loop3A_1475, %parallel_loop3A_1476, %parallel_loop3A_1477, %parallel_loop3A_1478] {strides = array<i32>} : memref<3x4x8x1024xf32, #tpu.memory_space<vmem>>, vector<1x1x1x16xf32>,
        %parallel_loop3A_1480 = vector.shape_cast %parallel_loop3A_1479 : vector<1x1x1x16xf32> to vector<16xf32>
        %parallel_loop3A_1481 = vector.shape_cast %parallel_loop3A_1473 : vector<16xf32> to vector<1x1x1x16xf32>
        tpu.vector_store %arg8[%parallel_loop3A_1475, %parallel_loop3A_1476, %parallel_loop3A_1477, %parallel_loop3A_1478], %parallel_loop3A_1481 {add = true, strides = array<i32>} : memref<3x4x8x1024xf32, #tpu.memory_space<vmem>>, vector<1x1x1x16xf32>,
        %parallel_loop3A_1482 = arith.constant 1 : i32
        %parallel_loop3A_1483 = arith.index_cast %rem3A_76 : i32 to index
        %parallel_loop3A_1484 = arith.index_cast %parallel_loop3A_1482 : i32 to index
        %parallel_loop3A_1485 = arith.index_cast %parallel_loop3A_140 : i32 to index
        %parallel_loop3A_1486 = arith.constant 544 : index
        %parallel_loop3A_1487 = tpu.vector_load %arg8[%parallel_loop3A_1483, %parallel_loop3A_1484, %parallel_loop3A_1485, %parallel_loop3A_1486] {strides = array<i32>} : memref<3x4x8x1024xf32, #tpu.memory_space<vmem>>, vector<1x1x1x16xf32>,
        %parallel_loop3A_1488 = vector.shape_cast %parallel_loop3A_1487 : vector<1x1x1x16xf32> to vector<16xf32>
        %parallel_loop3A_1489 = vector.shape_cast %parallel_loop3A_1473 : vector<16xf32> to vector<1x1x1x16xf32>
        tpu.vector_store %arg8[%parallel_loop3A_1483, %parallel_loop3A_1484, %parallel_loop3A_1485, %parallel_loop3A_1486], %parallel_loop3A_1489 {add = true, strides = array<i32>} : memref<3x4x8x1024xf32, #tpu.memory_space<vmem>>, vector<1x1x1x16xf32>,
        %parallel_loop3A_1490 = arith.constant 2 : i32
        %parallel_loop3A_1491 = arith.index_cast %rem3A_76 : i32 to index
        %parallel_loop3A_1492 = arith.index_cast %parallel_loop3A_1490 : i32 to index
        %parallel_loop3A_1493 = arith.index_cast %parallel_loop3A_140 : i32 to index
        %parallel_loop3A_1494 = arith.constant 544 : index
        %parallel_loop3A_1495 = tpu.vector_load %arg8[%parallel_loop3A_1491, %parallel_loop3A_1492, %parallel_loop3A_1493, %parallel_loop3A_1494] {strides = array<i32>} : memref<3x4x8x1024xf32, #tpu.memory_space<vmem>>, vector<1x1x1x16xf32>,
        %parallel_loop3A_1496 = vector.shape_cast %parallel_loop3A_1495 : vector<1x1x1x16xf32> to vector<16xf32>
        %parallel_loop3A_1497 = vector.shape_cast %parallel_loop3A_1473 : vector<16xf32> to vector<1x1x1x16xf32>
        tpu.vector_store %arg8[%parallel_loop3A_1491, %parallel_loop3A_1492, %parallel_loop3A_1493, %parallel_loop3A_1494], %parallel_loop3A_1497 {add = true, strides = array<i32>} : memref<3x4x8x1024xf32, #tpu.memory_space<vmem>>, vector<1x1x1x16xf32>,
        %parallel_loop3A_1498 = arith.constant 3 : i32
        %parallel_loop3A_1499 = arith.index_cast %rem3A_76 : i32 to index
        %parallel_loop3A_1500 = arith.index_cast %parallel_loop3A_1498 : i32 to index
        %parallel_loop3A_1501 = arith.index_cast %parallel_loop3A_140 : i32 to index
        %parallel_loop3A_1502 = arith.constant 544 : index
        %parallel_loop3A_1503 = tpu.vector_load %arg8[%parallel_loop3A_1499, %parallel_loop3A_1500, %parallel_loop3A_1501, %parallel_loop3A_1502] {strides = array<i32>} : memref<3x4x8x1024xf32, #tpu.memory_space<vmem>>, vector<1x1x1x16xf32>,
        %parallel_loop3A_1504 = vector.shape_cast %parallel_loop3A_1503 : vector<1x1x1x16xf32> to vector<16xf32>
        %parallel_loop3A_1505 = vector.shape_cast %parallel_loop3A_1473 : vector<16xf32> to vector<1x1x1x16xf32>
        tpu.vector_store %arg8[%parallel_loop3A_1499, %parallel_loop3A_1500, %parallel_loop3A_1501, %parallel_loop3A_1502], %parallel_loop3A_1505 {add = true, strides = array<i32>} : memref<3x4x8x1024xf32, #tpu.memory_space<vmem>>, vector<1x1x1x16xf32>,
        %parallel_loop3A_1506 = arith.constant 8 : i32
        %parallel_loop3A_1507 = arith.muli %rem3A_74, %parallel_loop3A_1506 : i32
        %parallel_loop3A_1508 = arith.addi %parallel_loop3A_1507, %parallel_loop3A_140 : i32
        %parallel_loop3A_1509 = arith.index_cast %parallel_loop3A_1508 : i32 to index
        %parallel_loop3A_1510 = arith.constant 560 : index
        %parallel_loop3A_1511 = tpu.vector_load %arg7[%parallel_loop3A_1509, %parallel_loop3A_1510] {strides = array<i32>} : memref<16x1024xf32, #tpu.memory_space<vmem>>, vector<1x16xf32>,
        %parallel_loop3A_1512 = vector.shape_cast %parallel_loop3A_1511 : vector<1x16xf32> to vector<16xf32>
        %parallel_loop3A_1513 = arith.constant 0 : i32
        %parallel_loop3A_1514 = arith.index_cast %rem3A_76 : i32 to index
        %parallel_loop3A_1515 = arith.index_cast %parallel_loop3A_1513 : i32 to index
        %parallel_loop3A_1516 = arith.index_cast %parallel_loop3A_140 : i32 to index
        %parallel_loop3A_1517 = arith.constant 560 : index
        %parallel_loop3A_1518 = tpu.vector_load %arg8[%parallel_loop3A_1514, %parallel_loop3A_1515, %parallel_loop3A_1516, %parallel_loop3A_1517] {strides = array<i32>} : memref<3x4x8x1024xf32, #tpu.memory_space<vmem>>, vector<1x1x1x16xf32>,
        %parallel_loop3A_1519 = vector.shape_cast %parallel_loop3A_1518 : vector<1x1x1x16xf32> to vector<16xf32>
        %parallel_loop3A_1520 = vector.shape_cast %parallel_loop3A_1512 : vector<16xf32> to vector<1x1x1x16xf32>
        tpu.vector_store %arg8[%parallel_loop3A_1514, %parallel_loop3A_1515, %parallel_loop3A_1516, %parallel_loop3A_1517], %parallel_loop3A_1520 {add = true, strides = array<i32>} : memref<3x4x8x1024xf32, #tpu.memory_space<vmem>>, vector<1x1x1x16xf32>,
        %parallel_loop3A_1521 = arith.constant 1 : i32
        %parallel_loop3A_1522 = arith.index_cast %rem3A_76 : i32 to index
        %parallel_loop3A_1523 = arith.index_cast %parallel_loop3A_1521 : i32 to index
        %parallel_loop3A_1524 = arith.index_cast %parallel_loop3A_140 : i32 to index
        %parallel_loop3A_1525 = arith.constant 560 : index
        %parallel_loop3A_1526 = tpu.vector_load %arg8[%parallel_loop3A_1522, %parallel_loop3A_1523, %parallel_loop3A_1524, %parallel_loop3A_1525] {strides = array<i32>} : memref<3x4x8x1024xf32, #tpu.memory_space<vmem>>, vector<1x1x1x16xf32>,
        %parallel_loop3A_1527 = vector.shape_cast %parallel_loop3A_1526 : vector<1x1x1x16xf32> to vector<16xf32>
        %parallel_loop3A_1528 = vector.shape_cast %parallel_loop3A_1512 : vector<16xf32> to vector<1x1x1x16xf32>
        tpu.vector_store %arg8[%parallel_loop3A_1522, %parallel_loop3A_1523, %parallel_loop3A_1524, %parallel_loop3A_1525], %parallel_loop3A_1528 {add = true, strides = array<i32>} : memref<3x4x8x1024xf32, #tpu.memory_space<vmem>>, vector<1x1x1x16xf32>,
        %parallel_loop3A_1529 = arith.constant 2 : i32
        %parallel_loop3A_1530 = arith.index_cast %rem3A_76 : i32 to index
        %parallel_loop3A_1531 = arith.index_cast %parallel_loop3A_1529 : i32 to index
        %parallel_loop3A_1532 = arith.index_cast %parallel_loop3A_140 : i32 to index
        %parallel_loop3A_1533 = arith.constant 560 : index
        %parallel_loop3A_1534 = tpu.vector_load %arg8[%parallel_loop3A_1530, %parallel_loop3A_1531, %parallel_loop3A_1532, %parallel_loop3A_1533] {strides = array<i32>} : memref<3x4x8x1024xf32, #tpu.memory_space<vmem>>, vector<1x1x1x16xf32>,
        %parallel_loop3A_1535 = vector.shape_cast %parallel_loop3A_1534 : vector<1x1x1x16xf32> to vector<16xf32>
        %parallel_loop3A_1536 = vector.shape_cast %parallel_loop3A_1512 : vector<16xf32> to vector<1x1x1x16xf32>
        tpu.vector_store %arg8[%parallel_loop3A_1530, %parallel_loop3A_1531, %parallel_loop3A_1532, %parallel_loop3A_1533], %parallel_loop3A_1536 {add = true, strides = array<i32>} : memref<3x4x8x1024xf32, #tpu.memory_space<vmem>>, vector<1x1x1x16xf32>,
        %parallel_loop3A_1537 = arith.constant 3 : i32
        %parallel_loop3A_1538 = arith.index_cast %rem3A_76 : i32 to index
        %parallel_loop3A_1539 = arith.index_cast %parallel_loop3A_1537 : i32 to index
        %parallel_loop3A_1540 = arith.index_cast %parallel_loop3A_140 : i32 to index
        %parallel_loop3A_1541 = arith.constant 560 : index
        %parallel_loop3A_1542 = tpu.vector_load %arg8[%parallel_loop3A_1538, %parallel_loop3A_1539, %parallel_loop3A_1540, %parallel_loop3A_1541] {strides = array<i32>} : memref<3x4x8x1024xf32, #tpu.memory_space<vmem>>, vector<1x1x1x16xf32>,
        %parallel_loop3A_1543 = vector.shape_cast %parallel_loop3A_1542 : vector<1x1x1x16xf32> to vector<16xf32>
        %parallel_loop3A_1544 = vector.shape_cast %parallel_loop3A_1512 : vector<16xf32> to vector<1x1x1x16xf32>
        tpu.vector_store %arg8[%parallel_loop3A_1538, %parallel_loop3A_1539, %parallel_loop3A_1540, %parallel_loop3A_1541], %parallel_loop3A_1544 {add = true, strides = array<i32>} : memref<3x4x8x1024xf32, #tpu.memory_space<vmem>>, vector<1x1x1x16xf32>,
        %parallel_loop3A_1545 = arith.constant 8 : i32
        %parallel_loop3A_1546 = arith.muli %rem3A_74, %parallel_loop3A_1545 : i32
        %parallel_loop3A_1547 = arith.addi %parallel_loop3A_1546, %parallel_loop3A_140 : i32
        %parallel_loop3A_1548 = arith.index_cast %parallel_loop3A_1547 : i32 to index
        %parallel_loop3A_1549 = arith.constant 576 : index
        %parallel_loop3A_1550 = tpu.vector_load %arg7[%parallel_loop3A_1548, %parallel_loop3A_1549] {strides = array<i32>} : memref<16x1024xf32, #tpu.memory_space<vmem>>, vector<1x16xf32>,
        %parallel_loop3A_1551 = vector.shape_cast %parallel_loop3A_1550 : vector<1x16xf32> to vector<16xf32>
        %parallel_loop3A_1552 = arith.constant 0 : i32
        %parallel_loop3A_1553 = arith.index_cast %rem3A_76 : i32 to index
        %parallel_loop3A_1554 = arith.index_cast %parallel_loop3A_1552 : i32 to index
        %parallel_loop3A_1555 = arith.index_cast %parallel_loop3A_140 : i32 to index
        %parallel_loop3A_1556 = arith.constant 576 : index
        %parallel_loop3A_1557 = tpu.vector_load %arg8[%parallel_loop3A_1553, %parallel_loop3A_1554, %parallel_loop3A_1555, %parallel_loop3A_1556] {strides = array<i32>} : memref<3x4x8x1024xf32, #tpu.memory_space<vmem>>, vector<1x1x1x16xf32>,
        %parallel_loop3A_1558 = vector.shape_cast %parallel_loop3A_1557 : vector<1x1x1x16xf32> to vector<16xf32>
        %parallel_loop3A_1559 = vector.shape_cast %parallel_loop3A_1551 : vector<16xf32> to vector<1x1x1x16xf32>
        tpu.vector_store %arg8[%parallel_loop3A_1553, %parallel_loop3A_1554, %parallel_loop3A_1555, %parallel_loop3A_1556], %parallel_loop3A_1559 {add = true, strides = array<i32>} : memref<3x4x8x1024xf32, #tpu.memory_space<vmem>>, vector<1x1x1x16xf32>,
        %parallel_loop3A_1560 = arith.constant 1 : i32
        %parallel_loop3A_1561 = arith.index_cast %rem3A_76 : i32 to index
        %parallel_loop3A_1562 = arith.index_cast %parallel_loop3A_1560 : i32 to index
        %parallel_loop3A_1563 = arith.index_cast %parallel_loop3A_140 : i32 to index
        %parallel_loop3A_1564 = arith.constant 576 : index
        %parallel_loop3A_1565 = tpu.vector_load %arg8[%parallel_loop3A_1561, %parallel_loop3A_1562, %parallel_loop3A_1563, %parallel_loop3A_1564] {strides = array<i32>} : memref<3x4x8x1024xf32, #tpu.memory_space<vmem>>, vector<1x1x1x16xf32>,
        %parallel_loop3A_1566 = vector.shape_cast %parallel_loop3A_1565 : vector<1x1x1x16xf32> to vector<16xf32>
        %parallel_loop3A_1567 = vector.shape_cast %parallel_loop3A_1551 : vector<16xf32> to vector<1x1x1x16xf32>
        tpu.vector_store %arg8[%parallel_loop3A_1561, %parallel_loop3A_1562, %parallel_loop3A_1563, %parallel_loop3A_1564], %parallel_loop3A_1567 {add = true, strides = array<i32>} : memref<3x4x8x1024xf32, #tpu.memory_space<vmem>>, vector<1x1x1x16xf32>,
        %parallel_loop3A_1568 = arith.constant 2 : i32
        %parallel_loop3A_1569 = arith.index_cast %rem3A_76 : i32 to index
        %parallel_loop3A_1570 = arith.index_cast %parallel_loop3A_1568 : i32 to index
        %parallel_loop3A_1571 = arith.index_cast %parallel_loop3A_140 : i32 to index
        %parallel_loop3A_1572 = arith.constant 576 : index
        %parallel_loop3A_1573 = tpu.vector_load %arg8[%parallel_loop3A_1569, %parallel_loop3A_1570, %parallel_loop3A_1571, %parallel_loop3A_1572] {strides = array<i32>} : memref<3x4x8x1024xf32, #tpu.memory_space<vmem>>, vector<1x1x1x16xf32>,
        %parallel_loop3A_1574 = vector.shape_cast %parallel_loop3A_1573 : vector<1x1x1x16xf32> to vector<16xf32>
        %parallel_loop3A_1575 = vector.shape_cast %parallel_loop3A_1551 : vector<16xf32> to vector<1x1x1x16xf32>
        tpu.vector_store %arg8[%parallel_loop3A_1569, %parallel_loop3A_1570, %parallel_loop3A_1571, %parallel_loop3A_1572], %parallel_loop3A_1575 {add = true, strides = array<i32>} : memref<3x4x8x1024xf32, #tpu.memory_space<vmem>>, vector<1x1x1x16xf32>,
        %parallel_loop3A_1576 = arith.constant 3 : i32
        %parallel_loop3A_1577 = arith.index_cast %rem3A_76 : i32 to index
        %parallel_loop3A_1578 = arith.index_cast %parallel_loop3A_1576 : i32 to index
        %parallel_loop3A_1579 = arith.index_cast %parallel_loop3A_140 : i32 to index
        %parallel_loop3A_1580 = arith.constant 576 : index
        %parallel_loop3A_1581 = tpu.vector_load %arg8[%parallel_loop3A_1577, %parallel_loop3A_1578, %parallel_loop3A_1579, %parallel_loop3A_1580] {strides = array<i32>} : memref<3x4x8x1024xf32, #tpu.memory_space<vmem>>, vector<1x1x1x16xf32>,
        %parallel_loop3A_1582 = vector.shape_cast %parallel_loop3A_1581 : vector<1x1x1x16xf32> to vector<16xf32>
        %parallel_loop3A_1583 = vector.shape_cast %parallel_loop3A_1551 : vector<16xf32> to vector<1x1x1x16xf32>
        tpu.vector_store %arg8[%parallel_loop3A_1577, %parallel_loop3A_1578, %parallel_loop3A_1579, %parallel_loop3A_1580], %parallel_loop3A_1583 {add = true, strides = array<i32>} : memref<3x4x8x1024xf32, #tpu.memory_space<vmem>>, vector<1x1x1x16xf32>,
        %parallel_loop3A_1584 = arith.constant 8 : i32
        %parallel_loop3A_1585 = arith.muli %rem3A_74, %parallel_loop3A_1584 : i32
        %parallel_loop3A_1586 = arith.addi %parallel_loop3A_1585, %parallel_loop3A_140 : i32
        %parallel_loop3A_1587 = arith.index_cast %parallel_loop3A_1586 : i32 to index
        %parallel_loop3A_1588 = arith.constant 592 : index
        %parallel_loop3A_1589 = tpu.vector_load %arg7[%parallel_loop3A_1587, %parallel_loop3A_1588] {strides = array<i32>} : memref<16x1024xf32, #tpu.memory_space<vmem>>, vector<1x16xf32>,
        %parallel_loop3A_1590 = vector.shape_cast %parallel_loop3A_1589 : vector<1x16xf32> to vector<16xf32>
        %parallel_loop3A_1591 = arith.constant 0 : i32
        %parallel_loop3A_1592 = arith.index_cast %rem3A_76 : i32 to index
        %parallel_loop3A_1593 = arith.index_cast %parallel_loop3A_1591 : i32 to index
        %parallel_loop3A_1594 = arith.index_cast %parallel_loop3A_140 : i32 to index
        %parallel_loop3A_1595 = arith.constant 592 : index
        %parallel_loop3A_1596 = tpu.vector_load %arg8[%parallel_loop3A_1592, %parallel_loop3A_1593, %parallel_loop3A_1594, %parallel_loop3A_1595] {strides = array<i32>} : memref<3x4x8x1024xf32, #tpu.memory_space<vmem>>, vector<1x1x1x16xf32>,
        %parallel_loop3A_1597 = vector.shape_cast %parallel_loop3A_1596 : vector<1x1x1x16xf32> to vector<16xf32>
        %parallel_loop3A_1598 = vector.shape_cast %parallel_loop3A_1590 : vector<16xf32> to vector<1x1x1x16xf32>
        tpu.vector_store %arg8[%parallel_loop3A_1592, %parallel_loop3A_1593, %parallel_loop3A_1594, %parallel_loop3A_1595], %parallel_loop3A_1598 {add = true, strides = array<i32>} : memref<3x4x8x1024xf32, #tpu.memory_space<vmem>>, vector<1x1x1x16xf32>,
        %parallel_loop3A_1599 = arith.constant 1 : i32
        %parallel_loop3A_1600 = arith.index_cast %rem3A_76 : i32 to index
        %parallel_loop3A_1601 = arith.index_cast %parallel_loop3A_1599 : i32 to index
        %parallel_loop3A_1602 = arith.index_cast %parallel_loop3A_140 : i32 to index
        %parallel_loop3A_1603 = arith.constant 592 : index
        %parallel_loop3A_1604 = tpu.vector_load %arg8[%parallel_loop3A_1600, %parallel_loop3A_1601, %parallel_loop3A_1602, %parallel_loop3A_1603] {strides = array<i32>} : memref<3x4x8x1024xf32, #tpu.memory_space<vmem>>, vector<1x1x1x16xf32>,
        %parallel_loop3A_1605 = vector.shape_cast %parallel_loop3A_1604 : vector<1x1x1x16xf32> to vector<16xf32>
        %parallel_loop3A_1606 = vector.shape_cast %parallel_loop3A_1590 : vector<16xf32> to vector<1x1x1x16xf32>
        tpu.vector_store %arg8[%parallel_loop3A_1600, %parallel_loop3A_1601, %parallel_loop3A_1602, %parallel_loop3A_1603], %parallel_loop3A_1606 {add = true, strides = array<i32>} : memref<3x4x8x1024xf32, #tpu.memory_space<vmem>>, vector<1x1x1x16xf32>,
        %parallel_loop3A_1607 = arith.constant 2 : i32
        %parallel_loop3A_1608 = arith.index_cast %rem3A_76 : i32 to index
        %parallel_loop3A_1609 = arith.index_cast %parallel_loop3A_1607 : i32 to index
        %parallel_loop3A_1610 = arith.index_cast %parallel_loop3A_140 : i32 to index
        %parallel_loop3A_1611 = arith.constant 592 : index
        %parallel_loop3A_1612 = tpu.vector_load %arg8[%parallel_loop3A_1608, %parallel_loop3A_1609, %parallel_loop3A_1610, %parallel_loop3A_1611] {strides = array<i32>} : memref<3x4x8x1024xf32, #tpu.memory_space<vmem>>, vector<1x1x1x16xf32>,
        %parallel_loop3A_1613 = vector.shape_cast %parallel_loop3A_1612 : vector<1x1x1x16xf32> to vector<16xf32>
        %parallel_loop3A_1614 = vector.shape_cast %parallel_loop3A_1590 : vector<16xf32> to vector<1x1x1x16xf32>
        tpu.vector_store %arg8[%parallel_loop3A_1608, %parallel_loop3A_1609, %parallel_loop3A_1610, %parallel_loop3A_1611], %parallel_loop3A_1614 {add = true, strides = array<i32>} : memref<3x4x8x1024xf32, #tpu.memory_space<vmem>>, vector<1x1x1x16xf32>,
        %parallel_loop3A_1615 = arith.constant 3 : i32
        %parallel_loop3A_1616 = arith.index_cast %rem3A_76 : i32 to index
        %parallel_loop3A_1617 = arith.index_cast %parallel_loop3A_1615 : i32 to index
        %parallel_loop3A_1618 = arith.index_cast %parallel_loop3A_140 : i32 to index
        %parallel_loop3A_1619 = arith.constant 592 : index
        %parallel_loop3A_1620 = tpu.vector_load %arg8[%parallel_loop3A_1616, %parallel_loop3A_1617, %parallel_loop3A_1618, %parallel_loop3A_1619] {strides = array<i32>} : memref<3x4x8x1024xf32, #tpu.memory_space<vmem>>, vector<1x1x1x16xf32>,
        %parallel_loop3A_1621 = vector.shape_cast %parallel_loop3A_1620 : vector<1x1x1x16xf32> to vector<16xf32>
        %parallel_loop3A_1622 = vector.shape_cast %parallel_loop3A_1590 : vector<16xf32> to vector<1x1x1x16xf32>
        tpu.vector_store %arg8[%parallel_loop3A_1616, %parallel_loop3A_1617, %parallel_loop3A_1618, %parallel_loop3A_1619], %parallel_loop3A_1622 {add = true, strides = array<i32>} : memref<3x4x8x1024xf32, #tpu.memory_space<vmem>>, vector<1x1x1x16xf32>,
        %parallel_loop3A_1623 = arith.constant 8 : i32
        %parallel_loop3A_1624 = arith.muli %rem3A_74, %parallel_loop3A_1623 : i32
        %parallel_loop3A_1625 = arith.addi %parallel_loop3A_1624, %parallel_loop3A_140 : i32
        %parallel_loop3A_1626 = arith.index_cast %parallel_loop3A_1625 : i32 to index
        %parallel_loop3A_1627 = arith.constant 608 : index
        %parallel_loop3A_1628 = tpu.vector_load %arg7[%parallel_loop3A_1626, %parallel_loop3A_1627] {strides = array<i32>} : memref<16x1024xf32, #tpu.memory_space<vmem>>, vector<1x16xf32>,
        %parallel_loop3A_1629 = vector.shape_cast %parallel_loop3A_1628 : vector<1x16xf32> to vector<16xf32>
        %parallel_loop3A_1630 = arith.constant 0 : i32
        %parallel_loop3A_1631 = arith.index_cast %rem3A_76 : i32 to index
        %parallel_loop3A_1632 = arith.index_cast %parallel_loop3A_1630 : i32 to index
        %parallel_loop3A_1633 = arith.index_cast %parallel_loop3A_140 : i32 to index
        %parallel_loop3A_1634 = arith.constant 608 : index
        %parallel_loop3A_1635 = tpu.vector_load %arg8[%parallel_loop3A_1631, %parallel_loop3A_1632, %parallel_loop3A_1633, %parallel_loop3A_1634] {strides = array<i32>} : memref<3x4x8x1024xf32, #tpu.memory_space<vmem>>, vector<1x1x1x16xf32>,
        %parallel_loop3A_1636 = vector.shape_cast %parallel_loop3A_1635 : vector<1x1x1x16xf32> to vector<16xf32>
        %parallel_loop3A_1637 = vector.shape_cast %parallel_loop3A_1629 : vector<16xf32> to vector<1x1x1x16xf32>
        tpu.vector_store %arg8[%parallel_loop3A_1631, %parallel_loop3A_1632, %parallel_loop3A_1633, %parallel_loop3A_1634], %parallel_loop3A_1637 {add = true, strides = array<i32>} : memref<3x4x8x1024xf32, #tpu.memory_space<vmem>>, vector<1x1x1x16xf32>,
        %parallel_loop3A_1638 = arith.constant 1 : i32
        %parallel_loop3A_1639 = arith.index_cast %rem3A_76 : i32 to index
        %parallel_loop3A_1640 = arith.index_cast %parallel_loop3A_1638 : i32 to index
        %parallel_loop3A_1641 = arith.index_cast %parallel_loop3A_140 : i32 to index
        %parallel_loop3A_1642 = arith.constant 608 : index
        %parallel_loop3A_1643 = tpu.vector_load %arg8[%parallel_loop3A_1639, %parallel_loop3A_1640, %parallel_loop3A_1641, %parallel_loop3A_1642] {strides = array<i32>} : memref<3x4x8x1024xf32, #tpu.memory_space<vmem>>, vector<1x1x1x16xf32>,
        %parallel_loop3A_1644 = vector.shape_cast %parallel_loop3A_1643 : vector<1x1x1x16xf32> to vector<16xf32>
        %parallel_loop3A_1645 = vector.shape_cast %parallel_loop3A_1629 : vector<16xf32> to vector<1x1x1x16xf32>
        tpu.vector_store %arg8[%parallel_loop3A_1639, %parallel_loop3A_1640, %parallel_loop3A_1641, %parallel_loop3A_1642], %parallel_loop3A_1645 {add = true, strides = array<i32>} : memref<3x4x8x1024xf32, #tpu.memory_space<vmem>>, vector<1x1x1x16xf32>,
        %parallel_loop3A_1646 = arith.constant 2 : i32
        %parallel_loop3A_1647 = arith.index_cast %rem3A_76 : i32 to index
        %parallel_loop3A_1648 = arith.index_cast %parallel_loop3A_1646 : i32 to index
        %parallel_loop3A_1649 = arith.index_cast %parallel_loop3A_140 : i32 to index
        %parallel_loop3A_1650 = arith.constant 608 : index
        %parallel_loop3A_1651 = tpu.vector_load %arg8[%parallel_loop3A_1647, %parallel_loop3A_1648, %parallel_loop3A_1649, %parallel_loop3A_1650] {strides = array<i32>} : memref<3x4x8x1024xf32, #tpu.memory_space<vmem>>, vector<1x1x1x16xf32>,
        %parallel_loop3A_1652 = vector.shape_cast %parallel_loop3A_1651 : vector<1x1x1x16xf32> to vector<16xf32>
        %parallel_loop3A_1653 = vector.shape_cast %parallel_loop3A_1629 : vector<16xf32> to vector<1x1x1x16xf32>
        tpu.vector_store %arg8[%parallel_loop3A_1647, %parallel_loop3A_1648, %parallel_loop3A_1649, %parallel_loop3A_1650], %parallel_loop3A_1653 {add = true, strides = array<i32>} : memref<3x4x8x1024xf32, #tpu.memory_space<vmem>>, vector<1x1x1x16xf32>,
        %parallel_loop3A_1654 = arith.constant 3 : i32
        %parallel_loop3A_1655 = arith.index_cast %rem3A_76 : i32 to index
        %parallel_loop3A_1656 = arith.index_cast %parallel_loop3A_1654 : i32 to index
        %parallel_loop3A_1657 = arith.index_cast %parallel_loop3A_140 : i32 to index
        %parallel_loop3A_1658 = arith.constant 608 : index
        %parallel_loop3A_1659 = tpu.vector_load %arg8[%parallel_loop3A_1655, %parallel_loop3A_1656, %parallel_loop3A_1657, %parallel_loop3A_1658] {strides = array<i32>} : memref<3x4x8x1024xf32, #tpu.memory_space<vmem>>, vector<1x1x1x16xf32>,
        %parallel_loop3A_1660 = vector.shape_cast %parallel_loop3A_1659 : vector<1x1x1x16xf32> to vector<16xf32>
        %parallel_loop3A_1661 = vector.shape_cast %parallel_loop3A_1629 : vector<16xf32> to vector<1x1x1x16xf32>
        tpu.vector_store %arg8[%parallel_loop3A_1655, %parallel_loop3A_1656, %parallel_loop3A_1657, %parallel_loop3A_1658], %parallel_loop3A_1661 {add = true, strides = array<i32>} : memref<3x4x8x1024xf32, #tpu.memory_space<vmem>>, vector<1x1x1x16xf32>,
        %parallel_loop3A_1662 = arith.constant 8 : i32
        %parallel_loop3A_1663 = arith.muli %rem3A_74, %parallel_loop3A_1662 : i32
        %parallel_loop3A_1664 = arith.addi %parallel_loop3A_1663, %parallel_loop3A_140 : i32
        %parallel_loop3A_1665 = arith.index_cast %parallel_loop3A_1664 : i32 to index
        %parallel_loop3A_1666 = arith.constant 624 : index
        %parallel_loop3A_1667 = tpu.vector_load %arg7[%parallel_loop3A_1665, %parallel_loop3A_1666] {strides = array<i32>} : memref<16x1024xf32, #tpu.memory_space<vmem>>, vector<1x16xf32>,
        %parallel_loop3A_1668 = vector.shape_cast %parallel_loop3A_1667 : vector<1x16xf32> to vector<16xf32>
        %parallel_loop3A_1669 = arith.constant 0 : i32
        %parallel_loop3A_1670 = arith.index_cast %rem3A_76 : i32 to index
        %parallel_loop3A_1671 = arith.index_cast %parallel_loop3A_1669 : i32 to index
        %parallel_loop3A_1672 = arith.index_cast %parallel_loop3A_140 : i32 to index
        %parallel_loop3A_1673 = arith.constant 624 : index
        %parallel_loop3A_1674 = tpu.vector_load %arg8[%parallel_loop3A_1670, %parallel_loop3A_1671, %parallel_loop3A_1672, %parallel_loop3A_1673] {strides = array<i32>} : memref<3x4x8x1024xf32, #tpu.memory_space<vmem>>, vector<1x1x1x16xf32>,
        %parallel_loop3A_1675 = vector.shape_cast %parallel_loop3A_1674 : vector<1x1x1x16xf32> to vector<16xf32>
        %parallel_loop3A_1676 = vector.shape_cast %parallel_loop3A_1668 : vector<16xf32> to vector<1x1x1x16xf32>
        tpu.vector_store %arg8[%parallel_loop3A_1670, %parallel_loop3A_1671, %parallel_loop3A_1672, %parallel_loop3A_1673], %parallel_loop3A_1676 {add = true, strides = array<i32>} : memref<3x4x8x1024xf32, #tpu.memory_space<vmem>>, vector<1x1x1x16xf32>,
        %parallel_loop3A_1677 = arith.constant 1 : i32
        %parallel_loop3A_1678 = arith.index_cast %rem3A_76 : i32 to index
        %parallel_loop3A_1679 = arith.index_cast %parallel_loop3A_1677 : i32 to index
        %parallel_loop3A_1680 = arith.index_cast %parallel_loop3A_140 : i32 to index
        %parallel_loop3A_1681 = arith.constant 624 : index
        %parallel_loop3A_1682 = tpu.vector_load %arg8[%parallel_loop3A_1678, %parallel_loop3A_1679, %parallel_loop3A_1680, %parallel_loop3A_1681] {strides = array<i32>} : memref<3x4x8x1024xf32, #tpu.memory_space<vmem>>, vector<1x1x1x16xf32>,
        %parallel_loop3A_1683 = vector.shape_cast %parallel_loop3A_1682 : vector<1x1x1x16xf32> to vector<16xf32>
        %parallel_loop3A_1684 = vector.shape_cast %parallel_loop3A_1668 : vector<16xf32> to vector<1x1x1x16xf32>
        tpu.vector_store %arg8[%parallel_loop3A_1678, %parallel_loop3A_1679, %parallel_loop3A_1680, %parallel_loop3A_1681], %parallel_loop3A_1684 {add = true, strides = array<i32>} : memref<3x4x8x1024xf32, #tpu.memory_space<vmem>>, vector<1x1x1x16xf32>,
        %parallel_loop3A_1685 = arith.constant 2 : i32
        %parallel_loop3A_1686 = arith.index_cast %rem3A_76 : i32 to index
        %parallel_loop3A_1687 = arith.index_cast %parallel_loop3A_1685 : i32 to index
        %parallel_loop3A_1688 = arith.index_cast %parallel_loop3A_140 : i32 to index
        %parallel_loop3A_1689 = arith.constant 624 : index
        %parallel_loop3A_1690 = tpu.vector_load %arg8[%parallel_loop3A_1686, %parallel_loop3A_1687, %parallel_loop3A_1688, %parallel_loop3A_1689] {strides = array<i32>} : memref<3x4x8x1024xf32, #tpu.memory_space<vmem>>, vector<1x1x1x16xf32>,
        %parallel_loop3A_1691 = vector.shape_cast %parallel_loop3A_1690 : vector<1x1x1x16xf32> to vector<16xf32>
        %parallel_loop3A_1692 = vector.shape_cast %parallel_loop3A_1668 : vector<16xf32> to vector<1x1x1x16xf32>
        tpu.vector_store %arg8[%parallel_loop3A_1686, %parallel_loop3A_1687, %parallel_loop3A_1688, %parallel_loop3A_1689], %parallel_loop3A_1692 {add = true, strides = array<i32>} : memref<3x4x8x1024xf32, #tpu.memory_space<vmem>>, vector<1x1x1x16xf32>,
        %parallel_loop3A_1693 = arith.constant 3 : i32
        %parallel_loop3A_1694 = arith.index_cast %rem3A_76 : i32 to index
        %parallel_loop3A_1695 = arith.index_cast %parallel_loop3A_1693 : i32 to index
        %parallel_loop3A_1696 = arith.index_cast %parallel_loop3A_140 : i32 to index
        %parallel_loop3A_1697 = arith.constant 624 : index
        %parallel_loop3A_1698 = tpu.vector_load %arg8[%parallel_loop3A_1694, %parallel_loop3A_1695, %parallel_loop3A_1696, %parallel_loop3A_1697] {strides = array<i32>} : memref<3x4x8x1024xf32, #tpu.memory_space<vmem>>, vector<1x1x1x16xf32>,
        %parallel_loop3A_1699 = vector.shape_cast %parallel_loop3A_1698 : vector<1x1x1x16xf32> to vector<16xf32>
        %parallel_loop3A_1700 = vector.shape_cast %parallel_loop3A_1668 : vector<16xf32> to vector<1x1x1x16xf32>
        tpu.vector_store %arg8[%parallel_loop3A_1694, %parallel_loop3A_1695, %parallel_loop3A_1696, %parallel_loop3A_1697], %parallel_loop3A_1700 {add = true, strides = array<i32>} : memref<3x4x8x1024xf32, #tpu.memory_space<vmem>>, vector<1x1x1x16xf32>,
        %parallel_loop3A_1701 = arith.constant 8 : i32
        %parallel_loop3A_1702 = arith.muli %rem3A_74, %parallel_loop3A_1701 : i32
        %parallel_loop3A_1703 = arith.addi %parallel_loop3A_1702, %parallel_loop3A_140 : i32
        %parallel_loop3A_1704 = arith.index_cast %parallel_loop3A_1703 : i32 to index
        %parallel_loop3A_1705 = arith.constant 640 : index
        %parallel_loop3A_1706 = tpu.vector_load %arg7[%parallel_loop3A_1704, %parallel_loop3A_1705] {strides = array<i32>} : memref<16x1024xf32, #tpu.memory_space<vmem>>, vector<1x16xf32>,
        %parallel_loop3A_1707 = vector.shape_cast %parallel_loop3A_1706 : vector<1x16xf32> to vector<16xf32>
        %parallel_loop3A_1708 = arith.constant 0 : i32
        %parallel_loop3A_1709 = arith.index_cast %rem3A_76 : i32 to index
        %parallel_loop3A_1710 = arith.index_cast %parallel_loop3A_1708 : i32 to index
        %parallel_loop3A_1711 = arith.index_cast %parallel_loop3A_140 : i32 to index
        %parallel_loop3A_1712 = arith.constant 640 : index
        %parallel_loop3A_1713 = tpu.vector_load %arg8[%parallel_loop3A_1709, %parallel_loop3A_1710, %parallel_loop3A_1711, %parallel_loop3A_1712] {strides = array<i32>} : memref<3x4x8x1024xf32, #tpu.memory_space<vmem>>, vector<1x1x1x16xf32>,
        %parallel_loop3A_1714 = vector.shape_cast %parallel_loop3A_1713 : vector<1x1x1x16xf32> to vector<16xf32>
        %parallel_loop3A_1715 = vector.shape_cast %parallel_loop3A_1707 : vector<16xf32> to vector<1x1x1x16xf32>
        tpu.vector_store %arg8[%parallel_loop3A_1709, %parallel_loop3A_1710, %parallel_loop3A_1711, %parallel_loop3A_1712], %parallel_loop3A_1715 {add = true, strides = array<i32>} : memref<3x4x8x1024xf32, #tpu.memory_space<vmem>>, vector<1x1x1x16xf32>,
        %parallel_loop3A_1716 = arith.constant 1 : i32
        %parallel_loop3A_1717 = arith.index_cast %rem3A_76 : i32 to index
        %parallel_loop3A_1718 = arith.index_cast %parallel_loop3A_1716 : i32 to index
        %parallel_loop3A_1719 = arith.index_cast %parallel_loop3A_140 : i32 to index
        %parallel_loop3A_1720 = arith.constant 640 : index
        %parallel_loop3A_1721 = tpu.vector_load %arg8[%parallel_loop3A_1717, %parallel_loop3A_1718, %parallel_loop3A_1719, %parallel_loop3A_1720] {strides = array<i32>} : memref<3x4x8x1024xf32, #tpu.memory_space<vmem>>, vector<1x1x1x16xf32>,
        %parallel_loop3A_1722 = vector.shape_cast %parallel_loop3A_1721 : vector<1x1x1x16xf32> to vector<16xf32>
        %parallel_loop3A_1723 = vector.shape_cast %parallel_loop3A_1707 : vector<16xf32> to vector<1x1x1x16xf32>
        tpu.vector_store %arg8[%parallel_loop3A_1717, %parallel_loop3A_1718, %parallel_loop3A_1719, %parallel_loop3A_1720], %parallel_loop3A_1723 {add = true, strides = array<i32>} : memref<3x4x8x1024xf32, #tpu.memory_space<vmem>>, vector<1x1x1x16xf32>,
        %parallel_loop3A_1724 = arith.constant 2 : i32
        %parallel_loop3A_1725 = arith.index_cast %rem3A_76 : i32 to index
        %parallel_loop3A_1726 = arith.index_cast %parallel_loop3A_1724 : i32 to index
        %parallel_loop3A_1727 = arith.index_cast %parallel_loop3A_140 : i32 to index
        %parallel_loop3A_1728 = arith.constant 640 : index
        %parallel_loop3A_1729 = tpu.vector_load %arg8[%parallel_loop3A_1725, %parallel_loop3A_1726, %parallel_loop3A_1727, %parallel_loop3A_1728] {strides = array<i32>} : memref<3x4x8x1024xf32, #tpu.memory_space<vmem>>, vector<1x1x1x16xf32>,
        %parallel_loop3A_1730 = vector.shape_cast %parallel_loop3A_1729 : vector<1x1x1x16xf32> to vector<16xf32>
        %parallel_loop3A_1731 = vector.shape_cast %parallel_loop3A_1707 : vector<16xf32> to vector<1x1x1x16xf32>
        tpu.vector_store %arg8[%parallel_loop3A_1725, %parallel_loop3A_1726, %parallel_loop3A_1727, %parallel_loop3A_1728], %parallel_loop3A_1731 {add = true, strides = array<i32>} : memref<3x4x8x1024xf32, #tpu.memory_space<vmem>>, vector<1x1x1x16xf32>,
        %parallel_loop3A_1732 = arith.constant 3 : i32
        %parallel_loop3A_1733 = arith.index_cast %rem3A_76 : i32 to index
        %parallel_loop3A_1734 = arith.index_cast %parallel_loop3A_1732 : i32 to index
        %parallel_loop3A_1735 = arith.index_cast %parallel_loop3A_140 : i32 to index
        %parallel_loop3A_1736 = arith.constant 640 : index
        %parallel_loop3A_1737 = tpu.vector_load %arg8[%parallel_loop3A_1733, %parallel_loop3A_1734, %parallel_loop3A_1735, %parallel_loop3A_1736] {strides = array<i32>} : memref<3x4x8x1024xf32, #tpu.memory_space<vmem>>, vector<1x1x1x16xf32>,
        %parallel_loop3A_1738 = vector.shape_cast %parallel_loop3A_1737 : vector<1x1x1x16xf32> to vector<16xf32>
        %parallel_loop3A_1739 = vector.shape_cast %parallel_loop3A_1707 : vector<16xf32> to vector<1x1x1x16xf32>
        tpu.vector_store %arg8[%parallel_loop3A_1733, %parallel_loop3A_1734, %parallel_loop3A_1735, %parallel_loop3A_1736], %parallel_loop3A_1739 {add = true, strides = array<i32>} : memref<3x4x8x1024xf32, #tpu.memory_space<vmem>>, vector<1x1x1x16xf32>,
        %parallel_loop3A_1740 = arith.constant 8 : i32
        %parallel_loop3A_1741 = arith.muli %rem3A_74, %parallel_loop3A_1740 : i32
        %parallel_loop3A_1742 = arith.addi %parallel_loop3A_1741, %parallel_loop3A_140 : i32
        %parallel_loop3A_1743 = arith.index_cast %parallel_loop3A_1742 : i32 to index
        %parallel_loop3A_1744 = arith.constant 656 : index
        %parallel_loop3A_1745 = tpu.vector_load %arg7[%parallel_loop3A_1743, %parallel_loop3A_1744] {strides = array<i32>} : memref<16x1024xf32, #tpu.memory_space<vmem>>, vector<1x16xf32>,
        %parallel_loop3A_1746 = vector.shape_cast %parallel_loop3A_1745 : vector<1x16xf32> to vector<16xf32>
        %parallel_loop3A_1747 = arith.constant 0 : i32
        %parallel_loop3A_1748 = arith.index_cast %rem3A_76 : i32 to index
        %parallel_loop3A_1749 = arith.index_cast %parallel_loop3A_1747 : i32 to index
        %parallel_loop3A_1750 = arith.index_cast %parallel_loop3A_140 : i32 to index
        %parallel_loop3A_1751 = arith.constant 656 : index
        %parallel_loop3A_1752 = tpu.vector_load %arg8[%parallel_loop3A_1748, %parallel_loop3A_1749, %parallel_loop3A_1750, %parallel_loop3A_1751] {strides = array<i32>} : memref<3x4x8x1024xf32, #tpu.memory_space<vmem>>, vector<1x1x1x16xf32>,
        %parallel_loop3A_1753 = vector.shape_cast %parallel_loop3A_1752 : vector<1x1x1x16xf32> to vector<16xf32>
        %parallel_loop3A_1754 = vector.shape_cast %parallel_loop3A_1746 : vector<16xf32> to vector<1x1x1x16xf32>
        tpu.vector_store %arg8[%parallel_loop3A_1748, %parallel_loop3A_1749, %parallel_loop3A_1750, %parallel_loop3A_1751], %parallel_loop3A_1754 {add = true, strides = array<i32>} : memref<3x4x8x1024xf32, #tpu.memory_space<vmem>>, vector<1x1x1x16xf32>,
        %parallel_loop3A_1755 = arith.constant 1 : i32
        %parallel_loop3A_1756 = arith.index_cast %rem3A_76 : i32 to index
        %parallel_loop3A_1757 = arith.index_cast %parallel_loop3A_1755 : i32 to index
        %parallel_loop3A_1758 = arith.index_cast %parallel_loop3A_140 : i32 to index
        %parallel_loop3A_1759 = arith.constant 656 : index
        %parallel_loop3A_1760 = tpu.vector_load %arg8[%parallel_loop3A_1756, %parallel_loop3A_1757, %parallel_loop3A_1758, %parallel_loop3A_1759] {strides = array<i32>} : memref<3x4x8x1024xf32, #tpu.memory_space<vmem>>, vector<1x1x1x16xf32>,
        %parallel_loop3A_1761 = vector.shape_cast %parallel_loop3A_1760 : vector<1x1x1x16xf32> to vector<16xf32>
        %parallel_loop3A_1762 = vector.shape_cast %parallel_loop3A_1746 : vector<16xf32> to vector<1x1x1x16xf32>
        tpu.vector_store %arg8[%parallel_loop3A_1756, %parallel_loop3A_1757, %parallel_loop3A_1758, %parallel_loop3A_1759], %parallel_loop3A_1762 {add = true, strides = array<i32>} : memref<3x4x8x1024xf32, #tpu.memory_space<vmem>>, vector<1x1x1x16xf32>,
        %parallel_loop3A_1763 = arith.constant 2 : i32
        %parallel_loop3A_1764 = arith.index_cast %rem3A_76 : i32 to index
        %parallel_loop3A_1765 = arith.index_cast %parallel_loop3A_1763 : i32 to index
        %parallel_loop3A_1766 = arith.index_cast %parallel_loop3A_140 : i32 to index
        %parallel_loop3A_1767 = arith.constant 656 : index
        %parallel_loop3A_1768 = tpu.vector_load %arg8[%parallel_loop3A_1764, %parallel_loop3A_1765, %parallel_loop3A_1766, %parallel_loop3A_1767] {strides = array<i32>} : memref<3x4x8x1024xf32, #tpu.memory_space<vmem>>, vector<1x1x1x16xf32>,
        %parallel_loop3A_1769 = vector.shape_cast %parallel_loop3A_1768 : vector<1x1x1x16xf32> to vector<16xf32>
        %parallel_loop3A_1770 = vector.shape_cast %parallel_loop3A_1746 : vector<16xf32> to vector<1x1x1x16xf32>
        tpu.vector_store %arg8[%parallel_loop3A_1764, %parallel_loop3A_1765, %parallel_loop3A_1766, %parallel_loop3A_1767], %parallel_loop3A_1770 {add = true, strides = array<i32>} : memref<3x4x8x1024xf32, #tpu.memory_space<vmem>>, vector<1x1x1x16xf32>,
        %parallel_loop3A_1771 = arith.constant 3 : i32
        %parallel_loop3A_1772 = arith.index_cast %rem3A_76 : i32 to index
        %parallel_loop3A_1773 = arith.index_cast %parallel_loop3A_1771 : i32 to index
        %parallel_loop3A_1774 = arith.index_cast %parallel_loop3A_140 : i32 to index
        %parallel_loop3A_1775 = arith.constant 656 : index
        %parallel_loop3A_1776 = tpu.vector_load %arg8[%parallel_loop3A_1772, %parallel_loop3A_1773, %parallel_loop3A_1774, %parallel_loop3A_1775] {strides = array<i32>} : memref<3x4x8x1024xf32, #tpu.memory_space<vmem>>, vector<1x1x1x16xf32>,
        %parallel_loop3A_1777 = vector.shape_cast %parallel_loop3A_1776 : vector<1x1x1x16xf32> to vector<16xf32>
        %parallel_loop3A_1778 = vector.shape_cast %parallel_loop3A_1746 : vector<16xf32> to vector<1x1x1x16xf32>
        tpu.vector_store %arg8[%parallel_loop3A_1772, %parallel_loop3A_1773, %parallel_loop3A_1774, %parallel_loop3A_1775], %parallel_loop3A_1778 {add = true, strides = array<i32>} : memref<3x4x8x1024xf32, #tpu.memory_space<vmem>>, vector<1x1x1x16xf32>,
        %parallel_loop3A_1779 = arith.constant 8 : i32
        %parallel_loop3A_1780 = arith.muli %rem3A_74, %parallel_loop3A_1779 : i32
        %parallel_loop3A_1781 = arith.addi %parallel_loop3A_1780, %parallel_loop3A_140 : i32
        %parallel_loop3A_1782 = arith.index_cast %parallel_loop3A_1781 : i32 to index
        %parallel_loop3A_1783 = arith.constant 672 : index
        %parallel_loop3A_1784 = tpu.vector_load %arg7[%parallel_loop3A_1782, %parallel_loop3A_1783] {strides = array<i32>} : memref<16x1024xf32, #tpu.memory_space<vmem>>, vector<1x16xf32>,
        %parallel_loop3A_1785 = vector.shape_cast %parallel_loop3A_1784 : vector<1x16xf32> to vector<16xf32>
        %parallel_loop3A_1786 = arith.constant 0 : i32
        %parallel_loop3A_1787 = arith.index_cast %rem3A_76 : i32 to index
        %parallel_loop3A_1788 = arith.index_cast %parallel_loop3A_1786 : i32 to index
        %parallel_loop3A_1789 = arith.index_cast %parallel_loop3A_140 : i32 to index
        %parallel_loop3A_1790 = arith.constant 672 : index
        %parallel_loop3A_1791 = tpu.vector_load %arg8[%parallel_loop3A_1787, %parallel_loop3A_1788, %parallel_loop3A_1789, %parallel_loop3A_1790] {strides = array<i32>} : memref<3x4x8x1024xf32, #tpu.memory_space<vmem>>, vector<1x1x1x16xf32>,
        %parallel_loop3A_1792 = vector.shape_cast %parallel_loop3A_1791 : vector<1x1x1x16xf32> to vector<16xf32>
        %parallel_loop3A_1793 = vector.shape_cast %parallel_loop3A_1785 : vector<16xf32> to vector<1x1x1x16xf32>
        tpu.vector_store %arg8[%parallel_loop3A_1787, %parallel_loop3A_1788, %parallel_loop3A_1789, %parallel_loop3A_1790], %parallel_loop3A_1793 {add = true, strides = array<i32>} : memref<3x4x8x1024xf32, #tpu.memory_space<vmem>>, vector<1x1x1x16xf32>,
        %parallel_loop3A_1794 = arith.constant 1 : i32
        %parallel_loop3A_1795 = arith.index_cast %rem3A_76 : i32 to index
        %parallel_loop3A_1796 = arith.index_cast %parallel_loop3A_1794 : i32 to index
        %parallel_loop3A_1797 = arith.index_cast %parallel_loop3A_140 : i32 to index
        %parallel_loop3A_1798 = arith.constant 672 : index
        %parallel_loop3A_1799 = tpu.vector_load %arg8[%parallel_loop3A_1795, %parallel_loop3A_1796, %parallel_loop3A_1797, %parallel_loop3A_1798] {strides = array<i32>} : memref<3x4x8x1024xf32, #tpu.memory_space<vmem>>, vector<1x1x1x16xf32>,
        %parallel_loop3A_1800 = vector.shape_cast %parallel_loop3A_1799 : vector<1x1x1x16xf32> to vector<16xf32>
        %parallel_loop3A_1801 = vector.shape_cast %parallel_loop3A_1785 : vector<16xf32> to vector<1x1x1x16xf32>
        tpu.vector_store %arg8[%parallel_loop3A_1795, %parallel_loop3A_1796, %parallel_loop3A_1797, %parallel_loop3A_1798], %parallel_loop3A_1801 {add = true, strides = array<i32>} : memref<3x4x8x1024xf32, #tpu.memory_space<vmem>>, vector<1x1x1x16xf32>,
        %parallel_loop3A_1802 = arith.constant 2 : i32
        %parallel_loop3A_1803 = arith.index_cast %rem3A_76 : i32 to index
        %parallel_loop3A_1804 = arith.index_cast %parallel_loop3A_1802 : i32 to index
        %parallel_loop3A_1805 = arith.index_cast %parallel_loop3A_140 : i32 to index
        %parallel_loop3A_1806 = arith.constant 672 : index
        %parallel_loop3A_1807 = tpu.vector_load %arg8[%parallel_loop3A_1803, %parallel_loop3A_1804, %parallel_loop3A_1805, %parallel_loop3A_1806] {strides = array<i32>} : memref<3x4x8x1024xf32, #tpu.memory_space<vmem>>, vector<1x1x1x16xf32>,
        %parallel_loop3A_1808 = vector.shape_cast %parallel_loop3A_1807 : vector<1x1x1x16xf32> to vector<16xf32>
        %parallel_loop3A_1809 = vector.shape_cast %parallel_loop3A_1785 : vector<16xf32> to vector<1x1x1x16xf32>
        tpu.vector_store %arg8[%parallel_loop3A_1803, %parallel_loop3A_1804, %parallel_loop3A_1805, %parallel_loop3A_1806], %parallel_loop3A_1809 {add = true, strides = array<i32>} : memref<3x4x8x1024xf32, #tpu.memory_space<vmem>>, vector<1x1x1x16xf32>,
        %parallel_loop3A_1810 = arith.constant 3 : i32
        %parallel_loop3A_1811 = arith.index_cast %rem3A_76 : i32 to index
        %parallel_loop3A_1812 = arith.index_cast %parallel_loop3A_1810 : i32 to index
        %parallel_loop3A_1813 = arith.index_cast %parallel_loop3A_140 : i32 to index
        %parallel_loop3A_1814 = arith.constant 672 : index
        %parallel_loop3A_1815 = tpu.vector_load %arg8[%parallel_loop3A_1811, %parallel_loop3A_1812, %parallel_loop3A_1813, %parallel_loop3A_1814] {strides = array<i32>} : memref<3x4x8x1024xf32, #tpu.memory_space<vmem>>, vector<1x1x1x16xf32>,
        %parallel_loop3A_1816 = vector.shape_cast %parallel_loop3A_1815 : vector<1x1x1x16xf32> to vector<16xf32>
        %parallel_loop3A_1817 = vector.shape_cast %parallel_loop3A_1785 : vector<16xf32> to vector<1x1x1x16xf32>
        tpu.vector_store %arg8[%parallel_loop3A_1811, %parallel_loop3A_1812, %parallel_loop3A_1813, %parallel_loop3A_1814], %parallel_loop3A_1817 {add = true, strides = array<i32>} : memref<3x4x8x1024xf32, #tpu.memory_space<vmem>>, vector<1x1x1x16xf32>,
        %parallel_loop3A_1818 = arith.constant 8 : i32
        %parallel_loop3A_1819 = arith.muli %rem3A_74, %parallel_loop3A_1818 : i32
        %parallel_loop3A_1820 = arith.addi %parallel_loop3A_1819, %parallel_loop3A_140 : i32
        %parallel_loop3A_1821 = arith.index_cast %parallel_loop3A_1820 : i32 to index
        %parallel_loop3A_1822 = arith.constant 688 : index
        %parallel_loop3A_1823 = tpu.vector_load %arg7[%parallel_loop3A_1821, %parallel_loop3A_1822] {strides = array<i32>} : memref<16x1024xf32, #tpu.memory_space<vmem>>, vector<1x16xf32>,
        %parallel_loop3A_1824 = vector.shape_cast %parallel_loop3A_1823 : vector<1x16xf32> to vector<16xf32>
        %parallel_loop3A_1825 = arith.constant 0 : i32
        %parallel_loop3A_1826 = arith.index_cast %rem3A_76 : i32 to index
        %parallel_loop3A_1827 = arith.index_cast %parallel_loop3A_1825 : i32 to index
        %parallel_loop3A_1828 = arith.index_cast %parallel_loop3A_140 : i32 to index
        %parallel_loop3A_1829 = arith.constant 688 : index
        %parallel_loop3A_1830 = tpu.vector_load %arg8[%parallel_loop3A_1826, %parallel_loop3A_1827, %parallel_loop3A_1828, %parallel_loop3A_1829] {strides = array<i32>} : memref<3x4x8x1024xf32, #tpu.memory_space<vmem>>, vector<1x1x1x16xf32>,
        %parallel_loop3A_1831 = vector.shape_cast %parallel_loop3A_1830 : vector<1x1x1x16xf32> to vector<16xf32>
        %parallel_loop3A_1832 = vector.shape_cast %parallel_loop3A_1824 : vector<16xf32> to vector<1x1x1x16xf32>
        tpu.vector_store %arg8[%parallel_loop3A_1826, %parallel_loop3A_1827, %parallel_loop3A_1828, %parallel_loop3A_1829], %parallel_loop3A_1832 {add = true, strides = array<i32>} : memref<3x4x8x1024xf32, #tpu.memory_space<vmem>>, vector<1x1x1x16xf32>,
        %parallel_loop3A_1833 = arith.constant 1 : i32
        %parallel_loop3A_1834 = arith.index_cast %rem3A_76 : i32 to index
        %parallel_loop3A_1835 = arith.index_cast %parallel_loop3A_1833 : i32 to index
        %parallel_loop3A_1836 = arith.index_cast %parallel_loop3A_140 : i32 to index
        %parallel_loop3A_1837 = arith.constant 688 : index
        %parallel_loop3A_1838 = tpu.vector_load %arg8[%parallel_loop3A_1834, %parallel_loop3A_1835, %parallel_loop3A_1836, %parallel_loop3A_1837] {strides = array<i32>} : memref<3x4x8x1024xf32, #tpu.memory_space<vmem>>, vector<1x1x1x16xf32>,
        %parallel_loop3A_1839 = vector.shape_cast %parallel_loop3A_1838 : vector<1x1x1x16xf32> to vector<16xf32>
        %parallel_loop3A_1840 = vector.shape_cast %parallel_loop3A_1824 : vector<16xf32> to vector<1x1x1x16xf32>
        tpu.vector_store %arg8[%parallel_loop3A_1834, %parallel_loop3A_1835, %parallel_loop3A_1836, %parallel_loop3A_1837], %parallel_loop3A_1840 {add = true, strides = array<i32>} : memref<3x4x8x1024xf32, #tpu.memory_space<vmem>>, vector<1x1x1x16xf32>,
        %parallel_loop3A_1841 = arith.constant 2 : i32
        %parallel_loop3A_1842 = arith.index_cast %rem3A_76 : i32 to index
        %parallel_loop3A_1843 = arith.index_cast %parallel_loop3A_1841 : i32 to index
        %parallel_loop3A_1844 = arith.index_cast %parallel_loop3A_140 : i32 to index
        %parallel_loop3A_1845 = arith.constant 688 : index
        %parallel_loop3A_1846 = tpu.vector_load %arg8[%parallel_loop3A_1842, %parallel_loop3A_1843, %parallel_loop3A_1844, %parallel_loop3A_1845] {strides = array<i32>} : memref<3x4x8x1024xf32, #tpu.memory_space<vmem>>, vector<1x1x1x16xf32>,
        %parallel_loop3A_1847 = vector.shape_cast %parallel_loop3A_1846 : vector<1x1x1x16xf32> to vector<16xf32>
        %parallel_loop3A_1848 = vector.shape_cast %parallel_loop3A_1824 : vector<16xf32> to vector<1x1x1x16xf32>
        tpu.vector_store %arg8[%parallel_loop3A_1842, %parallel_loop3A_1843, %parallel_loop3A_1844, %parallel_loop3A_1845], %parallel_loop3A_1848 {add = true, strides = array<i32>} : memref<3x4x8x1024xf32, #tpu.memory_space<vmem>>, vector<1x1x1x16xf32>,
        %parallel_loop3A_1849 = arith.constant 3 : i32
        %parallel_loop3A_1850 = arith.index_cast %rem3A_76 : i32 to index
        %parallel_loop3A_1851 = arith.index_cast %parallel_loop3A_1849 : i32 to index
        %parallel_loop3A_1852 = arith.index_cast %parallel_loop3A_140 : i32 to index
        %parallel_loop3A_1853 = arith.constant 688 : index
        %parallel_loop3A_1854 = tpu.vector_load %arg8[%parallel_loop3A_1850, %parallel_loop3A_1851, %parallel_loop3A_1852, %parallel_loop3A_1853] {strides = array<i32>} : memref<3x4x8x1024xf32, #tpu.memory_space<vmem>>, vector<1x1x1x16xf32>,
        %parallel_loop3A_1855 = vector.shape_cast %parallel_loop3A_1854 : vector<1x1x1x16xf32> to vector<16xf32>
        %parallel_loop3A_1856 = vector.shape_cast %parallel_loop3A_1824 : vector<16xf32> to vector<1x1x1x16xf32>
        tpu.vector_store %arg8[%parallel_loop3A_1850, %parallel_loop3A_1851, %parallel_loop3A_1852, %parallel_loop3A_1853], %parallel_loop3A_1856 {add = true, strides = array<i32>} : memref<3x4x8x1024xf32, #tpu.memory_space<vmem>>, vector<1x1x1x16xf32>,
        %parallel_loop3A_1857 = arith.constant 8 : i32
        %parallel_loop3A_1858 = arith.muli %rem3A_74, %parallel_loop3A_1857 : i32
        %parallel_loop3A_1859 = arith.addi %parallel_loop3A_1858, %parallel_loop3A_140 : i32
        %parallel_loop3A_1860 = arith.index_cast %parallel_loop3A_1859 : i32 to index
        %parallel_loop3A_1861 = arith.constant 704 : index
        %parallel_loop3A_1862 = tpu.vector_load %arg7[%parallel_loop3A_1860, %parallel_loop3A_1861] {strides = array<i32>} : memref<16x1024xf32, #tpu.memory_space<vmem>>, vector<1x16xf32>,
        %parallel_loop3A_1863 = vector.shape_cast %parallel_loop3A_1862 : vector<1x16xf32> to vector<16xf32>
        %parallel_loop3A_1864 = arith.constant 0 : i32
        %parallel_loop3A_1865 = arith.index_cast %rem3A_76 : i32 to index
        %parallel_loop3A_1866 = arith.index_cast %parallel_loop3A_1864 : i32 to index
        %parallel_loop3A_1867 = arith.index_cast %parallel_loop3A_140 : i32 to index
        %parallel_loop3A_1868 = arith.constant 704 : index
        %parallel_loop3A_1869 = tpu.vector_load %arg8[%parallel_loop3A_1865, %parallel_loop3A_1866, %parallel_loop3A_1867, %parallel_loop3A_1868] {strides = array<i32>} : memref<3x4x8x1024xf32, #tpu.memory_space<vmem>>, vector<1x1x1x16xf32>,
        %parallel_loop3A_1870 = vector.shape_cast %parallel_loop3A_1869 : vector<1x1x1x16xf32> to vector<16xf32>
        %parallel_loop3A_1871 = vector.shape_cast %parallel_loop3A_1863 : vector<16xf32> to vector<1x1x1x16xf32>
        tpu.vector_store %arg8[%parallel_loop3A_1865, %parallel_loop3A_1866, %parallel_loop3A_1867, %parallel_loop3A_1868], %parallel_loop3A_1871 {add = true, strides = array<i32>} : memref<3x4x8x1024xf32, #tpu.memory_space<vmem>>, vector<1x1x1x16xf32>,
        %parallel_loop3A_1872 = arith.constant 1 : i32
        %parallel_loop3A_1873 = arith.index_cast %rem3A_76 : i32 to index
        %parallel_loop3A_1874 = arith.index_cast %parallel_loop3A_1872 : i32 to index
        %parallel_loop3A_1875 = arith.index_cast %parallel_loop3A_140 : i32 to index
        %parallel_loop3A_1876 = arith.constant 704 : index
        %parallel_loop3A_1877 = tpu.vector_load %arg8[%parallel_loop3A_1873, %parallel_loop3A_1874, %parallel_loop3A_1875, %parallel_loop3A_1876] {strides = array<i32>} : memref<3x4x8x1024xf32, #tpu.memory_space<vmem>>, vector<1x1x1x16xf32>,
        %parallel_loop3A_1878 = vector.shape_cast %parallel_loop3A_1877 : vector<1x1x1x16xf32> to vector<16xf32>
        %parallel_loop3A_1879 = vector.shape_cast %parallel_loop3A_1863 : vector<16xf32> to vector<1x1x1x16xf32>
        tpu.vector_store %arg8[%parallel_loop3A_1873, %parallel_loop3A_1874, %parallel_loop3A_1875, %parallel_loop3A_1876], %parallel_loop3A_1879 {add = true, strides = array<i32>} : memref<3x4x8x1024xf32, #tpu.memory_space<vmem>>, vector<1x1x1x16xf32>,
        %parallel_loop3A_1880 = arith.constant 2 : i32
        %parallel_loop3A_1881 = arith.index_cast %rem3A_76 : i32 to index
        %parallel_loop3A_1882 = arith.index_cast %parallel_loop3A_1880 : i32 to index
        %parallel_loop3A_1883 = arith.index_cast %parallel_loop3A_140 : i32 to index
        %parallel_loop3A_1884 = arith.constant 704 : index
        %parallel_loop3A_1885 = tpu.vector_load %arg8[%parallel_loop3A_1881, %parallel_loop3A_1882, %parallel_loop3A_1883, %parallel_loop3A_1884] {strides = array<i32>} : memref<3x4x8x1024xf32, #tpu.memory_space<vmem>>, vector<1x1x1x16xf32>,
        %parallel_loop3A_1886 = vector.shape_cast %parallel_loop3A_1885 : vector<1x1x1x16xf32> to vector<16xf32>
        %parallel_loop3A_1887 = vector.shape_cast %parallel_loop3A_1863 : vector<16xf32> to vector<1x1x1x16xf32>
        tpu.vector_store %arg8[%parallel_loop3A_1881, %parallel_loop3A_1882, %parallel_loop3A_1883, %parallel_loop3A_1884], %parallel_loop3A_1887 {add = true, strides = array<i32>} : memref<3x4x8x1024xf32, #tpu.memory_space<vmem>>, vector<1x1x1x16xf32>,
        %parallel_loop3A_1888 = arith.constant 3 : i32
        %parallel_loop3A_1889 = arith.index_cast %rem3A_76 : i32 to index
        %parallel_loop3A_1890 = arith.index_cast %parallel_loop3A_1888 : i32 to index
        %parallel_loop3A_1891 = arith.index_cast %parallel_loop3A_140 : i32 to index
        %parallel_loop3A_1892 = arith.constant 704 : index
        %parallel_loop3A_1893 = tpu.vector_load %arg8[%parallel_loop3A_1889, %parallel_loop3A_1890, %parallel_loop3A_1891, %parallel_loop3A_1892] {strides = array<i32>} : memref<3x4x8x1024xf32, #tpu.memory_space<vmem>>, vector<1x1x1x16xf32>,
        %parallel_loop3A_1894 = vector.shape_cast %parallel_loop3A_1893 : vector<1x1x1x16xf32> to vector<16xf32>
        %parallel_loop3A_1895 = vector.shape_cast %parallel_loop3A_1863 : vector<16xf32> to vector<1x1x1x16xf32>
        tpu.vector_store %arg8[%parallel_loop3A_1889, %parallel_loop3A_1890, %parallel_loop3A_1891, %parallel_loop3A_1892], %parallel_loop3A_1895 {add = true, strides = array<i32>} : memref<3x4x8x1024xf32, #tpu.memory_space<vmem>>, vector<1x1x1x16xf32>,
        %parallel_loop3A_1896 = arith.constant 8 : i32
        %parallel_loop3A_1897 = arith.muli %rem3A_74, %parallel_loop3A_1896 : i32
        %parallel_loop3A_1898 = arith.addi %parallel_loop3A_1897, %parallel_loop3A_140 : i32
        %parallel_loop3A_1899 = arith.index_cast %parallel_loop3A_1898 : i32 to index
        %parallel_loop3A_1900 = arith.constant 720 : index
        %parallel_loop3A_1901 = tpu.vector_load %arg7[%parallel_loop3A_1899, %parallel_loop3A_1900] {strides = array<i32>} : memref<16x1024xf32, #tpu.memory_space<vmem>>, vector<1x16xf32>,
        %parallel_loop3A_1902 = vector.shape_cast %parallel_loop3A_1901 : vector<1x16xf32> to vector<16xf32>
        %parallel_loop3A_1903 = arith.constant 0 : i32
        %parallel_loop3A_1904 = arith.index_cast %rem3A_76 : i32 to index
        %parallel_loop3A_1905 = arith.index_cast %parallel_loop3A_1903 : i32 to index
        %parallel_loop3A_1906 = arith.index_cast %parallel_loop3A_140 : i32 to index
        %parallel_loop3A_1907 = arith.constant 720 : index
        %parallel_loop3A_1908 = tpu.vector_load %arg8[%parallel_loop3A_1904, %parallel_loop3A_1905, %parallel_loop3A_1906, %parallel_loop3A_1907] {strides = array<i32>} : memref<3x4x8x1024xf32, #tpu.memory_space<vmem>>, vector<1x1x1x16xf32>,
        %parallel_loop3A_1909 = vector.shape_cast %parallel_loop3A_1908 : vector<1x1x1x16xf32> to vector<16xf32>
        %parallel_loop3A_1910 = vector.shape_cast %parallel_loop3A_1902 : vector<16xf32> to vector<1x1x1x16xf32>
        tpu.vector_store %arg8[%parallel_loop3A_1904, %parallel_loop3A_1905, %parallel_loop3A_1906, %parallel_loop3A_1907], %parallel_loop3A_1910 {add = true, strides = array<i32>} : memref<3x4x8x1024xf32, #tpu.memory_space<vmem>>, vector<1x1x1x16xf32>,
        %parallel_loop3A_1911 = arith.constant 1 : i32
        %parallel_loop3A_1912 = arith.index_cast %rem3A_76 : i32 to index
        %parallel_loop3A_1913 = arith.index_cast %parallel_loop3A_1911 : i32 to index
        %parallel_loop3A_1914 = arith.index_cast %parallel_loop3A_140 : i32 to index
        %parallel_loop3A_1915 = arith.constant 720 : index
        %parallel_loop3A_1916 = tpu.vector_load %arg8[%parallel_loop3A_1912, %parallel_loop3A_1913, %parallel_loop3A_1914, %parallel_loop3A_1915] {strides = array<i32>} : memref<3x4x8x1024xf32, #tpu.memory_space<vmem>>, vector<1x1x1x16xf32>,
        %parallel_loop3A_1917 = vector.shape_cast %parallel_loop3A_1916 : vector<1x1x1x16xf32> to vector<16xf32>
        %parallel_loop3A_1918 = vector.shape_cast %parallel_loop3A_1902 : vector<16xf32> to vector<1x1x1x16xf32>
        tpu.vector_store %arg8[%parallel_loop3A_1912, %parallel_loop3A_1913, %parallel_loop3A_1914, %parallel_loop3A_1915], %parallel_loop3A_1918 {add = true, strides = array<i32>} : memref<3x4x8x1024xf32, #tpu.memory_space<vmem>>, vector<1x1x1x16xf32>,
        %parallel_loop3A_1919 = arith.constant 2 : i32
        %parallel_loop3A_1920 = arith.index_cast %rem3A_76 : i32 to index
        %parallel_loop3A_1921 = arith.index_cast %parallel_loop3A_1919 : i32 to index
        %parallel_loop3A_1922 = arith.index_cast %parallel_loop3A_140 : i32 to index
        %parallel_loop3A_1923 = arith.constant 720 : index
        %parallel_loop3A_1924 = tpu.vector_load %arg8[%parallel_loop3A_1920, %parallel_loop3A_1921, %parallel_loop3A_1922, %parallel_loop3A_1923] {strides = array<i32>} : memref<3x4x8x1024xf32, #tpu.memory_space<vmem>>, vector<1x1x1x16xf32>,
        %parallel_loop3A_1925 = vector.shape_cast %parallel_loop3A_1924 : vector<1x1x1x16xf32> to vector<16xf32>
        %parallel_loop3A_1926 = vector.shape_cast %parallel_loop3A_1902 : vector<16xf32> to vector<1x1x1x16xf32>
        tpu.vector_store %arg8[%parallel_loop3A_1920, %parallel_loop3A_1921, %parallel_loop3A_1922, %parallel_loop3A_1923], %parallel_loop3A_1926 {add = true, strides = array<i32>} : memref<3x4x8x1024xf32, #tpu.memory_space<vmem>>, vector<1x1x1x16xf32>,
        %parallel_loop3A_1927 = arith.constant 3 : i32
        %parallel_loop3A_1928 = arith.index_cast %rem3A_76 : i32 to index
        %parallel_loop3A_1929 = arith.index_cast %parallel_loop3A_1927 : i32 to index
        %parallel_loop3A_1930 = arith.index_cast %parallel_loop3A_140 : i32 to index
        %parallel_loop3A_1931 = arith.constant 720 : index
        %parallel_loop3A_1932 = tpu.vector_load %arg8[%parallel_loop3A_1928, %parallel_loop3A_1929, %parallel_loop3A_1930, %parallel_loop3A_1931] {strides = array<i32>} : memref<3x4x8x1024xf32, #tpu.memory_space<vmem>>, vector<1x1x1x16xf32>,
        %parallel_loop3A_1933 = vector.shape_cast %parallel_loop3A_1932 : vector<1x1x1x16xf32> to vector<16xf32>
        %parallel_loop3A_1934 = vector.shape_cast %parallel_loop3A_1902 : vector<16xf32> to vector<1x1x1x16xf32>
        tpu.vector_store %arg8[%parallel_loop3A_1928, %parallel_loop3A_1929, %parallel_loop3A_1930, %parallel_loop3A_1931], %parallel_loop3A_1934 {add = true, strides = array<i32>} : memref<3x4x8x1024xf32, #tpu.memory_space<vmem>>, vector<1x1x1x16xf32>,
        %parallel_loop3A_1935 = arith.constant 8 : i32
        %parallel_loop3A_1936 = arith.muli %rem3A_74, %parallel_loop3A_1935 : i32
        %parallel_loop3A_1937 = arith.addi %parallel_loop3A_1936, %parallel_loop3A_140 : i32
        %parallel_loop3A_1938 = arith.index_cast %parallel_loop3A_1937 : i32 to index
        %parallel_loop3A_1939 = arith.constant 736 : index
        %parallel_loop3A_1940 = tpu.vector_load %arg7[%parallel_loop3A_1938, %parallel_loop3A_1939] {strides = array<i32>} : memref<16x1024xf32, #tpu.memory_space<vmem>>, vector<1x16xf32>,
        %parallel_loop3A_1941 = vector.shape_cast %parallel_loop3A_1940 : vector<1x16xf32> to vector<16xf32>
        %parallel_loop3A_1942 = arith.constant 0 : i32
        %parallel_loop3A_1943 = arith.index_cast %rem3A_76 : i32 to index
        %parallel_loop3A_1944 = arith.index_cast %parallel_loop3A_1942 : i32 to index
        %parallel_loop3A_1945 = arith.index_cast %parallel_loop3A_140 : i32 to index
        %parallel_loop3A_1946 = arith.constant 736 : index
        %parallel_loop3A_1947 = tpu.vector_load %arg8[%parallel_loop3A_1943, %parallel_loop3A_1944, %parallel_loop3A_1945, %parallel_loop3A_1946] {strides = array<i32>} : memref<3x4x8x1024xf32, #tpu.memory_space<vmem>>, vector<1x1x1x16xf32>,
        %parallel_loop3A_1948 = vector.shape_cast %parallel_loop3A_1947 : vector<1x1x1x16xf32> to vector<16xf32>
        %parallel_loop3A_1949 = vector.shape_cast %parallel_loop3A_1941 : vector<16xf32> to vector<1x1x1x16xf32>
        tpu.vector_store %arg8[%parallel_loop3A_1943, %parallel_loop3A_1944, %parallel_loop3A_1945, %parallel_loop3A_1946], %parallel_loop3A_1949 {add = true, strides = array<i32>} : memref<3x4x8x1024xf32, #tpu.memory_space<vmem>>, vector<1x1x1x16xf32>,
        %parallel_loop3A_1950 = arith.constant 1 : i32
        %parallel_loop3A_1951 = arith.index_cast %rem3A_76 : i32 to index
        %parallel_loop3A_1952 = arith.index_cast %parallel_loop3A_1950 : i32 to index
        %parallel_loop3A_1953 = arith.index_cast %parallel_loop3A_140 : i32 to index
        %parallel_loop3A_1954 = arith.constant 736 : index
        %parallel_loop3A_1955 = tpu.vector_load %arg8[%parallel_loop3A_1951, %parallel_loop3A_1952, %parallel_loop3A_1953, %parallel_loop3A_1954] {strides = array<i32>} : memref<3x4x8x1024xf32, #tpu.memory_space<vmem>>, vector<1x1x1x16xf32>,
        %parallel_loop3A_1956 = vector.shape_cast %parallel_loop3A_1955 : vector<1x1x1x16xf32> to vector<16xf32>
        %parallel_loop3A_1957 = vector.shape_cast %parallel_loop3A_1941 : vector<16xf32> to vector<1x1x1x16xf32>
        tpu.vector_store %arg8[%parallel_loop3A_1951, %parallel_loop3A_1952, %parallel_loop3A_1953, %parallel_loop3A_1954], %parallel_loop3A_1957 {add = true, strides = array<i32>} : memref<3x4x8x1024xf32, #tpu.memory_space<vmem>>, vector<1x1x1x16xf32>,
        %parallel_loop3A_1958 = arith.constant 2 : i32
        %parallel_loop3A_1959 = arith.index_cast %rem3A_76 : i32 to index
        %parallel_loop3A_1960 = arith.index_cast %parallel_loop3A_1958 : i32 to index
        %parallel_loop3A_1961 = arith.index_cast %parallel_loop3A_140 : i32 to index
        %parallel_loop3A_1962 = arith.constant 736 : index
        %parallel_loop3A_1963 = tpu.vector_load %arg8[%parallel_loop3A_1959, %parallel_loop3A_1960, %parallel_loop3A_1961, %parallel_loop3A_1962] {strides = array<i32>} : memref<3x4x8x1024xf32, #tpu.memory_space<vmem>>, vector<1x1x1x16xf32>,
        %parallel_loop3A_1964 = vector.shape_cast %parallel_loop3A_1963 : vector<1x1x1x16xf32> to vector<16xf32>
        %parallel_loop3A_1965 = vector.shape_cast %parallel_loop3A_1941 : vector<16xf32> to vector<1x1x1x16xf32>
        tpu.vector_store %arg8[%parallel_loop3A_1959, %parallel_loop3A_1960, %parallel_loop3A_1961, %parallel_loop3A_1962], %parallel_loop3A_1965 {add = true, strides = array<i32>} : memref<3x4x8x1024xf32, #tpu.memory_space<vmem>>, vector<1x1x1x16xf32>,
        %parallel_loop3A_1966 = arith.constant 3 : i32
        %parallel_loop3A_1967 = arith.index_cast %rem3A_76 : i32 to index
        %parallel_loop3A_1968 = arith.index_cast %parallel_loop3A_1966 : i32 to index
        %parallel_loop3A_1969 = arith.index_cast %parallel_loop3A_140 : i32 to index
        %parallel_loop3A_1970 = arith.constant 736 : index
        %parallel_loop3A_1971 = tpu.vector_load %arg8[%parallel_loop3A_1967, %parallel_loop3A_1968, %parallel_loop3A_1969, %parallel_loop3A_1970] {strides = array<i32>} : memref<3x4x8x1024xf32, #tpu.memory_space<vmem>>, vector<1x1x1x16xf32>,
        %parallel_loop3A_1972 = vector.shape_cast %parallel_loop3A_1971 : vector<1x1x1x16xf32> to vector<16xf32>
        %parallel_loop3A_1973 = vector.shape_cast %parallel_loop3A_1941 : vector<16xf32> to vector<1x1x1x16xf32>
        tpu.vector_store %arg8[%parallel_loop3A_1967, %parallel_loop3A_1968, %parallel_loop3A_1969, %parallel_loop3A_1970], %parallel_loop3A_1973 {add = true, strides = array<i32>} : memref<3x4x8x1024xf32, #tpu.memory_space<vmem>>, vector<1x1x1x16xf32>,
        %parallel_loop3A_1974 = arith.constant 8 : i32
        %parallel_loop3A_1975 = arith.muli %rem3A_74, %parallel_loop3A_1974 : i32
        %parallel_loop3A_1976 = arith.addi %parallel_loop3A_1975, %parallel_loop3A_140 : i32
        %parallel_loop3A_1977 = arith.index_cast %parallel_loop3A_1976 : i32 to index
        %parallel_loop3A_1978 = arith.constant 752 : index
        %parallel_loop3A_1979 = tpu.vector_load %arg7[%parallel_loop3A_1977, %parallel_loop3A_1978] {strides = array<i32>} : memref<16x1024xf32, #tpu.memory_space<vmem>>, vector<1x16xf32>,
        %parallel_loop3A_1980 = vector.shape_cast %parallel_loop3A_1979 : vector<1x16xf32> to vector<16xf32>
        %parallel_loop3A_1981 = arith.constant 0 : i32
        %parallel_loop3A_1982 = arith.index_cast %rem3A_76 : i32 to index
        %parallel_loop3A_1983 = arith.index_cast %parallel_loop3A_1981 : i32 to index
        %parallel_loop3A_1984 = arith.index_cast %parallel_loop3A_140 : i32 to index
        %parallel_loop3A_1985 = arith.constant 752 : index
        %parallel_loop3A_1986 = tpu.vector_load %arg8[%parallel_loop3A_1982, %parallel_loop3A_1983, %parallel_loop3A_1984, %parallel_loop3A_1985] {strides = array<i32>} : memref<3x4x8x1024xf32, #tpu.memory_space<vmem>>, vector<1x1x1x16xf32>,
        %parallel_loop3A_1987 = vector.shape_cast %parallel_loop3A_1986 : vector<1x1x1x16xf32> to vector<16xf32>
        %parallel_loop3A_1988 = vector.shape_cast %parallel_loop3A_1980 : vector<16xf32> to vector<1x1x1x16xf32>
        tpu.vector_store %arg8[%parallel_loop3A_1982, %parallel_loop3A_1983, %parallel_loop3A_1984, %parallel_loop3A_1985], %parallel_loop3A_1988 {add = true, strides = array<i32>} : memref<3x4x8x1024xf32, #tpu.memory_space<vmem>>, vector<1x1x1x16xf32>,
        %parallel_loop3A_1989 = arith.constant 1 : i32
        %parallel_loop3A_1990 = arith.index_cast %rem3A_76 : i32 to index
        %parallel_loop3A_1991 = arith.index_cast %parallel_loop3A_1989 : i32 to index
        %parallel_loop3A_1992 = arith.index_cast %parallel_loop3A_140 : i32 to index
        %parallel_loop3A_1993 = arith.constant 752 : index
        %parallel_loop3A_1994 = tpu.vector_load %arg8[%parallel_loop3A_1990, %parallel_loop3A_1991, %parallel_loop3A_1992, %parallel_loop3A_1993] {strides = array<i32>} : memref<3x4x8x1024xf32, #tpu.memory_space<vmem>>, vector<1x1x1x16xf32>,
        %parallel_loop3A_1995 = vector.shape_cast %parallel_loop3A_1994 : vector<1x1x1x16xf32> to vector<16xf32>
        %parallel_loop3A_1996 = vector.shape_cast %parallel_loop3A_1980 : vector<16xf32> to vector<1x1x1x16xf32>
        tpu.vector_store %arg8[%parallel_loop3A_1990, %parallel_loop3A_1991, %parallel_loop3A_1992, %parallel_loop3A_1993], %parallel_loop3A_1996 {add = true, strides = array<i32>} : memref<3x4x8x1024xf32, #tpu.memory_space<vmem>>, vector<1x1x1x16xf32>,
        %parallel_loop3A_1997 = arith.constant 2 : i32
        %parallel_loop3A_1998 = arith.index_cast %rem3A_76 : i32 to index
        %parallel_loop3A_1999 = arith.index_cast %parallel_loop3A_1997 : i32 to index
        %parallel_loop3A_2000 = arith.index_cast %parallel_loop3A_140 : i32 to index
        %parallel_loop3A_2001 = arith.constant 752 : index
        %parallel_loop3A_2002 = tpu.vector_load %arg8[%parallel_loop3A_1998, %parallel_loop3A_1999, %parallel_loop3A_2000, %parallel_loop3A_2001] {strides = array<i32>} : memref<3x4x8x1024xf32, #tpu.memory_space<vmem>>, vector<1x1x1x16xf32>,
        %parallel_loop3A_2003 = vector.shape_cast %parallel_loop3A_2002 : vector<1x1x1x16xf32> to vector<16xf32>
        %parallel_loop3A_2004 = vector.shape_cast %parallel_loop3A_1980 : vector<16xf32> to vector<1x1x1x16xf32>
        tpu.vector_store %arg8[%parallel_loop3A_1998, %parallel_loop3A_1999, %parallel_loop3A_2000, %parallel_loop3A_2001], %parallel_loop3A_2004 {add = true, strides = array<i32>} : memref<3x4x8x1024xf32, #tpu.memory_space<vmem>>, vector<1x1x1x16xf32>,
        %parallel_loop3A_2005 = arith.constant 3 : i32
        %parallel_loop3A_2006 = arith.index_cast %rem3A_76 : i32 to index
        %parallel_loop3A_2007 = arith.index_cast %parallel_loop3A_2005 : i32 to index
        %parallel_loop3A_2008 = arith.index_cast %parallel_loop3A_140 : i32 to index
        %parallel_loop3A_2009 = arith.constant 752 : index
        %parallel_loop3A_2010 = tpu.vector_load %arg8[%parallel_loop3A_2006, %parallel_loop3A_2007, %parallel_loop3A_2008, %parallel_loop3A_2009] {strides = array<i32>} : memref<3x4x8x1024xf32, #tpu.memory_space<vmem>>, vector<1x1x1x16xf32>,
        %parallel_loop3A_2011 = vector.shape_cast %parallel_loop3A_2010 : vector<1x1x1x16xf32> to vector<16xf32>
        %parallel_loop3A_2012 = vector.shape_cast %parallel_loop3A_1980 : vector<16xf32> to vector<1x1x1x16xf32>
        tpu.vector_store %arg8[%parallel_loop3A_2006, %parallel_loop3A_2007, %parallel_loop3A_2008, %parallel_loop3A_2009], %parallel_loop3A_2012 {add = true, strides = array<i32>} : memref<3x4x8x1024xf32, #tpu.memory_space<vmem>>, vector<1x1x1x16xf32>,
        %parallel_loop3A_2013 = arith.constant 8 : i32
        %parallel_loop3A_2014 = arith.muli %rem3A_74, %parallel_loop3A_2013 : i32
        %parallel_loop3A_2015 = arith.addi %parallel_loop3A_2014, %parallel_loop3A_140 : i32
        %parallel_loop3A_2016 = arith.index_cast %parallel_loop3A_2015 : i32 to index
        %parallel_loop3A_2017 = arith.constant 768 : index
        %parallel_loop3A_2018 = tpu.vector_load %arg7[%parallel_loop3A_2016, %parallel_loop3A_2017] {strides = array<i32>} : memref<16x1024xf32, #tpu.memory_space<vmem>>, vector<1x16xf32>,
        %parallel_loop3A_2019 = vector.shape_cast %parallel_loop3A_2018 : vector<1x16xf32> to vector<16xf32>
        %parallel_loop3A_2020 = arith.constant 0 : i32
        %parallel_loop3A_2021 = arith.index_cast %rem3A_76 : i32 to index
        %parallel_loop3A_2022 = arith.index_cast %parallel_loop3A_2020 : i32 to index
        %parallel_loop3A_2023 = arith.index_cast %parallel_loop3A_140 : i32 to index
        %parallel_loop3A_2024 = arith.constant 768 : index
        %parallel_loop3A_2025 = tpu.vector_load %arg8[%parallel_loop3A_2021, %parallel_loop3A_2022, %parallel_loop3A_2023, %parallel_loop3A_2024] {strides = array<i32>} : memref<3x4x8x1024xf32, #tpu.memory_space<vmem>>, vector<1x1x1x16xf32>,
        %parallel_loop3A_2026 = vector.shape_cast %parallel_loop3A_2025 : vector<1x1x1x16xf32> to vector<16xf32>
        %parallel_loop3A_2027 = vector.shape_cast %parallel_loop3A_2019 : vector<16xf32> to vector<1x1x1x16xf32>
        tpu.vector_store %arg8[%parallel_loop3A_2021, %parallel_loop3A_2022, %parallel_loop3A_2023, %parallel_loop3A_2024], %parallel_loop3A_2027 {add = true, strides = array<i32>} : memref<3x4x8x1024xf32, #tpu.memory_space<vmem>>, vector<1x1x1x16xf32>,
        %parallel_loop3A_2028 = arith.constant 1 : i32
        %parallel_loop3A_2029 = arith.index_cast %rem3A_76 : i32 to index
        %parallel_loop3A_2030 = arith.index_cast %parallel_loop3A_2028 : i32 to index
        %parallel_loop3A_2031 = arith.index_cast %parallel_loop3A_140 : i32 to index
        %parallel_loop3A_2032 = arith.constant 768 : index
        %parallel_loop3A_2033 = tpu.vector_load %arg8[%parallel_loop3A_2029, %parallel_loop3A_2030, %parallel_loop3A_2031, %parallel_loop3A_2032] {strides = array<i32>} : memref<3x4x8x1024xf32, #tpu.memory_space<vmem>>, vector<1x1x1x16xf32>,
        %parallel_loop3A_2034 = vector.shape_cast %parallel_loop3A_2033 : vector<1x1x1x16xf32> to vector<16xf32>
        %parallel_loop3A_2035 = vector.shape_cast %parallel_loop3A_2019 : vector<16xf32> to vector<1x1x1x16xf32>
        tpu.vector_store %arg8[%parallel_loop3A_2029, %parallel_loop3A_2030, %parallel_loop3A_2031, %parallel_loop3A_2032], %parallel_loop3A_2035 {add = true, strides = array<i32>} : memref<3x4x8x1024xf32, #tpu.memory_space<vmem>>, vector<1x1x1x16xf32>,
        %parallel_loop3A_2036 = arith.constant 2 : i32
        %parallel_loop3A_2037 = arith.index_cast %rem3A_76 : i32 to index
        %parallel_loop3A_2038 = arith.index_cast %parallel_loop3A_2036 : i32 to index
        %parallel_loop3A_2039 = arith.index_cast %parallel_loop3A_140 : i32 to index
        %parallel_loop3A_2040 = arith.constant 768 : index
        %parallel_loop3A_2041 = tpu.vector_load %arg8[%parallel_loop3A_2037, %parallel_loop3A_2038, %parallel_loop3A_2039, %parallel_loop3A_2040] {strides = array<i32>} : memref<3x4x8x1024xf32, #tpu.memory_space<vmem>>, vector<1x1x1x16xf32>,
        %parallel_loop3A_2042 = vector.shape_cast %parallel_loop3A_2041 : vector<1x1x1x16xf32> to vector<16xf32>
        %parallel_loop3A_2043 = vector.shape_cast %parallel_loop3A_2019 : vector<16xf32> to vector<1x1x1x16xf32>
        tpu.vector_store %arg8[%parallel_loop3A_2037, %parallel_loop3A_2038, %parallel_loop3A_2039, %parallel_loop3A_2040], %parallel_loop3A_2043 {add = true, strides = array<i32>} : memref<3x4x8x1024xf32, #tpu.memory_space<vmem>>, vector<1x1x1x16xf32>,
        %parallel_loop3A_2044 = arith.constant 3 : i32
        %parallel_loop3A_2045 = arith.index_cast %rem3A_76 : i32 to index
        %parallel_loop3A_2046 = arith.index_cast %parallel_loop3A_2044 : i32 to index
        %parallel_loop3A_2047 = arith.index_cast %parallel_loop3A_140 : i32 to index
        %parallel_loop3A_2048 = arith.constant 768 : index
        %parallel_loop3A_2049 = tpu.vector_load %arg8[%parallel_loop3A_2045, %parallel_loop3A_2046, %parallel_loop3A_2047, %parallel_loop3A_2048] {strides = array<i32>} : memref<3x4x8x1024xf32, #tpu.memory_space<vmem>>, vector<1x1x1x16xf32>,
        %parallel_loop3A_2050 = vector.shape_cast %parallel_loop3A_2049 : vector<1x1x1x16xf32> to vector<16xf32>
        %parallel_loop3A_2051 = vector.shape_cast %parallel_loop3A_2019 : vector<16xf32> to vector<1x1x1x16xf32>
        tpu.vector_store %arg8[%parallel_loop3A_2045, %parallel_loop3A_2046, %parallel_loop3A_2047, %parallel_loop3A_2048], %parallel_loop3A_2051 {add = true, strides = array<i32>} : memref<3x4x8x1024xf32, #tpu.memory_space<vmem>>, vector<1x1x1x16xf32>,
        %parallel_loop3A_2052 = arith.constant 8 : i32
        %parallel_loop3A_2053 = arith.muli %rem3A_74, %parallel_loop3A_2052 : i32
        %parallel_loop3A_2054 = arith.addi %parallel_loop3A_2053, %parallel_loop3A_140 : i32
        %parallel_loop3A_2055 = arith.index_cast %parallel_loop3A_2054 : i32 to index
        %parallel_loop3A_2056 = arith.constant 784 : index
        %parallel_loop3A_2057 = tpu.vector_load %arg7[%parallel_loop3A_2055, %parallel_loop3A_2056] {strides = array<i32>} : memref<16x1024xf32, #tpu.memory_space<vmem>>, vector<1x16xf32>,
        %parallel_loop3A_2058 = vector.shape_cast %parallel_loop3A_2057 : vector<1x16xf32> to vector<16xf32>
        %parallel_loop3A_2059 = arith.constant 0 : i32
        %parallel_loop3A_2060 = arith.index_cast %rem3A_76 : i32 to index
        %parallel_loop3A_2061 = arith.index_cast %parallel_loop3A_2059 : i32 to index
        %parallel_loop3A_2062 = arith.index_cast %parallel_loop3A_140 : i32 to index
        %parallel_loop3A_2063 = arith.constant 784 : index
        %parallel_loop3A_2064 = tpu.vector_load %arg8[%parallel_loop3A_2060, %parallel_loop3A_2061, %parallel_loop3A_2062, %parallel_loop3A_2063] {strides = array<i32>} : memref<3x4x8x1024xf32, #tpu.memory_space<vmem>>, vector<1x1x1x16xf32>,
        %parallel_loop3A_2065 = vector.shape_cast %parallel_loop3A_2064 : vector<1x1x1x16xf32> to vector<16xf32>
        %parallel_loop3A_2066 = vector.shape_cast %parallel_loop3A_2058 : vector<16xf32> to vector<1x1x1x16xf32>
        tpu.vector_store %arg8[%parallel_loop3A_2060, %parallel_loop3A_2061, %parallel_loop3A_2062, %parallel_loop3A_2063], %parallel_loop3A_2066 {add = true, strides = array<i32>} : memref<3x4x8x1024xf32, #tpu.memory_space<vmem>>, vector<1x1x1x16xf32>,
        %parallel_loop3A_2067 = arith.constant 1 : i32
        %parallel_loop3A_2068 = arith.index_cast %rem3A_76 : i32 to index
        %parallel_loop3A_2069 = arith.index_cast %parallel_loop3A_2067 : i32 to index
        %parallel_loop3A_2070 = arith.index_cast %parallel_loop3A_140 : i32 to index
        %parallel_loop3A_2071 = arith.constant 784 : index
        %parallel_loop3A_2072 = tpu.vector_load %arg8[%parallel_loop3A_2068, %parallel_loop3A_2069, %parallel_loop3A_2070, %parallel_loop3A_2071] {strides = array<i32>} : memref<3x4x8x1024xf32, #tpu.memory_space<vmem>>, vector<1x1x1x16xf32>,
        %parallel_loop3A_2073 = vector.shape_cast %parallel_loop3A_2072 : vector<1x1x1x16xf32> to vector<16xf32>
        %parallel_loop3A_2074 = vector.shape_cast %parallel_loop3A_2058 : vector<16xf32> to vector<1x1x1x16xf32>
        tpu.vector_store %arg8[%parallel_loop3A_2068, %parallel_loop3A_2069, %parallel_loop3A_2070, %parallel_loop3A_2071], %parallel_loop3A_2074 {add = true, strides = array<i32>} : memref<3x4x8x1024xf32, #tpu.memory_space<vmem>>, vector<1x1x1x16xf32>,
        %parallel_loop3A_2075 = arith.constant 2 : i32
        %parallel_loop3A_2076 = arith.index_cast %rem3A_76 : i32 to index
        %parallel_loop3A_2077 = arith.index_cast %parallel_loop3A_2075 : i32 to index
        %parallel_loop3A_2078 = arith.index_cast %parallel_loop3A_140 : i32 to index
        %parallel_loop3A_2079 = arith.constant 784 : index
        %parallel_loop3A_2080 = tpu.vector_load %arg8[%parallel_loop3A_2076, %parallel_loop3A_2077, %parallel_loop3A_2078, %parallel_loop3A_2079] {strides = array<i32>} : memref<3x4x8x1024xf32, #tpu.memory_space<vmem>>, vector<1x1x1x16xf32>,
        %parallel_loop3A_2081 = vector.shape_cast %parallel_loop3A_2080 : vector<1x1x1x16xf32> to vector<16xf32>
        %parallel_loop3A_2082 = vector.shape_cast %parallel_loop3A_2058 : vector<16xf32> to vector<1x1x1x16xf32>
        tpu.vector_store %arg8[%parallel_loop3A_2076, %parallel_loop3A_2077, %parallel_loop3A_2078, %parallel_loop3A_2079], %parallel_loop3A_2082 {add = true, strides = array<i32>} : memref<3x4x8x1024xf32, #tpu.memory_space<vmem>>, vector<1x1x1x16xf32>,
        %parallel_loop3A_2083 = arith.constant 3 : i32
        %parallel_loop3A_2084 = arith.index_cast %rem3A_76 : i32 to index
        %parallel_loop3A_2085 = arith.index_cast %parallel_loop3A_2083 : i32 to index
        %parallel_loop3A_2086 = arith.index_cast %parallel_loop3A_140 : i32 to index
        %parallel_loop3A_2087 = arith.constant 784 : index
        %parallel_loop3A_2088 = tpu.vector_load %arg8[%parallel_loop3A_2084, %parallel_loop3A_2085, %parallel_loop3A_2086, %parallel_loop3A_2087] {strides = array<i32>} : memref<3x4x8x1024xf32, #tpu.memory_space<vmem>>, vector<1x1x1x16xf32>,
        %parallel_loop3A_2089 = vector.shape_cast %parallel_loop3A_2088 : vector<1x1x1x16xf32> to vector<16xf32>
        %parallel_loop3A_2090 = vector.shape_cast %parallel_loop3A_2058 : vector<16xf32> to vector<1x1x1x16xf32>
        tpu.vector_store %arg8[%parallel_loop3A_2084, %parallel_loop3A_2085, %parallel_loop3A_2086, %parallel_loop3A_2087], %parallel_loop3A_2090 {add = true, strides = array<i32>} : memref<3x4x8x1024xf32, #tpu.memory_space<vmem>>, vector<1x1x1x16xf32>,
        %parallel_loop3A_2091 = arith.constant 8 : i32
        %parallel_loop3A_2092 = arith.muli %rem3A_74, %parallel_loop3A_2091 : i32
        %parallel_loop3A_2093 = arith.addi %parallel_loop3A_2092, %parallel_loop3A_140 : i32
        %parallel_loop3A_2094 = arith.index_cast %parallel_loop3A_2093 : i32 to index
        %parallel_loop3A_2095 = arith.constant 800 : index
        %parallel_loop3A_2096 = tpu.vector_load %arg7[%parallel_loop3A_2094, %parallel_loop3A_2095] {strides = array<i32>} : memref<16x1024xf32, #tpu.memory_space<vmem>>, vector<1x16xf32>,
        %parallel_loop3A_2097 = vector.shape_cast %parallel_loop3A_2096 : vector<1x16xf32> to vector<16xf32>
        %parallel_loop3A_2098 = arith.constant 0 : i32
        %parallel_loop3A_2099 = arith.index_cast %rem3A_76 : i32 to index
        %parallel_loop3A_2100 = arith.index_cast %parallel_loop3A_2098 : i32 to index
        %parallel_loop3A_2101 = arith.index_cast %parallel_loop3A_140 : i32 to index
        %parallel_loop3A_2102 = arith.constant 800 : index
        %parallel_loop3A_2103 = tpu.vector_load %arg8[%parallel_loop3A_2099, %parallel_loop3A_2100, %parallel_loop3A_2101, %parallel_loop3A_2102] {strides = array<i32>} : memref<3x4x8x1024xf32, #tpu.memory_space<vmem>>, vector<1x1x1x16xf32>,
        %parallel_loop3A_2104 = vector.shape_cast %parallel_loop3A_2103 : vector<1x1x1x16xf32> to vector<16xf32>
        %parallel_loop3A_2105 = vector.shape_cast %parallel_loop3A_2097 : vector<16xf32> to vector<1x1x1x16xf32>
        tpu.vector_store %arg8[%parallel_loop3A_2099, %parallel_loop3A_2100, %parallel_loop3A_2101, %parallel_loop3A_2102], %parallel_loop3A_2105 {add = true, strides = array<i32>} : memref<3x4x8x1024xf32, #tpu.memory_space<vmem>>, vector<1x1x1x16xf32>,
        %parallel_loop3A_2106 = arith.constant 1 : i32
        %parallel_loop3A_2107 = arith.index_cast %rem3A_76 : i32 to index
        %parallel_loop3A_2108 = arith.index_cast %parallel_loop3A_2106 : i32 to index
        %parallel_loop3A_2109 = arith.index_cast %parallel_loop3A_140 : i32 to index
        %parallel_loop3A_2110 = arith.constant 800 : index
        %parallel_loop3A_2111 = tpu.vector_load %arg8[%parallel_loop3A_2107, %parallel_loop3A_2108, %parallel_loop3A_2109, %parallel_loop3A_2110] {strides = array<i32>} : memref<3x4x8x1024xf32, #tpu.memory_space<vmem>>, vector<1x1x1x16xf32>,
        %parallel_loop3A_2112 = vector.shape_cast %parallel_loop3A_2111 : vector<1x1x1x16xf32> to vector<16xf32>
        %parallel_loop3A_2113 = vector.shape_cast %parallel_loop3A_2097 : vector<16xf32> to vector<1x1x1x16xf32>
        tpu.vector_store %arg8[%parallel_loop3A_2107, %parallel_loop3A_2108, %parallel_loop3A_2109, %parallel_loop3A_2110], %parallel_loop3A_2113 {add = true, strides = array<i32>} : memref<3x4x8x1024xf32, #tpu.memory_space<vmem>>, vector<1x1x1x16xf32>,
        %parallel_loop3A_2114 = arith.constant 2 : i32
        %parallel_loop3A_2115 = arith.index_cast %rem3A_76 : i32 to index
        %parallel_loop3A_2116 = arith.index_cast %parallel_loop3A_2114 : i32 to index
        %parallel_loop3A_2117 = arith.index_cast %parallel_loop3A_140 : i32 to index
        %parallel_loop3A_2118 = arith.constant 800 : index
        %parallel_loop3A_2119 = tpu.vector_load %arg8[%parallel_loop3A_2115, %parallel_loop3A_2116, %parallel_loop3A_2117, %parallel_loop3A_2118] {strides = array<i32>} : memref<3x4x8x1024xf32, #tpu.memory_space<vmem>>, vector<1x1x1x16xf32>,
        %parallel_loop3A_2120 = vector.shape_cast %parallel_loop3A_2119 : vector<1x1x1x16xf32> to vector<16xf32>
        %parallel_loop3A_2121 = vector.shape_cast %parallel_loop3A_2097 : vector<16xf32> to vector<1x1x1x16xf32>
        tpu.vector_store %arg8[%parallel_loop3A_2115, %parallel_loop3A_2116, %parallel_loop3A_2117, %parallel_loop3A_2118], %parallel_loop3A_2121 {add = true, strides = array<i32>} : memref<3x4x8x1024xf32, #tpu.memory_space<vmem>>, vector<1x1x1x16xf32>,
        %parallel_loop3A_2122 = arith.constant 3 : i32
        %parallel_loop3A_2123 = arith.index_cast %rem3A_76 : i32 to index
        %parallel_loop3A_2124 = arith.index_cast %parallel_loop3A_2122 : i32 to index
        %parallel_loop3A_2125 = arith.index_cast %parallel_loop3A_140 : i32 to index
        %parallel_loop3A_2126 = arith.constant 800 : index
        %parallel_loop3A_2127 = tpu.vector_load %arg8[%parallel_loop3A_2123, %parallel_loop3A_2124, %parallel_loop3A_2125, %parallel_loop3A_2126] {strides = array<i32>} : memref<3x4x8x1024xf32, #tpu.memory_space<vmem>>, vector<1x1x1x16xf32>,
        %parallel_loop3A_2128 = vector.shape_cast %parallel_loop3A_2127 : vector<1x1x1x16xf32> to vector<16xf32>
        %parallel_loop3A_2129 = vector.shape_cast %parallel_loop3A_2097 : vector<16xf32> to vector<1x1x1x16xf32>
        tpu.vector_store %arg8[%parallel_loop3A_2123, %parallel_loop3A_2124, %parallel_loop3A_2125, %parallel_loop3A_2126], %parallel_loop3A_2129 {add = true, strides = array<i32>} : memref<3x4x8x1024xf32, #tpu.memory_space<vmem>>, vector<1x1x1x16xf32>,
        %parallel_loop3A_2130 = arith.constant 8 : i32
        %parallel_loop3A_2131 = arith.muli %rem3A_74, %parallel_loop3A_2130 : i32
        %parallel_loop3A_2132 = arith.addi %parallel_loop3A_2131, %parallel_loop3A_140 : i32
        %parallel_loop3A_2133 = arith.index_cast %parallel_loop3A_2132 : i32 to index
        %parallel_loop3A_2134 = arith.constant 816 : index
        %parallel_loop3A_2135 = tpu.vector_load %arg7[%parallel_loop3A_2133, %parallel_loop3A_2134] {strides = array<i32>} : memref<16x1024xf32, #tpu.memory_space<vmem>>, vector<1x16xf32>,
        %parallel_loop3A_2136 = vector.shape_cast %parallel_loop3A_2135 : vector<1x16xf32> to vector<16xf32>
        %parallel_loop3A_2137 = arith.constant 0 : i32
        %parallel_loop3A_2138 = arith.index_cast %rem3A_76 : i32 to index
        %parallel_loop3A_2139 = arith.index_cast %parallel_loop3A_2137 : i32 to index
        %parallel_loop3A_2140 = arith.index_cast %parallel_loop3A_140 : i32 to index
        %parallel_loop3A_2141 = arith.constant 816 : index
        %parallel_loop3A_2142 = tpu.vector_load %arg8[%parallel_loop3A_2138, %parallel_loop3A_2139, %parallel_loop3A_2140, %parallel_loop3A_2141] {strides = array<i32>} : memref<3x4x8x1024xf32, #tpu.memory_space<vmem>>, vector<1x1x1x16xf32>,
        %parallel_loop3A_2143 = vector.shape_cast %parallel_loop3A_2142 : vector<1x1x1x16xf32> to vector<16xf32>
        %parallel_loop3A_2144 = vector.shape_cast %parallel_loop3A_2136 : vector<16xf32> to vector<1x1x1x16xf32>
        tpu.vector_store %arg8[%parallel_loop3A_2138, %parallel_loop3A_2139, %parallel_loop3A_2140, %parallel_loop3A_2141], %parallel_loop3A_2144 {add = true, strides = array<i32>} : memref<3x4x8x1024xf32, #tpu.memory_space<vmem>>, vector<1x1x1x16xf32>,
        %parallel_loop3A_2145 = arith.constant 1 : i32
        %parallel_loop3A_2146 = arith.index_cast %rem3A_76 : i32 to index
        %parallel_loop3A_2147 = arith.index_cast %parallel_loop3A_2145 : i32 to index
        %parallel_loop3A_2148 = arith.index_cast %parallel_loop3A_140 : i32 to index
        %parallel_loop3A_2149 = arith.constant 816 : index
        %parallel_loop3A_2150 = tpu.vector_load %arg8[%parallel_loop3A_2146, %parallel_loop3A_2147, %parallel_loop3A_2148, %parallel_loop3A_2149] {strides = array<i32>} : memref<3x4x8x1024xf32, #tpu.memory_space<vmem>>, vector<1x1x1x16xf32>,
        %parallel_loop3A_2151 = vector.shape_cast %parallel_loop3A_2150 : vector<1x1x1x16xf32> to vector<16xf32>
        %parallel_loop3A_2152 = vector.shape_cast %parallel_loop3A_2136 : vector<16xf32> to vector<1x1x1x16xf32>
        tpu.vector_store %arg8[%parallel_loop3A_2146, %parallel_loop3A_2147, %parallel_loop3A_2148, %parallel_loop3A_2149], %parallel_loop3A_2152 {add = true, strides = array<i32>} : memref<3x4x8x1024xf32, #tpu.memory_space<vmem>>, vector<1x1x1x16xf32>,
        %parallel_loop3A_2153 = arith.constant 2 : i32
        %parallel_loop3A_2154 = arith.index_cast %rem3A_76 : i32 to index
        %parallel_loop3A_2155 = arith.index_cast %parallel_loop3A_2153 : i32 to index
        %parallel_loop3A_2156 = arith.index_cast %parallel_loop3A_140 : i32 to index
        %parallel_loop3A_2157 = arith.constant 816 : index
        %parallel_loop3A_2158 = tpu.vector_load %arg8[%parallel_loop3A_2154, %parallel_loop3A_2155, %parallel_loop3A_2156, %parallel_loop3A_2157] {strides = array<i32>} : memref<3x4x8x1024xf32, #tpu.memory_space<vmem>>, vector<1x1x1x16xf32>,
        %parallel_loop3A_2159 = vector.shape_cast %parallel_loop3A_2158 : vector<1x1x1x16xf32> to vector<16xf32>
        %parallel_loop3A_2160 = vector.shape_cast %parallel_loop3A_2136 : vector<16xf32> to vector<1x1x1x16xf32>
        tpu.vector_store %arg8[%parallel_loop3A_2154, %parallel_loop3A_2155, %parallel_loop3A_2156, %parallel_loop3A_2157], %parallel_loop3A_2160 {add = true, strides = array<i32>} : memref<3x4x8x1024xf32, #tpu.memory_space<vmem>>, vector<1x1x1x16xf32>,
        %parallel_loop3A_2161 = arith.constant 3 : i32
        %parallel_loop3A_2162 = arith.index_cast %rem3A_76 : i32 to index
        %parallel_loop3A_2163 = arith.index_cast %parallel_loop3A_2161 : i32 to index
        %parallel_loop3A_2164 = arith.index_cast %parallel_loop3A_140 : i32 to index
        %parallel_loop3A_2165 = arith.constant 816 : index
        %parallel_loop3A_2166 = tpu.vector_load %arg8[%parallel_loop3A_2162, %parallel_loop3A_2163, %parallel_loop3A_2164, %parallel_loop3A_2165] {strides = array<i32>} : memref<3x4x8x1024xf32, #tpu.memory_space<vmem>>, vector<1x1x1x16xf32>,
        %parallel_loop3A_2167 = vector.shape_cast %parallel_loop3A_2166 : vector<1x1x1x16xf32> to vector<16xf32>
        %parallel_loop3A_2168 = vector.shape_cast %parallel_loop3A_2136 : vector<16xf32> to vector<1x1x1x16xf32>
        tpu.vector_store %arg8[%parallel_loop3A_2162, %parallel_loop3A_2163, %parallel_loop3A_2164, %parallel_loop3A_2165], %parallel_loop3A_2168 {add = true, strides = array<i32>} : memref<3x4x8x1024xf32, #tpu.memory_space<vmem>>, vector<1x1x1x16xf32>,
        %parallel_loop3A_2169 = arith.constant 8 : i32
        %parallel_loop3A_2170 = arith.muli %rem3A_74, %parallel_loop3A_2169 : i32
        %parallel_loop3A_2171 = arith.addi %parallel_loop3A_2170, %parallel_loop3A_140 : i32
        %parallel_loop3A_2172 = arith.index_cast %parallel_loop3A_2171 : i32 to index
        %parallel_loop3A_2173 = arith.constant 832 : index
        %parallel_loop3A_2174 = tpu.vector_load %arg7[%parallel_loop3A_2172, %parallel_loop3A_2173] {strides = array<i32>} : memref<16x1024xf32, #tpu.memory_space<vmem>>, vector<1x16xf32>,
        %parallel_loop3A_2175 = vector.shape_cast %parallel_loop3A_2174 : vector<1x16xf32> to vector<16xf32>
        %parallel_loop3A_2176 = arith.constant 0 : i32
        %parallel_loop3A_2177 = arith.index_cast %rem3A_76 : i32 to index
        %parallel_loop3A_2178 = arith.index_cast %parallel_loop3A_2176 : i32 to index
        %parallel_loop3A_2179 = arith.index_cast %parallel_loop3A_140 : i32 to index
        %parallel_loop3A_2180 = arith.constant 832 : index
        %parallel_loop3A_2181 = tpu.vector_load %arg8[%parallel_loop3A_2177, %parallel_loop3A_2178, %parallel_loop3A_2179, %parallel_loop3A_2180] {strides = array<i32>} : memref<3x4x8x1024xf32, #tpu.memory_space<vmem>>, vector<1x1x1x16xf32>,
        %parallel_loop3A_2182 = vector.shape_cast %parallel_loop3A_2181 : vector<1x1x1x16xf32> to vector<16xf32>
        %parallel_loop3A_2183 = vector.shape_cast %parallel_loop3A_2175 : vector<16xf32> to vector<1x1x1x16xf32>
        tpu.vector_store %arg8[%parallel_loop3A_2177, %parallel_loop3A_2178, %parallel_loop3A_2179, %parallel_loop3A_2180], %parallel_loop3A_2183 {add = true, strides = array<i32>} : memref<3x4x8x1024xf32, #tpu.memory_space<vmem>>, vector<1x1x1x16xf32>,
        %parallel_loop3A_2184 = arith.constant 1 : i32
        %parallel_loop3A_2185 = arith.index_cast %rem3A_76 : i32 to index
        %parallel_loop3A_2186 = arith.index_cast %parallel_loop3A_2184 : i32 to index
        %parallel_loop3A_2187 = arith.index_cast %parallel_loop3A_140 : i32 to index
        %parallel_loop3A_2188 = arith.constant 832 : index
        %parallel_loop3A_2189 = tpu.vector_load %arg8[%parallel_loop3A_2185, %parallel_loop3A_2186, %parallel_loop3A_2187, %parallel_loop3A_2188] {strides = array<i32>} : memref<3x4x8x1024xf32, #tpu.memory_space<vmem>>, vector<1x1x1x16xf32>,
        %parallel_loop3A_2190 = vector.shape_cast %parallel_loop3A_2189 : vector<1x1x1x16xf32> to vector<16xf32>
        %parallel_loop3A_2191 = vector.shape_cast %parallel_loop3A_2175 : vector<16xf32> to vector<1x1x1x16xf32>
        tpu.vector_store %arg8[%parallel_loop3A_2185, %parallel_loop3A_2186, %parallel_loop3A_2187, %parallel_loop3A_2188], %parallel_loop3A_2191 {add = true, strides = array<i32>} : memref<3x4x8x1024xf32, #tpu.memory_space<vmem>>, vector<1x1x1x16xf32>,
        %parallel_loop3A_2192 = arith.constant 2 : i32
        %parallel_loop3A_2193 = arith.index_cast %rem3A_76 : i32 to index
        %parallel_loop3A_2194 = arith.index_cast %parallel_loop3A_2192 : i32 to index
        %parallel_loop3A_2195 = arith.index_cast %parallel_loop3A_140 : i32 to index
        %parallel_loop3A_2196 = arith.constant 832 : index
        %parallel_loop3A_2197 = tpu.vector_load %arg8[%parallel_loop3A_2193, %parallel_loop3A_2194, %parallel_loop3A_2195, %parallel_loop3A_2196] {strides = array<i32>} : memref<3x4x8x1024xf32, #tpu.memory_space<vmem>>, vector<1x1x1x16xf32>,
        %parallel_loop3A_2198 = vector.shape_cast %parallel_loop3A_2197 : vector<1x1x1x16xf32> to vector<16xf32>
        %parallel_loop3A_2199 = vector.shape_cast %parallel_loop3A_2175 : vector<16xf32> to vector<1x1x1x16xf32>
        tpu.vector_store %arg8[%parallel_loop3A_2193, %parallel_loop3A_2194, %parallel_loop3A_2195, %parallel_loop3A_2196], %parallel_loop3A_2199 {add = true, strides = array<i32>} : memref<3x4x8x1024xf32, #tpu.memory_space<vmem>>, vector<1x1x1x16xf32>,
        %parallel_loop3A_2200 = arith.constant 3 : i32
        %parallel_loop3A_2201 = arith.index_cast %rem3A_76 : i32 to index
        %parallel_loop3A_2202 = arith.index_cast %parallel_loop3A_2200 : i32 to index
        %parallel_loop3A_2203 = arith.index_cast %parallel_loop3A_140 : i32 to index
        %parallel_loop3A_2204 = arith.constant 832 : index
        %parallel_loop3A_2205 = tpu.vector_load %arg8[%parallel_loop3A_2201, %parallel_loop3A_2202, %parallel_loop3A_2203, %parallel_loop3A_2204] {strides = array<i32>} : memref<3x4x8x1024xf32, #tpu.memory_space<vmem>>, vector<1x1x1x16xf32>,
        %parallel_loop3A_2206 = vector.shape_cast %parallel_loop3A_2205 : vector<1x1x1x16xf32> to vector<16xf32>
        %parallel_loop3A_2207 = vector.shape_cast %parallel_loop3A_2175 : vector<16xf32> to vector<1x1x1x16xf32>
        tpu.vector_store %arg8[%parallel_loop3A_2201, %parallel_loop3A_2202, %parallel_loop3A_2203, %parallel_loop3A_2204], %parallel_loop3A_2207 {add = true, strides = array<i32>} : memref<3x4x8x1024xf32, #tpu.memory_space<vmem>>, vector<1x1x1x16xf32>,
        %parallel_loop3A_2208 = arith.constant 8 : i32
        %parallel_loop3A_2209 = arith.muli %rem3A_74, %parallel_loop3A_2208 : i32
        %parallel_loop3A_2210 = arith.addi %parallel_loop3A_2209, %parallel_loop3A_140 : i32
        %parallel_loop3A_2211 = arith.index_cast %parallel_loop3A_2210 : i32 to index
        %parallel_loop3A_2212 = arith.constant 848 : index
        %parallel_loop3A_2213 = tpu.vector_load %arg7[%parallel_loop3A_2211, %parallel_loop3A_2212] {strides = array<i32>} : memref<16x1024xf32, #tpu.memory_space<vmem>>, vector<1x16xf32>,
        %parallel_loop3A_2214 = vector.shape_cast %parallel_loop3A_2213 : vector<1x16xf32> to vector<16xf32>
        %parallel_loop3A_2215 = arith.constant 0 : i32
        %parallel_loop3A_2216 = arith.index_cast %rem3A_76 : i32 to index
        %parallel_loop3A_2217 = arith.index_cast %parallel_loop3A_2215 : i32 to index
        %parallel_loop3A_2218 = arith.index_cast %parallel_loop3A_140 : i32 to index
        %parallel_loop3A_2219 = arith.constant 848 : index
        %parallel_loop3A_2220 = tpu.vector_load %arg8[%parallel_loop3A_2216, %parallel_loop3A_2217, %parallel_loop3A_2218, %parallel_loop3A_2219] {strides = array<i32>} : memref<3x4x8x1024xf32, #tpu.memory_space<vmem>>, vector<1x1x1x16xf32>,
        %parallel_loop3A_2221 = vector.shape_cast %parallel_loop3A_2220 : vector<1x1x1x16xf32> to vector<16xf32>
        %parallel_loop3A_2222 = vector.shape_cast %parallel_loop3A_2214 : vector<16xf32> to vector<1x1x1x16xf32>
        tpu.vector_store %arg8[%parallel_loop3A_2216, %parallel_loop3A_2217, %parallel_loop3A_2218, %parallel_loop3A_2219], %parallel_loop3A_2222 {add = true, strides = array<i32>} : memref<3x4x8x1024xf32, #tpu.memory_space<vmem>>, vector<1x1x1x16xf32>,
        %parallel_loop3A_2223 = arith.constant 1 : i32
        %parallel_loop3A_2224 = arith.index_cast %rem3A_76 : i32 to index
        %parallel_loop3A_2225 = arith.index_cast %parallel_loop3A_2223 : i32 to index
        %parallel_loop3A_2226 = arith.index_cast %parallel_loop3A_140 : i32 to index
        %parallel_loop3A_2227 = arith.constant 848 : index
        %parallel_loop3A_2228 = tpu.vector_load %arg8[%parallel_loop3A_2224, %parallel_loop3A_2225, %parallel_loop3A_2226, %parallel_loop3A_2227] {strides = array<i32>} : memref<3x4x8x1024xf32, #tpu.memory_space<vmem>>, vector<1x1x1x16xf32>,
        %parallel_loop3A_2229 = vector.shape_cast %parallel_loop3A_2228 : vector<1x1x1x16xf32> to vector<16xf32>
        %parallel_loop3A_2230 = vector.shape_cast %parallel_loop3A_2214 : vector<16xf32> to vector<1x1x1x16xf32>
        tpu.vector_store %arg8[%parallel_loop3A_2224, %parallel_loop3A_2225, %parallel_loop3A_2226, %parallel_loop3A_2227], %parallel_loop3A_2230 {add = true, strides = array<i32>} : memref<3x4x8x1024xf32, #tpu.memory_space<vmem>>, vector<1x1x1x16xf32>,
        %parallel_loop3A_2231 = arith.constant 2 : i32
        %parallel_loop3A_2232 = arith.index_cast %rem3A_76 : i32 to index
        %parallel_loop3A_2233 = arith.index_cast %parallel_loop3A_2231 : i32 to index
        %parallel_loop3A_2234 = arith.index_cast %parallel_loop3A_140 : i32 to index
        %parallel_loop3A_2235 = arith.constant 848 : index
        %parallel_loop3A_2236 = tpu.vector_load %arg8[%parallel_loop3A_2232, %parallel_loop3A_2233, %parallel_loop3A_2234, %parallel_loop3A_2235] {strides = array<i32>} : memref<3x4x8x1024xf32, #tpu.memory_space<vmem>>, vector<1x1x1x16xf32>,
        %parallel_loop3A_2237 = vector.shape_cast %parallel_loop3A_2236 : vector<1x1x1x16xf32> to vector<16xf32>
        %parallel_loop3A_2238 = vector.shape_cast %parallel_loop3A_2214 : vector<16xf32> to vector<1x1x1x16xf32>
        tpu.vector_store %arg8[%parallel_loop3A_2232, %parallel_loop3A_2233, %parallel_loop3A_2234, %parallel_loop3A_2235], %parallel_loop3A_2238 {add = true, strides = array<i32>} : memref<3x4x8x1024xf32, #tpu.memory_space<vmem>>, vector<1x1x1x16xf32>,
        %parallel_loop3A_2239 = arith.constant 3 : i32
        %parallel_loop3A_2240 = arith.index_cast %rem3A_76 : i32 to index
        %parallel_loop3A_2241 = arith.index_cast %parallel_loop3A_2239 : i32 to index
        %parallel_loop3A_2242 = arith.index_cast %parallel_loop3A_140 : i32 to index
        %parallel_loop3A_2243 = arith.constant 848 : index
        %parallel_loop3A_2244 = tpu.vector_load %arg8[%parallel_loop3A_2240, %parallel_loop3A_2241, %parallel_loop3A_2242, %parallel_loop3A_2243] {strides = array<i32>} : memref<3x4x8x1024xf32, #tpu.memory_space<vmem>>, vector<1x1x1x16xf32>,
        %parallel_loop3A_2245 = vector.shape_cast %parallel_loop3A_2244 : vector<1x1x1x16xf32> to vector<16xf32>
        %parallel_loop3A_2246 = vector.shape_cast %parallel_loop3A_2214 : vector<16xf32> to vector<1x1x1x16xf32>
        tpu.vector_store %arg8[%parallel_loop3A_2240, %parallel_loop3A_2241, %parallel_loop3A_2242, %parallel_loop3A_2243], %parallel_loop3A_2246 {add = true, strides = array<i32>} : memref<3x4x8x1024xf32, #tpu.memory_space<vmem>>, vector<1x1x1x16xf32>,
        %parallel_loop3A_2247 = arith.constant 8 : i32
        %parallel_loop3A_2248 = arith.muli %rem3A_74, %parallel_loop3A_2247 : i32
        %parallel_loop3A_2249 = arith.addi %parallel_loop3A_2248, %parallel_loop3A_140 : i32
        %parallel_loop3A_2250 = arith.index_cast %parallel_loop3A_2249 : i32 to index
        %parallel_loop3A_2251 = arith.constant 864 : index
        %parallel_loop3A_2252 = tpu.vector_load %arg7[%parallel_loop3A_2250, %parallel_loop3A_2251] {strides = array<i32>} : memref<16x1024xf32, #tpu.memory_space<vmem>>, vector<1x16xf32>,
        %parallel_loop3A_2253 = vector.shape_cast %parallel_loop3A_2252 : vector<1x16xf32> to vector<16xf32>
        %parallel_loop3A_2254 = arith.constant 0 : i32
        %parallel_loop3A_2255 = arith.index_cast %rem3A_76 : i32 to index
        %parallel_loop3A_2256 = arith.index_cast %parallel_loop3A_2254 : i32 to index
        %parallel_loop3A_2257 = arith.index_cast %parallel_loop3A_140 : i32 to index
        %parallel_loop3A_2258 = arith.constant 864 : index
        %parallel_loop3A_2259 = tpu.vector_load %arg8[%parallel_loop3A_2255, %parallel_loop3A_2256, %parallel_loop3A_2257, %parallel_loop3A_2258] {strides = array<i32>} : memref<3x4x8x1024xf32, #tpu.memory_space<vmem>>, vector<1x1x1x16xf32>,
        %parallel_loop3A_2260 = vector.shape_cast %parallel_loop3A_2259 : vector<1x1x1x16xf32> to vector<16xf32>
        %parallel_loop3A_2261 = vector.shape_cast %parallel_loop3A_2253 : vector<16xf32> to vector<1x1x1x16xf32>
        tpu.vector_store %arg8[%parallel_loop3A_2255, %parallel_loop3A_2256, %parallel_loop3A_2257, %parallel_loop3A_2258], %parallel_loop3A_2261 {add = true, strides = array<i32>} : memref<3x4x8x1024xf32, #tpu.memory_space<vmem>>, vector<1x1x1x16xf32>,
        %parallel_loop3A_2262 = arith.constant 1 : i32
        %parallel_loop3A_2263 = arith.index_cast %rem3A_76 : i32 to index
        %parallel_loop3A_2264 = arith.index_cast %parallel_loop3A_2262 : i32 to index
        %parallel_loop3A_2265 = arith.index_cast %parallel_loop3A_140 : i32 to index
        %parallel_loop3A_2266 = arith.constant 864 : index
        %parallel_loop3A_2267 = tpu.vector_load %arg8[%parallel_loop3A_2263, %parallel_loop3A_2264, %parallel_loop3A_2265, %parallel_loop3A_2266] {strides = array<i32>} : memref<3x4x8x1024xf32, #tpu.memory_space<vmem>>, vector<1x1x1x16xf32>,
        %parallel_loop3A_2268 = vector.shape_cast %parallel_loop3A_2267 : vector<1x1x1x16xf32> to vector<16xf32>
        %parallel_loop3A_2269 = vector.shape_cast %parallel_loop3A_2253 : vector<16xf32> to vector<1x1x1x16xf32>
        tpu.vector_store %arg8[%parallel_loop3A_2263, %parallel_loop3A_2264, %parallel_loop3A_2265, %parallel_loop3A_2266], %parallel_loop3A_2269 {add = true, strides = array<i32>} : memref<3x4x8x1024xf32, #tpu.memory_space<vmem>>, vector<1x1x1x16xf32>,
        %parallel_loop3A_2270 = arith.constant 2 : i32
        %parallel_loop3A_2271 = arith.index_cast %rem3A_76 : i32 to index
        %parallel_loop3A_2272 = arith.index_cast %parallel_loop3A_2270 : i32 to index
        %parallel_loop3A_2273 = arith.index_cast %parallel_loop3A_140 : i32 to index
        %parallel_loop3A_2274 = arith.constant 864 : index
        %parallel_loop3A_2275 = tpu.vector_load %arg8[%parallel_loop3A_2271, %parallel_loop3A_2272, %parallel_loop3A_2273, %parallel_loop3A_2274] {strides = array<i32>} : memref<3x4x8x1024xf32, #tpu.memory_space<vmem>>, vector<1x1x1x16xf32>,
        %parallel_loop3A_2276 = vector.shape_cast %parallel_loop3A_2275 : vector<1x1x1x16xf32> to vector<16xf32>
        %parallel_loop3A_2277 = vector.shape_cast %parallel_loop3A_2253 : vector<16xf32> to vector<1x1x1x16xf32>
        tpu.vector_store %arg8[%parallel_loop3A_2271, %parallel_loop3A_2272, %parallel_loop3A_2273, %parallel_loop3A_2274], %parallel_loop3A_2277 {add = true, strides = array<i32>} : memref<3x4x8x1024xf32, #tpu.memory_space<vmem>>, vector<1x1x1x16xf32>,
        %parallel_loop3A_2278 = arith.constant 3 : i32
        %parallel_loop3A_2279 = arith.index_cast %rem3A_76 : i32 to index
        %parallel_loop3A_2280 = arith.index_cast %parallel_loop3A_2278 : i32 to index
        %parallel_loop3A_2281 = arith.index_cast %parallel_loop3A_140 : i32 to index
        %parallel_loop3A_2282 = arith.constant 864 : index
        %parallel_loop3A_2283 = tpu.vector_load %arg8[%parallel_loop3A_2279, %parallel_loop3A_2280, %parallel_loop3A_2281, %parallel_loop3A_2282] {strides = array<i32>} : memref<3x4x8x1024xf32, #tpu.memory_space<vmem>>, vector<1x1x1x16xf32>,
        %parallel_loop3A_2284 = vector.shape_cast %parallel_loop3A_2283 : vector<1x1x1x16xf32> to vector<16xf32>
        %parallel_loop3A_2285 = vector.shape_cast %parallel_loop3A_2253 : vector<16xf32> to vector<1x1x1x16xf32>
        tpu.vector_store %arg8[%parallel_loop3A_2279, %parallel_loop3A_2280, %parallel_loop3A_2281, %parallel_loop3A_2282], %parallel_loop3A_2285 {add = true, strides = array<i32>} : memref<3x4x8x1024xf32, #tpu.memory_space<vmem>>, vector<1x1x1x16xf32>,
        %parallel_loop3A_2286 = arith.constant 8 : i32
        %parallel_loop3A_2287 = arith.muli %rem3A_74, %parallel_loop3A_2286 : i32
        %parallel_loop3A_2288 = arith.addi %parallel_loop3A_2287, %parallel_loop3A_140 : i32
        %parallel_loop3A_2289 = arith.index_cast %parallel_loop3A_2288 : i32 to index
        %parallel_loop3A_2290 = arith.constant 880 : index
        %parallel_loop3A_2291 = tpu.vector_load %arg7[%parallel_loop3A_2289, %parallel_loop3A_2290] {strides = array<i32>} : memref<16x1024xf32, #tpu.memory_space<vmem>>, vector<1x16xf32>,
        %parallel_loop3A_2292 = vector.shape_cast %parallel_loop3A_2291 : vector<1x16xf32> to vector<16xf32>
        %parallel_loop3A_2293 = arith.constant 0 : i32
        %parallel_loop3A_2294 = arith.index_cast %rem3A_76 : i32 to index
        %parallel_loop3A_2295 = arith.index_cast %parallel_loop3A_2293 : i32 to index
        %parallel_loop3A_2296 = arith.index_cast %parallel_loop3A_140 : i32 to index
        %parallel_loop3A_2297 = arith.constant 880 : index
        %parallel_loop3A_2298 = tpu.vector_load %arg8[%parallel_loop3A_2294, %parallel_loop3A_2295, %parallel_loop3A_2296, %parallel_loop3A_2297] {strides = array<i32>} : memref<3x4x8x1024xf32, #tpu.memory_space<vmem>>, vector<1x1x1x16xf32>,
        %parallel_loop3A_2299 = vector.shape_cast %parallel_loop3A_2298 : vector<1x1x1x16xf32> to vector<16xf32>
        %parallel_loop3A_2300 = vector.shape_cast %parallel_loop3A_2292 : vector<16xf32> to vector<1x1x1x16xf32>
        tpu.vector_store %arg8[%parallel_loop3A_2294, %parallel_loop3A_2295, %parallel_loop3A_2296, %parallel_loop3A_2297], %parallel_loop3A_2300 {add = true, strides = array<i32>} : memref<3x4x8x1024xf32, #tpu.memory_space<vmem>>, vector<1x1x1x16xf32>,
        %parallel_loop3A_2301 = arith.constant 1 : i32
        %parallel_loop3A_2302 = arith.index_cast %rem3A_76 : i32 to index
        %parallel_loop3A_2303 = arith.index_cast %parallel_loop3A_2301 : i32 to index
        %parallel_loop3A_2304 = arith.index_cast %parallel_loop3A_140 : i32 to index
        %parallel_loop3A_2305 = arith.constant 880 : index
        %parallel_loop3A_2306 = tpu.vector_load %arg8[%parallel_loop3A_2302, %parallel_loop3A_2303, %parallel_loop3A_2304, %parallel_loop3A_2305] {strides = array<i32>} : memref<3x4x8x1024xf32, #tpu.memory_space<vmem>>, vector<1x1x1x16xf32>,
        %parallel_loop3A_2307 = vector.shape_cast %parallel_loop3A_2306 : vector<1x1x1x16xf32> to vector<16xf32>
        %parallel_loop3A_2308 = vector.shape_cast %parallel_loop3A_2292 : vector<16xf32> to vector<1x1x1x16xf32>
        tpu.vector_store %arg8[%parallel_loop3A_2302, %parallel_loop3A_2303, %parallel_loop3A_2304, %parallel_loop3A_2305], %parallel_loop3A_2308 {add = true, strides = array<i32>} : memref<3x4x8x1024xf32, #tpu.memory_space<vmem>>, vector<1x1x1x16xf32>,
        %parallel_loop3A_2309 = arith.constant 2 : i32
        %parallel_loop3A_2310 = arith.index_cast %rem3A_76 : i32 to index
        %parallel_loop3A_2311 = arith.index_cast %parallel_loop3A_2309 : i32 to index
        %parallel_loop3A_2312 = arith.index_cast %parallel_loop3A_140 : i32 to index
        %parallel_loop3A_2313 = arith.constant 880 : index
        %parallel_loop3A_2314 = tpu.vector_load %arg8[%parallel_loop3A_2310, %parallel_loop3A_2311, %parallel_loop3A_2312, %parallel_loop3A_2313] {strides = array<i32>} : memref<3x4x8x1024xf32, #tpu.memory_space<vmem>>, vector<1x1x1x16xf32>,
        %parallel_loop3A_2315 = vector.shape_cast %parallel_loop3A_2314 : vector<1x1x1x16xf32> to vector<16xf32>
        %parallel_loop3A_2316 = vector.shape_cast %parallel_loop3A_2292 : vector<16xf32> to vector<1x1x1x16xf32>
        tpu.vector_store %arg8[%parallel_loop3A_2310, %parallel_loop3A_2311, %parallel_loop3A_2312, %parallel_loop3A_2313], %parallel_loop3A_2316 {add = true, strides = array<i32>} : memref<3x4x8x1024xf32, #tpu.memory_space<vmem>>, vector<1x1x1x16xf32>,
        %parallel_loop3A_2317 = arith.constant 3 : i32
        %parallel_loop3A_2318 = arith.index_cast %rem3A_76 : i32 to index
        %parallel_loop3A_2319 = arith.index_cast %parallel_loop3A_2317 : i32 to index
        %parallel_loop3A_2320 = arith.index_cast %parallel_loop3A_140 : i32 to index
        %parallel_loop3A_2321 = arith.constant 880 : index
        %parallel_loop3A_2322 = tpu.vector_load %arg8[%parallel_loop3A_2318, %parallel_loop3A_2319, %parallel_loop3A_2320, %parallel_loop3A_2321] {strides = array<i32>} : memref<3x4x8x1024xf32, #tpu.memory_space<vmem>>, vector<1x1x1x16xf32>,
        %parallel_loop3A_2323 = vector.shape_cast %parallel_loop3A_2322 : vector<1x1x1x16xf32> to vector<16xf32>
        %parallel_loop3A_2324 = vector.shape_cast %parallel_loop3A_2292 : vector<16xf32> to vector<1x1x1x16xf32>
        tpu.vector_store %arg8[%parallel_loop3A_2318, %parallel_loop3A_2319, %parallel_loop3A_2320, %parallel_loop3A_2321], %parallel_loop3A_2324 {add = true, strides = array<i32>} : memref<3x4x8x1024xf32, #tpu.memory_space<vmem>>, vector<1x1x1x16xf32>,
        %parallel_loop3A_2325 = arith.constant 8 : i32
        %parallel_loop3A_2326 = arith.muli %rem3A_74, %parallel_loop3A_2325 : i32
        %parallel_loop3A_2327 = arith.addi %parallel_loop3A_2326, %parallel_loop3A_140 : i32
        %parallel_loop3A_2328 = arith.index_cast %parallel_loop3A_2327 : i32 to index
        %parallel_loop3A_2329 = arith.constant 896 : index
        %parallel_loop3A_2330 = tpu.vector_load %arg7[%parallel_loop3A_2328, %parallel_loop3A_2329] {strides = array<i32>} : memref<16x1024xf32, #tpu.memory_space<vmem>>, vector<1x16xf32>,
        %parallel_loop3A_2331 = vector.shape_cast %parallel_loop3A_2330 : vector<1x16xf32> to vector<16xf32>
        %parallel_loop3A_2332 = arith.constant 0 : i32
        %parallel_loop3A_2333 = arith.index_cast %rem3A_76 : i32 to index
        %parallel_loop3A_2334 = arith.index_cast %parallel_loop3A_2332 : i32 to index
        %parallel_loop3A_2335 = arith.index_cast %parallel_loop3A_140 : i32 to index
        %parallel_loop3A_2336 = arith.constant 896 : index
        %parallel_loop3A_2337 = tpu.vector_load %arg8[%parallel_loop3A_2333, %parallel_loop3A_2334, %parallel_loop3A_2335, %parallel_loop3A_2336] {strides = array<i32>} : memref<3x4x8x1024xf32, #tpu.memory_space<vmem>>, vector<1x1x1x16xf32>,
        %parallel_loop3A_2338 = vector.shape_cast %parallel_loop3A_2337 : vector<1x1x1x16xf32> to vector<16xf32>
        %parallel_loop3A_2339 = vector.shape_cast %parallel_loop3A_2331 : vector<16xf32> to vector<1x1x1x16xf32>
        tpu.vector_store %arg8[%parallel_loop3A_2333, %parallel_loop3A_2334, %parallel_loop3A_2335, %parallel_loop3A_2336], %parallel_loop3A_2339 {add = true, strides = array<i32>} : memref<3x4x8x1024xf32, #tpu.memory_space<vmem>>, vector<1x1x1x16xf32>,
        %parallel_loop3A_2340 = arith.constant 1 : i32
        %parallel_loop3A_2341 = arith.index_cast %rem3A_76 : i32 to index
        %parallel_loop3A_2342 = arith.index_cast %parallel_loop3A_2340 : i32 to index
        %parallel_loop3A_2343 = arith.index_cast %parallel_loop3A_140 : i32 to index
        %parallel_loop3A_2344 = arith.constant 896 : index
        %parallel_loop3A_2345 = tpu.vector_load %arg8[%parallel_loop3A_2341, %parallel_loop3A_2342, %parallel_loop3A_2343, %parallel_loop3A_2344] {strides = array<i32>} : memref<3x4x8x1024xf32, #tpu.memory_space<vmem>>, vector<1x1x1x16xf32>,
        %parallel_loop3A_2346 = vector.shape_cast %parallel_loop3A_2345 : vector<1x1x1x16xf32> to vector<16xf32>
        %parallel_loop3A_2347 = vector.shape_cast %parallel_loop3A_2331 : vector<16xf32> to vector<1x1x1x16xf32>
        tpu.vector_store %arg8[%parallel_loop3A_2341, %parallel_loop3A_2342, %parallel_loop3A_2343, %parallel_loop3A_2344], %parallel_loop3A_2347 {add = true, strides = array<i32>} : memref<3x4x8x1024xf32, #tpu.memory_space<vmem>>, vector<1x1x1x16xf32>,
        %parallel_loop3A_2348 = arith.constant 2 : i32
        %parallel_loop3A_2349 = arith.index_cast %rem3A_76 : i32 to index
        %parallel_loop3A_2350 = arith.index_cast %parallel_loop3A_2348 : i32 to index
        %parallel_loop3A_2351 = arith.index_cast %parallel_loop3A_140 : i32 to index
        %parallel_loop3A_2352 = arith.constant 896 : index
        %parallel_loop3A_2353 = tpu.vector_load %arg8[%parallel_loop3A_2349, %parallel_loop3A_2350, %parallel_loop3A_2351, %parallel_loop3A_2352] {strides = array<i32>} : memref<3x4x8x1024xf32, #tpu.memory_space<vmem>>, vector<1x1x1x16xf32>,
        %parallel_loop3A_2354 = vector.shape_cast %parallel_loop3A_2353 : vector<1x1x1x16xf32> to vector<16xf32>
        %parallel_loop3A_2355 = vector.shape_cast %parallel_loop3A_2331 : vector<16xf32> to vector<1x1x1x16xf32>
        tpu.vector_store %arg8[%parallel_loop3A_2349, %parallel_loop3A_2350, %parallel_loop3A_2351, %parallel_loop3A_2352], %parallel_loop3A_2355 {add = true, strides = array<i32>} : memref<3x4x8x1024xf32, #tpu.memory_space<vmem>>, vector<1x1x1x16xf32>,
        %parallel_loop3A_2356 = arith.constant 3 : i32
        %parallel_loop3A_2357 = arith.index_cast %rem3A_76 : i32 to index
        %parallel_loop3A_2358 = arith.index_cast %parallel_loop3A_2356 : i32 to index
        %parallel_loop3A_2359 = arith.index_cast %parallel_loop3A_140 : i32 to index
        %parallel_loop3A_2360 = arith.constant 896 : index
        %parallel_loop3A_2361 = tpu.vector_load %arg8[%parallel_loop3A_2357, %parallel_loop3A_2358, %parallel_loop3A_2359, %parallel_loop3A_2360] {strides = array<i32>} : memref<3x4x8x1024xf32, #tpu.memory_space<vmem>>, vector<1x1x1x16xf32>,
        %parallel_loop3A_2362 = vector.shape_cast %parallel_loop3A_2361 : vector<1x1x1x16xf32> to vector<16xf32>
        %parallel_loop3A_2363 = vector.shape_cast %parallel_loop3A_2331 : vector<16xf32> to vector<1x1x1x16xf32>
        tpu.vector_store %arg8[%parallel_loop3A_2357, %parallel_loop3A_2358, %parallel_loop3A_2359, %parallel_loop3A_2360], %parallel_loop3A_2363 {add = true, strides = array<i32>} : memref<3x4x8x1024xf32, #tpu.memory_space<vmem>>, vector<1x1x1x16xf32>,
        %parallel_loop3A_2364 = arith.constant 8 : i32
        %parallel_loop3A_2365 = arith.muli %rem3A_74, %parallel_loop3A_2364 : i32
        %parallel_loop3A_2366 = arith.addi %parallel_loop3A_2365, %parallel_loop3A_140 : i32
        %parallel_loop3A_2367 = arith.index_cast %parallel_loop3A_2366 : i32 to index
        %parallel_loop3A_2368 = arith.constant 912 : index
        %parallel_loop3A_2369 = tpu.vector_load %arg7[%parallel_loop3A_2367, %parallel_loop3A_2368] {strides = array<i32>} : memref<16x1024xf32, #tpu.memory_space<vmem>>, vector<1x16xf32>,
        %parallel_loop3A_2370 = vector.shape_cast %parallel_loop3A_2369 : vector<1x16xf32> to vector<16xf32>
        %parallel_loop3A_2371 = arith.constant 0 : i32
        %parallel_loop3A_2372 = arith.index_cast %rem3A_76 : i32 to index
        %parallel_loop3A_2373 = arith.index_cast %parallel_loop3A_2371 : i32 to index
        %parallel_loop3A_2374 = arith.index_cast %parallel_loop3A_140 : i32 to index
        %parallel_loop3A_2375 = arith.constant 912 : index
        %parallel_loop3A_2376 = tpu.vector_load %arg8[%parallel_loop3A_2372, %parallel_loop3A_2373, %parallel_loop3A_2374, %parallel_loop3A_2375] {strides = array<i32>} : memref<3x4x8x1024xf32, #tpu.memory_space<vmem>>, vector<1x1x1x16xf32>,
        %parallel_loop3A_2377 = vector.shape_cast %parallel_loop3A_2376 : vector<1x1x1x16xf32> to vector<16xf32>
        %parallel_loop3A_2378 = vector.shape_cast %parallel_loop3A_2370 : vector<16xf32> to vector<1x1x1x16xf32>
        tpu.vector_store %arg8[%parallel_loop3A_2372, %parallel_loop3A_2373, %parallel_loop3A_2374, %parallel_loop3A_2375], %parallel_loop3A_2378 {add = true, strides = array<i32>} : memref<3x4x8x1024xf32, #tpu.memory_space<vmem>>, vector<1x1x1x16xf32>,
        %parallel_loop3A_2379 = arith.constant 1 : i32
        %parallel_loop3A_2380 = arith.index_cast %rem3A_76 : i32 to index
        %parallel_loop3A_2381 = arith.index_cast %parallel_loop3A_2379 : i32 to index
        %parallel_loop3A_2382 = arith.index_cast %parallel_loop3A_140 : i32 to index
        %parallel_loop3A_2383 = arith.constant 912 : index
        %parallel_loop3A_2384 = tpu.vector_load %arg8[%parallel_loop3A_2380, %parallel_loop3A_2381, %parallel_loop3A_2382, %parallel_loop3A_2383] {strides = array<i32>} : memref<3x4x8x1024xf32, #tpu.memory_space<vmem>>, vector<1x1x1x16xf32>,
        %parallel_loop3A_2385 = vector.shape_cast %parallel_loop3A_2384 : vector<1x1x1x16xf32> to vector<16xf32>
        %parallel_loop3A_2386 = vector.shape_cast %parallel_loop3A_2370 : vector<16xf32> to vector<1x1x1x16xf32>
        tpu.vector_store %arg8[%parallel_loop3A_2380, %parallel_loop3A_2381, %parallel_loop3A_2382, %parallel_loop3A_2383], %parallel_loop3A_2386 {add = true, strides = array<i32>} : memref<3x4x8x1024xf32, #tpu.memory_space<vmem>>, vector<1x1x1x16xf32>,
        %parallel_loop3A_2387 = arith.constant 2 : i32
        %parallel_loop3A_2388 = arith.index_cast %rem3A_76 : i32 to index
        %parallel_loop3A_2389 = arith.index_cast %parallel_loop3A_2387 : i32 to index
        %parallel_loop3A_2390 = arith.index_cast %parallel_loop3A_140 : i32 to index
        %parallel_loop3A_2391 = arith.constant 912 : index
        %parallel_loop3A_2392 = tpu.vector_load %arg8[%parallel_loop3A_2388, %parallel_loop3A_2389, %parallel_loop3A_2390, %parallel_loop3A_2391] {strides = array<i32>} : memref<3x4x8x1024xf32, #tpu.memory_space<vmem>>, vector<1x1x1x16xf32>,
        %parallel_loop3A_2393 = vector.shape_cast %parallel_loop3A_2392 : vector<1x1x1x16xf32> to vector<16xf32>
        %parallel_loop3A_2394 = vector.shape_cast %parallel_loop3A_2370 : vector<16xf32> to vector<1x1x1x16xf32>
        tpu.vector_store %arg8[%parallel_loop3A_2388, %parallel_loop3A_2389, %parallel_loop3A_2390, %parallel_loop3A_2391], %parallel_loop3A_2394 {add = true, strides = array<i32>} : memref<3x4x8x1024xf32, #tpu.memory_space<vmem>>, vector<1x1x1x16xf32>,
        %parallel_loop3A_2395 = arith.constant 3 : i32
        %parallel_loop3A_2396 = arith.index_cast %rem3A_76 : i32 to index
        %parallel_loop3A_2397 = arith.index_cast %parallel_loop3A_2395 : i32 to index
        %parallel_loop3A_2398 = arith.index_cast %parallel_loop3A_140 : i32 to index
        %parallel_loop3A_2399 = arith.constant 912 : index
        %parallel_loop3A_2400 = tpu.vector_load %arg8[%parallel_loop3A_2396, %parallel_loop3A_2397, %parallel_loop3A_2398, %parallel_loop3A_2399] {strides = array<i32>} : memref<3x4x8x1024xf32, #tpu.memory_space<vmem>>, vector<1x1x1x16xf32>,
        %parallel_loop3A_2401 = vector.shape_cast %parallel_loop3A_2400 : vector<1x1x1x16xf32> to vector<16xf32>
        %parallel_loop3A_2402 = vector.shape_cast %parallel_loop3A_2370 : vector<16xf32> to vector<1x1x1x16xf32>
        tpu.vector_store %arg8[%parallel_loop3A_2396, %parallel_loop3A_2397, %parallel_loop3A_2398, %parallel_loop3A_2399], %parallel_loop3A_2402 {add = true, strides = array<i32>} : memref<3x4x8x1024xf32, #tpu.memory_space<vmem>>, vector<1x1x1x16xf32>,
        %parallel_loop3A_2403 = arith.constant 8 : i32
        %parallel_loop3A_2404 = arith.muli %rem3A_74, %parallel_loop3A_2403 : i32
        %parallel_loop3A_2405 = arith.addi %parallel_loop3A_2404, %parallel_loop3A_140 : i32
        %parallel_loop3A_2406 = arith.index_cast %parallel_loop3A_2405 : i32 to index
        %parallel_loop3A_2407 = arith.constant 928 : index
        %parallel_loop3A_2408 = tpu.vector_load %arg7[%parallel_loop3A_2406, %parallel_loop3A_2407] {strides = array<i32>} : memref<16x1024xf32, #tpu.memory_space<vmem>>, vector<1x16xf32>,
        %parallel_loop3A_2409 = vector.shape_cast %parallel_loop3A_2408 : vector<1x16xf32> to vector<16xf32>
        %parallel_loop3A_2410 = arith.constant 0 : i32
        %parallel_loop3A_2411 = arith.index_cast %rem3A_76 : i32 to index
        %parallel_loop3A_2412 = arith.index_cast %parallel_loop3A_2410 : i32 to index
        %parallel_loop3A_2413 = arith.index_cast %parallel_loop3A_140 : i32 to index
        %parallel_loop3A_2414 = arith.constant 928 : index
        %parallel_loop3A_2415 = tpu.vector_load %arg8[%parallel_loop3A_2411, %parallel_loop3A_2412, %parallel_loop3A_2413, %parallel_loop3A_2414] {strides = array<i32>} : memref<3x4x8x1024xf32, #tpu.memory_space<vmem>>, vector<1x1x1x16xf32>,
        %parallel_loop3A_2416 = vector.shape_cast %parallel_loop3A_2415 : vector<1x1x1x16xf32> to vector<16xf32>
        %parallel_loop3A_2417 = vector.shape_cast %parallel_loop3A_2409 : vector<16xf32> to vector<1x1x1x16xf32>
        tpu.vector_store %arg8[%parallel_loop3A_2411, %parallel_loop3A_2412, %parallel_loop3A_2413, %parallel_loop3A_2414], %parallel_loop3A_2417 {add = true, strides = array<i32>} : memref<3x4x8x1024xf32, #tpu.memory_space<vmem>>, vector<1x1x1x16xf32>,
        %parallel_loop3A_2418 = arith.constant 1 : i32
        %parallel_loop3A_2419 = arith.index_cast %rem3A_76 : i32 to index
        %parallel_loop3A_2420 = arith.index_cast %parallel_loop3A_2418 : i32 to index
        %parallel_loop3A_2421 = arith.index_cast %parallel_loop3A_140 : i32 to index
        %parallel_loop3A_2422 = arith.constant 928 : index
        %parallel_loop3A_2423 = tpu.vector_load %arg8[%parallel_loop3A_2419, %parallel_loop3A_2420, %parallel_loop3A_2421, %parallel_loop3A_2422] {strides = array<i32>} : memref<3x4x8x1024xf32, #tpu.memory_space<vmem>>, vector<1x1x1x16xf32>,
        %parallel_loop3A_2424 = vector.shape_cast %parallel_loop3A_2423 : vector<1x1x1x16xf32> to vector<16xf32>
        %parallel_loop3A_2425 = vector.shape_cast %parallel_loop3A_2409 : vector<16xf32> to vector<1x1x1x16xf32>
        tpu.vector_store %arg8[%parallel_loop3A_2419, %parallel_loop3A_2420, %parallel_loop3A_2421, %parallel_loop3A_2422], %parallel_loop3A_2425 {add = true, strides = array<i32>} : memref<3x4x8x1024xf32, #tpu.memory_space<vmem>>, vector<1x1x1x16xf32>,
        %parallel_loop3A_2426 = arith.constant 2 : i32
        %parallel_loop3A_2427 = arith.index_cast %rem3A_76 : i32 to index
        %parallel_loop3A_2428 = arith.index_cast %parallel_loop3A_2426 : i32 to index
        %parallel_loop3A_2429 = arith.index_cast %parallel_loop3A_140 : i32 to index
        %parallel_loop3A_2430 = arith.constant 928 : index
        %parallel_loop3A_2431 = tpu.vector_load %arg8[%parallel_loop3A_2427, %parallel_loop3A_2428, %parallel_loop3A_2429, %parallel_loop3A_2430] {strides = array<i32>} : memref<3x4x8x1024xf32, #tpu.memory_space<vmem>>, vector<1x1x1x16xf32>,
        %parallel_loop3A_2432 = vector.shape_cast %parallel_loop3A_2431 : vector<1x1x1x16xf32> to vector<16xf32>
        %parallel_loop3A_2433 = vector.shape_cast %parallel_loop3A_2409 : vector<16xf32> to vector<1x1x1x16xf32>
        tpu.vector_store %arg8[%parallel_loop3A_2427, %parallel_loop3A_2428, %parallel_loop3A_2429, %parallel_loop3A_2430], %parallel_loop3A_2433 {add = true, strides = array<i32>} : memref<3x4x8x1024xf32, #tpu.memory_space<vmem>>, vector<1x1x1x16xf32>,
        %parallel_loop3A_2434 = arith.constant 3 : i32
        %parallel_loop3A_2435 = arith.index_cast %rem3A_76 : i32 to index
        %parallel_loop3A_2436 = arith.index_cast %parallel_loop3A_2434 : i32 to index
        %parallel_loop3A_2437 = arith.index_cast %parallel_loop3A_140 : i32 to index
        %parallel_loop3A_2438 = arith.constant 928 : index
        %parallel_loop3A_2439 = tpu.vector_load %arg8[%parallel_loop3A_2435, %parallel_loop3A_2436, %parallel_loop3A_2437, %parallel_loop3A_2438] {strides = array<i32>} : memref<3x4x8x1024xf32, #tpu.memory_space<vmem>>, vector<1x1x1x16xf32>,
        %parallel_loop3A_2440 = vector.shape_cast %parallel_loop3A_2439 : vector<1x1x1x16xf32> to vector<16xf32>
        %parallel_loop3A_2441 = vector.shape_cast %parallel_loop3A_2409 : vector<16xf32> to vector<1x1x1x16xf32>
        tpu.vector_store %arg8[%parallel_loop3A_2435, %parallel_loop3A_2436, %parallel_loop3A_2437, %parallel_loop3A_2438], %parallel_loop3A_2441 {add = true, strides = array<i32>} : memref<3x4x8x1024xf32, #tpu.memory_space<vmem>>, vector<1x1x1x16xf32>,
        %parallel_loop3A_2442 = arith.constant 8 : i32
        %parallel_loop3A_2443 = arith.muli %rem3A_74, %parallel_loop3A_2442 : i32
        %parallel_loop3A_2444 = arith.addi %parallel_loop3A_2443, %parallel_loop3A_140 : i32
        %parallel_loop3A_2445 = arith.index_cast %parallel_loop3A_2444 : i32 to index
        %parallel_loop3A_2446 = arith.constant 944 : index
        %parallel_loop3A_2447 = tpu.vector_load %arg7[%parallel_loop3A_2445, %parallel_loop3A_2446] {strides = array<i32>} : memref<16x1024xf32, #tpu.memory_space<vmem>>, vector<1x16xf32>,
        %parallel_loop3A_2448 = vector.shape_cast %parallel_loop3A_2447 : vector<1x16xf32> to vector<16xf32>
        %parallel_loop3A_2449 = arith.constant 0 : i32
        %parallel_loop3A_2450 = arith.index_cast %rem3A_76 : i32 to index
        %parallel_loop3A_2451 = arith.index_cast %parallel_loop3A_2449 : i32 to index
        %parallel_loop3A_2452 = arith.index_cast %parallel_loop3A_140 : i32 to index
        %parallel_loop3A_2453 = arith.constant 944 : index
        %parallel_loop3A_2454 = tpu.vector_load %arg8[%parallel_loop3A_2450, %parallel_loop3A_2451, %parallel_loop3A_2452, %parallel_loop3A_2453] {strides = array<i32>} : memref<3x4x8x1024xf32, #tpu.memory_space<vmem>>, vector<1x1x1x16xf32>,
        %parallel_loop3A_2455 = vector.shape_cast %parallel_loop3A_2454 : vector<1x1x1x16xf32> to vector<16xf32>
        %parallel_loop3A_2456 = vector.shape_cast %parallel_loop3A_2448 : vector<16xf32> to vector<1x1x1x16xf32>
        tpu.vector_store %arg8[%parallel_loop3A_2450, %parallel_loop3A_2451, %parallel_loop3A_2452, %parallel_loop3A_2453], %parallel_loop3A_2456 {add = true, strides = array<i32>} : memref<3x4x8x1024xf32, #tpu.memory_space<vmem>>, vector<1x1x1x16xf32>,
        %parallel_loop3A_2457 = arith.constant 1 : i32
        %parallel_loop3A_2458 = arith.index_cast %rem3A_76 : i32 to index
        %parallel_loop3A_2459 = arith.index_cast %parallel_loop3A_2457 : i32 to index
        %parallel_loop3A_2460 = arith.index_cast %parallel_loop3A_140 : i32 to index
        %parallel_loop3A_2461 = arith.constant 944 : index
        %parallel_loop3A_2462 = tpu.vector_load %arg8[%parallel_loop3A_2458, %parallel_loop3A_2459, %parallel_loop3A_2460, %parallel_loop3A_2461] {strides = array<i32>} : memref<3x4x8x1024xf32, #tpu.memory_space<vmem>>, vector<1x1x1x16xf32>,
        %parallel_loop3A_2463 = vector.shape_cast %parallel_loop3A_2462 : vector<1x1x1x16xf32> to vector<16xf32>
        %parallel_loop3A_2464 = vector.shape_cast %parallel_loop3A_2448 : vector<16xf32> to vector<1x1x1x16xf32>
        tpu.vector_store %arg8[%parallel_loop3A_2458, %parallel_loop3A_2459, %parallel_loop3A_2460, %parallel_loop3A_2461], %parallel_loop3A_2464 {add = true, strides = array<i32>} : memref<3x4x8x1024xf32, #tpu.memory_space<vmem>>, vector<1x1x1x16xf32>,
        %parallel_loop3A_2465 = arith.constant 2 : i32
        %parallel_loop3A_2466 = arith.index_cast %rem3A_76 : i32 to index
        %parallel_loop3A_2467 = arith.index_cast %parallel_loop3A_2465 : i32 to index
        %parallel_loop3A_2468 = arith.index_cast %parallel_loop3A_140 : i32 to index
        %parallel_loop3A_2469 = arith.constant 944 : index
        %parallel_loop3A_2470 = tpu.vector_load %arg8[%parallel_loop3A_2466, %parallel_loop3A_2467, %parallel_loop3A_2468, %parallel_loop3A_2469] {strides = array<i32>} : memref<3x4x8x1024xf32, #tpu.memory_space<vmem>>, vector<1x1x1x16xf32>,
        %parallel_loop3A_2471 = vector.shape_cast %parallel_loop3A_2470 : vector<1x1x1x16xf32> to vector<16xf32>
        %parallel_loop3A_2472 = vector.shape_cast %parallel_loop3A_2448 : vector<16xf32> to vector<1x1x1x16xf32>
        tpu.vector_store %arg8[%parallel_loop3A_2466, %parallel_loop3A_2467, %parallel_loop3A_2468, %parallel_loop3A_2469], %parallel_loop3A_2472 {add = true, strides = array<i32>} : memref<3x4x8x1024xf32, #tpu.memory_space<vmem>>, vector<1x1x1x16xf32>,
        %parallel_loop3A_2473 = arith.constant 3 : i32
        %parallel_loop3A_2474 = arith.index_cast %rem3A_76 : i32 to index
        %parallel_loop3A_2475 = arith.index_cast %parallel_loop3A_2473 : i32 to index
        %parallel_loop3A_2476 = arith.index_cast %parallel_loop3A_140 : i32 to index
        %parallel_loop3A_2477 = arith.constant 944 : index
        %parallel_loop3A_2478 = tpu.vector_load %arg8[%parallel_loop3A_2474, %parallel_loop3A_2475, %parallel_loop3A_2476, %parallel_loop3A_2477] {strides = array<i32>} : memref<3x4x8x1024xf32, #tpu.memory_space<vmem>>, vector<1x1x1x16xf32>,
        %parallel_loop3A_2479 = vector.shape_cast %parallel_loop3A_2478 : vector<1x1x1x16xf32> to vector<16xf32>
        %parallel_loop3A_2480 = vector.shape_cast %parallel_loop3A_2448 : vector<16xf32> to vector<1x1x1x16xf32>
        tpu.vector_store %arg8[%parallel_loop3A_2474, %parallel_loop3A_2475, %parallel_loop3A_2476, %parallel_loop3A_2477], %parallel_loop3A_2480 {add = true, strides = array<i32>} : memref<3x4x8x1024xf32, #tpu.memory_space<vmem>>, vector<1x1x1x16xf32>,
        %parallel_loop3A_2481 = arith.constant 8 : i32
        %parallel_loop3A_2482 = arith.muli %rem3A_74, %parallel_loop3A_2481 : i32
        %parallel_loop3A_2483 = arith.addi %parallel_loop3A_2482, %parallel_loop3A_140 : i32
        %parallel_loop3A_2484 = arith.index_cast %parallel_loop3A_2483 : i32 to index
        %parallel_loop3A_2485 = arith.constant 960 : index
        %parallel_loop3A_2486 = tpu.vector_load %arg7[%parallel_loop3A_2484, %parallel_loop3A_2485] {strides = array<i32>} : memref<16x1024xf32, #tpu.memory_space<vmem>>, vector<1x16xf32>,
        %parallel_loop3A_2487 = vector.shape_cast %parallel_loop3A_2486 : vector<1x16xf32> to vector<16xf32>
        %parallel_loop3A_2488 = arith.constant 0 : i32
        %parallel_loop3A_2489 = arith.index_cast %rem3A_76 : i32 to index
        %parallel_loop3A_2490 = arith.index_cast %parallel_loop3A_2488 : i32 to index
        %parallel_loop3A_2491 = arith.index_cast %parallel_loop3A_140 : i32 to index
        %parallel_loop3A_2492 = arith.constant 960 : index
        %parallel_loop3A_2493 = tpu.vector_load %arg8[%parallel_loop3A_2489, %parallel_loop3A_2490, %parallel_loop3A_2491, %parallel_loop3A_2492] {strides = array<i32>} : memref<3x4x8x1024xf32, #tpu.memory_space<vmem>>, vector<1x1x1x16xf32>,
        %parallel_loop3A_2494 = vector.shape_cast %parallel_loop3A_2493 : vector<1x1x1x16xf32> to vector<16xf32>
        %parallel_loop3A_2495 = vector.shape_cast %parallel_loop3A_2487 : vector<16xf32> to vector<1x1x1x16xf32>
        tpu.vector_store %arg8[%parallel_loop3A_2489, %parallel_loop3A_2490, %parallel_loop3A_2491, %parallel_loop3A_2492], %parallel_loop3A_2495 {add = true, strides = array<i32>} : memref<3x4x8x1024xf32, #tpu.memory_space<vmem>>, vector<1x1x1x16xf32>,
        %parallel_loop3A_2496 = arith.constant 1 : i32
        %parallel_loop3A_2497 = arith.index_cast %rem3A_76 : i32 to index
        %parallel_loop3A_2498 = arith.index_cast %parallel_loop3A_2496 : i32 to index
        %parallel_loop3A_2499 = arith.index_cast %parallel_loop3A_140 : i32 to index
        %parallel_loop3A_2500 = arith.constant 960 : index
        %parallel_loop3A_2501 = tpu.vector_load %arg8[%parallel_loop3A_2497, %parallel_loop3A_2498, %parallel_loop3A_2499, %parallel_loop3A_2500] {strides = array<i32>} : memref<3x4x8x1024xf32, #tpu.memory_space<vmem>>, vector<1x1x1x16xf32>,
        %parallel_loop3A_2502 = vector.shape_cast %parallel_loop3A_2501 : vector<1x1x1x16xf32> to vector<16xf32>
        %parallel_loop3A_2503 = vector.shape_cast %parallel_loop3A_2487 : vector<16xf32> to vector<1x1x1x16xf32>
        tpu.vector_store %arg8[%parallel_loop3A_2497, %parallel_loop3A_2498, %parallel_loop3A_2499, %parallel_loop3A_2500], %parallel_loop3A_2503 {add = true, strides = array<i32>} : memref<3x4x8x1024xf32, #tpu.memory_space<vmem>>, vector<1x1x1x16xf32>,
        %parallel_loop3A_2504 = arith.constant 2 : i32
        %parallel_loop3A_2505 = arith.index_cast %rem3A_76 : i32 to index
        %parallel_loop3A_2506 = arith.index_cast %parallel_loop3A_2504 : i32 to index
        %parallel_loop3A_2507 = arith.index_cast %parallel_loop3A_140 : i32 to index
        %parallel_loop3A_2508 = arith.constant 960 : index
        %parallel_loop3A_2509 = tpu.vector_load %arg8[%parallel_loop3A_2505, %parallel_loop3A_2506, %parallel_loop3A_2507, %parallel_loop3A_2508] {strides = array<i32>} : memref<3x4x8x1024xf32, #tpu.memory_space<vmem>>, vector<1x1x1x16xf32>,
        %parallel_loop3A_2510 = vector.shape_cast %parallel_loop3A_2509 : vector<1x1x1x16xf32> to vector<16xf32>
        %parallel_loop3A_2511 = vector.shape_cast %parallel_loop3A_2487 : vector<16xf32> to vector<1x1x1x16xf32>
        tpu.vector_store %arg8[%parallel_loop3A_2505, %parallel_loop3A_2506, %parallel_loop3A_2507, %parallel_loop3A_2508], %parallel_loop3A_2511 {add = true, strides = array<i32>} : memref<3x4x8x1024xf32, #tpu.memory_space<vmem>>, vector<1x1x1x16xf32>,
        %parallel_loop3A_2512 = arith.constant 3 : i32
        %parallel_loop3A_2513 = arith.index_cast %rem3A_76 : i32 to index
        %parallel_loop3A_2514 = arith.index_cast %parallel_loop3A_2512 : i32 to index
        %parallel_loop3A_2515 = arith.index_cast %parallel_loop3A_140 : i32 to index
        %parallel_loop3A_2516 = arith.constant 960 : index
        %parallel_loop3A_2517 = tpu.vector_load %arg8[%parallel_loop3A_2513, %parallel_loop3A_2514, %parallel_loop3A_2515, %parallel_loop3A_2516] {strides = array<i32>} : memref<3x4x8x1024xf32, #tpu.memory_space<vmem>>, vector<1x1x1x16xf32>,
        %parallel_loop3A_2518 = vector.shape_cast %parallel_loop3A_2517 : vector<1x1x1x16xf32> to vector<16xf32>
        %parallel_loop3A_2519 = vector.shape_cast %parallel_loop3A_2487 : vector<16xf32> to vector<1x1x1x16xf32>
        tpu.vector_store %arg8[%parallel_loop3A_2513, %parallel_loop3A_2514, %parallel_loop3A_2515, %parallel_loop3A_2516], %parallel_loop3A_2519 {add = true, strides = array<i32>} : memref<3x4x8x1024xf32, #tpu.memory_space<vmem>>, vector<1x1x1x16xf32>,
        %parallel_loop3A_2520 = arith.constant 8 : i32
        %parallel_loop3A_2521 = arith.muli %rem3A_74, %parallel_loop3A_2520 : i32
        %parallel_loop3A_2522 = arith.addi %parallel_loop3A_2521, %parallel_loop3A_140 : i32
        %parallel_loop3A_2523 = arith.index_cast %parallel_loop3A_2522 : i32 to index
        %parallel_loop3A_2524 = arith.constant 976 : index
        %parallel_loop3A_2525 = tpu.vector_load %arg7[%parallel_loop3A_2523, %parallel_loop3A_2524] {strides = array<i32>} : memref<16x1024xf32, #tpu.memory_space<vmem>>, vector<1x16xf32>,
        %parallel_loop3A_2526 = vector.shape_cast %parallel_loop3A_2525 : vector<1x16xf32> to vector<16xf32>
        %parallel_loop3A_2527 = arith.constant 0 : i32
        %parallel_loop3A_2528 = arith.index_cast %rem3A_76 : i32 to index
        %parallel_loop3A_2529 = arith.index_cast %parallel_loop3A_2527 : i32 to index
        %parallel_loop3A_2530 = arith.index_cast %parallel_loop3A_140 : i32 to index
        %parallel_loop3A_2531 = arith.constant 976 : index
        %parallel_loop3A_2532 = tpu.vector_load %arg8[%parallel_loop3A_2528, %parallel_loop3A_2529, %parallel_loop3A_2530, %parallel_loop3A_2531] {strides = array<i32>} : memref<3x4x8x1024xf32, #tpu.memory_space<vmem>>, vector<1x1x1x16xf32>,
        %parallel_loop3A_2533 = vector.shape_cast %parallel_loop3A_2532 : vector<1x1x1x16xf32> to vector<16xf32>
        %parallel_loop3A_2534 = vector.shape_cast %parallel_loop3A_2526 : vector<16xf32> to vector<1x1x1x16xf32>
        tpu.vector_store %arg8[%parallel_loop3A_2528, %parallel_loop3A_2529, %parallel_loop3A_2530, %parallel_loop3A_2531], %parallel_loop3A_2534 {add = true, strides = array<i32>} : memref<3x4x8x1024xf32, #tpu.memory_space<vmem>>, vector<1x1x1x16xf32>,
        %parallel_loop3A_2535 = arith.constant 1 : i32
        %parallel_loop3A_2536 = arith.index_cast %rem3A_76 : i32 to index
        %parallel_loop3A_2537 = arith.index_cast %parallel_loop3A_2535 : i32 to index
        %parallel_loop3A_2538 = arith.index_cast %parallel_loop3A_140 : i32 to index
        %parallel_loop3A_2539 = arith.constant 976 : index
        %parallel_loop3A_2540 = tpu.vector_load %arg8[%parallel_loop3A_2536, %parallel_loop3A_2537, %parallel_loop3A_2538, %parallel_loop3A_2539] {strides = array<i32>} : memref<3x4x8x1024xf32, #tpu.memory_space<vmem>>, vector<1x1x1x16xf32>,
        %parallel_loop3A_2541 = vector.shape_cast %parallel_loop3A_2540 : vector<1x1x1x16xf32> to vector<16xf32>
        %parallel_loop3A_2542 = vector.shape_cast %parallel_loop3A_2526 : vector<16xf32> to vector<1x1x1x16xf32>
        tpu.vector_store %arg8[%parallel_loop3A_2536, %parallel_loop3A_2537, %parallel_loop3A_2538, %parallel_loop3A_2539], %parallel_loop3A_2542 {add = true, strides = array<i32>} : memref<3x4x8x1024xf32, #tpu.memory_space<vmem>>, vector<1x1x1x16xf32>,
        %parallel_loop3A_2543 = arith.constant 2 : i32
        %parallel_loop3A_2544 = arith.index_cast %rem3A_76 : i32 to index
        %parallel_loop3A_2545 = arith.index_cast %parallel_loop3A_2543 : i32 to index
        %parallel_loop3A_2546 = arith.index_cast %parallel_loop3A_140 : i32 to index
        %parallel_loop3A_2547 = arith.constant 976 : index
        %parallel_loop3A_2548 = tpu.vector_load %arg8[%parallel_loop3A_2544, %parallel_loop3A_2545, %parallel_loop3A_2546, %parallel_loop3A_2547] {strides = array<i32>} : memref<3x4x8x1024xf32, #tpu.memory_space<vmem>>, vector<1x1x1x16xf32>,
        %parallel_loop3A_2549 = vector.shape_cast %parallel_loop3A_2548 : vector<1x1x1x16xf32> to vector<16xf32>
        %parallel_loop3A_2550 = vector.shape_cast %parallel_loop3A_2526 : vector<16xf32> to vector<1x1x1x16xf32>
        tpu.vector_store %arg8[%parallel_loop3A_2544, %parallel_loop3A_2545, %parallel_loop3A_2546, %parallel_loop3A_2547], %parallel_loop3A_2550 {add = true, strides = array<i32>} : memref<3x4x8x1024xf32, #tpu.memory_space<vmem>>, vector<1x1x1x16xf32>,
        %parallel_loop3A_2551 = arith.constant 3 : i32
        %parallel_loop3A_2552 = arith.index_cast %rem3A_76 : i32 to index
        %parallel_loop3A_2553 = arith.index_cast %parallel_loop3A_2551 : i32 to index
        %parallel_loop3A_2554 = arith.index_cast %parallel_loop3A_140 : i32 to index
        %parallel_loop3A_2555 = arith.constant 976 : index
        %parallel_loop3A_2556 = tpu.vector_load %arg8[%parallel_loop3A_2552, %parallel_loop3A_2553, %parallel_loop3A_2554, %parallel_loop3A_2555] {strides = array<i32>} : memref<3x4x8x1024xf32, #tpu.memory_space<vmem>>, vector<1x1x1x16xf32>,
        %parallel_loop3A_2557 = vector.shape_cast %parallel_loop3A_2556 : vector<1x1x1x16xf32> to vector<16xf32>
        %parallel_loop3A_2558 = vector.shape_cast %parallel_loop3A_2526 : vector<16xf32> to vector<1x1x1x16xf32>
        tpu.vector_store %arg8[%parallel_loop3A_2552, %parallel_loop3A_2553, %parallel_loop3A_2554, %parallel_loop3A_2555], %parallel_loop3A_2558 {add = true, strides = array<i32>} : memref<3x4x8x1024xf32, #tpu.memory_space<vmem>>, vector<1x1x1x16xf32>,
        %parallel_loop3A_2559 = arith.constant 8 : i32
        %parallel_loop3A_2560 = arith.muli %rem3A_74, %parallel_loop3A_2559 : i32
        %parallel_loop3A_2561 = arith.addi %parallel_loop3A_2560, %parallel_loop3A_140 : i32
        %parallel_loop3A_2562 = arith.index_cast %parallel_loop3A_2561 : i32 to index
        %parallel_loop3A_2563 = arith.constant 992 : index
        %parallel_loop3A_2564 = tpu.vector_load %arg7[%parallel_loop3A_2562, %parallel_loop3A_2563] {strides = array<i32>} : memref<16x1024xf32, #tpu.memory_space<vmem>>, vector<1x16xf32>,
        %parallel_loop3A_2565 = vector.shape_cast %parallel_loop3A_2564 : vector<1x16xf32> to vector<16xf32>
        %parallel_loop3A_2566 = arith.constant 0 : i32
        %parallel_loop3A_2567 = arith.index_cast %rem3A_76 : i32 to index
        %parallel_loop3A_2568 = arith.index_cast %parallel_loop3A_2566 : i32 to index
        %parallel_loop3A_2569 = arith.index_cast %parallel_loop3A_140 : i32 to index
        %parallel_loop3A_2570 = arith.constant 992 : index
        %parallel_loop3A_2571 = tpu.vector_load %arg8[%parallel_loop3A_2567, %parallel_loop3A_2568, %parallel_loop3A_2569, %parallel_loop3A_2570] {strides = array<i32>} : memref<3x4x8x1024xf32, #tpu.memory_space<vmem>>, vector<1x1x1x16xf32>,
        %parallel_loop3A_2572 = vector.shape_cast %parallel_loop3A_2571 : vector<1x1x1x16xf32> to vector<16xf32>
        %parallel_loop3A_2573 = vector.shape_cast %parallel_loop3A_2565 : vector<16xf32> to vector<1x1x1x16xf32>
        tpu.vector_store %arg8[%parallel_loop3A_2567, %parallel_loop3A_2568, %parallel_loop3A_2569, %parallel_loop3A_2570], %parallel_loop3A_2573 {add = true, strides = array<i32>} : memref<3x4x8x1024xf32, #tpu.memory_space<vmem>>, vector<1x1x1x16xf32>,
        %parallel_loop3A_2574 = arith.constant 1 : i32
        %parallel_loop3A_2575 = arith.index_cast %rem3A_76 : i32 to index
        %parallel_loop3A_2576 = arith.index_cast %parallel_loop3A_2574 : i32 to index
        %parallel_loop3A_2577 = arith.index_cast %parallel_loop3A_140 : i32 to index
        %parallel_loop3A_2578 = arith.constant 992 : index
        %parallel_loop3A_2579 = tpu.vector_load %arg8[%parallel_loop3A_2575, %parallel_loop3A_2576, %parallel_loop3A_2577, %parallel_loop3A_2578] {strides = array<i32>} : memref<3x4x8x1024xf32, #tpu.memory_space<vmem>>, vector<1x1x1x16xf32>,
        %parallel_loop3A_2580 = vector.shape_cast %parallel_loop3A_2579 : vector<1x1x1x16xf32> to vector<16xf32>
        %parallel_loop3A_2581 = vector.shape_cast %parallel_loop3A_2565 : vector<16xf32> to vector<1x1x1x16xf32>
        tpu.vector_store %arg8[%parallel_loop3A_2575, %parallel_loop3A_2576, %parallel_loop3A_2577, %parallel_loop3A_2578], %parallel_loop3A_2581 {add = true, strides = array<i32>} : memref<3x4x8x1024xf32, #tpu.memory_space<vmem>>, vector<1x1x1x16xf32>,
        %parallel_loop3A_2582 = arith.constant 2 : i32
        %parallel_loop3A_2583 = arith.index_cast %rem3A_76 : i32 to index
        %parallel_loop3A_2584 = arith.index_cast %parallel_loop3A_2582 : i32 to index
        %parallel_loop3A_2585 = arith.index_cast %parallel_loop3A_140 : i32 to index
        %parallel_loop3A_2586 = arith.constant 992 : index
        %parallel_loop3A_2587 = tpu.vector_load %arg8[%parallel_loop3A_2583, %parallel_loop3A_2584, %parallel_loop3A_2585, %parallel_loop3A_2586] {strides = array<i32>} : memref<3x4x8x1024xf32, #tpu.memory_space<vmem>>, vector<1x1x1x16xf32>,
        %parallel_loop3A_2588 = vector.shape_cast %parallel_loop3A_2587 : vector<1x1x1x16xf32> to vector<16xf32>
        %parallel_loop3A_2589 = vector.shape_cast %parallel_loop3A_2565 : vector<16xf32> to vector<1x1x1x16xf32>
        tpu.vector_store %arg8[%parallel_loop3A_2583, %parallel_loop3A_2584, %parallel_loop3A_2585, %parallel_loop3A_2586], %parallel_loop3A_2589 {add = true, strides = array<i32>} : memref<3x4x8x1024xf32, #tpu.memory_space<vmem>>, vector<1x1x1x16xf32>,
        %parallel_loop3A_2590 = arith.constant 3 : i32
        %parallel_loop3A_2591 = arith.index_cast %rem3A_76 : i32 to index
        %parallel_loop3A_2592 = arith.index_cast %parallel_loop3A_2590 : i32 to index
        %parallel_loop3A_2593 = arith.index_cast %parallel_loop3A_140 : i32 to index
        %parallel_loop3A_2594 = arith.constant 992 : index
        %parallel_loop3A_2595 = tpu.vector_load %arg8[%parallel_loop3A_2591, %parallel_loop3A_2592, %parallel_loop3A_2593, %parallel_loop3A_2594] {strides = array<i32>} : memref<3x4x8x1024xf32, #tpu.memory_space<vmem>>, vector<1x1x1x16xf32>,
        %parallel_loop3A_2596 = vector.shape_cast %parallel_loop3A_2595 : vector<1x1x1x16xf32> to vector<16xf32>
        %parallel_loop3A_2597 = vector.shape_cast %parallel_loop3A_2565 : vector<16xf32> to vector<1x1x1x16xf32>
        tpu.vector_store %arg8[%parallel_loop3A_2591, %parallel_loop3A_2592, %parallel_loop3A_2593, %parallel_loop3A_2594], %parallel_loop3A_2597 {add = true, strides = array<i32>} : memref<3x4x8x1024xf32, #tpu.memory_space<vmem>>, vector<1x1x1x16xf32>,
        %parallel_loop3A_2598 = arith.constant 8 : i32
        %parallel_loop3A_2599 = arith.muli %rem3A_74, %parallel_loop3A_2598 : i32
        %parallel_loop3A_2600 = arith.addi %parallel_loop3A_2599, %parallel_loop3A_140 : i32
        %parallel_loop3A_2601 = arith.index_cast %parallel_loop3A_2600 : i32 to index
        %parallel_loop3A_2602 = arith.constant 1008 : index
        %parallel_loop3A_2603 = tpu.vector_load %arg7[%parallel_loop3A_2601, %parallel_loop3A_2602] {strides = array<i32>} : memref<16x1024xf32, #tpu.memory_space<vmem>>, vector<1x16xf32>,
        %parallel_loop3A_2604 = vector.shape_cast %parallel_loop3A_2603 : vector<1x16xf32> to vector<16xf32>
        %parallel_loop3A_2605 = arith.constant 0 : i32
        %parallel_loop3A_2606 = arith.index_cast %rem3A_76 : i32 to index
        %parallel_loop3A_2607 = arith.index_cast %parallel_loop3A_2605 : i32 to index
        %parallel_loop3A_2608 = arith.index_cast %parallel_loop3A_140 : i32 to index
        %parallel_loop3A_2609 = arith.constant 1008 : index
        %parallel_loop3A_2610 = tpu.vector_load %arg8[%parallel_loop3A_2606, %parallel_loop3A_2607, %parallel_loop3A_2608, %parallel_loop3A_2609] {strides = array<i32>} : memref<3x4x8x1024xf32, #tpu.memory_space<vmem>>, vector<1x1x1x16xf32>,
        %parallel_loop3A_2611 = vector.shape_cast %parallel_loop3A_2610 : vector<1x1x1x16xf32> to vector<16xf32>
        %parallel_loop3A_2612 = vector.shape_cast %parallel_loop3A_2604 : vector<16xf32> to vector<1x1x1x16xf32>
        tpu.vector_store %arg8[%parallel_loop3A_2606, %parallel_loop3A_2607, %parallel_loop3A_2608, %parallel_loop3A_2609], %parallel_loop3A_2612 {add = true, strides = array<i32>} : memref<3x4x8x1024xf32, #tpu.memory_space<vmem>>, vector<1x1x1x16xf32>,
        %parallel_loop3A_2613 = arith.constant 1 : i32
        %parallel_loop3A_2614 = arith.index_cast %rem3A_76 : i32 to index
        %parallel_loop3A_2615 = arith.index_cast %parallel_loop3A_2613 : i32 to index
        %parallel_loop3A_2616 = arith.index_cast %parallel_loop3A_140 : i32 to index
        %parallel_loop3A_2617 = arith.constant 1008 : index
        %parallel_loop3A_2618 = tpu.vector_load %arg8[%parallel_loop3A_2614, %parallel_loop3A_2615, %parallel_loop3A_2616, %parallel_loop3A_2617] {strides = array<i32>} : memref<3x4x8x1024xf32, #tpu.memory_space<vmem>>, vector<1x1x1x16xf32>,
        %parallel_loop3A_2619 = vector.shape_cast %parallel_loop3A_2618 : vector<1x1x1x16xf32> to vector<16xf32>
        %parallel_loop3A_2620 = vector.shape_cast %parallel_loop3A_2604 : vector<16xf32> to vector<1x1x1x16xf32>
        tpu.vector_store %arg8[%parallel_loop3A_2614, %parallel_loop3A_2615, %parallel_loop3A_2616, %parallel_loop3A_2617], %parallel_loop3A_2620 {add = true, strides = array<i32>} : memref<3x4x8x1024xf32, #tpu.memory_space<vmem>>, vector<1x1x1x16xf32>,
        %parallel_loop3A_2621 = arith.constant 2 : i32
        %parallel_loop3A_2622 = arith.index_cast %rem3A_76 : i32 to index
        %parallel_loop3A_2623 = arith.index_cast %parallel_loop3A_2621 : i32 to index
        %parallel_loop3A_2624 = arith.index_cast %parallel_loop3A_140 : i32 to index
        %parallel_loop3A_2625 = arith.constant 1008 : index
        %parallel_loop3A_2626 = tpu.vector_load %arg8[%parallel_loop3A_2622, %parallel_loop3A_2623, %parallel_loop3A_2624, %parallel_loop3A_2625] {strides = array<i32>} : memref<3x4x8x1024xf32, #tpu.memory_space<vmem>>, vector<1x1x1x16xf32>,
        %parallel_loop3A_2627 = vector.shape_cast %parallel_loop3A_2626 : vector<1x1x1x16xf32> to vector<16xf32>
        %parallel_loop3A_2628 = vector.shape_cast %parallel_loop3A_2604 : vector<16xf32> to vector<1x1x1x16xf32>
        tpu.vector_store %arg8[%parallel_loop3A_2622, %parallel_loop3A_2623, %parallel_loop3A_2624, %parallel_loop3A_2625], %parallel_loop3A_2628 {add = true, strides = array<i32>} : memref<3x4x8x1024xf32, #tpu.memory_space<vmem>>, vector<1x1x1x16xf32>,
        %parallel_loop3A_2629 = arith.constant 3 : i32
        %parallel_loop3A_2630 = arith.index_cast %rem3A_76 : i32 to index
        %parallel_loop3A_2631 = arith.index_cast %parallel_loop3A_2629 : i32 to index
        %parallel_loop3A_2632 = arith.index_cast %parallel_loop3A_140 : i32 to index
        %parallel_loop3A_2633 = arith.constant 1008 : index
        %parallel_loop3A_2634 = tpu.vector_load %arg8[%parallel_loop3A_2630, %parallel_loop3A_2631, %parallel_loop3A_2632, %parallel_loop3A_2633] {strides = array<i32>} : memref<3x4x8x1024xf32, #tpu.memory_space<vmem>>, vector<1x1x1x16xf32>,
        %parallel_loop3A_2635 = vector.shape_cast %parallel_loop3A_2634 : vector<1x1x1x16xf32> to vector<16xf32>
        %parallel_loop3A_2636 = vector.shape_cast %parallel_loop3A_2604 : vector<16xf32> to vector<1x1x1x16xf32>
        tpu.vector_store %arg8[%parallel_loop3A_2630, %parallel_loop3A_2631, %parallel_loop3A_2632, %parallel_loop3A_2633], %parallel_loop3A_2636 {add = true, strides = array<i32>} : memref<3x4x8x1024xf32, #tpu.memory_space<vmem>>, vector<1x1x1x16xf32>,
      } {sc.loop_unroll_factor = 2 : i64, sc.parallel_access}
      %mul3A_120 = arith.constant 8 : i32
      %mul3A_121 = arith.muli %scan3A_72, %mul3A_120 : i32
      %add3A_122 = arith.addi %mul3A_2, %mul3A_121 : i32
      %dma_start3A_123 = arith.constant 0 : i32
      %dma_start3A_124 = arith.constant 0 : i32
      %dma_start3A_125 = arith.constant 0 : i32
      %dma_start3A_126 = tpu.memref_slice %arg8[%rem3A_76, %dma_start3A_123, %dma_start3A_124, %dma_start3A_125] : memref<3x4x8x1024xf32, #tpu.memory_space<vmem>> -> memref<1x4x8x1024xf32, #tpu.memory_space<vmem>>
      %dma_start3A_127 = tpu.memref_squeeze %dma_start3A_126 : memref<1x4x8x1024xf32, #tpu.memory_space<vmem>> -> memref<4x8x1024xf32, #tpu.memory_space<vmem>>
      %dma_start3A_128 = arith.constant 0 : i32
      %dma_start3A_129 = arith.constant 0 : i32
      %dma_start3A_130 = tpu.memref_slice %arg5[%dma_start3A_128, %add3A_122, %dma_start3A_129] : memref<4x4096x1024xf32, #tpu.memory_space<hbm>> -> memref<4x8x1024xf32, #tpu.memory_space<hbm>>
      %dma_start3A_131 = arith.constant 0 : i32
      %dma_start3A_132 = arith.constant 0 : i32
      %dma_start3A_133 = tpu.memref_slice %arg5[%dma_start3A_131, %add3A_122, %dma_start3A_132] : memref<4x4096x1024xf32, #tpu.memory_space<hbm>> -> memref<4x8x1024xf32, #tpu.memory_space<hbm>>
      %dma_start3A_134 = arith.constant 0 : i32
      %dma_start3A_135 = arith.constant 0 : i32
      %dma_start3A_136 = arith.constant 0 : i32
      %dma_start3A_137 = tpu.memref_slice %arg8[%rem3A_76, %dma_start3A_134, %dma_start3A_135, %dma_start3A_136] : memref<3x4x8x1024xf32, #tpu.memory_space<vmem>> -> memref<1x4x8x1024xf32, #tpu.memory_space<vmem>>
      %dma_start3A_138 = tpu.memref_squeeze %dma_start3A_137 : memref<1x4x8x1024xf32, #tpu.memory_space<vmem>> -> memref<4x8x1024xf32, #tpu.memory_space<vmem>>
      tpu.enqueue_dma source(%dma_start3A_138 : memref<4x8x1024xf32, #tpu.memory_space<vmem>>) target(%dma_start3A_133 : memref<4x8x1024xf32, #tpu.memory_space<hbm>>) target_semaphore(%arg11 : memref<!tpu.dma_semaphore, #tpu.memory_space<semaphore_mem>>)
      %scan3A_139 = arith.constant 0 : i32
      scf.yield %scan3A_139 : i32
    }
    %scan3A_34 = arith.constant 16 : i32
    %dma_wait3A = arith.constant 0 : i32
    %dma_wait3A_35 = arith.constant 0 : i32
    %dma_wait3A_36 = arith.constant 0 : i32
    %dma_wait3A_37 = arith.constant 0 : i32
    %dma_wait3A_38 = tpu.memref_slice %arg8[%dma_wait3A, %dma_wait3A_35, %dma_wait3A_36, %dma_wait3A_37] : memref<3x4x8x1024xf32, #tpu.memory_space<vmem>> -> memref<1x4x8x1024xf32, #tpu.memory_space<vmem>>
    %dma_wait3A_39 = tpu.memref_squeeze %dma_wait3A_38 : memref<1x4x8x1024xf32, #tpu.memory_space<vmem>> -> memref<4x8x1024xf32, #tpu.memory_space<vmem>>
    %dma_wait3A_40 = arith.constant 0 : i32
    %dma_wait3A_41 = arith.constant 0 : i32
    %dma_wait3A_42 = arith.constant 0 : i32
    %dma_wait3A_43 = tpu.memref_slice %arg5[%dma_wait3A_40, %dma_wait3A_41, %dma_wait3A_42] : memref<4x4096x1024xf32, #tpu.memory_space<hbm>> -> memref<4x8x1024xf32, #tpu.memory_space<hbm>>
    %dma_wait3A_44 = arith.constant 0 : i32
    %dma_wait3A_45 = arith.constant 0 : i32
    %dma_wait3A_46 = arith.constant 0 : i32
    %dma_wait3A_47 = tpu.memref_slice %arg5[%dma_wait3A_44, %dma_wait3A_45, %dma_wait3A_46] : memref<4x4096x1024xf32, #tpu.memory_space<hbm>> -> memref<4x8x1024xf32, #tpu.memory_space<hbm>>
    %dma_wait3A_48 = arith.constant 0 : i32
    %dma_wait3A_49 = arith.constant 0 : i32
    %dma_wait3A_50 = arith.constant 0 : i32
    %dma_wait3A_51 = tpu.memref_slice %arg8[%dma_wait3A, %dma_wait3A_48, %dma_wait3A_49, %dma_wait3A_50] : memref<3x4x8x1024xf32, #tpu.memory_space<vmem>> -> memref<1x4x8x1024xf32, #tpu.memory_space<vmem>>
    %dma_wait3A_52 = tpu.memref_squeeze %dma_wait3A_51 : memref<1x4x8x1024xf32, #tpu.memory_space<vmem>> -> memref<4x8x1024xf32, #tpu.memory_space<vmem>>
    tpu.wait_dma2 semaphore(%arg11 : memref<!tpu.dma_semaphore, #tpu.memory_space<semaphore_mem>>) src(%dma_wait3A_52 : memref<4x8x1024xf32, #tpu.memory_space<vmem>>) dst(%dma_wait3A_47 : memref<4x8x1024xf32, #tpu.memory_space<hbm>>)
    %dma_wait3A_53 = arith.constant 0 : i32
    %dma_wait3A_54 = arith.constant 0 : i32
    %dma_wait3A_55 = arith.constant 0 : i32
    %dma_wait3A_56 = arith.constant 0 : i32
    %dma_wait3A_57 = tpu.memref_slice %arg8[%dma_wait3A_53, %dma_wait3A_54, %dma_wait3A_55, %dma_wait3A_56] : memref<3x4x8x1024xf32, #tpu.memory_space<vmem>> -> memref<1x4x8x1024xf32, #tpu.memory_space<vmem>>
    %dma_wait3A_58 = tpu.memref_squeeze %dma_wait3A_57 : memref<1x4x8x1024xf32, #tpu.memory_space<vmem>> -> memref<4x8x1024xf32, #tpu.memory_space<vmem>>
    %dma_wait3A_59 = arith.constant 0 : i32
    %dma_wait3A_60 = arith.constant 0 : i32
    %dma_wait3A_61 = arith.constant 0 : i32
    %dma_wait3A_62 = tpu.memref_slice %arg5[%dma_wait3A_59, %dma_wait3A_60, %dma_wait3A_61] : memref<4x4096x1024xf32, #tpu.memory_space<hbm>> -> memref<4x8x1024xf32, #tpu.memory_space<hbm>>
    %dma_wait3A_63 = arith.constant 0 : i32
    %dma_wait3A_64 = arith.constant 0 : i32
    %dma_wait3A_65 = arith.constant 0 : i32
    %dma_wait3A_66 = tpu.memref_slice %arg5[%dma_wait3A_63, %dma_wait3A_64, %dma_wait3A_65] : memref<4x4096x1024xf32, #tpu.memory_space<hbm>> -> memref<4x8x1024xf32, #tpu.memory_space<hbm>>
    %dma_wait3A_67 = arith.constant 0 : i32
    %dma_wait3A_68 = arith.constant 0 : i32
    %dma_wait3A_69 = arith.constant 0 : i32
    %dma_wait3A_70 = tpu.memref_slice %arg8[%dma_wait3A_53, %dma_wait3A_67, %dma_wait3A_68, %dma_wait3A_69] : memref<3x4x8x1024xf32, #tpu.memory_space<vmem>> -> memref<1x4x8x1024xf32, #tpu.memory_space<vmem>>
    %dma_wait3A_71 = tpu.memref_squeeze %dma_wait3A_70 : memref<1x4x8x1024xf32, #tpu.memory_space<vmem>> -> memref<4x8x1024xf32, #tpu.memory_space<vmem>>
    tpu.wait_dma2 semaphore(%arg11 : memref<!tpu.dma_semaphore, #tpu.memory_space<semaphore_mem>>) src(%dma_wait3A_71 : memref<4x8x1024xf32, #tpu.memory_space<vmem>>) dst(%dma_wait3A_66 : memref<4x8x1024xf32, #tpu.memory_space<hbm>>)
    return
  }
}

</mosaic_0001>

<sc_bundles>
// kernel: kernel.3.cloned.1.call-start
scs
__scs_entry_jumppad:
0x0: {  	(pc) =	sbr.rel $0x88, $3  }
0x1: {  	(tag) =	ssettag $0x0;
	lr =	simm.s32 $0x1  }
0x2: {  	[smem:$0x3F9E] =	sst lr;
	_ =	strace $0xD0000000  }
0x3: {  	_ = 	snop  }
0x4: {  	_ = 	snop  }
0x5: {  	_ = 	snop  }
0x6: {  	_ = 	snop  }
0x7: {  	_ = 	snop  }
__scs_overlays_trampoline_lowered:
0x8: {  	[smem:$0x3FAD] =	sst s0  }
0x9: {  	[smem:$0x3FAE] =	sst s1  }
0xa: {  	[smem:$0x3FAF] =	sst s2  }
0xb: {  	[smem:$0x3FB0] =	sst s3  }
0xc: {  	[smem:$0x3FB1] =	sst s4  }
0xd: {  	[smem:$0x3FB2] =	sst s5  }
0xe: {  	[smem:$0x3FB3] =	sst s6  }
0xf: {  	[smem:$0x3FB4] =	sst s7  }
0x10: {  	[smem:$0x3FB5] =	sst s8  }
0x11: {  	[smem:$0x3FB6] =	sst s9;
	s0 =	simm.s32 @!p0 $0x0  }
0x12: {  	s1 =	sld [smem:$0x3F9C];
	s0 =	simm.s32 @p0 $0x1  }
0x13: {  	[smem:$0x3FB7] =	sst s0;
	s0 =	simm.s32 @!p1 $0x0  }
0x14: {  	s2 =	sld [smem:$0x3F9B];
	s0 =	simm.s32 @p1 $0x1  }
0x15: {  	[smem:$0x3FB8] =	sst s0;
	s0 =	simm.s32 @!p2 $0x0  }
0x16: {  	s3 =	sld [smem:$0x3FDB];
	s0 =	simm.s32 @p2 $0x1  }
0x17: {  	s4 =	simm.s32 $0x1BF5;
	[smem:$0x3FBA] =	sst s0  }
0x18: {  	s0 =	sld [smem:$0x3F9D];
	_ =	swait.ge [sflag:s4], $0x0  }
0x19: {  	s7 =	sld [smem:$0x3F9E]  }
0x1a: {  	s8 =	sadd.s32 $0xFFFFE003, lr  }
0x1b: {  	s9 =	sadd.s32 $0xFFFFFEF7, lr;
	s5 =	simm.s32 $0xFFFFFFFF;
	p2 =	slt.u32 s8, $0xFFFFF086  }
0x1c: {  	p1 =	slt.u32 s9, $0xF7A;
	s5 =	simm.s32 @!p2 $0x0  }
0x1d: {  	s5 =	simm.s32 @p1 $0x1;
	p0 =	seq.s32 s7, s2  }
0x1e: {  	s7 =	smul.u32 @!p0 $0xF7A, s2;
	p2 =	seq.s32 @!p0 s5, $0x0  }
0x1f: {  	s9 =	smul.u32 $0xF7A, s1;
	s8 =	simm.s32 @!p0 $0x1BF5;
	p2 =	por !p2, p0  }
0x20: {  	[sflag:s8] =	ssyncset.s32 @!p0 $0xFFFFF086;
	s6 =	sadd.s32 @!p0 s3, s7;
	s7 =	simm.s32 @!p0 $0x108  }
0x21: {  	s3 =	sadd.s32 s3, s9;
	s6 =	sadd.s32 @!p0 $0x88, s6;
	s7 =	simm.s32 @p2 $0x1082  }
0x22: {  	[simem:s7], [sflag:s8] =	dma.local @!p0 [hbm:s6], $0xF7A  }
0x23: {  	s9 =	sor.u32 $0xD0000000, s2;
	s6 =	simm.s32 $0x108;
	_ =	swait.ge @!p0 [sflag:s8], $0x0  }
0x24: {  	s3 =	sadd.s32 $0x88, s3;
	s6 =	simm.s32 @!p1 $0x1082;
	[sflag:s4] =	ssyncset.s32 $0xFFFFF086  }
0x25: {  	[simem:s6], [sflag:s4] =	dma.local [hbm:s3], $0xF7A  }
0x26: {  	[smem:$0x3F9E] =	sst s1;
	(tag) =	ssettag s2;
	_ =	strace s9  }
0x27: {  	s1 =	sld [smem:$0x3FAE]  }
0x28: {  	s2 =	sld [smem:$0x3FAF]  }
0x29: {  	s4 =	sld [smem:$0x3FB1]  }
0x2a: {  	p0 =	seq.s32 s5, $0x0;
	s5 =	sld [smem:$0x3FB2]  }
0x2b: {  	s6 =	sld [smem:$0x3FB3]  }
0x2c: {  	s7 =	sld [smem:$0x3FB4]  }
0x2d: {  	s3 =	simm.s32 $0x108;
	s8 =	sld [smem:$0x3FB5]  }
0x2e: {  	s3 =	simm.s32 @!p0 $0x1082;
	s9 =	sld [smem:$0x3FB6]  }
0x2f: {  	lr =	sadd.s32 s0, s3;
	s0 =	sld [smem:$0x3FAD]  }
0x30: {  	s3 =	sld [smem:$0x3FB0]  }
0x31: {  	[smem:$0x3FB9] =	sst s10  }
0x32: {  	s10 =	sld [smem:$0x3FB7];
	_ =	sdelay $0x3  }
0x33: {  	p0 =	seq.s32 s10, $0x1;
	s10 =	sld [smem:$0x3FB9];
	_ =	sdelay $0x3  }
0x34: {  	[smem:$0x3FB9] =	sst s10  }
0x35: {  	s10 =	sld [smem:$0x3FB8];
	_ =	sdelay $0x3  }
0x36: {  	p1 =	seq.s32 s10, $0x1;
	s10 =	sld [smem:$0x3FB9];
	_ =	sdelay $0x3  }
0x37: {  	[smem:$0x3FB9] =	sst s10  }
0x38: {  	s10 =	sld [smem:$0x3FBA]  }
0x39: {  	_ = 	snop;
	(pc) =	sbr.ind lr, $3  }
0x3a: {  	_ = 	snop  }
0x3b: {  	_ = 	snop  }
0x3c: {  	p2 =	seq.s32 s10, $0x1;
	s10 =	sld [smem:$0x3FB9]  }
0x3d: {  	_ =	shalt  }
0x3e: {  	_ =	shalt  }
0x3f: {  	_ =	shalt  }
0x40: {  	_ =	shalt  }
0x41: {  	_ =	shalt  }
0x42: {  	_ =	shalt  }
0x43: {  	_ =	shalt  }
0x44: {  	_ =	shalt  }
0x45: {  	_ =	shalt  }
0x46: {  	_ =	shalt  }
0x47: {  	_ =	shalt  }
0x48: {  	_ =	shalt  }
0x49: {  	_ =	shalt  }
0x4a: {  	_ =	shalt  }
0x4b: {  	_ =	shalt  }
0x4c: {  	_ =	shalt  }
0x4d: {  	_ =	shalt  }
0x4e: {  	_ =	shalt  }
0x4f: {  	_ =	shalt  }
0x50: {  	_ =	shalt  }
0x51: {  	_ =	shalt  }
0x52: {  	_ =	shalt  }
0x53: {  	_ =	shalt  }
0x54: {  	_ =	shalt  }
0x55: {  	_ =	shalt  }
0x56: {  	_ =	shalt  }
0x57: {  	_ =	shalt  }
0x58: {  	_ =	shalt  }
0x59: {  	_ =	shalt  }
0x5a: {  	_ =	shalt  }
0x5b: {  	_ =	shalt  }
0x5c: {  	_ =	shalt  }
0x5d: {  	_ =	shalt  }
0x5e: {  	_ =	shalt  }
0x5f: {  	_ =	shalt  }
0x60: {  	_ =	shalt  }
0x61: {  	_ =	shalt  }
0x62: {  	_ =	shalt  }
0x63: {  	_ =	shalt  }
0x64: {  	_ =	shalt  }
0x65: {  	_ =	shalt  }
0x66: {  	_ =	shalt  }
0x67: {  	_ =	shalt  }
0x68: {  	_ =	shalt  }
0x69: {  	_ =	shalt  }
0x6a: {  	_ =	shalt  }
0x6b: {  	_ =	shalt  }
0x6c: {  	_ =	shalt  }
0x6d: {  	_ =	shalt  }
0x6e: {  	_ =	shalt  }
0x6f: {  	_ =	shalt  }
0x70: {  	_ =	shalt  }
0x71: {  	_ =	shalt  }
0x72: {  	_ =	shalt  }
0x73: {  	_ =	shalt  }
0x74: {  	_ =	shalt  }
0x75: {  	_ =	shalt  }
0x76: {  	_ =	shalt  }
0x77: {  	_ =	shalt  }
0x78: {  	_ =	shalt  }
0x79: {  	_ =	shalt  }
0x7a: {  	_ =	shalt  }
0x7b: {  	_ =	shalt  }
0x7c: {  	_ =	shalt  }
0x7d: {  	_ =	shalt  }
0x7e: {  	_ =	shalt  }
0x7f: {  	_ =	shalt  }
0x80: {  	_ =	shalt  }
0x81: {  	_ =	shalt  }
0x82: {  	_ =	shalt  }
0x83: {  	_ =	shalt  }
0x84: {  	_ =	shalt  }
0x85: {  	_ =	shalt  }
0x86: {  	_ =	shalt  }
0x87: {  	_ =	shalt  }
.Lfunc_end0:
.L_simem_size_0:
called_computation_lowered:
.L_overlay_start_0:
0x88: {  	s2 =	sld [smem:$0x3FD9]  }
0x89: {  	s3 =	sld [smem:$0x3FFE];
	_ =	sdelay $0x1  }
0x8a: {  	s1 =	srdreg.scid  }
0x8b: {  	s0 =	sand.u32 $0x1, s1  }
0x8c: {  	s18 =	sshll.u32 s0, $0xA;
	s2 =	sadd.s32 s3, s2  }
0x8d: {  	s2 =	sadd.s32 s2, s18  }
0x8e: {  	[smem:$0x3FC5] =	sst s2  }
0x8f: {  	_ = 	snop  }
0x90: {  	s2 =	sld [smem:$0x3FC9]  }
0x91: {  	s19 =	sld [smem:$0x3FC8]  }
0x92: {  	s4 =	sld [smem:$0x3FC7]  }
0x93: {  	s5 =	sld [smem:$0x3FD0];
	(tm) =	ssettm $0x1  }
0x94: {  	s6 =	sld [smem:$0x3FFB];
	_ =	sdelay $0x3  }
0x95: {  	_ =	strace s6  }
0x96: {  	s6 =	sld [smem:$0x3FFC];
	_ =	sdelay $0x3  }
0x97: {  	_ =	strace s6  }
0x98: {  	s6 =	sld [smem:$0x3FFD];
	_ =	sdelay $0x3  }
0x99: {  	_ =	strace s6  }
0x9a: {  	_ =	strace $0x8FFFFFFF  }
0x9b: {  	s20 =	sld [smem:$0x3FDB];
	_ =	sdelay $0x1  }
0x9c: {  	s7 =	simm.s32 $_scs_section_size  }
0x9d: {  	s8 =	simm.s32 $_size__tile_overlayer_lowered;
	s9 =	simm.s32 $_tile_overlayer_lowered  }
0x9e: {  	s23 =	simm.s32 $0x1BFF;
	s22 =	sshll.u32 s9, $0x1;
	s6 =	sadd.s32 s7, s20  }
0x9f: {  	s10 =	simm.s32 $0x0;
	s21 =	sshll.u32 s8, $0x1;
	s8 =	sadd.s32 s22, s6  }
0xa0: {  	[timem:s10], [sflag:s23] =	dma.local [hbm:s8], s21  }
0xa1: {  	_ =	swait.ge [sflag:s23], s21  }
0xa2: {  	s7 =	ssub.s32 $0x0, s21;
	[sflag:s23] =	ssyncset.done $0x0  }
0xa3: {  	[sflag:s23] =	ssyncadd.s32 s7;
	_ =	sdelay $0x1  }
0xa4: {  	s24 =	simm.s32 $0x1B8B  }
0xa5: {  	_ =	swait.ge [sflag:s24], $0x1  }
0xa6: {  	[sflag:s24] =	ssyncset.done $0x0  }
0xa7: {  	s25 =	simm.s32 $0x1B8E;
	[sflag:s24] =	ssyncadd.s32 $0xFFFFFFFF  }
0xa8: {  	s26 =	simm.s32 $execute0_lowered;
	[smem:$0x3FD2] =	sst s25  }
0xa9: {  	s7 =	sshll.u32 s26, $0x1;
	_ =	strace $0x80000046;
	[dreg:$0x1] =	wrdreg $0xFFFFFFFF  }
0xaa: {  	s28 =	simm.s32 $_size_execute0_lowered;
	s6 =	sadd.s32 s6, s7;
	[dreg:$0x0] =	wrdreg $0x0  }
0xab: {  	s7 =	sshll.u32 s28, $0x1;
	[dreg:$0x2] =	wrdreg s6  }
0xac: {  	[dreg:$0x3] =	wrdreg s7  }
0xad: {  	[dreg:$0x4] =	wrdreg $0xC0  }
0xae: {  	_ =	task [dreg:s10], $0x5FFFF  }
0xaf: {  	[dreg:$0x1] =	wrdreg $0xFFFFFFFF  }
0xb0: {  	[dreg:$0x0] =	wrdreg $0x60  }
0xb1: {  	[dreg:$0x2] =	wrdreg s2  }
0xb2: {  	[dreg:$0x3] =	wrdreg s19  }
0xb3: {  	[dreg:$0x4] =	wrdreg s4  }
0xb4: {  	[dreg:$0x5] =	wrdreg s5  }
0xb5: {  	[dreg:$0x6] =	wrdreg $0x9  }
0xb6: {  	_ =	task.clear_ibuf [dreg:s10], $0x7FFFF;
	_ =	strace $0x90000046  }
0xb7: {  	s29 =	simm.s32 $0x9;
	_ =	strace $0x80000048  }
0xb8: {  	_ =	swait.ge [sflag:s29], $0x1  }
0xb9: {  	[sflag:s29] =	ssyncadd.s32 $0xFFFFFFFF  }
0xba: {  	_ =	strace $0x90000048  }
0xbb: {  	_ =	sfence  }
0xbc: {  	s30 =	sld [smem:$0x0];
	_ =	sdelay $0x2  }
0xbd: {  	s31 =	sshll.u32 s1, $0xD;
	s1 =	sshrl.u32 s1, $0x2  }
0xbe: {  	s3 =	sand.u32 $0x4000, s31;
	s1 =	sadd.s32 s1, s30  }
0xbf: {  	s0 =	sor.u32 s3, s0;
	s1 =	sshll.u32 s1, $0x11  }
0xc0: {  	s0 =	sor.u32 s1, s0  }
0xc1: {  	s0 =	sadd.s32 $0x8F2B, s0  }
0xc2: {  	[sflag:s0] =	ssyncadd.remote.s32 $0x1  }
0xc3: {  	_ =	sfence.sel $0xFFFF  }
0xc4: {  	[dreg:$0x0] =	wrdreg $0xFFFFFFFF;
	(pc) =	sbr.abs _section_cstart, $3  }
0xc5: {  	[dreg:$0x1] =	wrdreg $0xFFFFFFFF  }
0xc6: {  	_ =	task.clear_ibuf [dreg:s10], $0x2FFFF;
	_ =	strace $0x9FFFFFFF  }
0xc7: {  	(tm) =	ssettm $0x7FFFFFFF  }
tec
execute0_lowered:
.L_overlay_start_1:
0x0: {  	(tag) =	ssettag $0x1  }
0x1: {  	s5 =	rddreg [dreg:$0x0]  }
0x2: {  	s0 =	rddreg [dreg:$0x1]  }
0x3: {  	s6 =	rddreg [dreg:$0x2];
	s2 =	simm.s32 $0x0;
	s1 =	srdreg.scid  }
0x4: {  	s3 =	stileid.u32;
	[smem:$0x7FF] =	sst s2;
	s1 =	sand.u32 $0x1, s1  }
0x5: {  	s3 =	sshll.u32 s3, $0x8;
	s28 =	sadd.s32 $0x100, s6;
	s29 =	sadd.s32 $0x200, s6  }
0x6: {  	s30 =	sadd.s32 $0x300, s6;
	_ =	strace $0x80000047;
	[dreg:$0x9] =	wrdreg s28  }
0x7: {  	s24 =	ssub.s32 $0x2, s1;
	s1 =	sshll.u32 s1, $0x7;
	[dreg:$0xa] =	wrdreg s29  }
0x8: {  	[dreg:$0xb] =	wrdreg s30;
	s3 =	sor.u32 s1, s3  }
0x9: {  	s26 =	sshll.u32 s3, $0x7;
	[dreg:$0x5] =	wrdreg s3;
	s3 =	sshrl.u32 s3, $0x3  }
0xa: {  	s4 =	sshrl.u32 s24, $0x1;
	s2 =	sadd.s32 s5, s26;
	[dreg:$0x6] =	wrdreg s3  }
0xb: {  	v0 =	vlaneseq.u32;
	s25 =	ssub.s32 s24, s4;
	s0 =	sadd.s32 s0, s3;
	[dreg:$0x7] =	wrdreg s2  }
0xc: {  	v1 =	vshrl.u32 v0, $0x3;
	s31 =	smax.u32 s25, $0x1;
	[dreg:$0x8] =	wrdreg s0  }
0xd: {  	vm0 =	vmmov $0xffff;
	v0 =	vand.u32 $0x7, v0;
	v1 =	vmul.u32 $0x8, v1;
	[dreg:$0xc] =	wrdreg s31;
	s2 =	simm.s32 $0x0  }
.LBB2_1:
0xe: {  	[dreg:$0xd] =	wrdreg s2  }
0xf: {  	s0 =	rddreg [dreg:$0x7]  }
0x10: {  	s1 =	simm.s32 $0x2000;
	s20 =	simm.s32 $0x400000;
	s3 =	simm.s32 $0x4080  }
0x11: {  	[tilespmem:s3], [sflag:$0x2] =	stream.strided.gather [hbm4b:s0+s1], $0x8000, s20, s1, $0x38;
	[tilespmem:$0x1C080] =	vst v63  }
0x12: {  	s21 =	simm.s32 $0x0;
	s22 =	rddreg [dreg:$0x8];
	s23 =	simm.s32 $0x4  }
0x13: {  	[tilespmem:s21], [sflag:$0x4] =	stream.linear.gather [hbm4b:s22+s21], $0x80, $0x38;
	[tilespmem:$0x1C080] =	vst v63  }
0x14: {  	_ =	swait.ge [sflag:s23], $0x80  }
0x15: {  	[sflag:s23] =	ssyncset.done $0x0  }
0x16: {  	[sflag:s23] =	ssyncadd.s32 $0xFFFFFF80  }
0x17: {  	v2 =	vld.msk [tilespmem:$0x0], $0xff;
	_ =	sdelay $0x4  }
0x18: {  	v3 =	vshll.u32 v2, $0x3  }
0x19: {  	v2 =	vand.u32 $0x7, v2;
	v3 =	vand.u32 $0xFFFFFFC0, v3  }
0x1a: {  	v2 =	vor.u32 v2, v3  }
0x1b: {  	v2 =	vperm.xlane v2, v0;
	_ =	sdelay $0x1  }
0x1c: {  	v2 =	vadd.s32 v1, v2;
	_ =	sdelay $0x3  }
0x1d: {  	s24 =	simm.s32 $0x80;
	s0 =	rddreg [dreg:$0x2]  }
0x1e: {  	[tilespmem:s24], [sflag:$0x1] =	stream.indirect_vreg.gather [hbm4b:s0+s21], $0x80, v2, vm0, $0xb8;
	[tilespmem:$0x1C080] =	vst v63  }
0x1f: {  	s26 =	simm.s32 $0x880;
	s25 =	rddreg [dreg:$0x9]  }
0x20: {  	[tilespmem:s26], [sflag:$0x1] =	stream.indirect_vreg.gather [hbm4b:s25+s21], $0x80, v2, vm0, $0xb8;
	[tilespmem:$0x1C080] =	vst v63  }
0x21: {  	s29 =	simm.s32 $0x1080;
	s28 =	rddreg [dreg:$0xa]  }
0x22: {  	[tilespmem:s29], [sflag:$0x1] =	stream.indirect_vreg.gather [hbm4b:s28+s21], $0x80, v2, vm0, $0xb8;
	[tilespmem:$0x1C080] =	vst v63  }
0x23: {  	s31 =	simm.s32 $0x1880;
	s30 =	rddreg [dreg:$0xb];
	s26 =	simm.s32 $0x0  }
0x24: {  	[tilespmem:s31], [sflag:$0x1] =	stream.indirect_vreg.gather [hbm4b:s30+s21], $0x80, v2, vm0, $0xb8;
	[tilespmem:$0x1C080] =	vst v63  }
.LBB2_2:
0x25: {  	p0 =	slt.u32 s26, $0x2  }
0x26: {  	s0 =	simm.s32 @!p0 $0x3;
	p1 =	seq.s32 @!p0 s26, $0xF  }
0x27: {  	s28 =	simm.s32 @!p0 $0x10;
	_ =	swait.ge @!p0 [sflag:s0], $0x8000;
	p1 =	por p0, !p1  }
0x28: {  	[sflag:s0] =	ssyncset.done @!p0 $0x0;
	s28 =	sadd.s32 @p1 $0x1, s26  }
0x29: {  	[sflag:s0] =	ssyncadd.s32 @!p0 $0xFFFF8000;
	s0 =	sshll.u32 @p1 s28, $0x3  }
0x2a: {  	v2 =	vld.msk @p1 [tilespmem:s0+$0x0], $0xff;
	_ =	sdelay $0x4  }
0x2b: {  	v3 =	vshll.u32 @p1 v2, $0x3  }
0x2c: {  	v2 =	vand.u32 @p1 $0x7, v2;
	v3 =	vand.u32 @p1 $0xFFFFFFC0, v3  }
0x2d: {  	v2 =	vor.u32 @p1 v2, v3  }
0x2e: {  	v2 =	vperm.xlane @p1 v2, v0;
	_ =	sdelay $0x1  }
0x2f: {  	v2 =	vadd.s32 @p1 v1, v2;
	_ =	sdelay $0x1  }
0x30: {  	s1 =	sshll.u32 @p1 s28, $0xD  }
0x31: {  	s1 =	sand.u32 @p1 $0x2000, s1  }
0x32: {  	s4 =	simm.s32 @p1 $0x0;
	s3 =	rddreg @p1 [dreg:$0x2];
	s2 =	sor.u32 @p1 $0x80, s1  }
0x33: {  	[tilespmem:s2], [sflag:$0x1] =	stream.indirect_vreg.gather @p1 [hbm4b:s3+s4], $0x80, v2, vm0, $0xb8;
	[tilespmem:$0x1C080] =	vst v63  }
0x34: {  	s16 =	smul.u32 $0xAB, s26;
	s2 =	sor.u32 @p1 $0x880, s1;
	s3 =	rddreg @p1 [dreg:$0x9]  }
0x35: {  	[tilespmem:s2], [sflag:$0x1] =	stream.indirect_vreg.gather @p1 [hbm4b:s3+s4], $0x80, v2, vm0, $0xb8;
	[tilespmem:$0x1C080] =	vst v63  }
0x36: {  	s5 =	rddreg @p1 [dreg:$0xa];
	s2 =	sor.u32 @p1 $0x1080, s1;
	s3 =	smul.u32 @p1 $0xAB, s28  }
0x37: {  	[tilespmem:s2], [sflag:$0x1] =	stream.indirect_vreg.gather @p1 [hbm4b:s5+s4], $0x80, v2, vm0, $0xb8;
	[tilespmem:$0x1C080] =	vst v63  }
0x38: {  	s17 =	simm.s32 $0x1;
	s18 =	sshll.u32 s26, $0x3;
	s2 =	sshrl.u32 @p1 s3, $0x9  }
0x39: {  	s19 =	simm.s32 $0x0;
	s20 =	simm.s32 $0x2;
	s2 =	sand.u32 @p1 $0x7F, s2  }
0x3a: {  	s1 =	sor.u32 @p1 $0x1880, s1;
	s3 =	rddreg @p1 [dreg:$0xb];
	s2 =	smul.u32 @p1 $0x3, s2  }
0x3b: {  	[tilespmem:s1], [sflag:$0x1] =	stream.indirect_vreg.gather @p1 [hbm4b:s3+s4], $0x80, v2, vm0, $0xb8;
	[tilespmem:$0x1C080] =	vst v63  }
0x3c: {  	s23 =	sor.u32 $0x1, s19;
	s1 =	ssub.s32 @p1 s28, s2;
	s2 =	rddreg @p1 [dreg:$0x5]  }
0x3d: {  	s3 =	simm.s32 @p1 $0x400000;
	s1 =	sand.u32 @p1 $0xFF, s1;
	s0 =	sadd.s32 @p1 s2, s0  }
0x3e: {  	s2 =	rddreg @p1 [dreg:$0x0];
	s1 =	sshll.u32 @p1 s1, $0xF;
	s0 =	sshll.u32 @p1 s0, $0x7  }
0x3f: {  	s1 =	sor.u32 @p1 $0x4080, s1;
	s0 =	sadd.s32 @p1 s2, s0;
	s2 =	simm.s32 @p1 $0x2000  }
0x40: {  	[tilespmem:s1], [sflag:$0x2] =	stream.strided.gather @p1 [hbm4b:s0+s2], $0x8000, s3, s2, $0x38;
	[tilespmem:$0x1C080] =	vst v63  }
0x41: {  	s21 =	sand.u32 $0x8, s18;
	s6 =	sshll.u32 s23, $0x7;
	_ =	swait.ge [sflag:s17], $0x2000  }
0x42: {  	s0 =	sshrl.u32 s16, $0x9;
	s1 =	sor.u32 s21, s19;
	[sflag:s17] =	ssyncset.done $0x0  }
0x43: {  	s3 =	sor.u32 s21, s23;
	s0 =	sand.u32 $0x7F, s0;
	[sflag:s17] =	ssyncadd.s32 $0xFFFFE000  }
0x44: {  	s1 =	sshll.u32 s1, $0xA;
	s3 =	sshll.u32 s3, $0xA;
	_ =	swait.ge [sflag:s20], $0x8000  }
0x45: {  	s0 =	smul.u32 $0x3, s0;
	s22 =	sand.u32 $0x2000, s1;
	[sflag:s20] =	ssyncset.done $0x0  }
0x46: {  	s24 =	sand.u32 $0x2000, s3;
	s2 =	sadd.s32 $0x0, s22;
	[sflag:s20] =	ssyncadd.s32 $0xFFFF8000  }
0x47: {  	s17 =	sadd.s32 s6, s24;
	s0 =	ssub.s32 s26, s0;
	v2 =	vld [tilespmem:s2+$0x80]  }
0x48: {  	s0 =	sand.u32 $0xFF, s0;
	v3 =	vld [tilespmem:s17+$0x80]  }
0x49: {  	s0 =	sshll.u32 s0, $0xF  }
0x4a: {  	s29 =	sor.u32 $0x4080, s0  }
0x4b: {  	s30 =	sadd.s32 $0x0, s29  }
0x4c: {  	s8 =	sor.u32 $0x6080, s0;
	s16 =	sadd.s32 s6, s29;
	[tilespmem:s30+$0x0] =	vst.add.f32.msk $0xffff, v2  }
0x4d: {  	s31 =	sadd.s32 $0x0, s8;
	[tilespmem:s16+$0x0] =	vst.add.f32.msk $0xffff, v3  }
0x4e: {  	s9 =	sadd.s32 $0x8080, s0;
	s18 =	sadd.s32 s6, s8;
	[tilespmem:s31+$0x0] =	vst.add.f32.msk $0xffff, v2  }
0x4f: {  	s13 =	sadd.s32 $0xA080, s0;
	s0 =	sadd.s32 $0x0, s9;
	[tilespmem:s18+$0x0] =	vst.add.f32.msk $0xffff, v3  }
0x50: {  	s19 =	sadd.s32 s6, s9;
	[tilespmem:s0+$0x0] =	vst.add.f32.msk $0xffff, v2  }
0x51: {  	s4 =	sadd.s32 $0x0, s13;
	[tilespmem:s19+$0x0] =	vst.add.f32.msk $0xffff, v3  }
0x52: {  	s20 =	sadd.s32 s6, s13;
	[tilespmem:s4+$0x0] =	vst.add.f32.msk $0xffff, v2  }
0x53: {  	[tilespmem:s20+$0x0] =	vst.add.f32.msk $0xffff, v3  }
0x54: {  	v2 =	vld [tilespmem:s2+$0x90]  }
0x55: {  	v3 =	vld [tilespmem:s17+$0x90];
	_ =	sdelay $0x3  }
0x56: {  	[tilespmem:s30+$0x10] =	vst.add.f32.msk $0xffff, v2  }
0x57: {  	[tilespmem:s16+$0x10] =	vst.add.f32.msk $0xffff, v3  }
0x58: {  	[tilespmem:s31+$0x10] =	vst.add.f32.msk $0xffff, v2  }
0x59: {  	[tilespmem:s18+$0x10] =	vst.add.f32.msk $0xffff, v3  }
0x5a: {  	[tilespmem:s0+$0x10] =	vst.add.f32.msk $0xffff, v2  }
0x5b: {  	[tilespmem:s19+$0x10] =	vst.add.f32.msk $0xffff, v3  }
0x5c: {  	[tilespmem:s4+$0x10] =	vst.add.f32.msk $0xffff, v2  }
0x5d: {  	[tilespmem:s20+$0x10] =	vst.add.f32.msk $0xffff, v3  }
0x5e: {  	v2 =	vld [tilespmem:s2+$0xA0]  }
0x5f: {  	v3 =	vld [tilespmem:s17+$0xA0];
	_ =	sdelay $0x3  }
0x60: {  	[tilespmem:s30+$0x20] =	vst.add.f32.msk $0xffff, v2  }
0x61: {  	[tilespmem:s16+$0x20] =	vst.add.f32.msk $0xffff, v3  }
0x62: {  	[tilespmem:s31+$0x20] =	vst.add.f32.msk $0xffff, v2  }
0x63: {  	[tilespmem:s18+$0x20] =	vst.add.f32.msk $0xffff, v3  }
0x64: {  	[tilespmem:s0+$0x20] =	vst.add.f32.msk $0xffff, v2  }
0x65: {  	[tilespmem:s19+$0x20] =	vst.add.f32.msk $0xffff, v3  }
0x66: {  	[tilespmem:s4+$0x20] =	vst.add.f32.msk $0xffff, v2  }
0x67: {  	[tilespmem:s20+$0x20] =	vst.add.f32.msk $0xffff, v3  }
0x68: {  	v2 =	vld [tilespmem:s2+$0xB0]  }
0x69: {  	v3 =	vld [tilespmem:s17+$0xB0];
	_ =	sdelay $0x3  }
0x6a: {  	[tilespmem:s30+$0x30] =	vst.add.f32.msk $0xffff, v2  }
0x6b: {  	[tilespmem:s16+$0x30] =	vst.add.f32.msk $0xffff, v3  }
0x6c: {  	[tilespmem:s31+$0x30] =	vst.add.f32.msk $0xffff, v2  }
0x6d: {  	[tilespmem:s18+$0x30] =	vst.add.f32.msk $0xffff, v3  }
0x6e: {  	[tilespmem:s0+$0x30] =	vst.add.f32.msk $0xffff, v2  }
0x6f: {  	[tilespmem:s19+$0x30] =	vst.add.f32.msk $0xffff, v3  }
0x70: {  	[tilespmem:s4+$0x30] =	vst.add.f32.msk $0xffff, v2  }
0x71: {  	[tilespmem:s20+$0x30] =	vst.add.f32.msk $0xffff, v3  }
0x72: {  	v2 =	vld [tilespmem:s2+$0xC0]  }
0x73: {  	v3 =	vld [tilespmem:s17+$0xC0];
	_ =	sdelay $0x3  }
0x74: {  	[tilespmem:s30+$0x40] =	vst.add.f32.msk $0xffff, v2  }
0x75: {  	[tilespmem:s16+$0x40] =	vst.add.f32.msk $0xffff, v3  }
0x76: {  	[tilespmem:s31+$0x40] =	vst.add.f32.msk $0xffff, v2  }
0x77: {  	[tilespmem:s18+$0x40] =	vst.add.f32.msk $0xffff, v3  }
0x78: {  	[tilespmem:s0+$0x40] =	vst.add.f32.msk $0xffff, v2  }
0x79: {  	[tilespmem:s19+$0x40] =	vst.add.f32.msk $0xffff, v3  }
0x7a: {  	[tilespmem:s4+$0x40] =	vst.add.f32.msk $0xffff, v2  }
0x7b: {  	[tilespmem:s20+$0x40] =	vst.add.f32.msk $0xffff, v3  }
0x7c: {  	v2 =	vld [tilespmem:s2+$0xD0]  }
0x7d: {  	v3 =	vld [tilespmem:s17+$0xD0];
	_ =	sdelay $0x3  }
0x7e: {  	[tilespmem:s30+$0x50] =	vst.add.f32.msk $0xffff, v2  }
0x7f: {  	[tilespmem:s16+$0x50] =	vst.add.f32.msk $0xffff, v3  }
0x80: {  	[tilespmem:s31+$0x50] =	vst.add.f32.msk $0xffff, v2  }
0x81: {  	[tilespmem:s18+$0x50] =	vst.add.f32.msk $0xffff, v3  }
0x82: {  	[tilespmem:s0+$0x50] =	vst.add.f32.msk $0xffff, v2  }
0x83: {  	[tilespmem:s19+$0x50] =	vst.add.f32.msk $0xffff, v3  }
0x84: {  	[tilespmem:s4+$0x50] =	vst.add.f32.msk $0xffff, v2  }
0x85: {  	[tilespmem:s20+$0x50] =	vst.add.f32.msk $0xffff, v3  }
0x86: {  	v2 =	vld [tilespmem:s2+$0xE0]  }
0x87: {  	v3 =	vld [tilespmem:s17+$0xE0];
	_ =	sdelay $0x3  }
0x88: {  	[tilespmem:s30+$0x60] =	vst.add.f32.msk $0xffff, v2  }
0x89: {  	[tilespmem:s16+$0x60] =	vst.add.f32.msk $0xffff, v3  }
0x8a: {  	[tilespmem:s31+$0x60] =	vst.add.f32.msk $0xffff, v2  }
0x8b: {  	[tilespmem:s18+$0x60] =	vst.add.f32.msk $0xffff, v3  }
0x8c: {  	[tilespmem:s0+$0x60] =	vst.add.f32.msk $0xffff, v2  }
0x8d: {  	[tilespmem:s19+$0x60] =	vst.add.f32.msk $0xffff, v3  }
0x8e: {  	[tilespmem:s4+$0x60] =	vst.add.f32.msk $0xffff, v2  }
0x8f: {  	[tilespmem:s20+$0x60] =	vst.add.f32.msk $0xffff, v3  }
0x90: {  	v2 =	vld [tilespmem:s2+$0xF0]  }
0x91: {  	v3 =	vld [tilespmem:s17+$0xF0];
	_ =	sdelay $0x3  }
0x92: {  	[tilespmem:s30+$0x70] =	vst.add.f32.msk $0xffff, v2  }
0x93: {  	[tilespmem:s16+$0x70] =	vst.add.f32.msk $0xffff, v3  }
0x94: {  	[tilespmem:s31+$0x70] =	vst.add.f32.msk $0xffff, v2  }
0x95: {  	[tilespmem:s18+$0x70] =	vst.add.f32.msk $0xffff, v3  }
0x96: {  	[tilespmem:s0+$0x70] =	vst.add.f32.msk $0xffff, v2  }
0x97: {  	[tilespmem:s19+$0x70] =	vst.add.f32.msk $0xffff, v3  }
0x98: {  	[tilespmem:s4+$0x70] =	vst.add.f32.msk $0xffff, v2  }
0x99: {  	[tilespmem:s20+$0x70] =	vst.add.f32.msk $0xffff, v3  }
0x9a: {  	v2 =	vld [tilespmem:s2+$0x480]  }
0x9b: {  	v3 =	vld [tilespmem:s17+$0x480];
	_ =	sdelay $0x3  }
0x9c: {  	[tilespmem:s30+$0x400] =	vst.add.f32.msk $0xffff, v2  }
0x9d: {  	[tilespmem:s16+$0x400] =	vst.add.f32.msk $0xffff, v3  }
0x9e: {  	[tilespmem:s31+$0x400] =	vst.add.f32.msk $0xffff, v2  }
0x9f: {  	[tilespmem:s18+$0x400] =	vst.add.f32.msk $0xffff, v3  }
0xa0: {  	[tilespmem:s0+$0x400] =	vst.add.f32.msk $0xffff, v2  }
0xa1: {  	[tilespmem:s19+$0x400] =	vst.add.f32.msk $0xffff, v3  }
0xa2: {  	[tilespmem:s4+$0x400] =	vst.add.f32.msk $0xffff, v2  }
0xa3: {  	[tilespmem:s20+$0x400] =	vst.add.f32.msk $0xffff, v3  }
0xa4: {  	v2 =	vld [tilespmem:s2+$0x490]  }
0xa5: {  	v3 =	vld [tilespmem:s17+$0x490];
	_ =	sdelay $0x3  }
0xa6: {  	[tilespmem:s30+$0x410] =	vst.add.f32.msk $0xffff, v2  }
0xa7: {  	[tilespmem:s16+$0x410] =	vst.add.f32.msk $0xffff, v3  }
0xa8: {  	[tilespmem:s31+$0x410] =	vst.add.f32.msk $0xffff, v2  }
0xa9: {  	[tilespmem:s18+$0x410] =	vst.add.f32.msk $0xffff, v3  }
0xaa: {  	[tilespmem:s0+$0x410] =	vst.add.f32.msk $0xffff, v2  }
0xab: {  	[tilespmem:s19+$0x410] =	vst.add.f32.msk $0xffff, v3  }
0xac: {  	[tilespmem:s4+$0x410] =	vst.add.f32.msk $0xffff, v2  }
0xad: {  	[tilespmem:s20+$0x410] =	vst.add.f32.msk $0xffff, v3  }
0xae: {  	v2 =	vld [tilespmem:s2+$0x4A0]  }
0xaf: {  	v3 =	vld [tilespmem:s17+$0x4A0];
	_ =	sdelay $0x3  }
0xb0: {  	[tilespmem:s30+$0x420] =	vst.add.f32.msk $0xffff, v2  }
0xb1: {  	[tilespmem:s16+$0x420] =	vst.add.f32.msk $0xffff, v3  }
0xb2: {  	[tilespmem:s31+$0x420] =	vst.add.f32.msk $0xffff, v2  }
0xb3: {  	[tilespmem:s18+$0x420] =	vst.add.f32.msk $0xffff, v3  }
0xb4: {  	[tilespmem:s0+$0x420] =	vst.add.f32.msk $0xffff, v2  }
0xb5: {  	[tilespmem:s19+$0x420] =	vst.add.f32.msk $0xffff, v3  }
0xb6: {  	[tilespmem:s4+$0x420] =	vst.add.f32.msk $0xffff, v2  }
0xb7: {  	[tilespmem:s20+$0x420] =	vst.add.f32.msk $0xffff, v3  }
0xb8: {  	v2 =	vld [tilespmem:s2+$0x4B0]  }
0xb9: {  	v3 =	vld [tilespmem:s17+$0x4B0];
	_ =	sdelay $0x3  }
0xba: {  	[tilespmem:s30+$0x430] =	vst.add.f32.msk $0xffff, v2  }
0xbb: {  	[tilespmem:s16+$0x430] =	vst.add.f32.msk $0xffff, v3  }
0xbc: {  	[tilespmem:s31+$0x430] =	vst.add.f32.msk $0xffff, v2  }
0xbd: {  	[tilespmem:s18+$0x430] =	vst.add.f32.msk $0xffff, v3  }
0xbe: {  	[tilespmem:s0+$0x430] =	vst.add.f32.msk $0xffff, v2  }
0xbf: {  	[tilespmem:s19+$0x430] =	vst.add.f32.msk $0xffff, v3  }
0xc0: {  	[tilespmem:s4+$0x430] =	vst.add.f32.msk $0xffff, v2  }
0xc1: {  	[tilespmem:s20+$0x430] =	vst.add.f32.msk $0xffff, v3  }
0xc2: {  	v2 =	vld [tilespmem:s2+$0x4C0]  }
0xc3: {  	v3 =	vld [tilespmem:s17+$0x4C0];
	_ =	sdelay $0x3  }
0xc4: {  	[tilespmem:s30+$0x440] =	vst.add.f32.msk $0xffff, v2  }
0xc5: {  	[tilespmem:s16+$0x440] =	vst.add.f32.msk $0xffff, v3  }
0xc6: {  	[tilespmem:s31+$0x440] =	vst.add.f32.msk $0xffff, v2  }
0xc7: {  	[tilespmem:s18+$0x440] =	vst.add.f32.msk $0xffff, v3  }
0xc8: {  	[tilespmem:s0+$0x440] =	vst.add.f32.msk $0xffff, v2  }
0xc9: {  	[tilespmem:s19+$0x440] =	vst.add.f32.msk $0xffff, v3  }
0xca: {  	[tilespmem:s4+$0x440] =	vst.add.f32.msk $0xffff, v2  }
0xcb: {  	[tilespmem:s20+$0x440] =	vst.add.f32.msk $0xffff, v3  }
0xcc: {  	v2 =	vld [tilespmem:s2+$0x4D0]  }
0xcd: {  	v3 =	vld [tilespmem:s17+$0x4D0];
	_ =	sdelay $0x3  }
0xce: {  	[tilespmem:s30+$0x450] =	vst.add.f32.msk $0xffff, v2  }
0xcf: {  	[tilespmem:s16+$0x450] =	vst.add.f32.msk $0xffff, v3  }
0xd0: {  	[tilespmem:s31+$0x450] =	vst.add.f32.msk $0xffff, v2  }
0xd1: {  	[tilespmem:s18+$0x450] =	vst.add.f32.msk $0xffff, v3  }
0xd2: {  	[tilespmem:s0+$0x450] =	vst.add.f32.msk $0xffff, v2  }
0xd3: {  	[tilespmem:s19+$0x450] =	vst.add.f32.msk $0xffff, v3  }
0xd4: {  	[tilespmem:s4+$0x450] =	vst.add.f32.msk $0xffff, v2  }
0xd5: {  	[tilespmem:s20+$0x450] =	vst.add.f32.msk $0xffff, v3  }
0xd6: {  	v2 =	vld [tilespmem:s2+$0x4E0]  }
0xd7: {  	v3 =	vld [tilespmem:s17+$0x4E0];
	_ =	sdelay $0x3  }
0xd8: {  	[tilespmem:s30+$0x460] =	vst.add.f32.msk $0xffff, v2  }
0xd9: {  	[tilespmem:s16+$0x460] =	vst.add.f32.msk $0xffff, v3  }
0xda: {  	[tilespmem:s31+$0x460] =	vst.add.f32.msk $0xffff, v2  }
0xdb: {  	[tilespmem:s18+$0x460] =	vst.add.f32.msk $0xffff, v3  }
0xdc: {  	[tilespmem:s0+$0x460] =	vst.add.f32.msk $0xffff, v2  }
0xdd: {  	[tilespmem:s19+$0x460] =	vst.add.f32.msk $0xffff, v3  }
0xde: {  	[tilespmem:s4+$0x460] =	vst.add.f32.msk $0xffff, v2  }
0xdf: {  	[tilespmem:s20+$0x460] =	vst.add.f32.msk $0xffff, v3  }
0xe0: {  	v2 =	vld [tilespmem:s2+$0x4F0]  }
0xe1: {  	v3 =	vld [tilespmem:s17+$0x4F0];
	_ =	sdelay $0x3  }
0xe2: {  	[tilespmem:s30+$0x470] =	vst.add.f32.msk $0xffff, v2  }
0xe3: {  	[tilespmem:s16+$0x470] =	vst.add.f32.msk $0xffff, v3  }
0xe4: {  	[tilespmem:s31+$0x470] =	vst.add.f32.msk $0xffff, v2  }
0xe5: {  	[tilespmem:s18+$0x470] =	vst.add.f32.msk $0xffff, v3  }
0xe6: {  	[tilespmem:s0+$0x470] =	vst.add.f32.msk $0xffff, v2  }
0xe7: {  	[tilespmem:s19+$0x470] =	vst.add.f32.msk $0xffff, v3  }
0xe8: {  	[tilespmem:s4+$0x470] =	vst.add.f32.msk $0xffff, v2  }
0xe9: {  	[tilespmem:s20+$0x470] =	vst.add.f32.msk $0xffff, v3  }
0xea: {  	v2 =	vld [tilespmem:s2+$0x880]  }
0xeb: {  	v3 =	vld [tilespmem:s17+$0x880];
	_ =	sdelay $0x3  }
0xec: {  	[tilespmem:s30+$0x800] =	vst.add.f32.msk $0xffff, v2  }
0xed: {  	[tilespmem:s16+$0x800] =	vst.add.f32.msk $0xffff, v3  }
0xee: {  	[tilespmem:s31+$0x800] =	vst.add.f32.msk $0xffff, v2  }
0xef: {  	[tilespmem:s18+$0x800] =	vst.add.f32.msk $0xffff, v3  }
0xf0: {  	[tilespmem:s0+$0x800] =	vst.add.f32.msk $0xffff, v2  }
0xf1: {  	[tilespmem:s19+$0x800] =	vst.add.f32.msk $0xffff, v3  }
0xf2: {  	[tilespmem:s4+$0x800] =	vst.add.f32.msk $0xffff, v2  }
0xf3: {  	[tilespmem:s20+$0x800] =	vst.add.f32.msk $0xffff, v3  }
0xf4: {  	v2 =	vld [tilespmem:s2+$0x890]  }
0xf5: {  	v3 =	vld [tilespmem:s17+$0x890];
	_ =	sdelay $0x3  }
0xf6: {  	[tilespmem:s30+$0x810] =	vst.add.f32.msk $0xffff, v2  }
0xf7: {  	[tilespmem:s16+$0x810] =	vst.add.f32.msk $0xffff, v3  }
0xf8: {  	[tilespmem:s31+$0x810] =	vst.add.f32.msk $0xffff, v2  }
0xf9: {  	[tilespmem:s18+$0x810] =	vst.add.f32.msk $0xffff, v3  }
0xfa: {  	[tilespmem:s0+$0x810] =	vst.add.f32.msk $0xffff, v2  }
0xfb: {  	[tilespmem:s19+$0x810] =	vst.add.f32.msk $0xffff, v3  }
0xfc: {  	[tilespmem:s4+$0x810] =	vst.add.f32.msk $0xffff, v2  }
0xfd: {  	[tilespmem:s20+$0x810] =	vst.add.f32.msk $0xffff, v3  }
0xfe: {  	v2 =	vld [tilespmem:s2+$0x8A0]  }
0xff: {  	v3 =	vld [tilespmem:s17+$0x8A0];
	_ =	sdelay $0x3  }
0x100: {  	[tilespmem:s30+$0x820] =	vst.add.f32.msk $0xffff, v2  }
0x101: {  	[tilespmem:s16+$0x820] =	vst.add.f32.msk $0xffff, v3  }
0x102: {  	[tilespmem:s31+$0x820] =	vst.add.f32.msk $0xffff, v2  }
0x103: {  	[tilespmem:s18+$0x820] =	vst.add.f32.msk $0xffff, v3  }
0x104: {  	[tilespmem:s0+$0x820] =	vst.add.f32.msk $0xffff, v2  }
0x105: {  	[tilespmem:s19+$0x820] =	vst.add.f32.msk $0xffff, v3  }
0x106: {  	[tilespmem:s4+$0x820] =	vst.add.f32.msk $0xffff, v2  }
0x107: {  	[tilespmem:s20+$0x820] =	vst.add.f32.msk $0xffff, v3  }
0x108: {  	v2 =	vld [tilespmem:s2+$0x8B0]  }
0x109: {  	v3 =	vld [tilespmem:s17+$0x8B0];
	_ =	sdelay $0x3  }
0x10a: {  	[tilespmem:s30+$0x830] =	vst.add.f32.msk $0xffff, v2  }
0x10b: {  	[tilespmem:s16+$0x830] =	vst.add.f32.msk $0xffff, v3  }
0x10c: {  	[tilespmem:s31+$0x830] =	vst.add.f32.msk $0xffff, v2  }
0x10d: {  	[tilespmem:s18+$0x830] =	vst.add.f32.msk $0xffff, v3  }
0x10e: {  	[tilespmem:s0+$0x830] =	vst.add.f32.msk $0xffff, v2  }
0x10f: {  	[tilespmem:s19+$0x830] =	vst.add.f32.msk $0xffff, v3  }
0x110: {  	[tilespmem:s4+$0x830] =	vst.add.f32.msk $0xffff, v2  }
0x111: {  	[tilespmem:s20+$0x830] =	vst.add.f32.msk $0xffff, v3  }
0x112: {  	v2 =	vld [tilespmem:s2+$0x8C0]  }
0x113: {  	v3 =	vld [tilespmem:s17+$0x8C0];
	_ =	sdelay $0x3  }
0x114: {  	[tilespmem:s30+$0x840] =	vst.add.f32.msk $0xffff, v2  }
0x115: {  	[tilespmem:s16+$0x840] =	vst.add.f32.msk $0xffff, v3  }
0x116: {  	[tilespmem:s31+$0x840] =	vst.add.f32.msk $0xffff, v2  }
0x117: {  	[tilespmem:s18+$0x840] =	vst.add.f32.msk $0xffff, v3  }
0x118: {  	[tilespmem:s0+$0x840] =	vst.add.f32.msk $0xffff, v2  }
0x119: {  	[tilespmem:s19+$0x840] =	vst.add.f32.msk $0xffff, v3  }
0x11a: {  	[tilespmem:s4+$0x840] =	vst.add.f32.msk $0xffff, v2  }
0x11b: {  	[tilespmem:s20+$0x840] =	vst.add.f32.msk $0xffff, v3  }
0x11c: {  	v2 =	vld [tilespmem:s2+$0x8D0]  }
0x11d: {  	v3 =	vld [tilespmem:s17+$0x8D0];
	_ =	sdelay $0x3  }
0x11e: {  	[tilespmem:s30+$0x850] =	vst.add.f32.msk $0xffff, v2  }
0x11f: {  	[tilespmem:s16+$0x850] =	vst.add.f32.msk $0xffff, v3  }
0x120: {  	[tilespmem:s31+$0x850] =	vst.add.f32.msk $0xffff, v2  }
0x121: {  	[tilespmem:s18+$0x850] =	vst.add.f32.msk $0xffff, v3  }
0x122: {  	[tilespmem:s0+$0x850] =	vst.add.f32.msk $0xffff, v2  }
0x123: {  	[tilespmem:s19+$0x850] =	vst.add.f32.msk $0xffff, v3  }
0x124: {  	[tilespmem:s4+$0x850] =	vst.add.f32.msk $0xffff, v2  }
0x125: {  	[tilespmem:s20+$0x850] =	vst.add.f32.msk $0xffff, v3  }
0x126: {  	v2 =	vld [tilespmem:s2+$0x8E0]  }
0x127: {  	v3 =	vld [tilespmem:s17+$0x8E0];
	_ =	sdelay $0x3  }
0x128: {  	[tilespmem:s30+$0x860] =	vst.add.f32.msk $0xffff, v2  }
0x129: {  	[tilespmem:s16+$0x860] =	vst.add.f32.msk $0xffff, v3  }
0x12a: {  	[tilespmem:s31+$0x860] =	vst.add.f32.msk $0xffff, v2  }
0x12b: {  	[tilespmem:s18+$0x860] =	vst.add.f32.msk $0xffff, v3  }
0x12c: {  	[tilespmem:s0+$0x860] =	vst.add.f32.msk $0xffff, v2  }
0x12d: {  	[tilespmem:s19+$0x860] =	vst.add.f32.msk $0xffff, v3  }
0x12e: {  	[tilespmem:s4+$0x860] =	vst.add.f32.msk $0xffff, v2  }
0x12f: {  	[tilespmem:s20+$0x860] =	vst.add.f32.msk $0xffff, v3  }
0x130: {  	v2 =	vld [tilespmem:s2+$0x8F0]  }
0x131: {  	v3 =	vld [tilespmem:s17+$0x8F0];
	_ =	sdelay $0x3  }
0x132: {  	[tilespmem:s30+$0x870] =	vst.add.f32.msk $0xffff, v2  }
0x133: {  	[tilespmem:s16+$0x870] =	vst.add.f32.msk $0xffff, v3  }
0x134: {  	[tilespmem:s31+$0x870] =	vst.add.f32.msk $0xffff, v2  }
0x135: {  	[tilespmem:s18+$0x870] =	vst.add.f32.msk $0xffff, v3  }
0x136: {  	[tilespmem:s0+$0x870] =	vst.add.f32.msk $0xffff, v2  }
0x137: {  	[tilespmem:s19+$0x870] =	vst.add.f32.msk $0xffff, v3  }
0x138: {  	[tilespmem:s4+$0x870] =	vst.add.f32.msk $0xffff, v2  }
0x139: {  	[tilespmem:s20+$0x870] =	vst.add.f32.msk $0xffff, v3  }
0x13a: {  	v2 =	vld [tilespmem:s2+$0xC80]  }
0x13b: {  	v3 =	vld [tilespmem:s17+$0xC80];
	_ =	sdelay $0x3  }
0x13c: {  	[tilespmem:s30+$0xC00] =	vst.add.f32.msk $0xffff, v2  }
0x13d: {  	[tilespmem:s16+$0xC00] =	vst.add.f32.msk $0xffff, v3  }
0x13e: {  	[tilespmem:s31+$0xC00] =	vst.add.f32.msk $0xffff, v2  }
0x13f: {  	[tilespmem:s18+$0xC00] =	vst.add.f32.msk $0xffff, v3  }
0x140: {  	[tilespmem:s0+$0xC00] =	vst.add.f32.msk $0xffff, v2  }
0x141: {  	[tilespmem:s19+$0xC00] =	vst.add.f32.msk $0xffff, v3  }
0x142: {  	[tilespmem:s4+$0xC00] =	vst.add.f32.msk $0xffff, v2  }
0x143: {  	[tilespmem:s20+$0xC00] =	vst.add.f32.msk $0xffff, v3  }
0x144: {  	v2 =	vld [tilespmem:s2+$0xC90]  }
0x145: {  	v3 =	vld [tilespmem:s17+$0xC90];
	_ =	sdelay $0x3  }
0x146: {  	[tilespmem:s30+$0xC10] =	vst.add.f32.msk $0xffff, v2  }
0x147: {  	[tilespmem:s16+$0xC10] =	vst.add.f32.msk $0xffff, v3  }
0x148: {  	[tilespmem:s31+$0xC10] =	vst.add.f32.msk $0xffff, v2  }
0x149: {  	[tilespmem:s18+$0xC10] =	vst.add.f32.msk $0xffff, v3  }
0x14a: {  	[tilespmem:s0+$0xC10] =	vst.add.f32.msk $0xffff, v2  }
0x14b: {  	[tilespmem:s19+$0xC10] =	vst.add.f32.msk $0xffff, v3  }
0x14c: {  	[tilespmem:s4+$0xC10] =	vst.add.f32.msk $0xffff, v2  }
0x14d: {  	[tilespmem:s20+$0xC10] =	vst.add.f32.msk $0xffff, v3  }
0x14e: {  	v2 =	vld [tilespmem:s2+$0xCA0]  }
0x14f: {  	v3 =	vld [tilespmem:s17+$0xCA0];
	_ =	sdelay $0x3  }
0x150: {  	[tilespmem:s30+$0xC20] =	vst.add.f32.msk $0xffff, v2  }
0x151: {  	[tilespmem:s16+$0xC20] =	vst.add.f32.msk $0xffff, v3  }
0x152: {  	[tilespmem:s31+$0xC20] =	vst.add.f32.msk $0xffff, v2  }
0x153: {  	[tilespmem:s18+$0xC20] =	vst.add.f32.msk $0xffff, v3  }
0x154: {  	[tilespmem:s0+$0xC20] =	vst.add.f32.msk $0xffff, v2  }
0x155: {  	[tilespmem:s19+$0xC20] =	vst.add.f32.msk $0xffff, v3  }
0x156: {  	[tilespmem:s4+$0xC20] =	vst.add.f32.msk $0xffff, v2  }
0x157: {  	[tilespmem:s20+$0xC20] =	vst.add.f32.msk $0xffff, v3  }
0x158: {  	v2 =	vld [tilespmem:s2+$0xCB0]  }
0x159: {  	v3 =	vld [tilespmem:s17+$0xCB0];
	_ =	sdelay $0x3  }
0x15a: {  	[tilespmem:s30+$0xC30] =	vst.add.f32.msk $0xffff, v2  }
0x15b: {  	[tilespmem:s16+$0xC30] =	vst.add.f32.msk $0xffff, v3  }
0x15c: {  	[tilespmem:s31+$0xC30] =	vst.add.f32.msk $0xffff, v2  }
0x15d: {  	[tilespmem:s18+$0xC30] =	vst.add.f32.msk $0xffff, v3  }
0x15e: {  	[tilespmem:s0+$0xC30] =	vst.add.f32.msk $0xffff, v2  }
0x15f: {  	[tilespmem:s19+$0xC30] =	vst.add.f32.msk $0xffff, v3  }
0x160: {  	[tilespmem:s4+$0xC30] =	vst.add.f32.msk $0xffff, v2  }
0x161: {  	[tilespmem:s20+$0xC30] =	vst.add.f32.msk $0xffff, v3  }
0x162: {  	v2 =	vld [tilespmem:s2+$0xCC0]  }
0x163: {  	v3 =	vld [tilespmem:s17+$0xCC0];
	_ =	sdelay $0x3  }
0x164: {  	[tilespmem:s30+$0xC40] =	vst.add.f32.msk $0xffff, v2  }
0x165: {  	[tilespmem:s16+$0xC40] =	vst.add.f32.msk $0xffff, v3  }
0x166: {  	[tilespmem:s31+$0xC40] =	vst.add.f32.msk $0xffff, v2  }
0x167: {  	[tilespmem:s18+$0xC40] =	vst.add.f32.msk $0xffff, v3  }
0x168: {  	[tilespmem:s0+$0xC40] =	vst.add.f32.msk $0xffff, v2  }
0x169: {  	[tilespmem:s19+$0xC40] =	vst.add.f32.msk $0xffff, v3  }
0x16a: {  	[tilespmem:s4+$0xC40] =	vst.add.f32.msk $0xffff, v2  }
0x16b: {  	[tilespmem:s20+$0xC40] =	vst.add.f32.msk $0xffff, v3  }
0x16c: {  	v2 =	vld [tilespmem:s2+$0xCD0]  }
0x16d: {  	v3 =	vld [tilespmem:s17+$0xCD0];
	_ =	sdelay $0x3  }
0x16e: {  	[tilespmem:s30+$0xC50] =	vst.add.f32.msk $0xffff, v2  }
0x16f: {  	[tilespmem:s16+$0xC50] =	vst.add.f32.msk $0xffff, v3  }
0x170: {  	[tilespmem:s31+$0xC50] =	vst.add.f32.msk $0xffff, v2  }
0x171: {  	[tilespmem:s18+$0xC50] =	vst.add.f32.msk $0xffff, v3  }
0x172: {  	[tilespmem:s0+$0xC50] =	vst.add.f32.msk $0xffff, v2  }
0x173: {  	[tilespmem:s19+$0xC50] =	vst.add.f32.msk $0xffff, v3  }
0x174: {  	[tilespmem:s4+$0xC50] =	vst.add.f32.msk $0xffff, v2  }
0x175: {  	[tilespmem:s20+$0xC50] =	vst.add.f32.msk $0xffff, v3  }
0x176: {  	v2 =	vld [tilespmem:s2+$0xCE0]  }
0x177: {  	v3 =	vld [tilespmem:s17+$0xCE0];
	_ =	sdelay $0x3  }
0x178: {  	[tilespmem:s30+$0xC60] =	vst.add.f32.msk $0xffff, v2  }
0x179: {  	[tilespmem:s16+$0xC60] =	vst.add.f32.msk $0xffff, v3  }
0x17a: {  	[tilespmem:s31+$0xC60] =	vst.add.f32.msk $0xffff, v2  }
0x17b: {  	[tilespmem:s18+$0xC60] =	vst.add.f32.msk $0xffff, v3  }
0x17c: {  	[tilespmem:s0+$0xC60] =	vst.add.f32.msk $0xffff, v2  }
0x17d: {  	[tilespmem:s19+$0xC60] =	vst.add.f32.msk $0xffff, v3  }
0x17e: {  	[tilespmem:s4+$0xC60] =	vst.add.f32.msk $0xffff, v2  }
0x17f: {  	[tilespmem:s20+$0xC60] =	vst.add.f32.msk $0xffff, v3  }
0x180: {  	v2 =	vld [tilespmem:s2+$0xCF0]  }
0x181: {  	v3 =	vld [tilespmem:s17+$0xCF0];
	_ =	sdelay $0x3  }
0x182: {  	[tilespmem:s30+$0xC70] =	vst.add.f32.msk $0xffff, v2  }
0x183: {  	[tilespmem:s16+$0xC70] =	vst.add.f32.msk $0xffff, v3  }
0x184: {  	[tilespmem:s31+$0xC70] =	vst.add.f32.msk $0xffff, v2  }
0x185: {  	[tilespmem:s18+$0xC70] =	vst.add.f32.msk $0xffff, v3  }
0x186: {  	[tilespmem:s0+$0xC70] =	vst.add.f32.msk $0xffff, v2  }
0x187: {  	[tilespmem:s19+$0xC70] =	vst.add.f32.msk $0xffff, v3  }
0x188: {  	[tilespmem:s4+$0xC70] =	vst.add.f32.msk $0xffff, v2  }
0x189: {  	[tilespmem:s20+$0xC70] =	vst.add.f32.msk $0xffff, v3  }
0x18a: {  	v2 =	vld [tilespmem:s2+$0x1080]  }
0x18b: {  	v3 =	vld [tilespmem:s17+$0x1080];
	_ =	sdelay $0x3  }
0x18c: {  	[tilespmem:s30+$0x1000] =	vst.add.f32.msk $0xffff, v2  }
0x18d: {  	[tilespmem:s16+$0x1000] =	vst.add.f32.msk $0xffff, v3  }
0x18e: {  	[tilespmem:s31+$0x1000] =	vst.add.f32.msk $0xffff, v2  }
0x18f: {  	[tilespmem:s18+$0x1000] =	vst.add.f32.msk $0xffff, v3  }
0x190: {  	[tilespmem:s0+$0x1000] =	vst.add.f32.msk $0xffff, v2  }
0x191: {  	[tilespmem:s19+$0x1000] =	vst.add.f32.msk $0xffff, v3  }
0x192: {  	[tilespmem:s4+$0x1000] =	vst.add.f32.msk $0xffff, v2  }
0x193: {  	[tilespmem:s20+$0x1000] =	vst.add.f32.msk $0xffff, v3  }
0x194: {  	v2 =	vld [tilespmem:s2+$0x1090]  }
0x195: {  	v3 =	vld [tilespmem:s17+$0x1090];
	_ =	sdelay $0x3  }
0x196: {  	[tilespmem:s30+$0x1010] =	vst.add.f32.msk $0xffff, v2  }
0x197: {  	[tilespmem:s16+$0x1010] =	vst.add.f32.msk $0xffff, v3  }
0x198: {  	[tilespmem:s31+$0x1010] =	vst.add.f32.msk $0xffff, v2  }
0x199: {  	[tilespmem:s18+$0x1010] =	vst.add.f32.msk $0xffff, v3  }
0x19a: {  	[tilespmem:s0+$0x1010] =	vst.add.f32.msk $0xffff, v2  }
0x19b: {  	[tilespmem:s19+$0x1010] =	vst.add.f32.msk $0xffff, v3  }
0x19c: {  	[tilespmem:s4+$0x1010] =	vst.add.f32.msk $0xffff, v2  }
0x19d: {  	[tilespmem:s20+$0x1010] =	vst.add.f32.msk $0xffff, v3  }
0x19e: {  	v2 =	vld [tilespmem:s2+$0x10A0]  }
0x19f: {  	v3 =	vld [tilespmem:s17+$0x10A0];
	_ =	sdelay $0x3  }
0x1a0: {  	[tilespmem:s30+$0x1020] =	vst.add.f32.msk $0xffff, v2  }
0x1a1: {  	[tilespmem:s16+$0x1020] =	vst.add.f32.msk $0xffff, v3  }
0x1a2: {  	[tilespmem:s31+$0x1020] =	vst.add.f32.msk $0xffff, v2  }
0x1a3: {  	[tilespmem:s18+$0x1020] =	vst.add.f32.msk $0xffff, v3  }
0x1a4: {  	[tilespmem:s0+$0x1020] =	vst.add.f32.msk $0xffff, v2  }
0x1a5: {  	[tilespmem:s19+$0x1020] =	vst.add.f32.msk $0xffff, v3  }
0x1a6: {  	[tilespmem:s4+$0x1020] =	vst.add.f32.msk $0xffff, v2  }
0x1a7: {  	[tilespmem:s20+$0x1020] =	vst.add.f32.msk $0xffff, v3  }
0x1a8: {  	v2 =	vld [tilespmem:s2+$0x10B0]  }
0x1a9: {  	v3 =	vld [tilespmem:s17+$0x10B0];
	_ =	sdelay $0x3  }
0x1aa: {  	[tilespmem:s30+$0x1030] =	vst.add.f32.msk $0xffff, v2  }
0x1ab: {  	[tilespmem:s16+$0x1030] =	vst.add.f32.msk $0xffff, v3  }
0x1ac: {  	[tilespmem:s31+$0x1030] =	vst.add.f32.msk $0xffff, v2  }
0x1ad: {  	[tilespmem:s18+$0x1030] =	vst.add.f32.msk $0xffff, v3  }
0x1ae: {  	[tilespmem:s0+$0x1030] =	vst.add.f32.msk $0xffff, v2  }
0x1af: {  	[tilespmem:s19+$0x1030] =	vst.add.f32.msk $0xffff, v3  }
0x1b0: {  	[tilespmem:s4+$0x1030] =	vst.add.f32.msk $0xffff, v2  }
0x1b1: {  	[tilespmem:s20+$0x1030] =	vst.add.f32.msk $0xffff, v3  }
0x1b2: {  	v2 =	vld [tilespmem:s2+$0x10C0]  }
0x1b3: {  	v3 =	vld [tilespmem:s17+$0x10C0];
	_ =	sdelay $0x3  }
0x1b4: {  	[tilespmem:s30+$0x1040] =	vst.add.f32.msk $0xffff, v2  }
0x1b5: {  	[tilespmem:s16+$0x1040] =	vst.add.f32.msk $0xffff, v3  }
0x1b6: {  	[tilespmem:s31+$0x1040] =	vst.add.f32.msk $0xffff, v2  }
0x1b7: {  	[tilespmem:s18+$0x1040] =	vst.add.f32.msk $0xffff, v3  }
0x1b8: {  	[tilespmem:s0+$0x1040] =	vst.add.f32.msk $0xffff, v2  }
0x1b9: {  	[tilespmem:s19+$0x1040] =	vst.add.f32.msk $0xffff, v3  }
0x1ba: {  	[tilespmem:s4+$0x1040] =	vst.add.f32.msk $0xffff, v2  }
0x1bb: {  	[tilespmem:s20+$0x1040] =	vst.add.f32.msk $0xffff, v3  }
0x1bc: {  	v2 =	vld [tilespmem:s2+$0x10D0]  }
0x1bd: {  	v3 =	vld [tilespmem:s17+$0x10D0];
	_ =	sdelay $0x3  }
0x1be: {  	[tilespmem:s30+$0x1050] =	vst.add.f32.msk $0xffff, v2  }
0x1bf: {  	[tilespmem:s16+$0x1050] =	vst.add.f32.msk $0xffff, v3  }
0x1c0: {  	[tilespmem:s31+$0x1050] =	vst.add.f32.msk $0xffff, v2  }
0x1c1: {  	[tilespmem:s18+$0x1050] =	vst.add.f32.msk $0xffff, v3  }
0x1c2: {  	[tilespmem:s0+$0x1050] =	vst.add.f32.msk $0xffff, v2  }
0x1c3: {  	[tilespmem:s19+$0x1050] =	vst.add.f32.msk $0xffff, v3  }
0x1c4: {  	[tilespmem:s4+$0x1050] =	vst.add.f32.msk $0xffff, v2  }
0x1c5: {  	[tilespmem:s20+$0x1050] =	vst.add.f32.msk $0xffff, v3  }
0x1c6: {  	v2 =	vld [tilespmem:s2+$0x10E0]  }
0x1c7: {  	v3 =	vld [tilespmem:s17+$0x10E0];
	_ =	sdelay $0x3  }
0x1c8: {  	[tilespmem:s30+$0x1060] =	vst.add.f32.msk $0xffff, v2  }
0x1c9: {  	[tilespmem:s16+$0x1060] =	vst.add.f32.msk $0xffff, v3  }
0x1ca: {  	[tilespmem:s31+$0x1060] =	vst.add.f32.msk $0xffff, v2  }
0x1cb: {  	[tilespmem:s18+$0x1060] =	vst.add.f32.msk $0xffff, v3  }
0x1cc: {  	[tilespmem:s0+$0x1060] =	vst.add.f32.msk $0xffff, v2  }
0x1cd: {  	[tilespmem:s19+$0x1060] =	vst.add.f32.msk $0xffff, v3  }
0x1ce: {  	[tilespmem:s4+$0x1060] =	vst.add.f32.msk $0xffff, v2  }
0x1cf: {  	[tilespmem:s20+$0x1060] =	vst.add.f32.msk $0xffff, v3  }
0x1d0: {  	v2 =	vld [tilespmem:s2+$0x10F0]  }
0x1d1: {  	v3 =	vld [tilespmem:s17+$0x10F0];
	_ =	sdelay $0x3  }
0x1d2: {  	[tilespmem:s30+$0x1070] =	vst.add.f32.msk $0xffff, v2  }
0x1d3: {  	[tilespmem:s16+$0x1070] =	vst.add.f32.msk $0xffff, v3  }
0x1d4: {  	[tilespmem:s31+$0x1070] =	vst.add.f32.msk $0xffff, v2  }
0x1d5: {  	[tilespmem:s18+$0x1070] =	vst.add.f32.msk $0xffff, v3  }
0x1d6: {  	[tilespmem:s0+$0x1070] =	vst.add.f32.msk $0xffff, v2  }
0x1d7: {  	[tilespmem:s19+$0x1070] =	vst.add.f32.msk $0xffff, v3  }
0x1d8: {  	[tilespmem:s4+$0x1070] =	vst.add.f32.msk $0xffff, v2  }
0x1d9: {  	[tilespmem:s20+$0x1070] =	vst.add.f32.msk $0xffff, v3  }
0x1da: {  	v2 =	vld [tilespmem:s2+$0x1480]  }
0x1db: {  	v3 =	vld [tilespmem:s17+$0x1480];
	_ =	sdelay $0x3  }
0x1dc: {  	[tilespmem:s30+$0x1400] =	vst.add.f32.msk $0xffff, v2  }
0x1dd: {  	[tilespmem:s16+$0x1400] =	vst.add.f32.msk $0xffff, v3  }
0x1de: {  	[tilespmem:s31+$0x1400] =	vst.add.f32.msk $0xffff, v2  }
0x1df: {  	[tilespmem:s18+$0x1400] =	vst.add.f32.msk $0xffff, v3  }
0x1e0: {  	[tilespmem:s0+$0x1400] =	vst.add.f32.msk $0xffff, v2  }
0x1e1: {  	[tilespmem:s19+$0x1400] =	vst.add.f32.msk $0xffff, v3  }
0x1e2: {  	[tilespmem:s4+$0x1400] =	vst.add.f32.msk $0xffff, v2  }
0x1e3: {  	[tilespmem:s20+$0x1400] =	vst.add.f32.msk $0xffff, v3  }
0x1e4: {  	v2 =	vld [tilespmem:s2+$0x1490]  }
0x1e5: {  	v3 =	vld [tilespmem:s17+$0x1490];
	_ =	sdelay $0x3  }
0x1e6: {  	[tilespmem:s30+$0x1410] =	vst.add.f32.msk $0xffff, v2  }
0x1e7: {  	[tilespmem:s16+$0x1410] =	vst.add.f32.msk $0xffff, v3  }
0x1e8: {  	[tilespmem:s31+$0x1410] =	vst.add.f32.msk $0xffff, v2  }
0x1e9: {  	[tilespmem:s0+$0x1410] =	vst.add.f32.msk $0xffff, v2  }
0x1ea: {  	[tilespmem:s4+$0x1410] =	vst.add.f32.msk $0xffff, v2  }
0x1eb: {  	v2 =	vld [tilespmem:s2+$0x14A0]  }
0x1ec: {  	[tilespmem:s18+$0x1410] =	vst.add.f32.msk $0xffff, v3  }
0x1ed: {  	[tilespmem:s19+$0x1410] =	vst.add.f32.msk $0xffff, v3  }
0x1ee: {  	[tilespmem:s20+$0x1410] =	vst.add.f32.msk $0xffff, v3  }
0x1ef: {  	v3 =	vld [tilespmem:s17+$0x14A0]  }
0x1f0: {  	[tilespmem:s30+$0x1420] =	vst.add.f32.msk $0xffff, v2  }
0x1f1: {  	[tilespmem:s31+$0x1420] =	vst.add.f32.msk $0xffff, v2  }
0x1f2: {  	[tilespmem:s0+$0x1420] =	vst.add.f32.msk $0xffff, v2  }
0x1f3: {  	[tilespmem:s4+$0x1420] =	vst.add.f32.msk $0xffff, v2  }
0x1f4: {  	v2 =	vld [tilespmem:s2+$0x14B0];
	_ =	sdelay $0x3  }
0x1f5: {  	[tilespmem:s16+$0x1420] =	vst.add.f32.msk $0xffff, v3  }
0x1f6: {  	[tilespmem:s30+$0x1430] =	vst.add.f32.msk $0xffff, v2  }
0x1f7: {  	[tilespmem:s31+$0x1430] =	vst.add.f32.msk $0xffff, v2  }
0x1f8: {  	[tilespmem:s0+$0x1430] =	vst.add.f32.msk $0xffff, v2  }
0x1f9: {  	[tilespmem:s4+$0x1430] =	vst.add.f32.msk $0xffff, v2  }
0x1fa: {  	v2 =	vld [tilespmem:s2+$0x14C0]  }
0x1fb: {  	[tilespmem:s18+$0x1420] =	vst.add.f32.msk $0xffff, v3  }
0x1fc: {  	[tilespmem:s19+$0x1420] =	vst.add.f32.msk $0xffff, v3  }
0x1fd: {  	[tilespmem:s20+$0x1420] =	vst.add.f32.msk $0xffff, v3  }
0x1fe: {  	v3 =	vld [tilespmem:s17+$0x14B0]  }
0x1ff: {  	[tilespmem:s30+$0x1440] =	vst.add.f32.msk $0xffff, v2  }
0x200: {  	[tilespmem:s31+$0x1440] =	vst.add.f32.msk $0xffff, v2  }
0x201: {  	[tilespmem:s0+$0x1440] =	vst.add.f32.msk $0xffff, v2  }
0x202: {  	[tilespmem:s4+$0x1440] =	vst.add.f32.msk $0xffff, v2  }
0x203: {  	v2 =	vld [tilespmem:s2+$0x14D0];
	_ =	sdelay $0x3  }
0x204: {  	[tilespmem:s16+$0x1430] =	vst.add.f32.msk $0xffff, v3  }
0x205: {  	[tilespmem:s30+$0x1450] =	vst.add.f32.msk $0xffff, v2  }
0x206: {  	[tilespmem:s31+$0x1450] =	vst.add.f32.msk $0xffff, v2  }
0x207: {  	[tilespmem:s0+$0x1450] =	vst.add.f32.msk $0xffff, v2  }
0x208: {  	[tilespmem:s4+$0x1450] =	vst.add.f32.msk $0xffff, v2  }
0x209: {  	v2 =	vld [tilespmem:s2+$0x14E0]  }
0x20a: {  	[tilespmem:s18+$0x1430] =	vst.add.f32.msk $0xffff, v3  }
0x20b: {  	[tilespmem:s19+$0x1430] =	vst.add.f32.msk $0xffff, v3  }
0x20c: {  	[tilespmem:s20+$0x1430] =	vst.add.f32.msk $0xffff, v3  }
0x20d: {  	v3 =	vld [tilespmem:s17+$0x14C0]  }
0x20e: {  	[tilespmem:s30+$0x1460] =	vst.add.f32.msk $0xffff, v2  }
0x20f: {  	[tilespmem:s31+$0x1460] =	vst.add.f32.msk $0xffff, v2  }
0x210: {  	[tilespmem:s0+$0x1460] =	vst.add.f32.msk $0xffff, v2  }
0x211: {  	[tilespmem:s4+$0x1460] =	vst.add.f32.msk $0xffff, v2  }
0x212: {  	v2 =	vld [tilespmem:s2+$0x14F0];
	_ =	sdelay $0x2  }
0x213: {  	[tilespmem:s16+$0x1440] =	vst.add.f32.msk $0xffff, v3  }
0x214: {  	[tilespmem:s18+$0x1440] =	vst.add.f32.msk $0xffff, v3  }
0x215: {  	[tilespmem:s30+$0x1470] =	vst.add.f32.msk $0xffff, v2  }
0x216: {  	s25 =	simm.s32 $0x0;
	[tilespmem:s31+$0x1470] =	vst.add.f32.msk $0xffff, v2  }
0x217: {  	s24 =	sor.u32 s25, s1;
	[tilespmem:s0+$0x1470] =	vst.add.f32.msk $0xffff, v2  }
0x218: {  	s1 =	sor.u32 $0x1800, s24;
	[tilespmem:s4+$0x1470] =	vst.add.f32.msk $0xffff, v2  }
0x219: {  	v2 =	vld [tilespmem:s1+$0x80]  }
0x21a: {  	[tilespmem:s19+$0x1440] =	vst.add.f32.msk $0xffff, v3  }
0x21b: {  	[tilespmem:s20+$0x1440] =	vst.add.f32.msk $0xffff, v3  }
0x21c: {  	s25 =	sor.u32 s6, s3;
	v3 =	vld [tilespmem:s17+$0x14D0];
	s1 =	simm.s32 $0x2  }
.LBB2_3:
0x21d: {  	s2 =	sor.u32 s21, s1  }
0x21e: {  	p0 =	slt.u32 s1, $0x6;
	[tilespmem:s30+$0x1800] =	vst.add.f32.msk $0xffff, v2;
	s14 =	smov.u32 s1;
	s1 =	sadd.s32 $0x2, s1  }
0x21f: {  	s3 =	sshll.u32 s2, $0xA;
	[tilespmem:s31+$0x1800] =	vst.add.f32.msk $0xffff, v2  }
0x220: {  	s5 =	sshll.u32 s14, $0x7;
	s2 =	sand.u32 $0x2000, s3;
	[tilespmem:s0+$0x1800] =	vst.add.f32.msk $0xffff, v2  }
0x221: {  	s12 =	sor.u32 s5, s3;
	s2 =	sadd.s32 s5, s2;
	[tilespmem:s4+$0x1800] =	vst.add.f32.msk $0xffff, v2  }
0x222: {  	v2 =	vld [tilespmem:s2+$0x80]  }
0x223: {  	[tilespmem:s16+$0x1450] =	vst.add.f32.msk $0xffff, v3  }
0x224: {  	[tilespmem:s18+$0x1450] =	vst.add.f32.msk $0xffff, v3  }
0x225: {  	[tilespmem:s19+$0x1450] =	vst.add.f32.msk $0xffff, v3  }
0x226: {  	s6 =	sadd.s32 s5, s29;
	[tilespmem:s20+$0x1450] =	vst.add.f32.msk $0xffff, v3  }
0x227: {  	s10 =	sadd.s32 s5, s8;
	[tilespmem:s6+$0x0] =	vst.add.f32.msk $0xffff, v2  }
0x228: {  	s11 =	sadd.s32 s5, s9;
	[tilespmem:s10+$0x0] =	vst.add.f32.msk $0xffff, v2  }
0x229: {  	s3 =	sadd.s32 s5, s13;
	[tilespmem:s11+$0x0] =	vst.add.f32.msk $0xffff, v2  }
0x22a: {  	[tilespmem:s3+$0x0] =	vst.add.f32.msk $0xffff, v2  }
0x22b: {  	v2 =	vld [tilespmem:s2+$0x90]  }
0x22c: {  	s5 =	sor.u32 $0x1810, s24;
	v3 =	vld [tilespmem:s17+$0x14E0]  }
0x22d: {  	v4 =	vld [tilespmem:s5+$0x80];
	_ =	sdelay $0x2  }
0x22e: {  	[tilespmem:s6+$0x10] =	vst.add.f32.msk $0xffff, v2  }
0x22f: {  	[tilespmem:s10+$0x10] =	vst.add.f32.msk $0xffff, v2  }
0x230: {  	[tilespmem:s11+$0x10] =	vst.add.f32.msk $0xffff, v2  }
0x231: {  	[tilespmem:s3+$0x10] =	vst.add.f32.msk $0xffff, v2  }
0x232: {  	v2 =	vld [tilespmem:s2+$0xA0]  }
0x233: {  	[tilespmem:s16+$0x1460] =	vst.add.f32.msk $0xffff, v3  }
0x234: {  	[tilespmem:s18+$0x1460] =	vst.add.f32.msk $0xffff, v3  }
0x235: {  	[tilespmem:s19+$0x1460] =	vst.add.f32.msk $0xffff, v3  }
0x236: {  	[tilespmem:s20+$0x1460] =	vst.add.f32.msk $0xffff, v3  }
0x237: {  	[tilespmem:s6+$0x20] =	vst.add.f32.msk $0xffff, v2  }
0x238: {  	[tilespmem:s10+$0x20] =	vst.add.f32.msk $0xffff, v2  }
0x239: {  	[tilespmem:s11+$0x20] =	vst.add.f32.msk $0xffff, v2  }
0x23a: {  	[tilespmem:s3+$0x20] =	vst.add.f32.msk $0xffff, v2  }
0x23b: {  	v2 =	vld [tilespmem:s2+$0xB0]  }
0x23c: {  	v3 =	vld [tilespmem:s17+$0x14F0]  }
0x23d: {  	[tilespmem:s30+$0x1810] =	vst.add.f32.msk $0xffff, v4  }
0x23e: {  	[tilespmem:s31+$0x1810] =	vst.add.f32.msk $0xffff, v4  }
0x23f: {  	[tilespmem:s0+$0x1810] =	vst.add.f32.msk $0xffff, v4  }
0x240: {  	[tilespmem:s6+$0x30] =	vst.add.f32.msk $0xffff, v2  }
0x241: {  	[tilespmem:s10+$0x30] =	vst.add.f32.msk $0xffff, v2  }
0x242: {  	[tilespmem:s11+$0x30] =	vst.add.f32.msk $0xffff, v2  }
0x243: {  	[tilespmem:s3+$0x30] =	vst.add.f32.msk $0xffff, v2  }
0x244: {  	v2 =	vld [tilespmem:s2+$0xC0]  }
0x245: {  	[tilespmem:s16+$0x1470] =	vst.add.f32.msk $0xffff, v3  }
0x246: {  	[tilespmem:s18+$0x1470] =	vst.add.f32.msk $0xffff, v3  }
0x247: {  	[tilespmem:s19+$0x1470] =	vst.add.f32.msk $0xffff, v3  }
0x248: {  	[tilespmem:s20+$0x1470] =	vst.add.f32.msk $0xffff, v3  }
0x249: {  	[tilespmem:s6+$0x40] =	vst.add.f32.msk $0xffff, v2  }
0x24a: {  	[tilespmem:s10+$0x40] =	vst.add.f32.msk $0xffff, v2  }
0x24b: {  	[tilespmem:s11+$0x40] =	vst.add.f32.msk $0xffff, v2  }
0x24c: {  	[tilespmem:s3+$0x40] =	vst.add.f32.msk $0xffff, v2  }
0x24d: {  	v2 =	vld [tilespmem:s2+$0xD0]  }
0x24e: {  	v3 =	vld [tilespmem:s17+$0x1880]  }
0x24f: {  	s5 =	sor.u32 $0x1820, s24;
	[tilespmem:s4+$0x1810] =	vst.add.f32.msk $0xffff, v4  }
0x250: {  	v4 =	vld [tilespmem:s5+$0x80];
	_ =	sdelay $0x1  }
0x251: {  	[tilespmem:s6+$0x50] =	vst.add.f32.msk $0xffff, v2  }
0x252: {  	[tilespmem:s10+$0x50] =	vst.add.f32.msk $0xffff, v2  }
0x253: {  	[tilespmem:s11+$0x50] =	vst.add.f32.msk $0xffff, v2  }
0x254: {  	[tilespmem:s3+$0x50] =	vst.add.f32.msk $0xffff, v2  }
0x255: {  	v2 =	vld [tilespmem:s2+$0xE0]  }
0x256: {  	[tilespmem:s16+$0x1800] =	vst.add.f32.msk $0xffff, v3  }
0x257: {  	[tilespmem:s18+$0x1800] =	vst.add.f32.msk $0xffff, v3  }
0x258: {  	[tilespmem:s19+$0x1800] =	vst.add.f32.msk $0xffff, v3  }
0x259: {  	[tilespmem:s20+$0x1800] =	vst.add.f32.msk $0xffff, v3  }
0x25a: {  	[tilespmem:s6+$0x60] =	vst.add.f32.msk $0xffff, v2  }
0x25b: {  	[tilespmem:s10+$0x60] =	vst.add.f32.msk $0xffff, v2  }
0x25c: {  	[tilespmem:s11+$0x60] =	vst.add.f32.msk $0xffff, v2  }
0x25d: {  	[tilespmem:s3+$0x60] =	vst.add.f32.msk $0xffff, v2  }
0x25e: {  	v2 =	vld [tilespmem:s2+$0xF0]  }
0x25f: {  	v3 =	vld [tilespmem:s17+$0x1890]  }
0x260: {  	[tilespmem:s30+$0x1820] =	vst.add.f32.msk $0xffff, v4  }
0x261: {  	[tilespmem:s31+$0x1820] =	vst.add.f32.msk $0xffff, v4  }
0x262: {  	[tilespmem:s0+$0x1820] =	vst.add.f32.msk $0xffff, v4  }
0x263: {  	[tilespmem:s6+$0x70] =	vst.add.f32.msk $0xffff, v2  }
0x264: {  	[tilespmem:s10+$0x70] =	vst.add.f32.msk $0xffff, v2  }
0x265: {  	[tilespmem:s11+$0x70] =	vst.add.f32.msk $0xffff, v2  }
0x266: {  	[tilespmem:s3+$0x70] =	vst.add.f32.msk $0xffff, v2  }
0x267: {  	v2 =	vld [tilespmem:s2+$0x480]  }
0x268: {  	[tilespmem:s16+$0x1810] =	vst.add.f32.msk $0xffff, v3  }
0x269: {  	[tilespmem:s18+$0x1810] =	vst.add.f32.msk $0xffff, v3  }
0x26a: {  	[tilespmem:s19+$0x1810] =	vst.add.f32.msk $0xffff, v3  }
0x26b: {  	[tilespmem:s20+$0x1810] =	vst.add.f32.msk $0xffff, v3  }
0x26c: {  	[tilespmem:s6+$0x400] =	vst.add.f32.msk $0xffff, v2  }
0x26d: {  	[tilespmem:s10+$0x400] =	vst.add.f32.msk $0xffff, v2  }
0x26e: {  	[tilespmem:s11+$0x400] =	vst.add.f32.msk $0xffff, v2  }
0x26f: {  	[tilespmem:s3+$0x400] =	vst.add.f32.msk $0xffff, v2  }
0x270: {  	v2 =	vld [tilespmem:s2+$0x490]  }
0x271: {  	v3 =	vld [tilespmem:s17+$0x18A0]  }
0x272: {  	s5 =	sor.u32 $0x1830, s24;
	[tilespmem:s4+$0x1820] =	vst.add.f32.msk $0xffff, v4  }
0x273: {  	v4 =	vld [tilespmem:s5+$0x80];
	_ =	sdelay $0x1  }
0x274: {  	[tilespmem:s6+$0x410] =	vst.add.f32.msk $0xffff, v2  }
0x275: {  	[tilespmem:s10+$0x410] =	vst.add.f32.msk $0xffff, v2  }
0x276: {  	[tilespmem:s11+$0x410] =	vst.add.f32.msk $0xffff, v2  }
0x277: {  	[tilespmem:s3+$0x410] =	vst.add.f32.msk $0xffff, v2  }
0x278: {  	v2 =	vld [tilespmem:s2+$0x4A0]  }
0x279: {  	[tilespmem:s16+$0x1820] =	vst.add.f32.msk $0xffff, v3  }
0x27a: {  	[tilespmem:s18+$0x1820] =	vst.add.f32.msk $0xffff, v3  }
0x27b: {  	[tilespmem:s19+$0x1820] =	vst.add.f32.msk $0xffff, v3  }
0x27c: {  	[tilespmem:s20+$0x1820] =	vst.add.f32.msk $0xffff, v3  }
0x27d: {  	[tilespmem:s6+$0x420] =	vst.add.f32.msk $0xffff, v2  }
0x27e: {  	[tilespmem:s10+$0x420] =	vst.add.f32.msk $0xffff, v2  }
0x27f: {  	[tilespmem:s11+$0x420] =	vst.add.f32.msk $0xffff, v2  }
0x280: {  	[tilespmem:s3+$0x420] =	vst.add.f32.msk $0xffff, v2  }
0x281: {  	v2 =	vld [tilespmem:s2+$0x4B0]  }
0x282: {  	v3 =	vld [tilespmem:s17+$0x18B0]  }
0x283: {  	[tilespmem:s30+$0x1830] =	vst.add.f32.msk $0xffff, v4  }
0x284: {  	[tilespmem:s31+$0x1830] =	vst.add.f32.msk $0xffff, v4  }
0x285: {  	[tilespmem:s0+$0x1830] =	vst.add.f32.msk $0xffff, v4  }
0x286: {  	[tilespmem:s6+$0x430] =	vst.add.f32.msk $0xffff, v2  }
0x287: {  	[tilespmem:s10+$0x430] =	vst.add.f32.msk $0xffff, v2  }
0x288: {  	[tilespmem:s11+$0x430] =	vst.add.f32.msk $0xffff, v2  }
0x289: {  	[tilespmem:s3+$0x430] =	vst.add.f32.msk $0xffff, v2  }
0x28a: {  	v2 =	vld [tilespmem:s2+$0x4C0]  }
0x28b: {  	[tilespmem:s16+$0x1830] =	vst.add.f32.msk $0xffff, v3  }
0x28c: {  	[tilespmem:s18+$0x1830] =	vst.add.f32.msk $0xffff, v3  }
0x28d: {  	[tilespmem:s19+$0x1830] =	vst.add.f32.msk $0xffff, v3  }
0x28e: {  	[tilespmem:s20+$0x1830] =	vst.add.f32.msk $0xffff, v3  }
0x28f: {  	[tilespmem:s6+$0x440] =	vst.add.f32.msk $0xffff, v2  }
0x290: {  	[tilespmem:s10+$0x440] =	vst.add.f32.msk $0xffff, v2  }
0x291: {  	[tilespmem:s11+$0x440] =	vst.add.f32.msk $0xffff, v2  }
0x292: {  	[tilespmem:s3+$0x440] =	vst.add.f32.msk $0xffff, v2  }
0x293: {  	v2 =	vld [tilespmem:s2+$0x4D0]  }
0x294: {  	v3 =	vld [tilespmem:s17+$0x18C0]  }
0x295: {  	s5 =	sor.u32 $0x1840, s24;
	[tilespmem:s4+$0x1830] =	vst.add.f32.msk $0xffff, v4  }
0x296: {  	v4 =	vld [tilespmem:s5+$0x80];
	_ =	sdelay $0x1  }
0x297: {  	[tilespmem:s6+$0x450] =	vst.add.f32.msk $0xffff, v2  }
0x298: {  	[tilespmem:s10+$0x450] =	vst.add.f32.msk $0xffff, v2  }
0x299: {  	[tilespmem:s11+$0x450] =	vst.add.f32.msk $0xffff, v2  }
0x29a: {  	[tilespmem:s3+$0x450] =	vst.add.f32.msk $0xffff, v2  }
0x29b: {  	v2 =	vld [tilespmem:s2+$0x4E0]  }
0x29c: {  	[tilespmem:s16+$0x1840] =	vst.add.f32.msk $0xffff, v3  }
0x29d: {  	[tilespmem:s18+$0x1840] =	vst.add.f32.msk $0xffff, v3  }
0x29e: {  	[tilespmem:s19+$0x1840] =	vst.add.f32.msk $0xffff, v3  }
0x29f: {  	[tilespmem:s20+$0x1840] =	vst.add.f32.msk $0xffff, v3  }
0x2a0: {  	[tilespmem:s6+$0x460] =	vst.add.f32.msk $0xffff, v2  }
0x2a1: {  	[tilespmem:s10+$0x460] =	vst.add.f32.msk $0xffff, v2  }
0x2a2: {  	[tilespmem:s11+$0x460] =	vst.add.f32.msk $0xffff, v2  }
0x2a3: {  	[tilespmem:s3+$0x460] =	vst.add.f32.msk $0xffff, v2  }
0x2a4: {  	v2 =	vld [tilespmem:s2+$0x4F0]  }
0x2a5: {  	v3 =	vld [tilespmem:s17+$0x18D0]  }
0x2a6: {  	[tilespmem:s30+$0x1840] =	vst.add.f32.msk $0xffff, v4  }
0x2a7: {  	[tilespmem:s31+$0x1840] =	vst.add.f32.msk $0xffff, v4  }
0x2a8: {  	[tilespmem:s0+$0x1840] =	vst.add.f32.msk $0xffff, v4  }
0x2a9: {  	[tilespmem:s6+$0x470] =	vst.add.f32.msk $0xffff, v2  }
0x2aa: {  	[tilespmem:s10+$0x470] =	vst.add.f32.msk $0xffff, v2  }
0x2ab: {  	[tilespmem:s11+$0x470] =	vst.add.f32.msk $0xffff, v2  }
0x2ac: {  	[tilespmem:s3+$0x470] =	vst.add.f32.msk $0xffff, v2  }
0x2ad: {  	v2 =	vld [tilespmem:s2+$0x880]  }
0x2ae: {  	[tilespmem:s16+$0x1850] =	vst.add.f32.msk $0xffff, v3  }
0x2af: {  	[tilespmem:s18+$0x1850] =	vst.add.f32.msk $0xffff, v3  }
0x2b0: {  	[tilespmem:s19+$0x1850] =	vst.add.f32.msk $0xffff, v3  }
0x2b1: {  	[tilespmem:s20+$0x1850] =	vst.add.f32.msk $0xffff, v3  }
0x2b2: {  	[tilespmem:s6+$0x800] =	vst.add.f32.msk $0xffff, v2  }
0x2b3: {  	[tilespmem:s10+$0x800] =	vst.add.f32.msk $0xffff, v2  }
0x2b4: {  	[tilespmem:s11+$0x800] =	vst.add.f32.msk $0xffff, v2  }
0x2b5: {  	[tilespmem:s3+$0x800] =	vst.add.f32.msk $0xffff, v2  }
0x2b6: {  	v2 =	vld [tilespmem:s2+$0x890]  }
0x2b7: {  	v3 =	vld [tilespmem:s17+$0x18E0]  }
0x2b8: {  	s5 =	sor.u32 $0x1850, s24;
	[tilespmem:s4+$0x1840] =	vst.add.f32.msk $0xffff, v4  }
0x2b9: {  	v4 =	vld [tilespmem:s5+$0x80];
	_ =	sdelay $0x1  }
0x2ba: {  	[tilespmem:s6+$0x810] =	vst.add.f32.msk $0xffff, v2  }
0x2bb: {  	[tilespmem:s10+$0x810] =	vst.add.f32.msk $0xffff, v2  }
0x2bc: {  	[tilespmem:s11+$0x810] =	vst.add.f32.msk $0xffff, v2  }
0x2bd: {  	[tilespmem:s3+$0x810] =	vst.add.f32.msk $0xffff, v2  }
0x2be: {  	v2 =	vld [tilespmem:s2+$0x8A0]  }
0x2bf: {  	[tilespmem:s16+$0x1860] =	vst.add.f32.msk $0xffff, v3  }
0x2c0: {  	[tilespmem:s18+$0x1860] =	vst.add.f32.msk $0xffff, v3  }
0x2c1: {  	[tilespmem:s19+$0x1860] =	vst.add.f32.msk $0xffff, v3  }
0x2c2: {  	[tilespmem:s20+$0x1860] =	vst.add.f32.msk $0xffff, v3  }
0x2c3: {  	[tilespmem:s6+$0x820] =	vst.add.f32.msk $0xffff, v2  }
0x2c4: {  	[tilespmem:s10+$0x820] =	vst.add.f32.msk $0xffff, v2  }
0x2c5: {  	[tilespmem:s11+$0x820] =	vst.add.f32.msk $0xffff, v2  }
0x2c6: {  	[tilespmem:s3+$0x820] =	vst.add.f32.msk $0xffff, v2  }
0x2c7: {  	v2 =	vld [tilespmem:s2+$0x8B0]  }
0x2c8: {  	v3 =	vld [tilespmem:s17+$0x18F0]  }
0x2c9: {  	[tilespmem:s30+$0x1850] =	vst.add.f32.msk $0xffff, v4  }
0x2ca: {  	[tilespmem:s31+$0x1850] =	vst.add.f32.msk $0xffff, v4  }
0x2cb: {  	[tilespmem:s0+$0x1850] =	vst.add.f32.msk $0xffff, v4  }
0x2cc: {  	[tilespmem:s6+$0x830] =	vst.add.f32.msk $0xffff, v2  }
0x2cd: {  	[tilespmem:s10+$0x830] =	vst.add.f32.msk $0xffff, v2  }
0x2ce: {  	[tilespmem:s11+$0x830] =	vst.add.f32.msk $0xffff, v2  }
0x2cf: {  	[tilespmem:s3+$0x830] =	vst.add.f32.msk $0xffff, v2  }
0x2d0: {  	v2 =	vld [tilespmem:s2+$0x8C0]  }
0x2d1: {  	[tilespmem:s16+$0x1870] =	vst.add.f32.msk $0xffff, v3  }
0x2d2: {  	[tilespmem:s18+$0x1870] =	vst.add.f32.msk $0xffff, v3  }
0x2d3: {  	[tilespmem:s19+$0x1870] =	vst.add.f32.msk $0xffff, v3  }
0x2d4: {  	[tilespmem:s20+$0x1870] =	vst.add.f32.msk $0xffff, v3  }
0x2d5: {  	[tilespmem:s6+$0x840] =	vst.add.f32.msk $0xffff, v2  }
0x2d6: {  	[tilespmem:s10+$0x840] =	vst.add.f32.msk $0xffff, v2  }
0x2d7: {  	[tilespmem:s11+$0x840] =	vst.add.f32.msk $0xffff, v2  }
0x2d8: {  	[tilespmem:s3+$0x840] =	vst.add.f32.msk $0xffff, v2  }
0x2d9: {  	s5 =	sor.u32 $0x1C00, s25;
	v2 =	vld [tilespmem:s2+$0x8D0]  }
0x2da: {  	v3 =	vld [tilespmem:s5+$0x80]  }
0x2db: {  	s5 =	sor.u32 $0x1860, s24;
	[tilespmem:s4+$0x1850] =	vst.add.f32.msk $0xffff, v4  }
0x2dc: {  	v4 =	vld [tilespmem:s5+$0x80];
	_ =	sdelay $0x1  }
0x2dd: {  	[tilespmem:s6+$0x850] =	vst.add.f32.msk $0xffff, v2  }
0x2de: {  	[tilespmem:s10+$0x850] =	vst.add.f32.msk $0xffff, v2  }
0x2df: {  	[tilespmem:s11+$0x850] =	vst.add.f32.msk $0xffff, v2  }
0x2e0: {  	[tilespmem:s3+$0x850] =	vst.add.f32.msk $0xffff, v2  }
0x2e1: {  	v2 =	vld [tilespmem:s2+$0x8E0]  }
0x2e2: {  	[tilespmem:s16+$0x1C00] =	vst.add.f32.msk $0xffff, v3  }
0x2e3: {  	[tilespmem:s18+$0x1C00] =	vst.add.f32.msk $0xffff, v3  }
0x2e4: {  	[tilespmem:s19+$0x1C00] =	vst.add.f32.msk $0xffff, v3  }
0x2e5: {  	[tilespmem:s20+$0x1C00] =	vst.add.f32.msk $0xffff, v3  }
0x2e6: {  	[tilespmem:s6+$0x860] =	vst.add.f32.msk $0xffff, v2  }
0x2e7: {  	[tilespmem:s10+$0x860] =	vst.add.f32.msk $0xffff, v2  }
0x2e8: {  	[tilespmem:s11+$0x860] =	vst.add.f32.msk $0xffff, v2  }
0x2e9: {  	[tilespmem:s3+$0x860] =	vst.add.f32.msk $0xffff, v2  }
0x2ea: {  	s5 =	sor.u32 $0x1C10, s25;
	v2 =	vld [tilespmem:s2+$0x8F0]  }
0x2eb: {  	v3 =	vld [tilespmem:s5+$0x80]  }
0x2ec: {  	[tilespmem:s30+$0x1860] =	vst.add.f32.msk $0xffff, v4  }
0x2ed: {  	[tilespmem:s31+$0x1860] =	vst.add.f32.msk $0xffff, v4  }
0x2ee: {  	[tilespmem:s0+$0x1860] =	vst.add.f32.msk $0xffff, v4  }
0x2ef: {  	[tilespmem:s6+$0x870] =	vst.add.f32.msk $0xffff, v2  }
0x2f0: {  	[tilespmem:s10+$0x870] =	vst.add.f32.msk $0xffff, v2  }
0x2f1: {  	[tilespmem:s11+$0x870] =	vst.add.f32.msk $0xffff, v2  }
0x2f2: {  	[tilespmem:s3+$0x870] =	vst.add.f32.msk $0xffff, v2  }
0x2f3: {  	v2 =	vld [tilespmem:s2+$0xC80]  }
0x2f4: {  	[tilespmem:s16+$0x1C10] =	vst.add.f32.msk $0xffff, v3  }
0x2f5: {  	[tilespmem:s18+$0x1C10] =	vst.add.f32.msk $0xffff, v3  }
0x2f6: {  	[tilespmem:s19+$0x1C10] =	vst.add.f32.msk $0xffff, v3  }
0x2f7: {  	[tilespmem:s20+$0x1C10] =	vst.add.f32.msk $0xffff, v3  }
0x2f8: {  	[tilespmem:s6+$0xC00] =	vst.add.f32.msk $0xffff, v2  }
0x2f9: {  	[tilespmem:s10+$0xC00] =	vst.add.f32.msk $0xffff, v2  }
0x2fa: {  	[tilespmem:s11+$0xC00] =	vst.add.f32.msk $0xffff, v2  }
0x2fb: {  	[tilespmem:s3+$0xC00] =	vst.add.f32.msk $0xffff, v2  }
0x2fc: {  	s5 =	sor.u32 $0x1C20, s25;
	v2 =	vld [tilespmem:s2+$0xC90]  }
0x2fd: {  	v3 =	vld [tilespmem:s5+$0x80]  }
0x2fe: {  	s5 =	sor.u32 $0x1870, s24;
	[tilespmem:s4+$0x1860] =	vst.add.f32.msk $0xffff, v4  }
0x2ff: {  	v4 =	vld [tilespmem:s5+$0x80];
	_ =	sdelay $0x1  }
0x300: {  	[tilespmem:s6+$0xC10] =	vst.add.f32.msk $0xffff, v2  }
0x301: {  	[tilespmem:s10+$0xC10] =	vst.add.f32.msk $0xffff, v2  }
0x302: {  	[tilespmem:s11+$0xC10] =	vst.add.f32.msk $0xffff, v2  }
0x303: {  	[tilespmem:s3+$0xC10] =	vst.add.f32.msk $0xffff, v2  }
0x304: {  	v2 =	vld [tilespmem:s2+$0xCA0]  }
0x305: {  	[tilespmem:s16+$0x1C20] =	vst.add.f32.msk $0xffff, v3  }
0x306: {  	[tilespmem:s18+$0x1C20] =	vst.add.f32.msk $0xffff, v3  }
0x307: {  	[tilespmem:s19+$0x1C20] =	vst.add.f32.msk $0xffff, v3  }
0x308: {  	[tilespmem:s20+$0x1C20] =	vst.add.f32.msk $0xffff, v3  }
0x309: {  	[tilespmem:s6+$0xC20] =	vst.add.f32.msk $0xffff, v2  }
0x30a: {  	[tilespmem:s10+$0xC20] =	vst.add.f32.msk $0xffff, v2  }
0x30b: {  	[tilespmem:s11+$0xC20] =	vst.add.f32.msk $0xffff, v2  }
0x30c: {  	[tilespmem:s3+$0xC20] =	vst.add.f32.msk $0xffff, v2  }
0x30d: {  	s5 =	sor.u32 $0x1C30, s25;
	v2 =	vld [tilespmem:s2+$0xCB0]  }
0x30e: {  	v3 =	vld [tilespmem:s5+$0x80]  }
0x30f: {  	[tilespmem:s30+$0x1870] =	vst.add.f32.msk $0xffff, v4  }
0x310: {  	[tilespmem:s31+$0x1870] =	vst.add.f32.msk $0xffff, v4  }
0x311: {  	[tilespmem:s0+$0x1870] =	vst.add.f32.msk $0xffff, v4  }
0x312: {  	s5 =	sor.u32 $0x1, s14;
	[tilespmem:s6+$0xC30] =	vst.add.f32.msk $0xffff, v2  }
0x313: {  	s7 =	sor.u32 s21, s5;
	s5 =	sshll.u32 s5, $0x7;
	[tilespmem:s10+$0xC30] =	vst.add.f32.msk $0xffff, v2  }
0x314: {  	s7 =	sshll.u32 s7, $0xA;
	[tilespmem:s11+$0xC30] =	vst.add.f32.msk $0xffff, v2  }
0x315: {  	s14 =	sand.u32 $0x2000, s7;
	s22 =	sor.u32 s5, s7;
	[tilespmem:s3+$0xC30] =	vst.add.f32.msk $0xffff, v2  }
0x316: {  	s17 =	sadd.s32 s5, s14;
	v2 =	vld [tilespmem:s2+$0xCC0]  }
0x317: {  	v5 =	vld [tilespmem:s17+$0x80]  }
0x318: {  	[tilespmem:s16+$0x1C30] =	vst.add.f32.msk $0xffff, v3  }
0x319: {  	[tilespmem:s18+$0x1C30] =	vst.add.f32.msk $0xffff, v3  }
0x31a: {  	[tilespmem:s19+$0x1C30] =	vst.add.f32.msk $0xffff, v3  }
0x31b: {  	s14 =	sadd.s32 s5, s29;
	[tilespmem:s20+$0x1C30] =	vst.add.f32.msk $0xffff, v3  }
0x31c: {  	s15 =	sadd.s32 s5, s8;
	[tilespmem:s14+$0x0] =	vst.add.f32.msk $0xffff, v5  }
0x31d: {  	s7 =	sadd.s32 s5, s9;
	[tilespmem:s15+$0x0] =	vst.add.f32.msk $0xffff, v5  }
0x31e: {  	s5 =	sadd.s32 s5, s13;
	[tilespmem:s7+$0x0] =	vst.add.f32.msk $0xffff, v5  }
0x31f: {  	[tilespmem:s5+$0x0] =	vst.add.f32.msk $0xffff, v5  }
0x320: {  	s23 =	sor.u32 $0x1C40, s25;
	v3 =	vld [tilespmem:s17+$0x90]  }
0x321: {  	v5 =	vld [tilespmem:s23+$0x80]  }
0x322: {  	[tilespmem:s6+$0xC40] =	vst.add.f32.msk $0xffff, v2  }
0x323: {  	[tilespmem:s10+$0xC40] =	vst.add.f32.msk $0xffff, v2  }
0x324: {  	[tilespmem:s11+$0xC40] =	vst.add.f32.msk $0xffff, v2  }
0x325: {  	[tilespmem:s14+$0x10] =	vst.add.f32.msk $0xffff, v3  }
0x326: {  	[tilespmem:s15+$0x10] =	vst.add.f32.msk $0xffff, v3  }
0x327: {  	[tilespmem:s7+$0x10] =	vst.add.f32.msk $0xffff, v3  }
0x328: {  	[tilespmem:s5+$0x10] =	vst.add.f32.msk $0xffff, v3  }
0x329: {  	v3 =	vld [tilespmem:s17+$0xA0]  }
0x32a: {  	[tilespmem:s16+$0x1C40] =	vst.add.f32.msk $0xffff, v5  }
0x32b: {  	[tilespmem:s18+$0x1C40] =	vst.add.f32.msk $0xffff, v5  }
0x32c: {  	[tilespmem:s19+$0x1C40] =	vst.add.f32.msk $0xffff, v5  }
0x32d: {  	[tilespmem:s20+$0x1C40] =	vst.add.f32.msk $0xffff, v5  }
0x32e: {  	[tilespmem:s14+$0x20] =	vst.add.f32.msk $0xffff, v3  }
0x32f: {  	[tilespmem:s15+$0x20] =	vst.add.f32.msk $0xffff, v3  }
0x330: {  	[tilespmem:s7+$0x20] =	vst.add.f32.msk $0xffff, v3  }
0x331: {  	[tilespmem:s5+$0x20] =	vst.add.f32.msk $0xffff, v3  }
0x332: {  	s23 =	sor.u32 $0x1C50, s25;
	v3 =	vld [tilespmem:s17+$0xB0]  }
0x333: {  	v5 =	vld [tilespmem:s23+$0x80]  }
0x334: {  	[tilespmem:s3+$0xC40] =	vst.add.f32.msk $0xffff, v2  }
0x335: {  	v2 =	vld [tilespmem:s2+$0xCD0]  }
0x336: {  	[tilespmem:s4+$0x1870] =	vst.add.f32.msk $0xffff, v4  }
0x337: {  	[tilespmem:s14+$0x30] =	vst.add.f32.msk $0xffff, v3  }
0x338: {  	[tilespmem:s15+$0x30] =	vst.add.f32.msk $0xffff, v3  }
0x339: {  	[tilespmem:s7+$0x30] =	vst.add.f32.msk $0xffff, v3  }
0x33a: {  	[tilespmem:s5+$0x30] =	vst.add.f32.msk $0xffff, v3  }
0x33b: {  	v3 =	vld [tilespmem:s17+$0xC0]  }
0x33c: {  	[tilespmem:s16+$0x1C50] =	vst.add.f32.msk $0xffff, v5  }
0x33d: {  	[tilespmem:s18+$0x1C50] =	vst.add.f32.msk $0xffff, v5  }
0x33e: {  	[tilespmem:s19+$0x1C50] =	vst.add.f32.msk $0xffff, v5  }
0x33f: {  	[tilespmem:s20+$0x1C50] =	vst.add.f32.msk $0xffff, v5  }
0x340: {  	[tilespmem:s14+$0x40] =	vst.add.f32.msk $0xffff, v3  }
0x341: {  	[tilespmem:s15+$0x40] =	vst.add.f32.msk $0xffff, v3  }
0x342: {  	[tilespmem:s7+$0x40] =	vst.add.f32.msk $0xffff, v3  }
0x343: {  	[tilespmem:s5+$0x40] =	vst.add.f32.msk $0xffff, v3  }
0x344: {  	s23 =	sor.u32 $0x1C60, s25;
	v3 =	vld [tilespmem:s17+$0xD0]  }
0x345: {  	v4 =	vld [tilespmem:s23+$0x80]  }
0x346: {  	[tilespmem:s6+$0xC50] =	vst.add.f32.msk $0xffff, v2  }
0x347: {  	[tilespmem:s10+$0xC50] =	vst.add.f32.msk $0xffff, v2  }
0x348: {  	[tilespmem:s11+$0xC50] =	vst.add.f32.msk $0xffff, v2  }
0x349: {  	[tilespmem:s14+$0x50] =	vst.add.f32.msk $0xffff, v3  }
0x34a: {  	[tilespmem:s15+$0x50] =	vst.add.f32.msk $0xffff, v3  }
0x34b: {  	[tilespmem:s7+$0x50] =	vst.add.f32.msk $0xffff, v3  }
0x34c: {  	[tilespmem:s5+$0x50] =	vst.add.f32.msk $0xffff, v3  }
0x34d: {  	v3 =	vld [tilespmem:s17+$0xE0]  }
0x34e: {  	[tilespmem:s16+$0x1C60] =	vst.add.f32.msk $0xffff, v4  }
0x34f: {  	[tilespmem:s18+$0x1C60] =	vst.add.f32.msk $0xffff, v4  }
0x350: {  	[tilespmem:s19+$0x1C60] =	vst.add.f32.msk $0xffff, v4  }
0x351: {  	[tilespmem:s20+$0x1C60] =	vst.add.f32.msk $0xffff, v4  }
0x352: {  	[tilespmem:s14+$0x60] =	vst.add.f32.msk $0xffff, v3  }
0x353: {  	[tilespmem:s15+$0x60] =	vst.add.f32.msk $0xffff, v3  }
0x354: {  	[tilespmem:s7+$0x60] =	vst.add.f32.msk $0xffff, v3  }
0x355: {  	[tilespmem:s5+$0x60] =	vst.add.f32.msk $0xffff, v3  }
0x356: {  	s23 =	sor.u32 $0x1C70, s25;
	s25 =	smov.u32 s22;
	v3 =	vld [tilespmem:s17+$0xF0]  }
0x357: {  	v4 =	vld [tilespmem:s23+$0x80]  }
0x358: {  	[tilespmem:s3+$0xC50] =	vst.add.f32.msk $0xffff, v2  }
0x359: {  	s22 =	sor.u32 $0x1C00, s24;
	v2 =	vld [tilespmem:s2+$0xCE0]  }
0x35a: {  	v5 =	vld [tilespmem:s22+$0x80]  }
0x35b: {  	[tilespmem:s14+$0x70] =	vst.add.f32.msk $0xffff, v3  }
0x35c: {  	[tilespmem:s15+$0x70] =	vst.add.f32.msk $0xffff, v3  }
0x35d: {  	[tilespmem:s7+$0x70] =	vst.add.f32.msk $0xffff, v3  }
0x35e: {  	[tilespmem:s5+$0x70] =	vst.add.f32.msk $0xffff, v3  }
0x35f: {  	v3 =	vld [tilespmem:s17+$0x480]  }
0x360: {  	[tilespmem:s16+$0x1C70] =	vst.add.f32.msk $0xffff, v4;
	s16 =	smov.u32 s14  }
0x361: {  	[tilespmem:s18+$0x1C70] =	vst.add.f32.msk $0xffff, v4;
	s18 =	smov.u32 s15  }
0x362: {  	[tilespmem:s19+$0x1C70] =	vst.add.f32.msk $0xffff, v4;
	s19 =	smov.u32 s7  }
0x363: {  	[tilespmem:s20+$0x1C70] =	vst.add.f32.msk $0xffff, v4;
	s20 =	smov.u32 s5  }
0x364: {  	[tilespmem:s16+$0x400] =	vst.add.f32.msk $0xffff, v3  }
0x365: {  	[tilespmem:s18+$0x400] =	vst.add.f32.msk $0xffff, v3  }
0x366: {  	[tilespmem:s19+$0x400] =	vst.add.f32.msk $0xffff, v3  }
0x367: {  	[tilespmem:s20+$0x400] =	vst.add.f32.msk $0xffff, v3  }
0x368: {  	v3 =	vld [tilespmem:s17+$0x490]  }
0x369: {  	[tilespmem:s6+$0xC60] =	vst.add.f32.msk $0xffff, v2  }
0x36a: {  	[tilespmem:s10+$0xC60] =	vst.add.f32.msk $0xffff, v2  }
0x36b: {  	[tilespmem:s11+$0xC60] =	vst.add.f32.msk $0xffff, v2  }
0x36c: {  	[tilespmem:s3+$0xC60] =	vst.add.f32.msk $0xffff, v2  }
0x36d: {  	[tilespmem:s16+$0x410] =	vst.add.f32.msk $0xffff, v3  }
0x36e: {  	[tilespmem:s18+$0x410] =	vst.add.f32.msk $0xffff, v3  }
0x36f: {  	[tilespmem:s19+$0x410] =	vst.add.f32.msk $0xffff, v3  }
0x370: {  	[tilespmem:s20+$0x410] =	vst.add.f32.msk $0xffff, v3  }
0x371: {  	v2 =	vld [tilespmem:s17+$0x4A0]  }
0x372: {  	v3 =	vld [tilespmem:s2+$0xCF0]  }
0x373: {  	[tilespmem:s30+$0x1C00] =	vst.add.f32.msk $0xffff, v5  }
0x374: {  	[tilespmem:s31+$0x1C00] =	vst.add.f32.msk $0xffff, v5  }
0x375: {  	[tilespmem:s0+$0x1C00] =	vst.add.f32.msk $0xffff, v5  }
0x376: {  	[tilespmem:s16+$0x420] =	vst.add.f32.msk $0xffff, v2  }
0x377: {  	[tilespmem:s18+$0x420] =	vst.add.f32.msk $0xffff, v2  }
0x378: {  	[tilespmem:s19+$0x420] =	vst.add.f32.msk $0xffff, v2  }
0x379: {  	[tilespmem:s20+$0x420] =	vst.add.f32.msk $0xffff, v2  }
0x37a: {  	v2 =	vld [tilespmem:s17+$0x4B0]  }
0x37b: {  	[tilespmem:s6+$0xC70] =	vst.add.f32.msk $0xffff, v3  }
0x37c: {  	[tilespmem:s10+$0xC70] =	vst.add.f32.msk $0xffff, v3  }
0x37d: {  	[tilespmem:s11+$0xC70] =	vst.add.f32.msk $0xffff, v3  }
0x37e: {  	[tilespmem:s3+$0xC70] =	vst.add.f32.msk $0xffff, v3  }
0x37f: {  	[tilespmem:s16+$0x430] =	vst.add.f32.msk $0xffff, v2  }
0x380: {  	[tilespmem:s18+$0x430] =	vst.add.f32.msk $0xffff, v2  }
0x381: {  	[tilespmem:s19+$0x430] =	vst.add.f32.msk $0xffff, v2  }
0x382: {  	[tilespmem:s20+$0x430] =	vst.add.f32.msk $0xffff, v2  }
0x383: {  	v2 =	vld [tilespmem:s17+$0x4C0]  }
0x384: {  	v3 =	vld [tilespmem:s2+$0x1080]  }
0x385: {  	s5 =	sor.u32 $0x1C10, s24;
	[tilespmem:s4+$0x1C00] =	vst.add.f32.msk $0xffff, v5  }
0x386: {  	v4 =	vld [tilespmem:s5+$0x80];
	_ =	sdelay $0x1  }
0x387: {  	[tilespmem:s16+$0x440] =	vst.add.f32.msk $0xffff, v2  }
0x388: {  	[tilespmem:s18+$0x440] =	vst.add.f32.msk $0xffff, v2  }
0x389: {  	[tilespmem:s19+$0x440] =	vst.add.f32.msk $0xffff, v2  }
0x38a: {  	[tilespmem:s20+$0x440] =	vst.add.f32.msk $0xffff, v2  }
0x38b: {  	v2 =	vld [tilespmem:s17+$0x4D0]  }
0x38c: {  	[tilespmem:s6+$0x1000] =	vst.add.f32.msk $0xffff, v3  }
0x38d: {  	[tilespmem:s10+$0x1000] =	vst.add.f32.msk $0xffff, v3  }
0x38e: {  	[tilespmem:s11+$0x1000] =	vst.add.f32.msk $0xffff, v3  }
0x38f: {  	[tilespmem:s3+$0x1000] =	vst.add.f32.msk $0xffff, v3  }
0x390: {  	[tilespmem:s16+$0x450] =	vst.add.f32.msk $0xffff, v2  }
0x391: {  	[tilespmem:s18+$0x450] =	vst.add.f32.msk $0xffff, v2  }
0x392: {  	[tilespmem:s19+$0x450] =	vst.add.f32.msk $0xffff, v2  }
0x393: {  	[tilespmem:s20+$0x450] =	vst.add.f32.msk $0xffff, v2  }
0x394: {  	v2 =	vld [tilespmem:s17+$0x4E0]  }
0x395: {  	v3 =	vld [tilespmem:s2+$0x1090]  }
0x396: {  	[tilespmem:s30+$0x1C10] =	vst.add.f32.msk $0xffff, v4  }
0x397: {  	[tilespmem:s31+$0x1C10] =	vst.add.f32.msk $0xffff, v4  }
0x398: {  	[tilespmem:s0+$0x1C10] =	vst.add.f32.msk $0xffff, v4  }
0x399: {  	[tilespmem:s16+$0x460] =	vst.add.f32.msk $0xffff, v2  }
0x39a: {  	[tilespmem:s18+$0x460] =	vst.add.f32.msk $0xffff, v2  }
0x39b: {  	[tilespmem:s19+$0x460] =	vst.add.f32.msk $0xffff, v2  }
0x39c: {  	[tilespmem:s20+$0x460] =	vst.add.f32.msk $0xffff, v2  }
0x39d: {  	v2 =	vld [tilespmem:s17+$0x4F0]  }
0x39e: {  	[tilespmem:s6+$0x1010] =	vst.add.f32.msk $0xffff, v3  }
0x39f: {  	[tilespmem:s10+$0x1010] =	vst.add.f32.msk $0xffff, v3  }
0x3a0: {  	[tilespmem:s11+$0x1010] =	vst.add.f32.msk $0xffff, v3  }
0x3a1: {  	[tilespmem:s3+$0x1010] =	vst.add.f32.msk $0xffff, v3  }
0x3a2: {  	[tilespmem:s16+$0x470] =	vst.add.f32.msk $0xffff, v2  }
0x3a3: {  	[tilespmem:s18+$0x470] =	vst.add.f32.msk $0xffff, v2  }
0x3a4: {  	[tilespmem:s19+$0x470] =	vst.add.f32.msk $0xffff, v2  }
0x3a5: {  	[tilespmem:s20+$0x470] =	vst.add.f32.msk $0xffff, v2  }
0x3a6: {  	v2 =	vld [tilespmem:s17+$0x880]  }
0x3a7: {  	v3 =	vld [tilespmem:s2+$0x10A0]  }
0x3a8: {  	s5 =	sor.u32 $0x1C20, s24;
	[tilespmem:s4+$0x1C10] =	vst.add.f32.msk $0xffff, v4  }
0x3a9: {  	v4 =	vld [tilespmem:s5+$0x80];
	_ =	sdelay $0x1  }
0x3aa: {  	[tilespmem:s16+$0x800] =	vst.add.f32.msk $0xffff, v2  }
0x3ab: {  	[tilespmem:s18+$0x800] =	vst.add.f32.msk $0xffff, v2  }
0x3ac: {  	[tilespmem:s19+$0x800] =	vst.add.f32.msk $0xffff, v2  }
0x3ad: {  	[tilespmem:s20+$0x800] =	vst.add.f32.msk $0xffff, v2  }
0x3ae: {  	v2 =	vld [tilespmem:s17+$0x890]  }
0x3af: {  	[tilespmem:s6+$0x1020] =	vst.add.f32.msk $0xffff, v3  }
0x3b0: {  	[tilespmem:s10+$0x1020] =	vst.add.f32.msk $0xffff, v3  }
0x3b1: {  	[tilespmem:s11+$0x1020] =	vst.add.f32.msk $0xffff, v3  }
0x3b2: {  	[tilespmem:s3+$0x1020] =	vst.add.f32.msk $0xffff, v3  }
0x3b3: {  	[tilespmem:s16+$0x810] =	vst.add.f32.msk $0xffff, v2  }
0x3b4: {  	[tilespmem:s18+$0x810] =	vst.add.f32.msk $0xffff, v2  }
0x3b5: {  	[tilespmem:s19+$0x810] =	vst.add.f32.msk $0xffff, v2  }
0x3b6: {  	[tilespmem:s20+$0x810] =	vst.add.f32.msk $0xffff, v2  }
0x3b7: {  	v2 =	vld [tilespmem:s17+$0x8A0]  }
0x3b8: {  	v3 =	vld [tilespmem:s2+$0x10B0]  }
0x3b9: {  	[tilespmem:s30+$0x1C20] =	vst.add.f32.msk $0xffff, v4  }
0x3ba: {  	[tilespmem:s31+$0x1C20] =	vst.add.f32.msk $0xffff, v4  }
0x3bb: {  	[tilespmem:s0+$0x1C20] =	vst.add.f32.msk $0xffff, v4  }
0x3bc: {  	[tilespmem:s16+$0x820] =	vst.add.f32.msk $0xffff, v2  }
0x3bd: {  	[tilespmem:s18+$0x820] =	vst.add.f32.msk $0xffff, v2  }
0x3be: {  	[tilespmem:s19+$0x820] =	vst.add.f32.msk $0xffff, v2  }
0x3bf: {  	[tilespmem:s20+$0x820] =	vst.add.f32.msk $0xffff, v2  }
0x3c0: {  	v2 =	vld [tilespmem:s17+$0x8B0]  }
0x3c1: {  	[tilespmem:s6+$0x1030] =	vst.add.f32.msk $0xffff, v3  }
0x3c2: {  	[tilespmem:s10+$0x1030] =	vst.add.f32.msk $0xffff, v3  }
0x3c3: {  	[tilespmem:s11+$0x1030] =	vst.add.f32.msk $0xffff, v3  }
0x3c4: {  	[tilespmem:s3+$0x1030] =	vst.add.f32.msk $0xffff, v3  }
0x3c5: {  	[tilespmem:s16+$0x830] =	vst.add.f32.msk $0xffff, v2  }
0x3c6: {  	[tilespmem:s18+$0x830] =	vst.add.f32.msk $0xffff, v2  }
0x3c7: {  	[tilespmem:s19+$0x830] =	vst.add.f32.msk $0xffff, v2  }
0x3c8: {  	[tilespmem:s20+$0x830] =	vst.add.f32.msk $0xffff, v2  }
0x3c9: {  	v2 =	vld [tilespmem:s17+$0x8C0]  }
0x3ca: {  	v3 =	vld [tilespmem:s2+$0x10C0]  }
0x3cb: {  	s5 =	sor.u32 $0x1C30, s24;
	[tilespmem:s4+$0x1C20] =	vst.add.f32.msk $0xffff, v4  }
0x3cc: {  	v4 =	vld [tilespmem:s5+$0x80];
	_ =	sdelay $0x1  }
0x3cd: {  	[tilespmem:s16+$0x840] =	vst.add.f32.msk $0xffff, v2  }
0x3ce: {  	[tilespmem:s18+$0x840] =	vst.add.f32.msk $0xffff, v2  }
0x3cf: {  	[tilespmem:s19+$0x840] =	vst.add.f32.msk $0xffff, v2  }
0x3d0: {  	[tilespmem:s20+$0x840] =	vst.add.f32.msk $0xffff, v2  }
0x3d1: {  	v2 =	vld [tilespmem:s17+$0x8D0]  }
0x3d2: {  	[tilespmem:s6+$0x1040] =	vst.add.f32.msk $0xffff, v3  }
0x3d3: {  	[tilespmem:s10+$0x1040] =	vst.add.f32.msk $0xffff, v3  }
0x3d4: {  	[tilespmem:s11+$0x1040] =	vst.add.f32.msk $0xffff, v3  }
0x3d5: {  	[tilespmem:s3+$0x1040] =	vst.add.f32.msk $0xffff, v3  }
0x3d6: {  	[tilespmem:s16+$0x850] =	vst.add.f32.msk $0xffff, v2  }
0x3d7: {  	[tilespmem:s18+$0x850] =	vst.add.f32.msk $0xffff, v2  }
0x3d8: {  	[tilespmem:s19+$0x850] =	vst.add.f32.msk $0xffff, v2  }
0x3d9: {  	[tilespmem:s20+$0x850] =	vst.add.f32.msk $0xffff, v2  }
0x3da: {  	v2 =	vld [tilespmem:s17+$0x8E0]  }
0x3db: {  	v3 =	vld [tilespmem:s2+$0x10D0]  }
0x3dc: {  	[tilespmem:s30+$0x1C30] =	vst.add.f32.msk $0xffff, v4  }
0x3dd: {  	[tilespmem:s31+$0x1C30] =	vst.add.f32.msk $0xffff, v4  }
0x3de: {  	[tilespmem:s0+$0x1C30] =	vst.add.f32.msk $0xffff, v4  }
0x3df: {  	[tilespmem:s16+$0x860] =	vst.add.f32.msk $0xffff, v2  }
0x3e0: {  	[tilespmem:s18+$0x860] =	vst.add.f32.msk $0xffff, v2  }
0x3e1: {  	[tilespmem:s19+$0x860] =	vst.add.f32.msk $0xffff, v2  }
0x3e2: {  	[tilespmem:s20+$0x860] =	vst.add.f32.msk $0xffff, v2  }
0x3e3: {  	v2 =	vld [tilespmem:s17+$0x8F0]  }
0x3e4: {  	[tilespmem:s6+$0x1050] =	vst.add.f32.msk $0xffff, v3  }
0x3e5: {  	[tilespmem:s10+$0x1050] =	vst.add.f32.msk $0xffff, v3  }
0x3e6: {  	[tilespmem:s11+$0x1050] =	vst.add.f32.msk $0xffff, v3  }
0x3e7: {  	[tilespmem:s3+$0x1050] =	vst.add.f32.msk $0xffff, v3  }
0x3e8: {  	[tilespmem:s16+$0x870] =	vst.add.f32.msk $0xffff, v2  }
0x3e9: {  	[tilespmem:s18+$0x870] =	vst.add.f32.msk $0xffff, v2  }
0x3ea: {  	[tilespmem:s19+$0x870] =	vst.add.f32.msk $0xffff, v2  }
0x3eb: {  	[tilespmem:s20+$0x870] =	vst.add.f32.msk $0xffff, v2  }
0x3ec: {  	v2 =	vld [tilespmem:s17+$0xC80]  }
0x3ed: {  	v3 =	vld [tilespmem:s2+$0x10E0]  }
0x3ee: {  	s5 =	sor.u32 $0x1C40, s24;
	[tilespmem:s4+$0x1C30] =	vst.add.f32.msk $0xffff, v4  }
0x3ef: {  	v4 =	vld [tilespmem:s5+$0x80];
	_ =	sdelay $0x1  }
0x3f0: {  	[tilespmem:s16+$0xC00] =	vst.add.f32.msk $0xffff, v2  }
0x3f1: {  	[tilespmem:s18+$0xC00] =	vst.add.f32.msk $0xffff, v2  }
0x3f2: {  	[tilespmem:s19+$0xC00] =	vst.add.f32.msk $0xffff, v2  }
0x3f3: {  	[tilespmem:s20+$0xC00] =	vst.add.f32.msk $0xffff, v2  }
0x3f4: {  	v2 =	vld [tilespmem:s17+$0xC90]  }
0x3f5: {  	[tilespmem:s6+$0x1060] =	vst.add.f32.msk $0xffff, v3  }
0x3f6: {  	[tilespmem:s10+$0x1060] =	vst.add.f32.msk $0xffff, v3  }
0x3f7: {  	[tilespmem:s11+$0x1060] =	vst.add.f32.msk $0xffff, v3  }
0x3f8: {  	[tilespmem:s3+$0x1060] =	vst.add.f32.msk $0xffff, v3  }
0x3f9: {  	[tilespmem:s16+$0xC10] =	vst.add.f32.msk $0xffff, v2  }
0x3fa: {  	[tilespmem:s18+$0xC10] =	vst.add.f32.msk $0xffff, v2  }
0x3fb: {  	[tilespmem:s19+$0xC10] =	vst.add.f32.msk $0xffff, v2  }
0x3fc: {  	[tilespmem:s20+$0xC10] =	vst.add.f32.msk $0xffff, v2  }
0x3fd: {  	v2 =	vld [tilespmem:s17+$0xCA0]  }
0x3fe: {  	v3 =	vld [tilespmem:s2+$0x10F0]  }
0x3ff: {  	[tilespmem:s30+$0x1C40] =	vst.add.f32.msk $0xffff, v4  }
0x400: {  	[tilespmem:s31+$0x1C40] =	vst.add.f32.msk $0xffff, v4  }
0x401: {  	[tilespmem:s0+$0x1C40] =	vst.add.f32.msk $0xffff, v4  }
0x402: {  	[tilespmem:s16+$0xC20] =	vst.add.f32.msk $0xffff, v2  }
0x403: {  	[tilespmem:s18+$0xC20] =	vst.add.f32.msk $0xffff, v2  }
0x404: {  	[tilespmem:s19+$0xC20] =	vst.add.f32.msk $0xffff, v2  }
0x405: {  	[tilespmem:s20+$0xC20] =	vst.add.f32.msk $0xffff, v2  }
0x406: {  	v2 =	vld [tilespmem:s17+$0xCB0]  }
0x407: {  	[tilespmem:s6+$0x1070] =	vst.add.f32.msk $0xffff, v3  }
0x408: {  	[tilespmem:s10+$0x1070] =	vst.add.f32.msk $0xffff, v3  }
0x409: {  	[tilespmem:s11+$0x1070] =	vst.add.f32.msk $0xffff, v3  }
0x40a: {  	[tilespmem:s3+$0x1070] =	vst.add.f32.msk $0xffff, v3  }
0x40b: {  	[tilespmem:s16+$0xC30] =	vst.add.f32.msk $0xffff, v2  }
0x40c: {  	[tilespmem:s18+$0xC30] =	vst.add.f32.msk $0xffff, v2  }
0x40d: {  	[tilespmem:s19+$0xC30] =	vst.add.f32.msk $0xffff, v2  }
0x40e: {  	[tilespmem:s20+$0xC30] =	vst.add.f32.msk $0xffff, v2  }
0x40f: {  	v2 =	vld [tilespmem:s17+$0xCC0]  }
0x410: {  	v3 =	vld [tilespmem:s2+$0x1480]  }
0x411: {  	s5 =	sor.u32 $0x1C50, s24;
	[tilespmem:s4+$0x1C40] =	vst.add.f32.msk $0xffff, v4  }
0x412: {  	v4 =	vld [tilespmem:s5+$0x80];
	_ =	sdelay $0x1  }
0x413: {  	[tilespmem:s16+$0xC40] =	vst.add.f32.msk $0xffff, v2  }
0x414: {  	[tilespmem:s18+$0xC40] =	vst.add.f32.msk $0xffff, v2  }
0x415: {  	[tilespmem:s19+$0xC40] =	vst.add.f32.msk $0xffff, v2  }
0x416: {  	[tilespmem:s20+$0xC40] =	vst.add.f32.msk $0xffff, v2  }
0x417: {  	v2 =	vld [tilespmem:s17+$0xCD0]  }
0x418: {  	[tilespmem:s6+$0x1400] =	vst.add.f32.msk $0xffff, v3  }
0x419: {  	[tilespmem:s10+$0x1400] =	vst.add.f32.msk $0xffff, v3  }
0x41a: {  	[tilespmem:s11+$0x1400] =	vst.add.f32.msk $0xffff, v3  }
0x41b: {  	[tilespmem:s3+$0x1400] =	vst.add.f32.msk $0xffff, v3  }
0x41c: {  	[tilespmem:s16+$0xC50] =	vst.add.f32.msk $0xffff, v2  }
0x41d: {  	[tilespmem:s18+$0xC50] =	vst.add.f32.msk $0xffff, v2  }
0x41e: {  	[tilespmem:s19+$0xC50] =	vst.add.f32.msk $0xffff, v2  }
0x41f: {  	[tilespmem:s20+$0xC50] =	vst.add.f32.msk $0xffff, v2  }
0x420: {  	v2 =	vld [tilespmem:s17+$0xCE0]  }
0x421: {  	v3 =	vld [tilespmem:s2+$0x1490]  }
0x422: {  	[tilespmem:s30+$0x1C50] =	vst.add.f32.msk $0xffff, v4  }
0x423: {  	[tilespmem:s31+$0x1C50] =	vst.add.f32.msk $0xffff, v4  }
0x424: {  	[tilespmem:s0+$0x1C50] =	vst.add.f32.msk $0xffff, v4  }
0x425: {  	[tilespmem:s16+$0xC60] =	vst.add.f32.msk $0xffff, v2  }
0x426: {  	[tilespmem:s18+$0xC60] =	vst.add.f32.msk $0xffff, v2  }
0x427: {  	[tilespmem:s19+$0xC60] =	vst.add.f32.msk $0xffff, v2  }
0x428: {  	[tilespmem:s20+$0xC60] =	vst.add.f32.msk $0xffff, v2  }
0x429: {  	v2 =	vld [tilespmem:s17+$0xCF0]  }
0x42a: {  	[tilespmem:s6+$0x1410] =	vst.add.f32.msk $0xffff, v3  }
0x42b: {  	[tilespmem:s10+$0x1410] =	vst.add.f32.msk $0xffff, v3  }
0x42c: {  	[tilespmem:s11+$0x1410] =	vst.add.f32.msk $0xffff, v3  }
0x42d: {  	[tilespmem:s3+$0x1410] =	vst.add.f32.msk $0xffff, v3  }
0x42e: {  	[tilespmem:s16+$0xC70] =	vst.add.f32.msk $0xffff, v2  }
0x42f: {  	[tilespmem:s18+$0xC70] =	vst.add.f32.msk $0xffff, v2  }
0x430: {  	[tilespmem:s19+$0xC70] =	vst.add.f32.msk $0xffff, v2  }
0x431: {  	[tilespmem:s20+$0xC70] =	vst.add.f32.msk $0xffff, v2  }
0x432: {  	v2 =	vld [tilespmem:s17+$0x1080]  }
0x433: {  	v3 =	vld [tilespmem:s2+$0x14A0]  }
0x434: {  	s5 =	sor.u32 $0x1C60, s24;
	[tilespmem:s4+$0x1C50] =	vst.add.f32.msk $0xffff, v4  }
0x435: {  	v4 =	vld [tilespmem:s5+$0x80];
	_ =	sdelay $0x1  }
0x436: {  	[tilespmem:s16+$0x1000] =	vst.add.f32.msk $0xffff, v2  }
0x437: {  	[tilespmem:s18+$0x1000] =	vst.add.f32.msk $0xffff, v2  }
0x438: {  	[tilespmem:s19+$0x1000] =	vst.add.f32.msk $0xffff, v2  }
0x439: {  	[tilespmem:s20+$0x1000] =	vst.add.f32.msk $0xffff, v2  }
0x43a: {  	v2 =	vld [tilespmem:s17+$0x1090]  }
0x43b: {  	[tilespmem:s6+$0x1420] =	vst.add.f32.msk $0xffff, v3  }
0x43c: {  	[tilespmem:s10+$0x1420] =	vst.add.f32.msk $0xffff, v3  }
0x43d: {  	[tilespmem:s11+$0x1420] =	vst.add.f32.msk $0xffff, v3  }
0x43e: {  	[tilespmem:s3+$0x1420] =	vst.add.f32.msk $0xffff, v3  }
0x43f: {  	[tilespmem:s16+$0x1010] =	vst.add.f32.msk $0xffff, v2  }
0x440: {  	[tilespmem:s18+$0x1010] =	vst.add.f32.msk $0xffff, v2  }
0x441: {  	[tilespmem:s19+$0x1010] =	vst.add.f32.msk $0xffff, v2  }
0x442: {  	[tilespmem:s20+$0x1010] =	vst.add.f32.msk $0xffff, v2  }
0x443: {  	v2 =	vld [tilespmem:s17+$0x10A0]  }
0x444: {  	v3 =	vld [tilespmem:s2+$0x14B0]  }
0x445: {  	[tilespmem:s30+$0x1C60] =	vst.add.f32.msk $0xffff, v4  }
0x446: {  	[tilespmem:s31+$0x1C60] =	vst.add.f32.msk $0xffff, v4  }
0x447: {  	[tilespmem:s0+$0x1C60] =	vst.add.f32.msk $0xffff, v4  }
0x448: {  	[tilespmem:s16+$0x1020] =	vst.add.f32.msk $0xffff, v2  }
0x449: {  	[tilespmem:s18+$0x1020] =	vst.add.f32.msk $0xffff, v2  }
0x44a: {  	[tilespmem:s19+$0x1020] =	vst.add.f32.msk $0xffff, v2  }
0x44b: {  	[tilespmem:s20+$0x1020] =	vst.add.f32.msk $0xffff, v2  }
0x44c: {  	v2 =	vld [tilespmem:s17+$0x10B0]  }
0x44d: {  	[tilespmem:s6+$0x1430] =	vst.add.f32.msk $0xffff, v3  }
0x44e: {  	[tilespmem:s10+$0x1430] =	vst.add.f32.msk $0xffff, v3  }
0x44f: {  	[tilespmem:s11+$0x1430] =	vst.add.f32.msk $0xffff, v3  }
0x450: {  	[tilespmem:s3+$0x1430] =	vst.add.f32.msk $0xffff, v3  }
0x451: {  	[tilespmem:s16+$0x1030] =	vst.add.f32.msk $0xffff, v2  }
0x452: {  	[tilespmem:s18+$0x1030] =	vst.add.f32.msk $0xffff, v2  }
0x453: {  	[tilespmem:s19+$0x1030] =	vst.add.f32.msk $0xffff, v2  }
0x454: {  	[tilespmem:s20+$0x1030] =	vst.add.f32.msk $0xffff, v2  }
0x455: {  	v2 =	vld [tilespmem:s17+$0x10C0]  }
0x456: {  	v3 =	vld [tilespmem:s2+$0x14C0]  }
0x457: {  	s5 =	sor.u32 $0x1C70, s24;
	s24 =	smov.u32 s12;
	[tilespmem:s4+$0x1C60] =	vst.add.f32.msk $0xffff, v4  }
0x458: {  	v4 =	vld [tilespmem:s5+$0x80];
	_ =	sdelay $0x1  }
0x459: {  	[tilespmem:s16+$0x1040] =	vst.add.f32.msk $0xffff, v2  }
0x45a: {  	[tilespmem:s18+$0x1040] =	vst.add.f32.msk $0xffff, v2  }
0x45b: {  	[tilespmem:s19+$0x1040] =	vst.add.f32.msk $0xffff, v2  }
0x45c: {  	[tilespmem:s20+$0x1040] =	vst.add.f32.msk $0xffff, v2  }
0x45d: {  	v2 =	vld [tilespmem:s17+$0x10D0]  }
0x45e: {  	[tilespmem:s6+$0x1440] =	vst.add.f32.msk $0xffff, v3  }
0x45f: {  	[tilespmem:s10+$0x1440] =	vst.add.f32.msk $0xffff, v3  }
0x460: {  	[tilespmem:s11+$0x1440] =	vst.add.f32.msk $0xffff, v3  }
0x461: {  	[tilespmem:s3+$0x1440] =	vst.add.f32.msk $0xffff, v3  }
0x462: {  	[tilespmem:s16+$0x1050] =	vst.add.f32.msk $0xffff, v2  }
0x463: {  	[tilespmem:s18+$0x1050] =	vst.add.f32.msk $0xffff, v2  }
0x464: {  	[tilespmem:s19+$0x1050] =	vst.add.f32.msk $0xffff, v2  }
0x465: {  	[tilespmem:s20+$0x1050] =	vst.add.f32.msk $0xffff, v2  }
0x466: {  	v2 =	vld [tilespmem:s17+$0x10E0]  }
0x467: {  	v3 =	vld [tilespmem:s2+$0x14D0]  }
0x468: {  	[tilespmem:s30+$0x1C70] =	vst.add.f32.msk $0xffff, v4;
	s30 =	smov.u32 s6  }
0x469: {  	[tilespmem:s31+$0x1C70] =	vst.add.f32.msk $0xffff, v4;
	s31 =	smov.u32 s10  }
0x46a: {  	[tilespmem:s0+$0x1C70] =	vst.add.f32.msk $0xffff, v4;
	s0 =	smov.u32 s11  }
0x46b: {  	[tilespmem:s16+$0x1060] =	vst.add.f32.msk $0xffff, v2  }
0x46c: {  	[tilespmem:s18+$0x1060] =	vst.add.f32.msk $0xffff, v2  }
0x46d: {  	[tilespmem:s19+$0x1060] =	vst.add.f32.msk $0xffff, v2  }
0x46e: {  	[tilespmem:s20+$0x1060] =	vst.add.f32.msk $0xffff, v2  }
0x46f: {  	v2 =	vld [tilespmem:s17+$0x10F0]  }
0x470: {  	[tilespmem:s30+$0x1450] =	vst.add.f32.msk $0xffff, v3  }
0x471: {  	[tilespmem:s31+$0x1450] =	vst.add.f32.msk $0xffff, v3  }
0x472: {  	[tilespmem:s0+$0x1450] =	vst.add.f32.msk $0xffff, v3  }
0x473: {  	[tilespmem:s3+$0x1450] =	vst.add.f32.msk $0xffff, v3  }
0x474: {  	[tilespmem:s16+$0x1070] =	vst.add.f32.msk $0xffff, v2  }
0x475: {  	[tilespmem:s18+$0x1070] =	vst.add.f32.msk $0xffff, v2  }
0x476: {  	[tilespmem:s19+$0x1070] =	vst.add.f32.msk $0xffff, v2  }
0x477: {  	[tilespmem:s20+$0x1070] =	vst.add.f32.msk $0xffff, v2  }
0x478: {  	v2 =	vld [tilespmem:s17+$0x1480]  }
0x479: {  	v3 =	vld [tilespmem:s2+$0x14E0]  }
0x47a: {  	[tilespmem:s4+$0x1C70] =	vst.add.f32.msk $0xffff, v4;
	s4 =	smov.u32 s3;
	_ =	sdelay $0x2  }
0x47b: {  	[tilespmem:s16+$0x1400] =	vst.add.f32.msk $0xffff, v2  }
0x47c: {  	[tilespmem:s18+$0x1400] =	vst.add.f32.msk $0xffff, v2  }
0x47d: {  	[tilespmem:s19+$0x1400] =	vst.add.f32.msk $0xffff, v2  }
0x47e: {  	[tilespmem:s20+$0x1400] =	vst.add.f32.msk $0xffff, v2  }
0x47f: {  	v2 =	vld [tilespmem:s17+$0x1490]  }
0x480: {  	[tilespmem:s30+$0x1460] =	vst.add.f32.msk $0xffff, v3  }
0x481: {  	[tilespmem:s31+$0x1460] =	vst.add.f32.msk $0xffff, v3  }
0x482: {  	[tilespmem:s0+$0x1460] =	vst.add.f32.msk $0xffff, v3  }
0x483: {  	[tilespmem:s4+$0x1460] =	vst.add.f32.msk $0xffff, v3  }
0x484: {  	[tilespmem:s16+$0x1410] =	vst.add.f32.msk $0xffff, v2  }
0x485: {  	[tilespmem:s18+$0x1410] =	vst.add.f32.msk $0xffff, v2  }
0x486: {  	[tilespmem:s19+$0x1410] =	vst.add.f32.msk $0xffff, v2  }
0x487: {  	[tilespmem:s20+$0x1410] =	vst.add.f32.msk $0xffff, v2  }
0x488: {  	v2 =	vld [tilespmem:s17+$0x14A0]  }
0x489: {  	v3 =	vld [tilespmem:s2+$0x14F0];
	_ =	sdelay $0x3  }
0x48a: {  	[tilespmem:s16+$0x1420] =	vst.add.f32.msk $0xffff, v2  }
0x48b: {  	[tilespmem:s18+$0x1420] =	vst.add.f32.msk $0xffff, v2  }
0x48c: {  	[tilespmem:s19+$0x1420] =	vst.add.f32.msk $0xffff, v2  }
0x48d: {  	[tilespmem:s20+$0x1420] =	vst.add.f32.msk $0xffff, v2  }
0x48e: {  	v2 =	vld [tilespmem:s17+$0x14B0]  }
0x48f: {  	[tilespmem:s30+$0x1470] =	vst.add.f32.msk $0xffff, v3  }
0x490: {  	[tilespmem:s31+$0x1470] =	vst.add.f32.msk $0xffff, v3  }
0x491: {  	[tilespmem:s0+$0x1470] =	vst.add.f32.msk $0xffff, v3  }
0x492: {  	[tilespmem:s4+$0x1470] =	vst.add.f32.msk $0xffff, v3  }
0x493: {  	[tilespmem:s16+$0x1430] =	vst.add.f32.msk $0xffff, v2  }
0x494: {  	[tilespmem:s18+$0x1430] =	vst.add.f32.msk $0xffff, v2  }
0x495: {  	[tilespmem:s19+$0x1430] =	vst.add.f32.msk $0xffff, v2  }
0x496: {  	[tilespmem:s20+$0x1430] =	vst.add.f32.msk $0xffff, v2  }
0x497: {  	s2 =	sor.u32 $0x1800, s24;
	v3 =	vld [tilespmem:s17+$0x14C0]  }
0x498: {  	v2 =	vld [tilespmem:s2+$0x80];
	_ =	sdelay $0x3  }
.Ltmp0:
0x499: {  	[tilespmem:s16+$0x1440] =	vst.add.f32.msk $0xffff, v3;
	(pc) =	sbr.rel @p0 .LBB2_3-.Ltmp0, $4  }
0x49a: {  	[tilespmem:s18+$0x1440] =	vst.add.f32.msk $0xffff, v3  }
0x49b: {  	[tilespmem:s19+$0x1440] =	vst.add.f32.msk $0xffff, v3  }
0x49c: {  	[tilespmem:s20+$0x1440] =	vst.add.f32.msk $0xffff, v3  }
0x49d: {  	v3 =	vld [tilespmem:s17+$0x14D0]  }
0x49e: {  	[tilespmem:s30+$0x1800] =	vst.add.f32.msk $0xffff, v2  }
0x49f: {  	[tilespmem:s31+$0x1800] =	vst.add.f32.msk $0xffff, v2  }
0x4a0: {  	[tilespmem:s0+$0x1800] =	vst.add.f32.msk $0xffff, v2  }
0x4a1: {  	[tilespmem:s4+$0x1800] =	vst.add.f32.msk $0xffff, v2  }
0x4a2: {  	s1 =	sor.u32 $0x1810, s24;
	[tilespmem:s16+$0x1450] =	vst.add.f32.msk $0xffff, v3  }
0x4a3: {  	v2 =	vld [tilespmem:s1+$0x80]  }
0x4a4: {  	[tilespmem:s18+$0x1450] =	vst.add.f32.msk $0xffff, v3  }
0x4a5: {  	[tilespmem:s19+$0x1450] =	vst.add.f32.msk $0xffff, v3  }
0x4a6: {  	[tilespmem:s20+$0x1450] =	vst.add.f32.msk $0xffff, v3  }
0x4a7: {  	v3 =	vld [tilespmem:s17+$0x14E0]  }
0x4a8: {  	[tilespmem:s30+$0x1810] =	vst.add.f32.msk $0xffff, v2  }
0x4a9: {  	[tilespmem:s31+$0x1810] =	vst.add.f32.msk $0xffff, v2  }
0x4aa: {  	[tilespmem:s0+$0x1810] =	vst.add.f32.msk $0xffff, v2  }
0x4ab: {  	[tilespmem:s4+$0x1810] =	vst.add.f32.msk $0xffff, v2  }
0x4ac: {  	s15 =	sor.u32 $0x1820, s24;
	[tilespmem:s16+$0x1460] =	vst.add.f32.msk $0xffff, v3  }
0x4ad: {  	v2 =	vld [tilespmem:s15+$0x80]  }
0x4ae: {  	[tilespmem:s18+$0x1460] =	vst.add.f32.msk $0xffff, v3  }
0x4af: {  	[tilespmem:s19+$0x1460] =	vst.add.f32.msk $0xffff, v3  }
0x4b0: {  	[tilespmem:s20+$0x1460] =	vst.add.f32.msk $0xffff, v3  }
0x4b1: {  	v3 =	vld [tilespmem:s17+$0x14F0]  }
0x4b2: {  	[tilespmem:s30+$0x1820] =	vst.add.f32.msk $0xffff, v2  }
0x4b3: {  	[tilespmem:s31+$0x1820] =	vst.add.f32.msk $0xffff, v2  }
0x4b4: {  	[tilespmem:s0+$0x1820] =	vst.add.f32.msk $0xffff, v2  }
0x4b5: {  	[tilespmem:s4+$0x1820] =	vst.add.f32.msk $0xffff, v2  }
0x4b6: {  	s21 =	sor.u32 $0x1830, s24;
	[tilespmem:s16+$0x1470] =	vst.add.f32.msk $0xffff, v3  }
0x4b7: {  	v2 =	vld [tilespmem:s21+$0x80]  }
0x4b8: {  	[tilespmem:s18+$0x1470] =	vst.add.f32.msk $0xffff, v3  }
0x4b9: {  	[tilespmem:s19+$0x1470] =	vst.add.f32.msk $0xffff, v3  }
0x4ba: {  	[tilespmem:s20+$0x1470] =	vst.add.f32.msk $0xffff, v3  }
0x4bb: {  	v3 =	vld [tilespmem:s17+$0x1880]  }
0x4bc: {  	[tilespmem:s30+$0x1830] =	vst.add.f32.msk $0xffff, v2  }
0x4bd: {  	[tilespmem:s31+$0x1830] =	vst.add.f32.msk $0xffff, v2  }
0x4be: {  	[tilespmem:s0+$0x1830] =	vst.add.f32.msk $0xffff, v2  }
0x4bf: {  	[tilespmem:s4+$0x1830] =	vst.add.f32.msk $0xffff, v2  }
0x4c0: {  	s22 =	sor.u32 $0x1840, s24;
	[tilespmem:s16+$0x1800] =	vst.add.f32.msk $0xffff, v3  }
0x4c1: {  	v2 =	vld [tilespmem:s22+$0x80]  }
0x4c2: {  	[tilespmem:s18+$0x1800] =	vst.add.f32.msk $0xffff, v3  }
0x4c3: {  	[tilespmem:s19+$0x1800] =	vst.add.f32.msk $0xffff, v3  }
0x4c4: {  	[tilespmem:s20+$0x1800] =	vst.add.f32.msk $0xffff, v3  }
0x4c5: {  	v3 =	vld [tilespmem:s17+$0x1890]  }
0x4c6: {  	[tilespmem:s30+$0x1840] =	vst.add.f32.msk $0xffff, v2  }
0x4c7: {  	[tilespmem:s31+$0x1840] =	vst.add.f32.msk $0xffff, v2  }
0x4c8: {  	[tilespmem:s0+$0x1840] =	vst.add.f32.msk $0xffff, v2  }
0x4c9: {  	[tilespmem:s4+$0x1840] =	vst.add.f32.msk $0xffff, v2  }
0x4ca: {  	s23 =	sor.u32 $0x1850, s24;
	[tilespmem:s16+$0x1810] =	vst.add.f32.msk $0xffff, v3  }
0x4cb: {  	v2 =	vld [tilespmem:s23+$0x80]  }
0x4cc: {  	[tilespmem:s18+$0x1810] =	vst.add.f32.msk $0xffff, v3  }
0x4cd: {  	[tilespmem:s19+$0x1810] =	vst.add.f32.msk $0xffff, v3  }
0x4ce: {  	[tilespmem:s20+$0x1810] =	vst.add.f32.msk $0xffff, v3  }
0x4cf: {  	v3 =	vld [tilespmem:s17+$0x18A0]  }
0x4d0: {  	[tilespmem:s30+$0x1850] =	vst.add.f32.msk $0xffff, v2  }
0x4d1: {  	[tilespmem:s31+$0x1850] =	vst.add.f32.msk $0xffff, v2  }
0x4d2: {  	[tilespmem:s0+$0x1850] =	vst.add.f32.msk $0xffff, v2  }
0x4d3: {  	[tilespmem:s4+$0x1850] =	vst.add.f32.msk $0xffff, v2  }
0x4d4: {  	s3 =	sor.u32 $0x1860, s24;
	[tilespmem:s16+$0x1820] =	vst.add.f32.msk $0xffff, v3  }
0x4d5: {  	v2 =	vld [tilespmem:s3+$0x80]  }
0x4d6: {  	[tilespmem:s18+$0x1820] =	vst.add.f32.msk $0xffff, v3  }
0x4d7: {  	[tilespmem:s19+$0x1820] =	vst.add.f32.msk $0xffff, v3  }
0x4d8: {  	[tilespmem:s20+$0x1820] =	vst.add.f32.msk $0xffff, v3  }
0x4d9: {  	v3 =	vld [tilespmem:s17+$0x18B0]  }
0x4da: {  	[tilespmem:s30+$0x1860] =	vst.add.f32.msk $0xffff, v2  }
0x4db: {  	[tilespmem:s31+$0x1860] =	vst.add.f32.msk $0xffff, v2  }
0x4dc: {  	[tilespmem:s0+$0x1860] =	vst.add.f32.msk $0xffff, v2  }
0x4dd: {  	[tilespmem:s4+$0x1860] =	vst.add.f32.msk $0xffff, v2  }
0x4de: {  	s7 =	sor.u32 $0x1870, s24;
	[tilespmem:s16+$0x1830] =	vst.add.f32.msk $0xffff, v3  }
0x4df: {  	v2 =	vld [tilespmem:s7+$0x80]  }
0x4e0: {  	[tilespmem:s18+$0x1830] =	vst.add.f32.msk $0xffff, v3  }
0x4e1: {  	[tilespmem:s19+$0x1830] =	vst.add.f32.msk $0xffff, v3  }
0x4e2: {  	[tilespmem:s20+$0x1830] =	vst.add.f32.msk $0xffff, v3  }
0x4e3: {  	v3 =	vld [tilespmem:s17+$0x18C0]  }
0x4e4: {  	[tilespmem:s30+$0x1870] =	vst.add.f32.msk $0xffff, v2  }
0x4e5: {  	[tilespmem:s31+$0x1870] =	vst.add.f32.msk $0xffff, v2  }
0x4e6: {  	[tilespmem:s0+$0x1870] =	vst.add.f32.msk $0xffff, v2  }
0x4e7: {  	[tilespmem:s4+$0x1870] =	vst.add.f32.msk $0xffff, v2  }
0x4e8: {  	s9 =	sor.u32 $0x1C00, s24;
	[tilespmem:s16+$0x1840] =	vst.add.f32.msk $0xffff, v3  }
0x4e9: {  	v2 =	vld [tilespmem:s9+$0x80]  }
0x4ea: {  	[tilespmem:s18+$0x1840] =	vst.add.f32.msk $0xffff, v3  }
0x4eb: {  	[tilespmem:s19+$0x1840] =	vst.add.f32.msk $0xffff, v3  }
0x4ec: {  	[tilespmem:s20+$0x1840] =	vst.add.f32.msk $0xffff, v3  }
0x4ed: {  	v3 =	vld [tilespmem:s17+$0x18D0]  }
0x4ee: {  	[tilespmem:s30+$0x1C00] =	vst.add.f32.msk $0xffff, v2  }
0x4ef: {  	[tilespmem:s31+$0x1C00] =	vst.add.f32.msk $0xffff, v2  }
0x4f0: {  	[tilespmem:s0+$0x1C00] =	vst.add.f32.msk $0xffff, v2  }
0x4f1: {  	[tilespmem:s4+$0x1C00] =	vst.add.f32.msk $0xffff, v2  }
0x4f2: {  	s11 =	sor.u32 $0x1C10, s24;
	[tilespmem:s16+$0x1850] =	vst.add.f32.msk $0xffff, v3  }
0x4f3: {  	v2 =	vld [tilespmem:s11+$0x80]  }
0x4f4: {  	[tilespmem:s18+$0x1850] =	vst.add.f32.msk $0xffff, v3  }
0x4f5: {  	[tilespmem:s19+$0x1850] =	vst.add.f32.msk $0xffff, v3  }
0x4f6: {  	[tilespmem:s20+$0x1850] =	vst.add.f32.msk $0xffff, v3  }
0x4f7: {  	v3 =	vld [tilespmem:s17+$0x18E0]  }
0x4f8: {  	[tilespmem:s30+$0x1C10] =	vst.add.f32.msk $0xffff, v2  }
0x4f9: {  	[tilespmem:s31+$0x1C10] =	vst.add.f32.msk $0xffff, v2  }
0x4fa: {  	[tilespmem:s0+$0x1C10] =	vst.add.f32.msk $0xffff, v2  }
0x4fb: {  	[tilespmem:s4+$0x1C10] =	vst.add.f32.msk $0xffff, v2  }
0x4fc: {  	s12 =	sor.u32 $0x1C20, s24;
	[tilespmem:s16+$0x1860] =	vst.add.f32.msk $0xffff, v3  }
0x4fd: {  	v2 =	vld [tilespmem:s12+$0x80]  }
0x4fe: {  	[tilespmem:s18+$0x1860] =	vst.add.f32.msk $0xffff, v3  }
0x4ff: {  	[tilespmem:s19+$0x1860] =	vst.add.f32.msk $0xffff, v3  }
0x500: {  	[tilespmem:s20+$0x1860] =	vst.add.f32.msk $0xffff, v3  }
0x501: {  	v3 =	vld [tilespmem:s17+$0x18F0]  }
0x502: {  	[tilespmem:s30+$0x1C20] =	vst.add.f32.msk $0xffff, v2  }
0x503: {  	[tilespmem:s31+$0x1C20] =	vst.add.f32.msk $0xffff, v2  }
0x504: {  	[tilespmem:s0+$0x1C20] =	vst.add.f32.msk $0xffff, v2  }
0x505: {  	[tilespmem:s4+$0x1C20] =	vst.add.f32.msk $0xffff, v2  }
0x506: {  	s14 =	sor.u32 $0x1C30, s24;
	[tilespmem:s16+$0x1870] =	vst.add.f32.msk $0xffff, v3  }
0x507: {  	v2 =	vld [tilespmem:s14+$0x80]  }
0x508: {  	[tilespmem:s18+$0x1870] =	vst.add.f32.msk $0xffff, v3  }
0x509: {  	[tilespmem:s19+$0x1870] =	vst.add.f32.msk $0xffff, v3  }
0x50a: {  	s2 =	sor.u32 $0x1C00, s25;
	[tilespmem:s20+$0x1870] =	vst.add.f32.msk $0xffff, v3  }
0x50b: {  	v3 =	vld [tilespmem:s2+$0x80]  }
0x50c: {  	[tilespmem:s30+$0x1C30] =	vst.add.f32.msk $0xffff, v2  }
0x50d: {  	[tilespmem:s31+$0x1C30] =	vst.add.f32.msk $0xffff, v2  }
0x50e: {  	[tilespmem:s0+$0x1C30] =	vst.add.f32.msk $0xffff, v2  }
0x50f: {  	[tilespmem:s4+$0x1C30] =	vst.add.f32.msk $0xffff, v2  }
0x510: {  	s15 =	sor.u32 $0x1C40, s24;
	[tilespmem:s16+$0x1C00] =	vst.add.f32.msk $0xffff, v3  }
0x511: {  	v2 =	vld [tilespmem:s15+$0x80]  }
0x512: {  	[tilespmem:s18+$0x1C00] =	vst.add.f32.msk $0xffff, v3  }
0x513: {  	[tilespmem:s19+$0x1C00] =	vst.add.f32.msk $0xffff, v3  }
0x514: {  	s5 =	sor.u32 $0x1C10, s25;
	[tilespmem:s20+$0x1C00] =	vst.add.f32.msk $0xffff, v3  }
0x515: {  	v3 =	vld [tilespmem:s5+$0x80];
	_ =	sdelay $0x3  }
0x516: {  	[tilespmem:s30+$0x1C40] =	vst.add.f32.msk $0xffff, v2  }
0x517: {  	[tilespmem:s16+$0x1C10] =	vst.add.f32.msk $0xffff, v3  }
0x518: {  	[tilespmem:s18+$0x1C10] =	vst.add.f32.msk $0xffff, v3  }
0x519: {  	[tilespmem:s19+$0x1C10] =	vst.add.f32.msk $0xffff, v3  }
0x51a: {  	s6 =	sor.u32 $0x1C20, s25;
	[tilespmem:s20+$0x1C10] =	vst.add.f32.msk $0xffff, v3  }
0x51b: {  	v3 =	vld [tilespmem:s6+$0x80]  }
0x51c: {  	[tilespmem:s31+$0x1C40] =	vst.add.f32.msk $0xffff, v2  }
0x51d: {  	[tilespmem:s0+$0x1C40] =	vst.add.f32.msk $0xffff, v2  }
0x51e: {  	s21 =	sor.u32 $0x1C50, s24;
	[tilespmem:s4+$0x1C40] =	vst.add.f32.msk $0xffff, v2  }
0x51f: {  	v2 =	vld [tilespmem:s21+$0x80]  }
0x520: {  	[tilespmem:s16+$0x1C20] =	vst.add.f32.msk $0xffff, v3  }
0x521: {  	[tilespmem:s18+$0x1C20] =	vst.add.f32.msk $0xffff, v3  }
0x522: {  	[tilespmem:s19+$0x1C20] =	vst.add.f32.msk $0xffff, v3  }
0x523: {  	s8 =	sor.u32 $0x1C30, s25;
	[tilespmem:s20+$0x1C20] =	vst.add.f32.msk $0xffff, v3  }
0x524: {  	v3 =	vld [tilespmem:s8+$0x80];
	_ =	sdelay $0x3  }
0x525: {  	[tilespmem:s30+$0x1C50] =	vst.add.f32.msk $0xffff, v2  }
0x526: {  	[tilespmem:s16+$0x1C30] =	vst.add.f32.msk $0xffff, v3  }
0x527: {  	[tilespmem:s18+$0x1C30] =	vst.add.f32.msk $0xffff, v3  }
0x528: {  	[tilespmem:s19+$0x1C30] =	vst.add.f32.msk $0xffff, v3  }
0x529: {  	s10 =	sor.u32 $0x1C40, s25;
	[tilespmem:s20+$0x1C30] =	vst.add.f32.msk $0xffff, v3  }
0x52a: {  	v3 =	vld [tilespmem:s10+$0x80]  }
0x52b: {  	[tilespmem:s31+$0x1C50] =	vst.add.f32.msk $0xffff, v2  }
0x52c: {  	[tilespmem:s0+$0x1C50] =	vst.add.f32.msk $0xffff, v2  }
0x52d: {  	s22 =	sor.u32 $0x1C60, s24;
	[tilespmem:s4+$0x1C50] =	vst.add.f32.msk $0xffff, v2  }
0x52e: {  	v2 =	vld [tilespmem:s22+$0x80]  }
0x52f: {  	[tilespmem:s16+$0x1C40] =	vst.add.f32.msk $0xffff, v3  }
0x530: {  	[tilespmem:s18+$0x1C40] =	vst.add.f32.msk $0xffff, v3  }
0x531: {  	[tilespmem:s19+$0x1C40] =	vst.add.f32.msk $0xffff, v3  }
0x532: {  	s13 =	sor.u32 $0x1C50, s25;
	[tilespmem:s20+$0x1C40] =	vst.add.f32.msk $0xffff, v3  }
0x533: {  	v3 =	vld [tilespmem:s13+$0x80];
	_ =	sdelay $0x3  }
0x534: {  	[tilespmem:s30+$0x1C60] =	vst.add.f32.msk $0xffff, v2  }
0x535: {  	[tilespmem:s16+$0x1C50] =	vst.add.f32.msk $0xffff, v3  }
0x536: {  	[tilespmem:s18+$0x1C50] =	vst.add.f32.msk $0xffff, v3  }
0x537: {  	[tilespmem:s19+$0x1C50] =	vst.add.f32.msk $0xffff, v3  }
0x538: {  	s17 =	sor.u32 $0x1C60, s25;
	[tilespmem:s20+$0x1C50] =	vst.add.f32.msk $0xffff, v3  }
0x539: {  	v3 =	vld [tilespmem:s17+$0x80]  }
0x53a: {  	[tilespmem:s31+$0x1C60] =	vst.add.f32.msk $0xffff, v2  }
0x53b: {  	[tilespmem:s0+$0x1C60] =	vst.add.f32.msk $0xffff, v2  }
0x53c: {  	s24 =	sor.u32 $0x1C70, s24;
	[tilespmem:s4+$0x1C60] =	vst.add.f32.msk $0xffff, v2  }
0x53d: {  	v2 =	vld [tilespmem:s24+$0x80]  }
0x53e: {  	[tilespmem:s16+$0x1C60] =	vst.add.f32.msk $0xffff, v3  }
0x53f: {  	[tilespmem:s18+$0x1C60] =	vst.add.f32.msk $0xffff, v3  }
0x540: {  	[tilespmem:s19+$0x1C60] =	vst.add.f32.msk $0xffff, v3  }
0x541: {  	s23 =	sor.u32 $0x1C70, s25;
	[tilespmem:s20+$0x1C60] =	vst.add.f32.msk $0xffff, v3  }
0x542: {  	v3 =	vld [tilespmem:s23+$0x80];
	_ =	sdelay $0x3  }
0x543: {  	[tilespmem:s30+$0x1C70] =	vst.add.f32.msk $0xffff, v2  }
0x544: {  	[tilespmem:s16+$0x1C70] =	vst.add.f32.msk $0xffff, v3  }
0x545: {  	[tilespmem:s18+$0x1C70] =	vst.add.f32.msk $0xffff, v3  }
0x546: {  	[tilespmem:s19+$0x1C70] =	vst.add.f32.msk $0xffff, v3  }
0x547: {  	[tilespmem:s20+$0x1C70] =	vst.add.f32.msk $0xffff, v3  }
0x548: {  	p0 =	slt.u32 s28, $0x10;
	s25 =	rddreg [dreg:$0x6]  }
.Ltmp1:
0x549: {  	s1 =	sor.u32 s25, s26;
	(pc) =	sbr.rel @p0 .LBB2_2-.Ltmp1, $4  }
0x54a: {  	[tilespmem:s31+$0x1C70] =	vst.add.f32.msk $0xffff, v2;
	s1 =	sshll.u32 s1, $0xA  }
0x54b: {  	s2 =	simm.s32 $0x400000;
	s30 =	rddreg [dreg:$0x3];
	[tilespmem:s0+$0x1C70] =	vst.add.f32.msk $0xffff, v2;
	s26 =	sand.u32 $0x1FFFFC00, s1  }
0x54c: {  	s31 =	simm.s32 $0x2000;
	[tilespmem:s4+$0x1C70] =	vst.add.f32.msk $0xffff, v2;
	s0 =	sadd.s32 s30, s26;
	s26 =	smov.u32 s28  }
0x54d: {  	[hbm4b:s0+s31] =	stream.strided.scatter [tilespmem:s29], [sflag:$0x3], $0x8000, s2, s31, $0x38;
	[tilespmem:$0x1C080] =	vst v63  }
0x54e: {  	s1 =	simm.s32 $0x3  }
0x54f: {  	_ =	swait.ge [sflag:s1], $0x8000  }
0x550: {  	[sflag:s1] =	ssyncset.done $0x0  }
0x551: {  	[sflag:s1] =	ssyncadd.s32 $0xFFFF8000  }
0x552: {  	_ =	swait.ge [sflag:s1], $0x8000  }
0x553: {  	s2 =	rddreg [dreg:$0xd]  }
0x554: {  	s0 =	rddreg [dreg:$0xc];
	s2 =	sadd.s32 $0x1, s2  }
0x555: {  	p0 =	sne.s32 s2, s0  }
.Ltmp2:
0x556: {  	_ = 	snop;
	(pc) =	sbr.rel @p0 .LBB2_1-.Ltmp2, $3  }
0x557: {  	_ =	sdelay $0x1  }
0x558: {  	[sflag:s1] =	ssyncset.done $0x0  }
0x559: {  	[sflag:s1] =	ssyncadd.s32 $0xFFFF8000  }
0x55a: {  	_ =	sfence.sel $0x180000  }
0x55b: {  	[bflag:$0x0] =	sbarrier.arrive $0xFFFF  }
0x55c: {  	_ =	strace $0x90000047  }
0x55d: {  	s0 =	stileid.u32;
	[bflag:$0x2] =	sbarrier.arrive $0xFFFF  }
0x55e: {  	p0 =	sne.s32 s0, $0x0;
	s0 =	rddreg [dreg:$0x4]  }
0x55f: {  	s0 =	sadd.s32 @!p0 $0x100000, s0  }
0x560: {  	[sflag:s0] =	ssyncadd.tile.s32 @!p0 $0x1;
	_ =	shalt  }
.Lfunc_end2:
_tile_overlayer_lowered:
.L_overlay_start_2:
0x561: {  	(tag) =	ssettag $0x2  }
0x562: {  	s0 =	rddreg [dreg:$0x0];
	s2 =	stileid.u32  }
0x563: {  	s1 =	rddreg [dreg:$0x1];
	p0 =	sne.s32 s2, $0x0  }
0x564: {  	s3 =	rddreg [dreg:$0x2];
	[bflag:$0x3] =	sbarrier.arrive $0xFFFF;
	s2 =	simm.s32 @!p0 $0x1C04  }
0x565: {  	[timem:s3], [sflag:s2] =	dma.local @!p0 [hbm:s0], s1  }
0x566: {  	s0 =	simm.s32 @!p0 $0x4  }
0x567: {  	_ =	swait.ge @!p0 [sflag:s0], s1  }
0x568: {  	s1 =	ssub.s32 @!p0 $0x0, s1;
	[sflag:s0] =	ssyncset.done @!p0 $0x0  }
0x569: {  	[sflag:s0] =	ssyncadd.s32 @!p0 s1  }
0x56a: {  	[bflag:$0x3] =	sbarrier.arrive $0xFFFF  }
0x56b: {  	_ =	shalt  }

</sc_bundles>
